<compile_context>
chip_gen: v7x
topology: tpu7x:2x2x1
jax: 0.10.2.dev20260603
libtpu: 0.0.44.dev20260713+nightly
codegen_flags: <defaults>
</compile_context>

<pallas_src>
import functools

import jax
import jax.numpy as jnp
from jax import lax
from jax.experimental import pallas as pl
from jax.experimental.pallas import tpu as pltpu
from jax.experimental.pallas import tpu_sc as plsc

KSEL = 512
F32 = jnp.float32
BF16 = jnp.bfloat16
NEG = -1e30


def _mm(a, b):
    return jax.lax.dot_general(
        a.astype(BF16), b.astype(BF16),
        (((a.ndim - 1,), (0,)), ((), ())),
        preferred_element_type=F32)


def _sortable(g):
    bits = jax.lax.bitcast_convert_type(g, jnp.int32)
    return jnp.where(bits < 0, ~bits ^ jnp.int32(-2147483648), bits)


def _sc_gather(embed, idx):
    N = idx.shape[0]
    V, H = embed.shape
    NW = 32
    CH = 64
    rows_per_w = N // NW
    n_ch = rows_per_w // CH
    mesh = plsc.VectorSubcoreMesh(core_axis_name="c", subcore_axis_name="s")

    @functools.partial(
        pl.kernel, mesh=mesh,
        out_type=jax.ShapeDtypeStruct((N, H), F32),
        scratch_types=[
            pltpu.VMEM((CH,), jnp.int32),
            pltpu.VMEM((CH,), jnp.int32),
            pltpu.VMEM((CH, H), F32),
            pltpu.VMEM((CH, H), F32),
            pltpu.SemaphoreType.DMA,
            pltpu.SemaphoreType.DMA,
            pltpu.SemaphoreType.DMA,
            pltpu.SemaphoreType.DMA,
        ],
    )
    def k(idx_hbm, table_hbm, out_hbm, idx0, idx1, buf0, buf1,
          g0, g1, w0, w1):
        wid = lax.axis_index("s") * 2 + lax.axis_index("c")
        base = wid * rows_per_w

        def st(i):
            return pl.multiple_of(base + i * CH, CH)

        pltpu.sync_copy(idx_hbm.at[pl.ds(st(0), CH)], idx0)
        pltpu.async_copy(table_hbm.at[idx0], buf0, g0)

        def body(j, carry):
            c0 = 2 * j
            c1 = 2 * j + 1
            pltpu.sync_copy(idx_hbm.at[pl.ds(st(c1), CH)], idx1)

            @pl.when(j > 0)
            def _():
                pltpu.make_async_copy(buf1, out_hbm.at[pl.ds(st(c1 - 2), CH)],
                                      w1).wait()

            pltpu.make_async_copy(table_hbm.at[idx0], buf0, g0).wait()
            pltpu.async_copy(table_hbm.at[idx1], buf1, g1)
            pltpu.async_copy(buf0, out_hbm.at[pl.ds(st(c0), CH)], w0)

            @pl.when(j + 1 < n_ch // 2)
            def _():
                pltpu.sync_copy(idx_hbm.at[pl.ds(st(c0 + 2), CH)], idx0)

            pltpu.make_async_copy(buf0, out_hbm.at[pl.ds(st(c0), CH)],
                                  w0).wait()
            pltpu.make_async_copy(table_hbm.at[idx1], buf1, g1).wait()
            pltpu.async_copy(buf1, out_hbm.at[pl.ds(st(c1), CH)], w1)

            @pl.when(j + 1 < n_ch // 2)
            def _():
                pltpu.async_copy(table_hbm.at[idx0], buf0, g0)

            return carry

        lax.fori_loop(0, n_ch // 2, body, 0)
        pltpu.make_async_copy(buf1, out_hbm.at[pl.ds(st(n_ch - 1), CH)],
                              w1).wait()

    return k(idx, embed)


def _ffn_kernel(h0_ref, W1_ref, b1_ref, W2_ref, b2_ref, g_ref, be_ref,
                Wg_ref, bg_ref, h_ref, gate_ref):
    h0 = h0_ref[...]
    a = _mm(h0, W1_ref[...]) + b1_ref[...]
    a = jnp.maximum(a, 0.0)
    ff = _mm(a, W2_ref[...]) + b2_ref[...]
    x = h0 + ff
    mu = jnp.mean(x, axis=-1, keepdims=True)
    var = jnp.mean((x - mu) ** 2, axis=-1, keepdims=True)
    h = (x - mu) / jnp.sqrt(var + 1e-5) * g_ref[...] + be_ref[...]
    h_ref[...] = h.astype(BF16)
    gate_ref[0] = jax.lax.dot_general(
        Wg_ref[...].astype(BF16), h.astype(BF16),
        (((1,), (1,)), ((), ())),
        preferred_element_type=F32) + bg_ref[...]


def _ffn_chunk(h0_c, W1, b1, W2, b2, gamma, beta, Wg, bg,
               N, c, prev=None):
    NC, H = h0_c.shape
    BLK = 1024
    nb = NC // BLK
    off = c // BLK
    const = lambda shape: pl.BlockSpec(shape, lambda i: tuple(0 for _ in shape))
    kern = _ffn_kernel if prev is None else (
        lambda hp, gp, *a: _ffn_kernel(*a))
    in_specs = [
        pl.BlockSpec((BLK, H), lambda i: (i, 0)),
        const((H, 2 * H)), const((2 * H,)),
        const((2 * H, H)), const((H,)),
        const((H,)), const((H,)),
        const((1, H)), const((1,)),
    ]
    args = (h0_c, W1, b1, W2, b2, gamma, beta, Wg, bg)
    aliases = {}
    if prev is not None:
        in_specs = [pl.BlockSpec(memory_space=pl.ANY),
                    pl.BlockSpec(memory_space=pl.ANY)] + in_specs
        args = prev + args
        aliases = {0: 0, 1: 1}
    return pl.pallas_call(
        kern,
        grid=(nb,),
        in_specs=in_specs,
        out_specs=[
            pl.BlockSpec((BLK, H), lambda i: (off + i, 0)),
            pl.BlockSpec((1, 1, BLK), lambda i: (off + i, 0, 0)),
        ],
        out_shape=[
            jax.ShapeDtypeStruct((N, H), BF16),
            jax.ShapeDtypeStruct((N // BLK, 1, BLK), F32),
        ],
        input_output_aliases=aliases,
    )(*args)


def _select_kernel(gate_ref, hlast_ref, Wq_ref, bq_ref,
                   q_ref, thr_ref, icut_ref):
    g = gate_ref[...]
    B, T = g.shape
    keys = _sortable(g)

    K0 = jnp.full((B, 1), -2147483648, jnp.int32)

    def bit_step(i, K):
        cand = K + (jnp.int32(1) << (31 - i))
        cnt = jnp.sum((keys >= cand).astype(jnp.int32), axis=1, keepdims=True)
        return jnp.where(cnt >= KSEL, cand, K)

    K = lax.fori_loop(0, 32, bit_step, K0, unroll=True)

    n_gt = jnp.sum((keys > K).astype(jnp.int32), axis=1, keepdims=True)
    need = KSEL - n_gt
    idx = lax.broadcasted_iota(jnp.int32, (B, T), 1)
    eq = keys == K

    I0 = jnp.zeros((B, 1), jnp.int32)

    def ibit_step(i, I):
        cand = I + (jnp.int32(1) << (13 - i))
        cnt = jnp.sum((eq & (idx < cand)).astype(jnp.int32),
                      axis=1, keepdims=True)
        return jnp.where(cnt <= need, cand, I)

    I = lax.fori_loop(0, 14, ibit_step, I0, unroll=True)

    q_ref[...] = _mm(hlast_ref[...], Wq_ref[...]) + bq_ref[...]
    thr_ref[...] = jnp.broadcast_to(K, thr_ref.shape)
    icut_ref[...] = jnp.broadcast_to(I, icut_ref.shape)


def _select(gate, hlast, Wq, bq):
    B, T = gate.shape
    H = hlast.shape[1]
    return pl.pallas_call(
        _select_kernel,
        out_shape=[
            jax.ShapeDtypeStruct((B, H), F32),
            jax.ShapeDtypeStruct((B, 128), jnp.int32),
            jax.ShapeDtypeStruct((B, 128), jnp.int32),
        ],
    )(gate, hlast, Wq, bq)


def _ctx_kernel(h_ref, gate_ref, q_ref, thr_ref, icut_ref, ctx_ref,
                m_sc, z_sc, acc_sc):
    i = pl.program_id(0)
    nb = pl.num_programs(0)
    B, BLKT, H = h_ref.shape

    @pl.when(i == 0)
    def _init():
        m_sc[...] = jnp.full_like(m_sc, NEG)
        z_sc[...] = jnp.zeros_like(z_sc)
        acc_sc[...] = jnp.zeros_like(acc_sc)

    for b in range(B):
        h = h_ref[b]
        g = gate_ref[b, 0]
        qrow = q_ref[b]
        K = thr_ref[b][:, :1]
        I = icut_ref[b][:, :1]

        keys = _sortable(g)
        tidx = i * BLKT + lax.broadcasted_iota(jnp.int32, (1, BLKT), 1)
        sel = (keys > K) | ((keys == K) & (tidx < I))

        s = jax.lax.dot_general(
            qrow.astype(BF16), h.astype(BF16),
            (((1,), (1,)), ((), ())),
            preferred_element_type=F32)

        m_old = m_sc[b:b + 1, :1]
        s_m = jnp.where(sel, s, NEG)
        m_new = jnp.maximum(m_old, jnp.max(s_m, axis=1, keepdims=True))
        scale = jnp.exp(m_old - m_new)
        p = jnp.where(sel, jnp.exp(s - m_new), 0.0)
        z_new = z_sc[b:b + 1, :1] * scale + jnp.sum(p, axis=1, keepdims=True)
        pa = jax.lax.dot_general(
            p.astype(BF16), h.astype(BF16),
            (((1,), (0,)), ((), ())),
            preferred_element_type=F32)
        acc_sc[b:b + 1, :] = acc_sc[b:b + 1, :] * scale + pa
        m_sc[b:b + 1, :] = jnp.broadcast_to(m_new, (1, 128))
        z_sc[b:b + 1, :] = jnp.broadcast_to(z_new, (1, 128))

    @pl.when(i == nb - 1)
    def _fin():
        ctx_ref[...] = acc_sc[...] / z_sc[...][:, :1]


def _ctx(h3, gate4, qc, thr, icut):
    B, T, H = h3.shape
    BLKT = 1024
    nt = T // BLKT
    return pl.pallas_call(
        _ctx_kernel,
        grid=(nt,),
        in_specs=[
            pl.BlockSpec((B, BLKT, H), lambda i: (0, i, 0)),
            pl.BlockSpec((B, 1, 1, BLKT), lambda i: (0, i, 0, 0)),
            pl.BlockSpec((B, 1, H), lambda i: (0, 0, 0)),
            pl.BlockSpec((B, 1, 128), lambda i: (0, 0, 0)),
            pl.BlockSpec((B, 1, 128), lambda i: (0, 0, 0)),
        ],
        out_specs=pl.BlockSpec((B, H), lambda i: (0, 0)),
        out_shape=jax.ShapeDtypeStruct((B, H), F32),
        scratch_shapes=[
            pltpu.VMEM((B, 128), F32),
            pltpu.VMEM((B, 128), F32),
            pltpu.VMEM((B, H), F32),
        ],
    )(h3, gate4, qc, thr, icut)


def _proj_kernel(ctx_ref, WoT_ref, bo_ref, out_ref):
    out_ref[...] = jax.lax.dot_general(
        ctx_ref[...].astype(BF16), WoT_ref[...].astype(BF16),
        (((1,), (1,)), ((), ())),
        preferred_element_type=F32) + bo_ref[...]


def _proj(ctx, Wo, bo):
    B, H = ctx.shape
    V = Wo.shape[1]
    BLKV = 4096
    return pl.pallas_call(
        _proj_kernel,
        grid=(pl.cdiv(V, BLKV),),
        in_specs=[
            pl.BlockSpec((B, H), lambda i: (0, 0)),
            pl.BlockSpec((BLKV, H), lambda i: (i, 0)),
            pl.BlockSpec((1, BLKV), lambda i: (0, i)),
        ],
        out_specs=pl.BlockSpec((B, BLKV), lambda i: (0, i)),
        out_shape=jax.ShapeDtypeStruct((B, V), F32),
    )(ctx, Wo.T, bo.reshape(1, V))


def kernel(seq, embed, W1, b1, W2, b2, gamma, beta, Wg, bg, Wq, bq, Wo, bo):
    B, T = seq.shape
    V, H = embed.shape
    N = B * T
    idx = seq.reshape(N).astype(jnp.int32)
    sizes = (8192, 8192, 8192, 8192) if N == 32768 else (N,)
    W1b, W2b = W1.astype(BF16), W2.astype(BF16)
    Wgb = Wg.astype(BF16).reshape(1, H)
    prev, start = None, 0
    for sz in sizes:
        h0_c = _sc_gather(embed, lax.slice(idx, (start,), (start + sz,)))
        prev = _ffn_chunk(h0_c, W1b, b1, W2b, b2, gamma, beta, Wgb, bg,
                          N, start, prev)
        start += sz
    h, gate = prev
    gate2 = gate.reshape(B, T)
    h3 = h.reshape(B, T, H)
    hlast = h3[:, -1, :]
    q, thr, icut = _select(gate2, hlast, Wq, bq)
    ctx = _ctx(h3, gate.reshape(B, T // 1024, 1, 1024), q.reshape(B, 1, H),
               thr.reshape(B, 1, 128), icut.reshape(B, 1, 128))
    return _proj(ctx, Wo, bo)

# --- scband reference (transcript-rebuilt; emitter-appended) ---
"""Pipeline reference for scband-lookahead-model-35270271435159 (READ-ONLY COPY).

The authoritative reference and input builder live on the scoring server;
editing this copy changes nothing except your own understanding.
"""

import jax, jax.numpy as jnp
import numpy as np

V = 100000
H = 768
M = 512
B = 4
T = 8192


def setup_inputs(seed: int = 0) -> dict:
    key = jax.random.key(seed)
    ks = jax.random.split(key, 8)
    s = 0.02
    return {
        "seq": jax.random.randint(ks[0], (B, T), 0, V),
        "embed": jax.random.normal(ks[1], (V, H), dtype=jnp.float32) * s,
        "W1": jax.random.normal(ks[2], (H, 2 * H), dtype=jnp.float32) * s,
        "b1": jnp.zeros((2 * H,), dtype=jnp.float32),
        "W2": jax.random.normal(ks[3], (2 * H, H), dtype=jnp.float32) * s,
        "b2": jnp.zeros((H,), dtype=jnp.float32),
        "gamma": jnp.ones((H,), dtype=jnp.float32),
        "beta": jnp.zeros((H,), dtype=jnp.float32),
        "Wg": jax.random.normal(ks[4], (H, 1), dtype=jnp.float32) * s,
        "bg": jnp.zeros((1,), dtype=jnp.float32),
        "Wq": jax.random.normal(ks[5], (H, H), dtype=jnp.float32) * s,
        "bq": jnp.zeros((H,), dtype=jnp.float32),
        "Wo": jax.random.normal(ks[6], (H, V), dtype=jnp.float32) * s,
        "bo": jnp.zeros((V,), dtype=jnp.float32),
    }


def _layer_norm(x, gamma, beta, eps=1e-5):
    mu = jnp.mean(x, axis=-1, keepdims=True)
    var = jnp.mean((x - mu) ** 2, axis=-1, keepdims=True)
    return (x - mu) / jnp.sqrt(var + eps) * gamma + beta


def reference(seq, embed, W1, b1, W2, b2, gamma, beta, Wg, bg, Wq, bq, Wo, bo):
    # Encoder
    h0 = jnp.take(embed, seq, axis=0)              # [B, T, H] embedding gather
    ff = jnp.maximum(h0 @ W1 + b1, 0.0) @ W2 + b2
    h = _layer_norm(h0 + ff, gamma, beta)
    # k == 0: gate_input = h
    gate_logits = (h @ Wg + bg)[..., 0]            # [B, T]
    gate = jax.nn.sigmoid(gate_logits)
    topk = min(M, h.shape[1])
    _, top_idx = jax.lax.top_k(gate, topk)         # [B, topk]
    memory = jnp.take_along_axis(h, top_idx[:, :, None], axis=1)  # [B, topk, H]
    mask = jnp.ones((h.shape[0], topk), dtype=jnp.float32)
    query_h = h[:, -1, :]
    # ReadHead
    q = query_h @ Wq + bq                          # [B, H]
    scores = jnp.einsum('bmd,bd->bm', memory, q)   # bmm(memory, q)
    scores = jnp.where(mask == 0, -1e9, scores)
    attn = jax.nn.softmax(scores, axis=-1)
    ctx = jnp.sum(attn[:, :, None] * memory, axis=1)
    out = ctx @ Wo + bo                            # [B, V]
    return out

if __name__ == "__main__":
    import jax
    _d = setup_inputs()
    print(jax.jit(kernel)(*tuple(_d.values())))

</pallas_src>

<mosaic_0001>
#map = affine_map<(d0, d1) -> (0)>
#map1 = affine_map<(d0, d1) -> (0, 0)>
module attributes {stable_mosaic.version = 14 : i64} {
  func.func @k(%arg0: i32, %arg1: i32, %arg2: memref<8192xi32, #tpu.memory_space<hbm>>, %arg3: memref<100000x768xf32, #tpu.memory_space<hbm>>, %arg4: memref<8192x768xf32, #tpu.memory_space<hbm>>, %arg5: memref<64xi32, #tpu.memory_space<vmem>>, %arg6: memref<64xi32, #tpu.memory_space<vmem>>, %arg7: memref<64x768xf32, #tpu.memory_space<vmem>>, %arg8: memref<64x768xf32, #tpu.memory_space<vmem>>, %arg9: memref<!tpu.dma_semaphore, #tpu.memory_space<semaphore_mem>>, %arg10: memref<!tpu.dma_semaphore, #tpu.memory_space<semaphore_mem>>, %arg11: memref<!tpu.dma_semaphore, #tpu.memory_space<semaphore_mem>>, %arg12: memref<!tpu.dma_semaphore, #tpu.memory_space<semaphore_mem>>) attributes {dimension_semantics = [#tpu.dimension_semantics<core_parallel>, #tpu.dimension_semantics<subcore_parallel>], iteration_bounds = array<i64: 2, 16>, scalar_prefetch = 0 : i64, scratch_operands = 8 : i64, tpu.core_type = #tpu.core_type<sc_vector_subcore>, window_params = [{transform_indices = #map}, {transform_indices = #map1}, {transform_indices = #map1}]} {
    %mul3A = arith.constant 2 : i32
    %mul3A_0 = arith.muli %arg1, %mul3A : i32
    %add3A = arith.addi %mul3A_0, %arg0 : i32
    %mul3A_1 = arith.constant 256 : i32
    %mul3A_2 = arith.muli %add3A, %mul3A_1 : i32
    %add3A_3 = arith.constant 0 : i32
    %add3A_4 = arith.addi %mul3A_2, %add3A_3 : i32
    %multiple_of3A = tpu.assume_multiple %add3A_4, 64 : i32
    "tpu.region"() ({
      %run_scoped3A = tpu.sem_alloc : memref<!tpu.dma_semaphore, #tpu.memory_space<semaphore_mem>>
      %dma_start3A_18 = tpu.memref_slice %arg2[%multiple_of3A] : memref<8192xi32, #tpu.memory_space<hbm>> -> memref<64xi32, #tpu.memory_space<hbm>>
      %dma_start3A_19 = tpu.memref_slice %arg2[%multiple_of3A] : memref<8192xi32, #tpu.memory_space<hbm>> -> memref<64xi32, #tpu.memory_space<hbm>>
      tpu.enqueue_dma source(%dma_start3A_19 : memref<64xi32, #tpu.memory_space<hbm>>) target(%arg5 : memref<64xi32, #tpu.memory_space<vmem>>) target_semaphore(%run_scoped3A : memref<!tpu.dma_semaphore, #tpu.memory_space<semaphore_mem>>)
      %dma_wait3A_20 = tpu.memref_slice %arg2[%multiple_of3A] : memref<8192xi32, #tpu.memory_space<hbm>> -> memref<64xi32, #tpu.memory_space<hbm>>
      %dma_wait3A_21 = tpu.memref_slice %arg2[%multiple_of3A] : memref<8192xi32, #tpu.memory_space<hbm>> -> memref<64xi32, #tpu.memory_space<hbm>>
      tpu.wait_dma2 semaphore(%run_scoped3A : memref<!tpu.dma_semaphore, #tpu.memory_space<semaphore_mem>>) src(%dma_wait3A_21 : memref<64xi32, #tpu.memory_space<hbm>>) dst(%arg5 : memref<64xi32, #tpu.memory_space<vmem>>)
      tpu.yield
    }) : () -> ()
    %dma_start3A = arith.constant 0 : i32
    %dma_start3A_5 = arith.constant 0 : i32
    %dma_start3A_6 = tpu.memref_slice %arg3[%dma_start3A, %dma_start3A_5] : memref<100000x768xf32, #tpu.memory_space<hbm>> -> memref<100000x768xf32, #tpu.memory_space<hbm>>
    tpu.enqueue_indirect_dma source(%dma_start3A_6 : memref<100000x768xf32, #tpu.memory_space<hbm>>) target(%arg7 : memref<64x768xf32, #tpu.memory_space<vmem>>) offsets(%arg5 : memref<64xi32, #tpu.memory_space<vmem>>) semaphore(%arg9 : memref<!tpu.dma_semaphore, #tpu.memory_space<semaphore_mem>>)
    %scan3A = arith.constant 0 : i32
    %scan3A_7 = arith.constant 0 : i32
    %scan3A_8 = arith.constant 2 : i32
    %scan3A_9 = arith.addi %scan3A_7, %scan3A_8 : i32
    %scan3A_10 = arith.constant 1 : i32
    scf.for %scan3A_18 = %scan3A_7 to %scan3A_9 step %scan3A_10  : i32 {
      %mul3A_19 = arith.constant 2 : i32
      %mul3A_20 = arith.muli %mul3A_19, %scan3A_18 : i32
      %mul3A_21 = arith.constant 2 : i32
      %mul3A_22 = arith.muli %mul3A_21, %scan3A_18 : i32
      %add3A_23 = arith.constant 1 : i32
      %add3A_24 = arith.addi %mul3A_22, %add3A_23 : i32
      %mul3A_25 = arith.constant 64 : i32
      %mul3A_26 = arith.muli %add3A_24, %mul3A_25 : i32
      %add3A_27 = arith.addi %mul3A_2, %mul3A_26 : i32
      %multiple_of3A_28 = tpu.assume_multiple %add3A_27, 64 : i32
      "tpu.region"() ({
        %run_scoped3A = tpu.sem_alloc : memref<!tpu.dma_semaphore, #tpu.memory_space<semaphore_mem>>
        %dma_start3A_77 = tpu.memref_slice %arg2[%multiple_of3A_28] : memref<8192xi32, #tpu.memory_space<hbm>> -> memref<64xi32, #tpu.memory_space<hbm>>
        %dma_start3A_78 = tpu.memref_slice %arg2[%multiple_of3A_28] : memref<8192xi32, #tpu.memory_space<hbm>> -> memref<64xi32, #tpu.memory_space<hbm>>
        tpu.enqueue_dma source(%dma_start3A_78 : memref<64xi32, #tpu.memory_space<hbm>>) target(%arg6 : memref<64xi32, #tpu.memory_space<vmem>>) target_semaphore(%run_scoped3A : memref<!tpu.dma_semaphore, #tpu.memory_space<semaphore_mem>>)
        %dma_wait3A_79 = tpu.memref_slice %arg2[%multiple_of3A_28] : memref<8192xi32, #tpu.memory_space<hbm>> -> memref<64xi32, #tpu.memory_space<hbm>>
        %dma_wait3A_80 = tpu.memref_slice %arg2[%multiple_of3A_28] : memref<8192xi32, #tpu.memory_space<hbm>> -> memref<64xi32, #tpu.memory_space<hbm>>
        tpu.wait_dma2 semaphore(%run_scoped3A : memref<!tpu.dma_semaphore, #tpu.memory_space<semaphore_mem>>) src(%dma_wait3A_80 : memref<64xi32, #tpu.memory_space<hbm>>) dst(%arg6 : memref<64xi32, #tpu.memory_space<vmem>>)
        tpu.yield
      }) : () -> ()
      %gt3A = arith.constant 0 : i32
      %gt3A_29 = arith.cmpi sgt, %scan3A_18, %gt3A : i32
      %convert_element_type3A = arith.extui %gt3A_29 : i1 to i32
      %cond3A = arith.constant 0 : i32
      %cond3A_30 = arith.cmpi ne, %convert_element_type3A, %cond3A : i32
      scf.if %cond3A_30 {
        %sub3A = arith.constant 2 : i32
        %sub3A_77 = arith.subi %add3A_24, %sub3A : i32
        %mul3A_78 = arith.constant 64 : i32
        %mul3A_79 = arith.muli %sub3A_77, %mul3A_78 : i32
        %add3A_80 = arith.addi %mul3A_2, %mul3A_79 : i32
        %multiple_of3A_81 = tpu.assume_multiple %add3A_80, 64 : i32
        %dma_wait3A_82 = arith.constant 0 : i32
        %dma_wait3A_83 = tpu.memref_slice %arg4[%multiple_of3A_81, %dma_wait3A_82] : memref<8192x768xf32, #tpu.memory_space<hbm>> -> memref<64x768xf32, #tpu.memory_space<hbm>>
        %dma_wait3A_84 = arith.constant 0 : i32
        %dma_wait3A_85 = tpu.memref_slice %arg4[%multiple_of3A_81, %dma_wait3A_84] : memref<8192x768xf32, #tpu.memory_space<hbm>> -> memref<64x768xf32, #tpu.memory_space<hbm>>
        tpu.wait_dma2 semaphore(%arg12 : memref<!tpu.dma_semaphore, #tpu.memory_space<semaphore_mem>>) src(%arg8 : memref<64x768xf32, #tpu.memory_space<vmem>>) dst(%dma_wait3A_85 : memref<64x768xf32, #tpu.memory_space<hbm>>)
      } else {
      }
      %dma_wait3A_31 = arith.constant 0 : i32
      %dma_wait3A_32 = arith.constant 0 : i32
      %dma_wait3A_33 = tpu.memref_slice %arg3[%dma_wait3A_31, %dma_wait3A_32] : memref<100000x768xf32, #tpu.memory_space<hbm>> -> memref<100000x768xf32, #tpu.memory_space<hbm>>
      tpu.wait_indirect_dma semaphore(%arg9 : memref<!tpu.dma_semaphore, #tpu.memory_space<semaphore_mem>>) src(%dma_wait3A_33 : memref<100000x768xf32, #tpu.memory_space<hbm>>) dst(%arg7 : memref<64x768xf32, #tpu.memory_space<vmem>>)
      %dma_start3A_34 = arith.constant 0 : i32
      %dma_start3A_35 = arith.constant 0 : i32
      %dma_start3A_36 = tpu.memref_slice %arg3[%dma_start3A_34, %dma_start3A_35] : memref<100000x768xf32, #tpu.memory_space<hbm>> -> memref<100000x768xf32, #tpu.memory_space<hbm>>
      tpu.enqueue_indirect_dma source(%dma_start3A_36 : memref<100000x768xf32, #tpu.memory_space<hbm>>) target(%arg8 : memref<64x768xf32, #tpu.memory_space<vmem>>) offsets(%arg6 : memref<64xi32, #tpu.memory_space<vmem>>) semaphore(%arg10 : memref<!tpu.dma_semaphore, #tpu.memory_space<semaphore_mem>>)
      %mul3A_37 = arith.constant 64 : i32
      %mul3A_38 = arith.muli %mul3A_20, %mul3A_37 : i32
      %add3A_39 = arith.addi %mul3A_2, %mul3A_38 : i32
      %multiple_of3A_40 = tpu.assume_multiple %add3A_39, 64 : i32
      %dma_start3A_41 = arith.constant 0 : i32
      %dma_start3A_42 = tpu.memref_slice %arg4[%multiple_of3A_40, %dma_start3A_41] : memref<8192x768xf32, #tpu.memory_space<hbm>> -> memref<64x768xf32, #tpu.memory_space<hbm>>
      %dma_start3A_43 = arith.constant 0 : i32
      %dma_start3A_44 = tpu.memref_slice %arg4[%multiple_of3A_40, %dma_start3A_43] : memref<8192x768xf32, #tpu.memory_space<hbm>> -> memref<64x768xf32, #tpu.memory_space<hbm>>
      tpu.enqueue_dma source(%arg7 : memref<64x768xf32, #tpu.memory_space<vmem>>) target(%dma_start3A_44 : memref<64x768xf32, #tpu.memory_space<hbm>>) target_semaphore(%arg11 : memref<!tpu.dma_semaphore, #tpu.memory_space<semaphore_mem>>)
      %add3A_45 = arith.constant 1 : i32
      %add3A_46 = arith.addi %scan3A_18, %add3A_45 : i32
      %lt3A = arith.constant 2 : i32
      %lt3A_47 = arith.cmpi slt, %add3A_46, %lt3A : i32
      %convert_element_type3A_48 = arith.extui %lt3A_47 : i1 to i32
      %cond3A_49 = arith.constant 0 : i32
      %cond3A_50 = arith.cmpi ne, %convert_element_type3A_48, %cond3A_49 : i32
      scf.if %cond3A_50 {
        %add3A_77 = arith.constant 2 : i32
        %add3A_78 = arith.addi %mul3A_20, %add3A_77 : i32
        %mul3A_79 = arith.constant 64 : i32
        %mul3A_80 = arith.muli %add3A_78, %mul3A_79 : i32
        %add3A_81 = arith.addi %mul3A_2, %mul3A_80 : i32
        %multiple_of3A_82 = tpu.assume_multiple %add3A_81, 64 : i32
        "tpu.region"() ({
          %run_scoped3A = tpu.sem_alloc : memref<!tpu.dma_semaphore, #tpu.memory_space<semaphore_mem>>
          %dma_start3A_83 = tpu.memref_slice %arg2[%multiple_of3A_82] : memref<8192xi32, #tpu.memory_space<hbm>> -> memref<64xi32, #tpu.memory_space<hbm>>
          %dma_start3A_84 = tpu.memref_slice %arg2[%multiple_of3A_82] : memref<8192xi32, #tpu.memory_space<hbm>> -> memref<64xi32, #tpu.memory_space<hbm>>
          tpu.enqueue_dma source(%dma_start3A_84 : memref<64xi32, #tpu.memory_space<hbm>>) target(%arg5 : memref<64xi32, #tpu.memory_space<vmem>>) target_semaphore(%run_scoped3A : memref<!tpu.dma_semaphore, #tpu.memory_space<semaphore_mem>>)
          %dma_wait3A_85 = tpu.memref_slice %arg2[%multiple_of3A_82] : memref<8192xi32, #tpu.memory_space<hbm>> -> memref<64xi32, #tpu.memory_space<hbm>>
          %dma_wait3A_86 = tpu.memref_slice %arg2[%multiple_of3A_82] : memref<8192xi32, #tpu.memory_space<hbm>> -> memref<64xi32, #tpu.memory_space<hbm>>
          tpu.wait_dma2 semaphore(%run_scoped3A : memref<!tpu.dma_semaphore, #tpu.memory_space<semaphore_mem>>) src(%dma_wait3A_86 : memref<64xi32, #tpu.memory_space<hbm>>) dst(%arg5 : memref<64xi32, #tpu.memory_space<vmem>>)
          tpu.yield
        }) : () -> ()
      } else {
      }
      %mul3A_51 = arith.constant 64 : i32
      %mul3A_52 = arith.muli %mul3A_20, %mul3A_51 : i32
      %add3A_53 = arith.addi %mul3A_2, %mul3A_52 : i32
      %multiple_of3A_54 = tpu.assume_multiple %add3A_53, 64 : i32
      %dma_wait3A_55 = arith.constant 0 : i32
      %dma_wait3A_56 = tpu.memref_slice %arg4[%multiple_of3A_54, %dma_wait3A_55] : memref<8192x768xf32, #tpu.memory_space<hbm>> -> memref<64x768xf32, #tpu.memory_space<hbm>>
      %dma_wait3A_57 = arith.constant 0 : i32
      %dma_wait3A_58 = tpu.memref_slice %arg4[%multiple_of3A_54, %dma_wait3A_57] : memref<8192x768xf32, #tpu.memory_space<hbm>> -> memref<64x768xf32, #tpu.memory_space<hbm>>
      tpu.wait_dma2 semaphore(%arg11 : memref<!tpu.dma_semaphore, #tpu.memory_space<semaphore_mem>>) src(%arg7 : memref<64x768xf32, #tpu.memory_space<vmem>>) dst(%dma_wait3A_58 : memref<64x768xf32, #tpu.memory_space<hbm>>)
      %dma_wait3A_59 = arith.constant 0 : i32
      %dma_wait3A_60 = arith.constant 0 : i32
      %dma_wait3A_61 = tpu.memref_slice %arg3[%dma_wait3A_59, %dma_wait3A_60] : memref<100000x768xf32, #tpu.memory_space<hbm>> -> memref<100000x768xf32, #tpu.memory_space<hbm>>
      tpu.wait_indirect_dma semaphore(%arg10 : memref<!tpu.dma_semaphore, #tpu.memory_space<semaphore_mem>>) src(%dma_wait3A_61 : memref<100000x768xf32, #tpu.memory_space<hbm>>) dst(%arg8 : memref<64x768xf32, #tpu.memory_space<vmem>>)
      %mul3A_62 = arith.constant 64 : i32
      %mul3A_63 = arith.muli %add3A_24, %mul3A_62 : i32
      %add3A_64 = arith.addi %mul3A_2, %mul3A_63 : i32
      %multiple_of3A_65 = tpu.assume_multiple %add3A_64, 64 : i32
      %dma_start3A_66 = arith.constant 0 : i32
      %dma_start3A_67 = tpu.memref_slice %arg4[%multiple_of3A_65, %dma_start3A_66] : memref<8192x768xf32, #tpu.memory_space<hbm>> -> memref<64x768xf32, #tpu.memory_space<hbm>>
      %dma_start3A_68 = arith.constant 0 : i32
      %dma_start3A_69 = tpu.memref_slice %arg4[%multiple_of3A_65, %dma_start3A_68] : memref<8192x768xf32, #tpu.memory_space<hbm>> -> memref<64x768xf32, #tpu.memory_space<hbm>>
      tpu.enqueue_dma source(%arg8 : memref<64x768xf32, #tpu.memory_space<vmem>>) target(%dma_start3A_69 : memref<64x768xf32, #tpu.memory_space<hbm>>) target_semaphore(%arg12 : memref<!tpu.dma_semaphore, #tpu.memory_space<semaphore_mem>>)
      %add3A_70 = arith.constant 1 : i32
      %add3A_71 = arith.addi %scan3A_18, %add3A_70 : i32
      %lt3A_72 = arith.constant 2 : i32
      %lt3A_73 = arith.cmpi slt, %add3A_71, %lt3A_72 : i32
      %convert_element_type3A_74 = arith.extui %lt3A_73 : i1 to i32
      %cond3A_75 = arith.constant 0 : i32
      %cond3A_76 = arith.cmpi ne, %convert_element_type3A_74, %cond3A_75 : i32
      scf.if %cond3A_76 {
        %dma_start3A_77 = arith.constant 0 : i32
        %dma_start3A_78 = arith.constant 0 : i32
        %dma_start3A_79 = tpu.memref_slice %arg3[%dma_start3A_77, %dma_start3A_78] : memref<100000x768xf32, #tpu.memory_space<hbm>> -> memref<100000x768xf32, #tpu.memory_space<hbm>>
        tpu.enqueue_indirect_dma source(%dma_start3A_79 : memref<100000x768xf32, #tpu.memory_space<hbm>>) target(%arg7 : memref<64x768xf32, #tpu.memory_space<vmem>>) offsets(%arg5 : memref<64xi32, #tpu.memory_space<vmem>>) semaphore(%arg9 : memref<!tpu.dma_semaphore, #tpu.memory_space<semaphore_mem>>)
      } else {
      }
    }
    %scan3A_11 = arith.constant 2 : i32
    %add3A_12 = arith.constant 192 : i32
    %add3A_13 = arith.addi %mul3A_2, %add3A_12 : i32
    %multiple_of3A_14 = tpu.assume_multiple %add3A_13, 64 : i32
    %dma_wait3A = arith.constant 0 : i32
    %dma_wait3A_15 = tpu.memref_slice %arg4[%multiple_of3A_14, %dma_wait3A] : memref<8192x768xf32, #tpu.memory_space<hbm>> -> memref<64x768xf32, #tpu.memory_space<hbm>>
    %dma_wait3A_16 = arith.constant 0 : i32
    %dma_wait3A_17 = tpu.memref_slice %arg4[%multiple_of3A_14, %dma_wait3A_16] : memref<8192x768xf32, #tpu.memory_space<hbm>> -> memref<64x768xf32, #tpu.memory_space<hbm>>
    tpu.wait_dma2 semaphore(%arg12 : memref<!tpu.dma_semaphore, #tpu.memory_space<semaphore_mem>>) src(%arg8 : memref<64x768xf32, #tpu.memory_space<vmem>>) dst(%dma_wait3A_17 : memref<64x768xf32, #tpu.memory_space<hbm>>)
    return
  }
}

#map = affine_map<(d0, d1) -> (0)>
#map1 = affine_map<(d0, d1) -> (0, 0)>
module attributes {stable_mosaic.version = 14 : i64} {
  func.func @k(%arg0: i32, %arg1: i32, %arg2: memref<8192xi32, #tpu.memory_space<hbm>>, %arg3: memref<100000x768xf32, #tpu.memory_space<hbm>>, %arg4: memref<8192x768xf32, #tpu.memory_space<hbm>>, %arg5: memref<64xi32, #tpu.memory_space<vmem>>, %arg6: memref<64xi32, #tpu.memory_space<vmem>>, %arg7: memref<64x768xf32, #tpu.memory_space<vmem>>, %arg8: memref<64x768xf32, #tpu.memory_space<vmem>>, %arg9: memref<!tpu.dma_semaphore, #tpu.memory_space<semaphore_mem>>, %arg10: memref<!tpu.dma_semaphore, #tpu.memory_space<semaphore_mem>>, %arg11: memref<!tpu.dma_semaphore, #tpu.memory_space<semaphore_mem>>, %arg12: memref<!tpu.dma_semaphore, #tpu.memory_space<semaphore_mem>>) attributes {dimension_semantics = [#tpu.dimension_semantics<core_parallel>, #tpu.dimension_semantics<subcore_parallel>], iteration_bounds = array<i64: 2, 16>, scalar_prefetch = 0 : i64, scratch_operands = 8 : i64, tpu.core_type = #tpu.core_type<sc_vector_subcore>, window_params = [{transform_indices = #map}, {transform_indices = #map1}, {transform_indices = #map1}]} {
    %mul3A = arith.constant 2 : i32
    %mul3A_0 = arith.muli %arg1, %mul3A : i32
    %add3A = arith.addi %mul3A_0, %arg0 : i32
    %mul3A_1 = arith.constant 256 : i32
    %mul3A_2 = arith.muli %add3A, %mul3A_1 : i32
    %add3A_3 = arith.constant 0 : i32
    %add3A_4 = arith.addi %mul3A_2, %add3A_3 : i32
    %multiple_of3A = tpu.assume_multiple %add3A_4, 64 : i32
    "tpu.region"() ({
      %run_scoped3A = tpu.sem_alloc : memref<!tpu.dma_semaphore, #tpu.memory_space<semaphore_mem>>
      %dma_start3A_18 = tpu.memref_slice %arg2[%multiple_of3A] : memref<8192xi32, #tpu.memory_space<hbm>> -> memref<64xi32, #tpu.memory_space<hbm>>
      %dma_start3A_19 = tpu.memref_slice %arg2[%multiple_of3A] : memref<8192xi32, #tpu.memory_space<hbm>> -> memref<64xi32, #tpu.memory_space<hbm>>
      tpu.enqueue_dma source(%dma_start3A_19 : memref<64xi32, #tpu.memory_space<hbm>>) target(%arg5 : memref<64xi32, #tpu.memory_space<vmem>>) target_semaphore(%run_scoped3A : memref<!tpu.dma_semaphore, #tpu.memory_space<semaphore_mem>>)
      %dma_wait3A_20 = tpu.memref_slice %arg2[%multiple_of3A] : memref<8192xi32, #tpu.memory_space<hbm>> -> memref<64xi32, #tpu.memory_space<hbm>>
      %dma_wait3A_21 = tpu.memref_slice %arg2[%multiple_of3A] : memref<8192xi32, #tpu.memory_space<hbm>> -> memref<64xi32, #tpu.memory_space<hbm>>
      tpu.wait_dma2 semaphore(%run_scoped3A : memref<!tpu.dma_semaphore, #tpu.memory_space<semaphore_mem>>) src(%dma_wait3A_21 : memref<64xi32, #tpu.memory_space<hbm>>) dst(%arg5 : memref<64xi32, #tpu.memory_space<vmem>>)
      tpu.yield
    }) : () -> ()
    %dma_start3A = arith.constant 0 : i32
    %dma_start3A_5 = arith.constant 0 : i32
    %dma_start3A_6 = tpu.memref_slice %arg3[%dma_start3A, %dma_start3A_5] : memref<100000x768xf32, #tpu.memory_space<hbm>> -> memref<100000x768xf32, #tpu.memory_space<hbm>>
    tpu.enqueue_indirect_dma source(%dma_start3A_6 : memref<100000x768xf32, #tpu.memory_space<hbm>>) target(%arg7 : memref<64x768xf32, #tpu.memory_space<vmem>>) offsets(%arg5 : memref<64xi32, #tpu.memory_space<vmem>>) semaphore(%arg9 : memref<!tpu.dma_semaphore, #tpu.memory_space<semaphore_mem>>)
    %scan3A = arith.constant 0 : i32
    %scan3A_7 = arith.constant 0 : i32
    %scan3A_8 = arith.constant 2 : i32
    %scan3A_9 = arith.addi %scan3A_7, %scan3A_8 : i32
    %scan3A_10 = arith.constant 1 : i32
    scf.for %scan3A_18 = %scan3A_7 to %scan3A_9 step %scan3A_10  : i32 {
      %mul3A_19 = arith.constant 2 : i32
      %mul3A_20 = arith.muli %mul3A_19, %scan3A_18 : i32
      %mul3A_21 = arith.constant 2 : i32
      %mul3A_22 = arith.muli %mul3A_21, %scan3A_18 : i32
      %add3A_23 = arith.constant 1 : i32
      %add3A_24 = arith.addi %mul3A_22, %add3A_23 : i32
      %mul3A_25 = arith.constant 64 : i32
      %mul3A_26 = arith.muli %add3A_24, %mul3A_25 : i32
      %add3A_27 = arith.addi %mul3A_2, %mul3A_26 : i32
      %multiple_of3A_28 = tpu.assume_multiple %add3A_27, 64 : i32
      "tpu.region"() ({
        %run_scoped3A = tpu.sem_alloc : memref<!tpu.dma_semaphore, #tpu.memory_space<semaphore_mem>>
        %dma_start3A_77 = tpu.memref_slice %arg2[%multiple_of3A_28] : memref<8192xi32, #tpu.memory_space<hbm>> -> memref<64xi32, #tpu.memory_space<hbm>>
        %dma_start3A_78 = tpu.memref_slice %arg2[%multiple_of3A_28] : memref<8192xi32, #tpu.memory_space<hbm>> -> memref<64xi32, #tpu.memory_space<hbm>>
        tpu.enqueue_dma source(%dma_start3A_78 : memref<64xi32, #tpu.memory_space<hbm>>) target(%arg6 : memref<64xi32, #tpu.memory_space<vmem>>) target_semaphore(%run_scoped3A : memref<!tpu.dma_semaphore, #tpu.memory_space<semaphore_mem>>)
        %dma_wait3A_79 = tpu.memref_slice %arg2[%multiple_of3A_28] : memref<8192xi32, #tpu.memory_space<hbm>> -> memref<64xi32, #tpu.memory_space<hbm>>
        %dma_wait3A_80 = tpu.memref_slice %arg2[%multiple_of3A_28] : memref<8192xi32, #tpu.memory_space<hbm>> -> memref<64xi32, #tpu.memory_space<hbm>>
        tpu.wait_dma2 semaphore(%run_scoped3A : memref<!tpu.dma_semaphore, #tpu.memory_space<semaphore_mem>>) src(%dma_wait3A_80 : memref<64xi32, #tpu.memory_space<hbm>>) dst(%arg6 : memref<64xi32, #tpu.memory_space<vmem>>)
        tpu.yield
      }) : () -> ()
      %gt3A = arith.constant 0 : i32
      %gt3A_29 = arith.cmpi sgt, %scan3A_18, %gt3A : i32
      %convert_element_type3A = arith.extui %gt3A_29 : i1 to i32
      %cond3A = arith.constant 0 : i32
      %cond3A_30 = arith.cmpi ne, %convert_element_type3A, %cond3A : i32
      scf.if %cond3A_30 {
        %sub3A = arith.constant 2 : i32
        %sub3A_77 = arith.subi %add3A_24, %sub3A : i32
        %mul3A_78 = arith.constant 64 : i32
        %mul3A_79 = arith.muli %sub3A_77, %mul3A_78 : i32
        %add3A_80 = arith.addi %mul3A_2, %mul3A_79 : i32
        %multiple_of3A_81 = tpu.assume_multiple %add3A_80, 64 : i32
        %dma_wait3A_82 = arith.constant 0 : i32
        %dma_wait3A_83 = tpu.memref_slice %arg4[%multiple_of3A_81, %dma_wait3A_82] : memref<8192x768xf32, #tpu.memory_space<hbm>> -> memref<64x768xf32, #tpu.memory_space<hbm>>
        %dma_wait3A_84 = arith.constant 0 : i32
        %dma_wait3A_85 = tpu.memref_slice %arg4[%multiple_of3A_81, %dma_wait3A_84] : memref<8192x768xf32, #tpu.memory_space<hbm>> -> memref<64x768xf32, #tpu.memory_space<hbm>>
        tpu.wait_dma2 semaphore(%arg12 : memref<!tpu.dma_semaphore, #tpu.memory_space<semaphore_mem>>) src(%arg8 : memref<64x768xf32, #tpu.memory_space<vmem>>) dst(%dma_wait3A_85 : memref<64x768xf32, #tpu.memory_space<hbm>>)
      } else {
      }
      %dma_wait3A_31 = arith.constant 0 : i32
      %dma_wait3A_32 = arith.constant 0 : i32
      %dma_wait3A_33 = tpu.memref_slice %arg3[%dma_wait3A_31, %dma_wait3A_32] : memref<100000x768xf32, #tpu.memory_space<hbm>> -> memref<100000x768xf32, #tpu.memory_space<hbm>>
      tpu.wait_indirect_dma semaphore(%arg9 : memref<!tpu.dma_semaphore, #tpu.memory_space<semaphore_mem>>) src(%dma_wait3A_33 : memref<100000x768xf32, #tpu.memory_space<hbm>>) dst(%arg7 : memref<64x768xf32, #tpu.memory_space<vmem>>)
      %dma_start3A_34 = arith.constant 0 : i32
      %dma_start3A_35 = arith.constant 0 : i32
      %dma_start3A_36 = tpu.memref_slice %arg3[%dma_start3A_34, %dma_start3A_35] : memref<100000x768xf32, #tpu.memory_space<hbm>> -> memref<100000x768xf32, #tpu.memory_space<hbm>>
      tpu.enqueue_indirect_dma source(%dma_start3A_36 : memref<100000x768xf32, #tpu.memory_space<hbm>>) target(%arg8 : memref<64x768xf32, #tpu.memory_space<vmem>>) offsets(%arg6 : memref<64xi32, #tpu.memory_space<vmem>>) semaphore(%arg10 : memref<!tpu.dma_semaphore, #tpu.memory_space<semaphore_mem>>)
      %mul3A_37 = arith.constant 64 : i32
      %mul3A_38 = arith.muli %mul3A_20, %mul3A_37 : i32
      %add3A_39 = arith.addi %mul3A_2, %mul3A_38 : i32
      %multiple_of3A_40 = tpu.assume_multiple %add3A_39, 64 : i32
      %dma_start3A_41 = arith.constant 0 : i32
      %dma_start3A_42 = tpu.memref_slice %arg4[%multiple_of3A_40, %dma_start3A_41] : memref<8192x768xf32, #tpu.memory_space<hbm>> -> memref<64x768xf32, #tpu.memory_space<hbm>>
      %dma_start3A_43 = arith.constant 0 : i32
      %dma_start3A_44 = tpu.memref_slice %arg4[%multiple_of3A_40, %dma_start3A_43] : memref<8192x768xf32, #tpu.memory_space<hbm>> -> memref<64x768xf32, #tpu.memory_space<hbm>>
      tpu.enqueue_dma source(%arg7 : memref<64x768xf32, #tpu.memory_space<vmem>>) target(%dma_start3A_44 : memref<64x768xf32, #tpu.memory_space<hbm>>) target_semaphore(%arg11 : memref<!tpu.dma_semaphore, #tpu.memory_space<semaphore_mem>>)
      %add3A_45 = arith.constant 1 : i32
      %add3A_46 = arith.addi %scan3A_18, %add3A_45 : i32
      %lt3A = arith.constant 2 : i32
      %lt3A_47 = arith.cmpi slt, %add3A_46, %lt3A : i32
      %convert_element_type3A_48 = arith.extui %lt3A_47 : i1 to i32
      %cond3A_49 = arith.constant 0 : i32
      %cond3A_50 = arith.cmpi ne, %convert_element_type3A_48, %cond3A_49 : i32
      scf.if %cond3A_50 {
        %add3A_77 = arith.constant 2 : i32
        %add3A_78 = arith.addi %mul3A_20, %add3A_77 : i32
        %mul3A_79 = arith.constant 64 : i32
        %mul3A_80 = arith.muli %add3A_78, %mul3A_79 : i32
        %add3A_81 = arith.addi %mul3A_2, %mul3A_80 : i32
        %multiple_of3A_82 = tpu.assume_multiple %add3A_81, 64 : i32
        "tpu.region"() ({
          %run_scoped3A = tpu.sem_alloc : memref<!tpu.dma_semaphore, #tpu.memory_space<semaphore_mem>>
          %dma_start3A_83 = tpu.memref_slice %arg2[%multiple_of3A_82] : memref<8192xi32, #tpu.memory_space<hbm>> -> memref<64xi32, #tpu.memory_space<hbm>>
          %dma_start3A_84 = tpu.memref_slice %arg2[%multiple_of3A_82] : memref<8192xi32, #tpu.memory_space<hbm>> -> memref<64xi32, #tpu.memory_space<hbm>>
          tpu.enqueue_dma source(%dma_start3A_84 : memref<64xi32, #tpu.memory_space<hbm>>) target(%arg5 : memref<64xi32, #tpu.memory_space<vmem>>) target_semaphore(%run_scoped3A : memref<!tpu.dma_semaphore, #tpu.memory_space<semaphore_mem>>)
          %dma_wait3A_85 = tpu.memref_slice %arg2[%multiple_of3A_82] : memref<8192xi32, #tpu.memory_space<hbm>> -> memref<64xi32, #tpu.memory_space<hbm>>
          %dma_wait3A_86 = tpu.memref_slice %arg2[%multiple_of3A_82] : memref<8192xi32, #tpu.memory_space<hbm>> -> memref<64xi32, #tpu.memory_space<hbm>>
          tpu.wait_dma2 semaphore(%run_scoped3A : memref<!tpu.dma_semaphore, #tpu.memory_space<semaphore_mem>>) src(%dma_wait3A_86 : memref<64xi32, #tpu.memory_space<hbm>>) dst(%arg5 : memref<64xi32, #tpu.memory_space<vmem>>)
          tpu.yield
        }) : () -> ()
      } else {
      }
      %mul3A_51 = arith.constant 64 : i32
      %mul3A_52 = arith.muli %mul3A_20, %mul3A_51 : i32
      %add3A_53 = arith.addi %mul3A_2, %mul3A_52 : i32
      %multiple_of3A_54 = tpu.assume_multiple %add3A_53, 64 : i32
      %dma_wait3A_55 = arith.constant 0 : i32
      %dma_wait3A_56 = tpu.memref_slice %arg4[%multiple_of3A_54, %dma_wait3A_55] : memref<8192x768xf32, #tpu.memory_space<hbm>> -> memref<64x768xf32, #tpu.memory_space<hbm>>
      %dma_wait3A_57 = arith.constant 0 : i32
      %dma_wait3A_58 = tpu.memref_slice %arg4[%multiple_of3A_54, %dma_wait3A_57] : memref<8192x768xf32, #tpu.memory_space<hbm>> -> memref<64x768xf32, #tpu.memory_space<hbm>>
      tpu.wait_dma2 semaphore(%arg11 : memref<!tpu.dma_semaphore, #tpu.memory_space<semaphore_mem>>) src(%arg7 : memref<64x768xf32, #tpu.memory_space<vmem>>) dst(%dma_wait3A_58 : memref<64x768xf32, #tpu.memory_space<hbm>>)
      %dma_wait3A_59 = arith.constant 0 : i32
      %dma_wait3A_60 = arith.constant 0 : i32
      %dma_wait3A_61 = tpu.memref_slice %arg3[%dma_wait3A_59, %dma_wait3A_60] : memref<100000x768xf32, #tpu.memory_space<hbm>> -> memref<100000x768xf32, #tpu.memory_space<hbm>>
      tpu.wait_indirect_dma semaphore(%arg10 : memref<!tpu.dma_semaphore, #tpu.memory_space<semaphore_mem>>) src(%dma_wait3A_61 : memref<100000x768xf32, #tpu.memory_space<hbm>>) dst(%arg8 : memref<64x768xf32, #tpu.memory_space<vmem>>)
      %mul3A_62 = arith.constant 64 : i32
      %mul3A_63 = arith.muli %add3A_24, %mul3A_62 : i32
      %add3A_64 = arith.addi %mul3A_2, %mul3A_63 : i32
      %multiple_of3A_65 = tpu.assume_multiple %add3A_64, 64 : i32
      %dma_start3A_66 = arith.constant 0 : i32
      %dma_start3A_67 = tpu.memref_slice %arg4[%multiple_of3A_65, %dma_start3A_66] : memref<8192x768xf32, #tpu.memory_space<hbm>> -> memref<64x768xf32, #tpu.memory_space<hbm>>
      %dma_start3A_68 = arith.constant 0 : i32
      %dma_start3A_69 = tpu.memref_slice %arg4[%multiple_of3A_65, %dma_start3A_68] : memref<8192x768xf32, #tpu.memory_space<hbm>> -> memref<64x768xf32, #tpu.memory_space<hbm>>
      tpu.enqueue_dma source(%arg8 : memref<64x768xf32, #tpu.memory_space<vmem>>) target(%dma_start3A_69 : memref<64x768xf32, #tpu.memory_space<hbm>>) target_semaphore(%arg12 : memref<!tpu.dma_semaphore, #tpu.memory_space<semaphore_mem>>)
      %add3A_70 = arith.constant 1 : i32
      %add3A_71 = arith.addi %scan3A_18, %add3A_70 : i32
      %lt3A_72 = arith.constant 2 : i32
      %lt3A_73 = arith.cmpi slt, %add3A_71, %lt3A_72 : i32
      %convert_element_type3A_74 = arith.extui %lt3A_73 : i1 to i32
      %cond3A_75 = arith.constant 0 : i32
      %cond3A_76 = arith.cmpi ne, %convert_element_type3A_74, %cond3A_75 : i32
      scf.if %cond3A_76 {
        %dma_start3A_77 = arith.constant 0 : i32
        %dma_start3A_78 = arith.constant 0 : i32
        %dma_start3A_79 = tpu.memref_slice %arg3[%dma_start3A_77, %dma_start3A_78] : memref<100000x768xf32, #tpu.memory_space<hbm>> -> memref<100000x768xf32, #tpu.memory_space<hbm>>
        tpu.enqueue_indirect_dma source(%dma_start3A_79 : memref<100000x768xf32, #tpu.memory_space<hbm>>) target(%arg7 : memref<64x768xf32, #tpu.memory_space<vmem>>) offsets(%arg5 : memref<64xi32, #tpu.memory_space<vmem>>) semaphore(%arg9 : memref<!tpu.dma_semaphore, #tpu.memory_space<semaphore_mem>>)
      } else {
      }
    }
    %scan3A_11 = arith.constant 2 : i32
    %add3A_12 = arith.constant 192 : i32
    %add3A_13 = arith.addi %mul3A_2, %add3A_12 : i32
    %multiple_of3A_14 = tpu.assume_multiple %add3A_13, 64 : i32
    %dma_wait3A = arith.constant 0 : i32
    %dma_wait3A_15 = tpu.memref_slice %arg4[%multiple_of3A_14, %dma_wait3A] : memref<8192x768xf32, #tpu.memory_space<hbm>> -> memref<64x768xf32, #tpu.memory_space<hbm>>
    %dma_wait3A_16 = arith.constant 0 : i32
    %dma_wait3A_17 = tpu.memref_slice %arg4[%multiple_of3A_14, %dma_wait3A_16] : memref<8192x768xf32, #tpu.memory_space<hbm>> -> memref<64x768xf32, #tpu.memory_space<hbm>>
    tpu.wait_dma2 semaphore(%arg12 : memref<!tpu.dma_semaphore, #tpu.memory_space<semaphore_mem>>) src(%arg8 : memref<64x768xf32, #tpu.memory_space<vmem>>) dst(%dma_wait3A_17 : memref<64x768xf32, #tpu.memory_space<hbm>>)
    return
  }
}

#map = affine_map<(d0, d1) -> (0)>
#map1 = affine_map<(d0, d1) -> (0, 0)>
module attributes {stable_mosaic.version = 14 : i64} {
  func.func @k(%arg0: i32, %arg1: i32, %arg2: memref<8192xi32, #tpu.memory_space<hbm>>, %arg3: memref<100000x768xf32, #tpu.memory_space<hbm>>, %arg4: memref<8192x768xf32, #tpu.memory_space<hbm>>, %arg5: memref<64xi32, #tpu.memory_space<vmem>>, %arg6: memref<64xi32, #tpu.memory_space<vmem>>, %arg7: memref<64x768xf32, #tpu.memory_space<vmem>>, %arg8: memref<64x768xf32, #tpu.memory_space<vmem>>, %arg9: memref<!tpu.dma_semaphore, #tpu.memory_space<semaphore_mem>>, %arg10: memref<!tpu.dma_semaphore, #tpu.memory_space<semaphore_mem>>, %arg11: memref<!tpu.dma_semaphore, #tpu.memory_space<semaphore_mem>>, %arg12: memref<!tpu.dma_semaphore, #tpu.memory_space<semaphore_mem>>) attributes {dimension_semantics = [#tpu.dimension_semantics<core_parallel>, #tpu.dimension_semantics<subcore_parallel>], iteration_bounds = array<i64: 2, 16>, scalar_prefetch = 0 : i64, scratch_operands = 8 : i64, tpu.core_type = #tpu.core_type<sc_vector_subcore>, window_params = [{transform_indices = #map}, {transform_indices = #map1}, {transform_indices = #map1}]} {
    %mul3A = arith.constant 2 : i32
    %mul3A_0 = arith.muli %arg1, %mul3A : i32
    %add3A = arith.addi %mul3A_0, %arg0 : i32
    %mul3A_1 = arith.constant 256 : i32
    %mul3A_2 = arith.muli %add3A, %mul3A_1 : i32
    %add3A_3 = arith.constant 0 : i32
    %add3A_4 = arith.addi %mul3A_2, %add3A_3 : i32
    %multiple_of3A = tpu.assume_multiple %add3A_4, 64 : i32
    "tpu.region"() ({
      %run_scoped3A = tpu.sem_alloc : memref<!tpu.dma_semaphore, #tpu.memory_space<semaphore_mem>>
      %dma_start3A_18 = tpu.memref_slice %arg2[%multiple_of3A] : memref<8192xi32, #tpu.memory_space<hbm>> -> memref<64xi32, #tpu.memory_space<hbm>>
      %dma_start3A_19 = tpu.memref_slice %arg2[%multiple_of3A] : memref<8192xi32, #tpu.memory_space<hbm>> -> memref<64xi32, #tpu.memory_space<hbm>>
      tpu.enqueue_dma source(%dma_start3A_19 : memref<64xi32, #tpu.memory_space<hbm>>) target(%arg5 : memref<64xi32, #tpu.memory_space<vmem>>) target_semaphore(%run_scoped3A : memref<!tpu.dma_semaphore, #tpu.memory_space<semaphore_mem>>)
      %dma_wait3A_20 = tpu.memref_slice %arg2[%multiple_of3A] : memref<8192xi32, #tpu.memory_space<hbm>> -> memref<64xi32, #tpu.memory_space<hbm>>
      %dma_wait3A_21 = tpu.memref_slice %arg2[%multiple_of3A] : memref<8192xi32, #tpu.memory_space<hbm>> -> memref<64xi32, #tpu.memory_space<hbm>>
      tpu.wait_dma2 semaphore(%run_scoped3A : memref<!tpu.dma_semaphore, #tpu.memory_space<semaphore_mem>>) src(%dma_wait3A_21 : memref<64xi32, #tpu.memory_space<hbm>>) dst(%arg5 : memref<64xi32, #tpu.memory_space<vmem>>)
      tpu.yield
    }) : () -> ()
    %dma_start3A = arith.constant 0 : i32
    %dma_start3A_5 = arith.constant 0 : i32
    %dma_start3A_6 = tpu.memref_slice %arg3[%dma_start3A, %dma_start3A_5] : memref<100000x768xf32, #tpu.memory_space<hbm>> -> memref<100000x768xf32, #tpu.memory_space<hbm>>
    tpu.enqueue_indirect_dma source(%dma_start3A_6 : memref<100000x768xf32, #tpu.memory_space<hbm>>) target(%arg7 : memref<64x768xf32, #tpu.memory_space<vmem>>) offsets(%arg5 : memref<64xi32, #tpu.memory_space<vmem>>) semaphore(%arg9 : memref<!tpu.dma_semaphore, #tpu.memory_space<semaphore_mem>>)
    %scan3A = arith.constant 0 : i32
    %scan3A_7 = arith.constant 0 : i32
    %scan3A_8 = arith.constant 2 : i32
    %scan3A_9 = arith.addi %scan3A_7, %scan3A_8 : i32
    %scan3A_10 = arith.constant 1 : i32
    scf.for %scan3A_18 = %scan3A_7 to %scan3A_9 step %scan3A_10  : i32 {
      %mul3A_19 = arith.constant 2 : i32
      %mul3A_20 = arith.muli %mul3A_19, %scan3A_18 : i32
      %mul3A_21 = arith.constant 2 : i32
      %mul3A_22 = arith.muli %mul3A_21, %scan3A_18 : i32
      %add3A_23 = arith.constant 1 : i32
      %add3A_24 = arith.addi %mul3A_22, %add3A_23 : i32
      %mul3A_25 = arith.constant 64 : i32
      %mul3A_26 = arith.muli %add3A_24, %mul3A_25 : i32
      %add3A_27 = arith.addi %mul3A_2, %mul3A_26 : i32
      %multiple_of3A_28 = tpu.assume_multiple %add3A_27, 64 : i32
      "tpu.region"() ({
        %run_scoped3A = tpu.sem_alloc : memref<!tpu.dma_semaphore, #tpu.memory_space<semaphore_mem>>
        %dma_start3A_77 = tpu.memref_slice %arg2[%multiple_of3A_28] : memref<8192xi32, #tpu.memory_space<hbm>> -> memref<64xi32, #tpu.memory_space<hbm>>
        %dma_start3A_78 = tpu.memref_slice %arg2[%multiple_of3A_28] : memref<8192xi32, #tpu.memory_space<hbm>> -> memref<64xi32, #tpu.memory_space<hbm>>
        tpu.enqueue_dma source(%dma_start3A_78 : memref<64xi32, #tpu.memory_space<hbm>>) target(%arg6 : memref<64xi32, #tpu.memory_space<vmem>>) target_semaphore(%run_scoped3A : memref<!tpu.dma_semaphore, #tpu.memory_space<semaphore_mem>>)
        %dma_wait3A_79 = tpu.memref_slice %arg2[%multiple_of3A_28] : memref<8192xi32, #tpu.memory_space<hbm>> -> memref<64xi32, #tpu.memory_space<hbm>>
        %dma_wait3A_80 = tpu.memref_slice %arg2[%multiple_of3A_28] : memref<8192xi32, #tpu.memory_space<hbm>> -> memref<64xi32, #tpu.memory_space<hbm>>
        tpu.wait_dma2 semaphore(%run_scoped3A : memref<!tpu.dma_semaphore, #tpu.memory_space<semaphore_mem>>) src(%dma_wait3A_80 : memref<64xi32, #tpu.memory_space<hbm>>) dst(%arg6 : memref<64xi32, #tpu.memory_space<vmem>>)
        tpu.yield
      }) : () -> ()
      %gt3A = arith.constant 0 : i32
      %gt3A_29 = arith.cmpi sgt, %scan3A_18, %gt3A : i32
      %convert_element_type3A = arith.extui %gt3A_29 : i1 to i32
      %cond3A = arith.constant 0 : i32
      %cond3A_30 = arith.cmpi ne, %convert_element_type3A, %cond3A : i32
      scf.if %cond3A_30 {
        %sub3A = arith.constant 2 : i32
        %sub3A_77 = arith.subi %add3A_24, %sub3A : i32
        %mul3A_78 = arith.constant 64 : i32
        %mul3A_79 = arith.muli %sub3A_77, %mul3A_78 : i32
        %add3A_80 = arith.addi %mul3A_2, %mul3A_79 : i32
        %multiple_of3A_81 = tpu.assume_multiple %add3A_80, 64 : i32
        %dma_wait3A_82 = arith.constant 0 : i32
        %dma_wait3A_83 = tpu.memref_slice %arg4[%multiple_of3A_81, %dma_wait3A_82] : memref<8192x768xf32, #tpu.memory_space<hbm>> -> memref<64x768xf32, #tpu.memory_space<hbm>>
        %dma_wait3A_84 = arith.constant 0 : i32
        %dma_wait3A_85 = tpu.memref_slice %arg4[%multiple_of3A_81, %dma_wait3A_84] : memref<8192x768xf32, #tpu.memory_space<hbm>> -> memref<64x768xf32, #tpu.memory_space<hbm>>
        tpu.wait_dma2 semaphore(%arg12 : memref<!tpu.dma_semaphore, #tpu.memory_space<semaphore_mem>>) src(%arg8 : memref<64x768xf32, #tpu.memory_space<vmem>>) dst(%dma_wait3A_85 : memref<64x768xf32, #tpu.memory_space<hbm>>)
      } else {
      }
      %dma_wait3A_31 = arith.constant 0 : i32
      %dma_wait3A_32 = arith.constant 0 : i32
      %dma_wait3A_33 = tpu.memref_slice %arg3[%dma_wait3A_31, %dma_wait3A_32] : memref<100000x768xf32, #tpu.memory_space<hbm>> -> memref<100000x768xf32, #tpu.memory_space<hbm>>
      tpu.wait_indirect_dma semaphore(%arg9 : memref<!tpu.dma_semaphore, #tpu.memory_space<semaphore_mem>>) src(%dma_wait3A_33 : memref<100000x768xf32, #tpu.memory_space<hbm>>) dst(%arg7 : memref<64x768xf32, #tpu.memory_space<vmem>>)
      %dma_start3A_34 = arith.constant 0 : i32
      %dma_start3A_35 = arith.constant 0 : i32
      %dma_start3A_36 = tpu.memref_slice %arg3[%dma_start3A_34, %dma_start3A_35] : memref<100000x768xf32, #tpu.memory_space<hbm>> -> memref<100000x768xf32, #tpu.memory_space<hbm>>
      tpu.enqueue_indirect_dma source(%dma_start3A_36 : memref<100000x768xf32, #tpu.memory_space<hbm>>) target(%arg8 : memref<64x768xf32, #tpu.memory_space<vmem>>) offsets(%arg6 : memref<64xi32, #tpu.memory_space<vmem>>) semaphore(%arg10 : memref<!tpu.dma_semaphore, #tpu.memory_space<semaphore_mem>>)
      %mul3A_37 = arith.constant 64 : i32
      %mul3A_38 = arith.muli %mul3A_20, %mul3A_37 : i32
      %add3A_39 = arith.addi %mul3A_2, %mul3A_38 : i32
      %multiple_of3A_40 = tpu.assume_multiple %add3A_39, 64 : i32
      %dma_start3A_41 = arith.constant 0 : i32
      %dma_start3A_42 = tpu.memref_slice %arg4[%multiple_of3A_40, %dma_start3A_41] : memref<8192x768xf32, #tpu.memory_space<hbm>> -> memref<64x768xf32, #tpu.memory_space<hbm>>
      %dma_start3A_43 = arith.constant 0 : i32
      %dma_start3A_44 = tpu.memref_slice %arg4[%multiple_of3A_40, %dma_start3A_43] : memref<8192x768xf32, #tpu.memory_space<hbm>> -> memref<64x768xf32, #tpu.memory_space<hbm>>
      tpu.enqueue_dma source(%arg7 : memref<64x768xf32, #tpu.memory_space<vmem>>) target(%dma_start3A_44 : memref<64x768xf32, #tpu.memory_space<hbm>>) target_semaphore(%arg11 : memref<!tpu.dma_semaphore, #tpu.memory_space<semaphore_mem>>)
      %add3A_45 = arith.constant 1 : i32
      %add3A_46 = arith.addi %scan3A_18, %add3A_45 : i32
      %lt3A = arith.constant 2 : i32
      %lt3A_47 = arith.cmpi slt, %add3A_46, %lt3A : i32
      %convert_element_type3A_48 = arith.extui %lt3A_47 : i1 to i32
      %cond3A_49 = arith.constant 0 : i32
      %cond3A_50 = arith.cmpi ne, %convert_element_type3A_48, %cond3A_49 : i32
      scf.if %cond3A_50 {
        %add3A_77 = arith.constant 2 : i32
        %add3A_78 = arith.addi %mul3A_20, %add3A_77 : i32
        %mul3A_79 = arith.constant 64 : i32
        %mul3A_80 = arith.muli %add3A_78, %mul3A_79 : i32
        %add3A_81 = arith.addi %mul3A_2, %mul3A_80 : i32
        %multiple_of3A_82 = tpu.assume_multiple %add3A_81, 64 : i32
        "tpu.region"() ({
          %run_scoped3A = tpu.sem_alloc : memref<!tpu.dma_semaphore, #tpu.memory_space<semaphore_mem>>
          %dma_start3A_83 = tpu.memref_slice %arg2[%multiple_of3A_82] : memref<8192xi32, #tpu.memory_space<hbm>> -> memref<64xi32, #tpu.memory_space<hbm>>
          %dma_start3A_84 = tpu.memref_slice %arg2[%multiple_of3A_82] : memref<8192xi32, #tpu.memory_space<hbm>> -> memref<64xi32, #tpu.memory_space<hbm>>
          tpu.enqueue_dma source(%dma_start3A_84 : memref<64xi32, #tpu.memory_space<hbm>>) target(%arg5 : memref<64xi32, #tpu.memory_space<vmem>>) target_semaphore(%run_scoped3A : memref<!tpu.dma_semaphore, #tpu.memory_space<semaphore_mem>>)
          %dma_wait3A_85 = tpu.memref_slice %arg2[%multiple_of3A_82] : memref<8192xi32, #tpu.memory_space<hbm>> -> memref<64xi32, #tpu.memory_space<hbm>>
          %dma_wait3A_86 = tpu.memref_slice %arg2[%multiple_of3A_82] : memref<8192xi32, #tpu.memory_space<hbm>> -> memref<64xi32, #tpu.memory_space<hbm>>
          tpu.wait_dma2 semaphore(%run_scoped3A : memref<!tpu.dma_semaphore, #tpu.memory_space<semaphore_mem>>) src(%dma_wait3A_86 : memref<64xi32, #tpu.memory_space<hbm>>) dst(%arg5 : memref<64xi32, #tpu.memory_space<vmem>>)
          tpu.yield
        }) : () -> ()
      } else {
      }
      %mul3A_51 = arith.constant 64 : i32
      %mul3A_52 = arith.muli %mul3A_20, %mul3A_51 : i32
      %add3A_53 = arith.addi %mul3A_2, %mul3A_52 : i32
      %multiple_of3A_54 = tpu.assume_multiple %add3A_53, 64 : i32
      %dma_wait3A_55 = arith.constant 0 : i32
      %dma_wait3A_56 = tpu.memref_slice %arg4[%multiple_of3A_54, %dma_wait3A_55] : memref<8192x768xf32, #tpu.memory_space<hbm>> -> memref<64x768xf32, #tpu.memory_space<hbm>>
      %dma_wait3A_57 = arith.constant 0 : i32
      %dma_wait3A_58 = tpu.memref_slice %arg4[%multiple_of3A_54, %dma_wait3A_57] : memref<8192x768xf32, #tpu.memory_space<hbm>> -> memref<64x768xf32, #tpu.memory_space<hbm>>
      tpu.wait_dma2 semaphore(%arg11 : memref<!tpu.dma_semaphore, #tpu.memory_space<semaphore_mem>>) src(%arg7 : memref<64x768xf32, #tpu.memory_space<vmem>>) dst(%dma_wait3A_58 : memref<64x768xf32, #tpu.memory_space<hbm>>)
      %dma_wait3A_59 = arith.constant 0 : i32
      %dma_wait3A_60 = arith.constant 0 : i32
      %dma_wait3A_61 = tpu.memref_slice %arg3[%dma_wait3A_59, %dma_wait3A_60] : memref<100000x768xf32, #tpu.memory_space<hbm>> -> memref<100000x768xf32, #tpu.memory_space<hbm>>
      tpu.wait_indirect_dma semaphore(%arg10 : memref<!tpu.dma_semaphore, #tpu.memory_space<semaphore_mem>>) src(%dma_wait3A_61 : memref<100000x768xf32, #tpu.memory_space<hbm>>) dst(%arg8 : memref<64x768xf32, #tpu.memory_space<vmem>>)
      %mul3A_62 = arith.constant 64 : i32
      %mul3A_63 = arith.muli %add3A_24, %mul3A_62 : i32
      %add3A_64 = arith.addi %mul3A_2, %mul3A_63 : i32
      %multiple_of3A_65 = tpu.assume_multiple %add3A_64, 64 : i32
      %dma_start3A_66 = arith.constant 0 : i32
      %dma_start3A_67 = tpu.memref_slice %arg4[%multiple_of3A_65, %dma_start3A_66] : memref<8192x768xf32, #tpu.memory_space<hbm>> -> memref<64x768xf32, #tpu.memory_space<hbm>>
      %dma_start3A_68 = arith.constant 0 : i32
      %dma_start3A_69 = tpu.memref_slice %arg4[%multiple_of3A_65, %dma_start3A_68] : memref<8192x768xf32, #tpu.memory_space<hbm>> -> memref<64x768xf32, #tpu.memory_space<hbm>>
      tpu.enqueue_dma source(%arg8 : memref<64x768xf32, #tpu.memory_space<vmem>>) target(%dma_start3A_69 : memref<64x768xf32, #tpu.memory_space<hbm>>) target_semaphore(%arg12 : memref<!tpu.dma_semaphore, #tpu.memory_space<semaphore_mem>>)
      %add3A_70 = arith.constant 1 : i32
      %add3A_71 = arith.addi %scan3A_18, %add3A_70 : i32
      %lt3A_72 = arith.constant 2 : i32
      %lt3A_73 = arith.cmpi slt, %add3A_71, %lt3A_72 : i32
      %convert_element_type3A_74 = arith.extui %lt3A_73 : i1 to i32
      %cond3A_75 = arith.constant 0 : i32
      %cond3A_76 = arith.cmpi ne, %convert_element_type3A_74, %cond3A_75 : i32
      scf.if %cond3A_76 {
        %dma_start3A_77 = arith.constant 0 : i32
        %dma_start3A_78 = arith.constant 0 : i32
        %dma_start3A_79 = tpu.memref_slice %arg3[%dma_start3A_77, %dma_start3A_78] : memref<100000x768xf32, #tpu.memory_space<hbm>> -> memref<100000x768xf32, #tpu.memory_space<hbm>>
        tpu.enqueue_indirect_dma source(%dma_start3A_79 : memref<100000x768xf32, #tpu.memory_space<hbm>>) target(%arg7 : memref<64x768xf32, #tpu.memory_space<vmem>>) offsets(%arg5 : memref<64xi32, #tpu.memory_space<vmem>>) semaphore(%arg9 : memref<!tpu.dma_semaphore, #tpu.memory_space<semaphore_mem>>)
      } else {
      }
    }
    %scan3A_11 = arith.constant 2 : i32
    %add3A_12 = arith.constant 192 : i32
    %add3A_13 = arith.addi %mul3A_2, %add3A_12 : i32
    %multiple_of3A_14 = tpu.assume_multiple %add3A_13, 64 : i32
    %dma_wait3A = arith.constant 0 : i32
    %dma_wait3A_15 = tpu.memref_slice %arg4[%multiple_of3A_14, %dma_wait3A] : memref<8192x768xf32, #tpu.memory_space<hbm>> -> memref<64x768xf32, #tpu.memory_space<hbm>>
    %dma_wait3A_16 = arith.constant 0 : i32
    %dma_wait3A_17 = tpu.memref_slice %arg4[%multiple_of3A_14, %dma_wait3A_16] : memref<8192x768xf32, #tpu.memory_space<hbm>> -> memref<64x768xf32, #tpu.memory_space<hbm>>
    tpu.wait_dma2 semaphore(%arg12 : memref<!tpu.dma_semaphore, #tpu.memory_space<semaphore_mem>>) src(%arg8 : memref<64x768xf32, #tpu.memory_space<vmem>>) dst(%dma_wait3A_17 : memref<64x768xf32, #tpu.memory_space<hbm>>)
    return
  }
}

#map = affine_map<(d0, d1) -> (0)>
#map1 = affine_map<(d0, d1) -> (0, 0)>
module attributes {stable_mosaic.version = 14 : i64} {
  func.func @k(%arg0: i32, %arg1: i32, %arg2: memref<8192xi32, #tpu.memory_space<hbm>>, %arg3: memref<100000x768xf32, #tpu.memory_space<hbm>>, %arg4: memref<8192x768xf32, #tpu.memory_space<hbm>>, %arg5: memref<64xi32, #tpu.memory_space<vmem>>, %arg6: memref<64xi32, #tpu.memory_space<vmem>>, %arg7: memref<64x768xf32, #tpu.memory_space<vmem>>, %arg8: memref<64x768xf32, #tpu.memory_space<vmem>>, %arg9: memref<!tpu.dma_semaphore, #tpu.memory_space<semaphore_mem>>, %arg10: memref<!tpu.dma_semaphore, #tpu.memory_space<semaphore_mem>>, %arg11: memref<!tpu.dma_semaphore, #tpu.memory_space<semaphore_mem>>, %arg12: memref<!tpu.dma_semaphore, #tpu.memory_space<semaphore_mem>>) attributes {dimension_semantics = [#tpu.dimension_semantics<core_parallel>, #tpu.dimension_semantics<subcore_parallel>], iteration_bounds = array<i64: 2, 16>, scalar_prefetch = 0 : i64, scratch_operands = 8 : i64, tpu.core_type = #tpu.core_type<sc_vector_subcore>, window_params = [{transform_indices = #map}, {transform_indices = #map1}, {transform_indices = #map1}]} {
    %mul3A = arith.constant 2 : i32
    %mul3A_0 = arith.muli %arg1, %mul3A : i32
    %add3A = arith.addi %mul3A_0, %arg0 : i32
    %mul3A_1 = arith.constant 256 : i32
    %mul3A_2 = arith.muli %add3A, %mul3A_1 : i32
    %add3A_3 = arith.constant 0 : i32
    %add3A_4 = arith.addi %mul3A_2, %add3A_3 : i32
    %multiple_of3A = tpu.assume_multiple %add3A_4, 64 : i32
    "tpu.region"() ({
      %run_scoped3A = tpu.sem_alloc : memref<!tpu.dma_semaphore, #tpu.memory_space<semaphore_mem>>
      %dma_start3A_18 = tpu.memref_slice %arg2[%multiple_of3A] : memref<8192xi32, #tpu.memory_space<hbm>> -> memref<64xi32, #tpu.memory_space<hbm>>
      %dma_start3A_19 = tpu.memref_slice %arg2[%multiple_of3A] : memref<8192xi32, #tpu.memory_space<hbm>> -> memref<64xi32, #tpu.memory_space<hbm>>
      tpu.enqueue_dma source(%dma_start3A_19 : memref<64xi32, #tpu.memory_space<hbm>>) target(%arg5 : memref<64xi32, #tpu.memory_space<vmem>>) target_semaphore(%run_scoped3A : memref<!tpu.dma_semaphore, #tpu.memory_space<semaphore_mem>>)
      %dma_wait3A_20 = tpu.memref_slice %arg2[%multiple_of3A] : memref<8192xi32, #tpu.memory_space<hbm>> -> memref<64xi32, #tpu.memory_space<hbm>>
      %dma_wait3A_21 = tpu.memref_slice %arg2[%multiple_of3A] : memref<8192xi32, #tpu.memory_space<hbm>> -> memref<64xi32, #tpu.memory_space<hbm>>
      tpu.wait_dma2 semaphore(%run_scoped3A : memref<!tpu.dma_semaphore, #tpu.memory_space<semaphore_mem>>) src(%dma_wait3A_21 : memref<64xi32, #tpu.memory_space<hbm>>) dst(%arg5 : memref<64xi32, #tpu.memory_space<vmem>>)
      tpu.yield
    }) : () -> ()
    %dma_start3A = arith.constant 0 : i32
    %dma_start3A_5 = arith.constant 0 : i32
    %dma_start3A_6 = tpu.memref_slice %arg3[%dma_start3A, %dma_start3A_5] : memref<100000x768xf32, #tpu.memory_space<hbm>> -> memref<100000x768xf32, #tpu.memory_space<hbm>>
    tpu.enqueue_indirect_dma source(%dma_start3A_6 : memref<100000x768xf32, #tpu.memory_space<hbm>>) target(%arg7 : memref<64x768xf32, #tpu.memory_space<vmem>>) offsets(%arg5 : memref<64xi32, #tpu.memory_space<vmem>>) semaphore(%arg9 : memref<!tpu.dma_semaphore, #tpu.memory_space<semaphore_mem>>)
    %scan3A = arith.constant 0 : i32
    %scan3A_7 = arith.constant 0 : i32
    %scan3A_8 = arith.constant 2 : i32
    %scan3A_9 = arith.addi %scan3A_7, %scan3A_8 : i32
    %scan3A_10 = arith.constant 1 : i32
    scf.for %scan3A_18 = %scan3A_7 to %scan3A_9 step %scan3A_10  : i32 {
      %mul3A_19 = arith.constant 2 : i32
      %mul3A_20 = arith.muli %mul3A_19, %scan3A_18 : i32
      %mul3A_21 = arith.constant 2 : i32
      %mul3A_22 = arith.muli %mul3A_21, %scan3A_18 : i32
      %add3A_23 = arith.constant 1 : i32
      %add3A_24 = arith.addi %mul3A_22, %add3A_23 : i32
      %mul3A_25 = arith.constant 64 : i32
      %mul3A_26 = arith.muli %add3A_24, %mul3A_25 : i32
      %add3A_27 = arith.addi %mul3A_2, %mul3A_26 : i32
      %multiple_of3A_28 = tpu.assume_multiple %add3A_27, 64 : i32
      "tpu.region"() ({
        %run_scoped3A = tpu.sem_alloc : memref<!tpu.dma_semaphore, #tpu.memory_space<semaphore_mem>>
        %dma_start3A_77 = tpu.memref_slice %arg2[%multiple_of3A_28] : memref<8192xi32, #tpu.memory_space<hbm>> -> memref<64xi32, #tpu.memory_space<hbm>>
        %dma_start3A_78 = tpu.memref_slice %arg2[%multiple_of3A_28] : memref<8192xi32, #tpu.memory_space<hbm>> -> memref<64xi32, #tpu.memory_space<hbm>>
        tpu.enqueue_dma source(%dma_start3A_78 : memref<64xi32, #tpu.memory_space<hbm>>) target(%arg6 : memref<64xi32, #tpu.memory_space<vmem>>) target_semaphore(%run_scoped3A : memref<!tpu.dma_semaphore, #tpu.memory_space<semaphore_mem>>)
        %dma_wait3A_79 = tpu.memref_slice %arg2[%multiple_of3A_28] : memref<8192xi32, #tpu.memory_space<hbm>> -> memref<64xi32, #tpu.memory_space<hbm>>
        %dma_wait3A_80 = tpu.memref_slice %arg2[%multiple_of3A_28] : memref<8192xi32, #tpu.memory_space<hbm>> -> memref<64xi32, #tpu.memory_space<hbm>>
        tpu.wait_dma2 semaphore(%run_scoped3A : memref<!tpu.dma_semaphore, #tpu.memory_space<semaphore_mem>>) src(%dma_wait3A_80 : memref<64xi32, #tpu.memory_space<hbm>>) dst(%arg6 : memref<64xi32, #tpu.memory_space<vmem>>)
        tpu.yield
      }) : () -> ()
      %gt3A = arith.constant 0 : i32
      %gt3A_29 = arith.cmpi sgt, %scan3A_18, %gt3A : i32
      %convert_element_type3A = arith.extui %gt3A_29 : i1 to i32
      %cond3A = arith.constant 0 : i32
      %cond3A_30 = arith.cmpi ne, %convert_element_type3A, %cond3A : i32
      scf.if %cond3A_30 {
        %sub3A = arith.constant 2 : i32
        %sub3A_77 = arith.subi %add3A_24, %sub3A : i32
        %mul3A_78 = arith.constant 64 : i32
        %mul3A_79 = arith.muli %sub3A_77, %mul3A_78 : i32
        %add3A_80 = arith.addi %mul3A_2, %mul3A_79 : i32
        %multiple_of3A_81 = tpu.assume_multiple %add3A_80, 64 : i32
        %dma_wait3A_82 = arith.constant 0 : i32
        %dma_wait3A_83 = tpu.memref_slice %arg4[%multiple_of3A_81, %dma_wait3A_82] : memref<8192x768xf32, #tpu.memory_space<hbm>> -> memref<64x768xf32, #tpu.memory_space<hbm>>
        %dma_wait3A_84 = arith.constant 0 : i32
        %dma_wait3A_85 = tpu.memref_slice %arg4[%multiple_of3A_81, %dma_wait3A_84] : memref<8192x768xf32, #tpu.memory_space<hbm>> -> memref<64x768xf32, #tpu.memory_space<hbm>>
        tpu.wait_dma2 semaphore(%arg12 : memref<!tpu.dma_semaphore, #tpu.memory_space<semaphore_mem>>) src(%arg8 : memref<64x768xf32, #tpu.memory_space<vmem>>) dst(%dma_wait3A_85 : memref<64x768xf32, #tpu.memory_space<hbm>>)
      } else {
      }
      %dma_wait3A_31 = arith.constant 0 : i32
      %dma_wait3A_32 = arith.constant 0 : i32
      %dma_wait3A_33 = tpu.memref_slice %arg3[%dma_wait3A_31, %dma_wait3A_32] : memref<100000x768xf32, #tpu.memory_space<hbm>> -> memref<100000x768xf32, #tpu.memory_space<hbm>>
      tpu.wait_indirect_dma semaphore(%arg9 : memref<!tpu.dma_semaphore, #tpu.memory_space<semaphore_mem>>) src(%dma_wait3A_33 : memref<100000x768xf32, #tpu.memory_space<hbm>>) dst(%arg7 : memref<64x768xf32, #tpu.memory_space<vmem>>)
      %dma_start3A_34 = arith.constant 0 : i32
      %dma_start3A_35 = arith.constant 0 : i32
      %dma_start3A_36 = tpu.memref_slice %arg3[%dma_start3A_34, %dma_start3A_35] : memref<100000x768xf32, #tpu.memory_space<hbm>> -> memref<100000x768xf32, #tpu.memory_space<hbm>>
      tpu.enqueue_indirect_dma source(%dma_start3A_36 : memref<100000x768xf32, #tpu.memory_space<hbm>>) target(%arg8 : memref<64x768xf32, #tpu.memory_space<vmem>>) offsets(%arg6 : memref<64xi32, #tpu.memory_space<vmem>>) semaphore(%arg10 : memref<!tpu.dma_semaphore, #tpu.memory_space<semaphore_mem>>)
      %mul3A_37 = arith.constant 64 : i32
      %mul3A_38 = arith.muli %mul3A_20, %mul3A_37 : i32
      %add3A_39 = arith.addi %mul3A_2, %mul3A_38 : i32
      %multiple_of3A_40 = tpu.assume_multiple %add3A_39, 64 : i32
      %dma_start3A_41 = arith.constant 0 : i32
      %dma_start3A_42 = tpu.memref_slice %arg4[%multiple_of3A_40, %dma_start3A_41] : memref<8192x768xf32, #tpu.memory_space<hbm>> -> memref<64x768xf32, #tpu.memory_space<hbm>>
      %dma_start3A_43 = arith.constant 0 : i32
      %dma_start3A_44 = tpu.memref_slice %arg4[%multiple_of3A_40, %dma_start3A_43] : memref<8192x768xf32, #tpu.memory_space<hbm>> -> memref<64x768xf32, #tpu.memory_space<hbm>>
      tpu.enqueue_dma source(%arg7 : memref<64x768xf32, #tpu.memory_space<vmem>>) target(%dma_start3A_44 : memref<64x768xf32, #tpu.memory_space<hbm>>) target_semaphore(%arg11 : memref<!tpu.dma_semaphore, #tpu.memory_space<semaphore_mem>>)
      %add3A_45 = arith.constant 1 : i32
      %add3A_46 = arith.addi %scan3A_18, %add3A_45 : i32
      %lt3A = arith.constant 2 : i32
      %lt3A_47 = arith.cmpi slt, %add3A_46, %lt3A : i32
      %convert_element_type3A_48 = arith.extui %lt3A_47 : i1 to i32
      %cond3A_49 = arith.constant 0 : i32
      %cond3A_50 = arith.cmpi ne, %convert_element_type3A_48, %cond3A_49 : i32
      scf.if %cond3A_50 {
        %add3A_77 = arith.constant 2 : i32
        %add3A_78 = arith.addi %mul3A_20, %add3A_77 : i32
        %mul3A_79 = arith.constant 64 : i32
        %mul3A_80 = arith.muli %add3A_78, %mul3A_79 : i32
        %add3A_81 = arith.addi %mul3A_2, %mul3A_80 : i32
        %multiple_of3A_82 = tpu.assume_multiple %add3A_81, 64 : i32
        "tpu.region"() ({
          %run_scoped3A = tpu.sem_alloc : memref<!tpu.dma_semaphore, #tpu.memory_space<semaphore_mem>>
          %dma_start3A_83 = tpu.memref_slice %arg2[%multiple_of3A_82] : memref<8192xi32, #tpu.memory_space<hbm>> -> memref<64xi32, #tpu.memory_space<hbm>>
          %dma_start3A_84 = tpu.memref_slice %arg2[%multiple_of3A_82] : memref<8192xi32, #tpu.memory_space<hbm>> -> memref<64xi32, #tpu.memory_space<hbm>>
          tpu.enqueue_dma source(%dma_start3A_84 : memref<64xi32, #tpu.memory_space<hbm>>) target(%arg5 : memref<64xi32, #tpu.memory_space<vmem>>) target_semaphore(%run_scoped3A : memref<!tpu.dma_semaphore, #tpu.memory_space<semaphore_mem>>)
          %dma_wait3A_85 = tpu.memref_slice %arg2[%multiple_of3A_82] : memref<8192xi32, #tpu.memory_space<hbm>> -> memref<64xi32, #tpu.memory_space<hbm>>
          %dma_wait3A_86 = tpu.memref_slice %arg2[%multiple_of3A_82] : memref<8192xi32, #tpu.memory_space<hbm>> -> memref<64xi32, #tpu.memory_space<hbm>>
          tpu.wait_dma2 semaphore(%run_scoped3A : memref<!tpu.dma_semaphore, #tpu.memory_space<semaphore_mem>>) src(%dma_wait3A_86 : memref<64xi32, #tpu.memory_space<hbm>>) dst(%arg5 : memref<64xi32, #tpu.memory_space<vmem>>)
          tpu.yield
        }) : () -> ()
      } else {
      }
      %mul3A_51 = arith.constant 64 : i32
      %mul3A_52 = arith.muli %mul3A_20, %mul3A_51 : i32
      %add3A_53 = arith.addi %mul3A_2, %mul3A_52 : i32
      %multiple_of3A_54 = tpu.assume_multiple %add3A_53, 64 : i32
      %dma_wait3A_55 = arith.constant 0 : i32
      %dma_wait3A_56 = tpu.memref_slice %arg4[%multiple_of3A_54, %dma_wait3A_55] : memref<8192x768xf32, #tpu.memory_space<hbm>> -> memref<64x768xf32, #tpu.memory_space<hbm>>
      %dma_wait3A_57 = arith.constant 0 : i32
      %dma_wait3A_58 = tpu.memref_slice %arg4[%multiple_of3A_54, %dma_wait3A_57] : memref<8192x768xf32, #tpu.memory_space<hbm>> -> memref<64x768xf32, #tpu.memory_space<hbm>>
      tpu.wait_dma2 semaphore(%arg11 : memref<!tpu.dma_semaphore, #tpu.memory_space<semaphore_mem>>) src(%arg7 : memref<64x768xf32, #tpu.memory_space<vmem>>) dst(%dma_wait3A_58 : memref<64x768xf32, #tpu.memory_space<hbm>>)
      %dma_wait3A_59 = arith.constant 0 : i32
      %dma_wait3A_60 = arith.constant 0 : i32
      %dma_wait3A_61 = tpu.memref_slice %arg3[%dma_wait3A_59, %dma_wait3A_60] : memref<100000x768xf32, #tpu.memory_space<hbm>> -> memref<100000x768xf32, #tpu.memory_space<hbm>>
      tpu.wait_indirect_dma semaphore(%arg10 : memref<!tpu.dma_semaphore, #tpu.memory_space<semaphore_mem>>) src(%dma_wait3A_61 : memref<100000x768xf32, #tpu.memory_space<hbm>>) dst(%arg8 : memref<64x768xf32, #tpu.memory_space<vmem>>)
      %mul3A_62 = arith.constant 64 : i32
      %mul3A_63 = arith.muli %add3A_24, %mul3A_62 : i32
      %add3A_64 = arith.addi %mul3A_2, %mul3A_63 : i32
      %multiple_of3A_65 = tpu.assume_multiple %add3A_64, 64 : i32
      %dma_start3A_66 = arith.constant 0 : i32
      %dma_start3A_67 = tpu.memref_slice %arg4[%multiple_of3A_65, %dma_start3A_66] : memref<8192x768xf32, #tpu.memory_space<hbm>> -> memref<64x768xf32, #tpu.memory_space<hbm>>
      %dma_start3A_68 = arith.constant 0 : i32
      %dma_start3A_69 = tpu.memref_slice %arg4[%multiple_of3A_65, %dma_start3A_68] : memref<8192x768xf32, #tpu.memory_space<hbm>> -> memref<64x768xf32, #tpu.memory_space<hbm>>
      tpu.enqueue_dma source(%arg8 : memref<64x768xf32, #tpu.memory_space<vmem>>) target(%dma_start3A_69 : memref<64x768xf32, #tpu.memory_space<hbm>>) target_semaphore(%arg12 : memref<!tpu.dma_semaphore, #tpu.memory_space<semaphore_mem>>)
      %add3A_70 = arith.constant 1 : i32
      %add3A_71 = arith.addi %scan3A_18, %add3A_70 : i32
      %lt3A_72 = arith.constant 2 : i32
      %lt3A_73 = arith.cmpi slt, %add3A_71, %lt3A_72 : i32
      %convert_element_type3A_74 = arith.extui %lt3A_73 : i1 to i32
      %cond3A_75 = arith.constant 0 : i32
      %cond3A_76 = arith.cmpi ne, %convert_element_type3A_74, %cond3A_75 : i32
      scf.if %cond3A_76 {
        %dma_start3A_77 = arith.constant 0 : i32
        %dma_start3A_78 = arith.constant 0 : i32
        %dma_start3A_79 = tpu.memref_slice %arg3[%dma_start3A_77, %dma_start3A_78] : memref<100000x768xf32, #tpu.memory_space<hbm>> -> memref<100000x768xf32, #tpu.memory_space<hbm>>
        tpu.enqueue_indirect_dma source(%dma_start3A_79 : memref<100000x768xf32, #tpu.memory_space<hbm>>) target(%arg7 : memref<64x768xf32, #tpu.memory_space<vmem>>) offsets(%arg5 : memref<64xi32, #tpu.memory_space<vmem>>) semaphore(%arg9 : memref<!tpu.dma_semaphore, #tpu.memory_space<semaphore_mem>>)
      } else {
      }
    }
    %scan3A_11 = arith.constant 2 : i32
    %add3A_12 = arith.constant 192 : i32
    %add3A_13 = arith.addi %mul3A_2, %add3A_12 : i32
    %multiple_of3A_14 = tpu.assume_multiple %add3A_13, 64 : i32
    %dma_wait3A = arith.constant 0 : i32
    %dma_wait3A_15 = tpu.memref_slice %arg4[%multiple_of3A_14, %dma_wait3A] : memref<8192x768xf32, #tpu.memory_space<hbm>> -> memref<64x768xf32, #tpu.memory_space<hbm>>
    %dma_wait3A_16 = arith.constant 0 : i32
    %dma_wait3A_17 = tpu.memref_slice %arg4[%multiple_of3A_14, %dma_wait3A_16] : memref<8192x768xf32, #tpu.memory_space<hbm>> -> memref<64x768xf32, #tpu.memory_space<hbm>>
    tpu.wait_dma2 semaphore(%arg12 : memref<!tpu.dma_semaphore, #tpu.memory_space<semaphore_mem>>) src(%arg8 : memref<64x768xf32, #tpu.memory_space<vmem>>) dst(%dma_wait3A_17 : memref<64x768xf32, #tpu.memory_space<hbm>>)
    return
  }
}

module attributes {stable_mosaic.version = 14 : i64} {
  func.func @_ffn_kernel(%arg0: i32, %arg1: memref<1024x768xf32, #tpu.memory_space<vmem>>, %arg2: memref<768x1536xbf16, #tpu.memory_space<vmem>>, %arg3: memref<1536xf32, #tpu.memory_space<vmem>>, %arg4: memref<1536x768xbf16, #tpu.memory_space<vmem>>, %arg5: memref<768xf32, #tpu.memory_space<vmem>>, %arg6: memref<768xf32, #tpu.memory_space<vmem>>, %arg7: memref<768xf32, #tpu.memory_space<vmem>>, %arg8: memref<1x768xbf16, #tpu.memory_space<vmem>>, %arg9: memref<1xf32, #tpu.memory_space<vmem>>, %arg10: memref<1024x768xbf16, #tpu.memory_space<vmem>>, %arg11: memref<1x1x1024xf32, #tpu.memory_space<vmem>>) attributes {dimension_semantics = [#tpu.dimension_semantics<arbitrary>], iteration_bounds = array<i64: 8>, scalar_prefetch = 0 : i64, scratch_operands = 0 : i64, tpu.core_type = #tpu.core_type<tc>, window_params = [{transform_indices = @transform_0, window_bounds = array<i64: 1024, 768>}, {pipeline_mode = #tpu.pipeline_mode<synchronous>, transform_indices = @transform_1, window_bounds = array<i64: 768, 1536>}, {pipeline_mode = #tpu.pipeline_mode<synchronous>, transform_indices = @transform_2, window_bounds = array<i64: 1536>}, {pipeline_mode = #tpu.pipeline_mode<synchronous>, transform_indices = @transform_3, window_bounds = array<i64: 1536, 768>}, {pipeline_mode = #tpu.pipeline_mode<synchronous>, transform_indices = @transform_4, window_bounds = array<i64: 768>}, {pipeline_mode = #tpu.pipeline_mode<synchronous>, transform_indices = @transform_5, window_bounds = array<i64: 768>}, {pipeline_mode = #tpu.pipeline_mode<synchronous>, transform_indices = @transform_6, window_bounds = array<i64: 768>}, {pipeline_mode = #tpu.pipeline_mode<synchronous>, transform_indices = @transform_7, window_bounds = array<i64: 1, 768>}, {pipeline_mode = #tpu.pipeline_mode<synchronous>, transform_indices = @transform_8, window_bounds = array<i64: 1>}, {transform_indices = @transform_9, window_bounds = array<i64: 1024, 768>}, {transform_indices = @transform_10, window_bounds = array<i64: 1, 1, 1024>}]} {
    %get3A = arith.constant 0 : index
    %get3A_0 = arith.constant 0 : index
    %get3A_1 = vector.load %arg1[%get3A, %get3A_0] : memref<1024x768xf32, #tpu.memory_space<vmem>>, vector<1024x768xf32>
    %get3A_2 = arith.constant 0 : index
    %get3A_3 = arith.constant 0 : index
    %get3A_4 = vector.load %arg2[%get3A_2, %get3A_3] : memref<768x1536xbf16, #tpu.memory_space<vmem>>, vector<768x1536xbf16>
    %convert_element_type3A = arith.truncf %get3A_1 : vector<1024x768xf32> to vector<1024x768xbf16>
    %dot_general3A = arith.constant dense<0.000000e+00> : vector<1024x1536xf32>
    %dot_general3A_5 = tpu.matmul %convert_element_type3A, %get3A_4, %dot_general3A {dimension_numbers = #tpu.dot_dimension_numbers<[1], [0], [0], [1], [0, 0, 1, 1], [], []>, transpose_lhs_hint = false} : vector<1024x768xbf16>, vector<768x1536xbf16>, vector<1024x1536xf32> -> vector<1024x1536xf32>
    %get3A_6 = arith.constant 0 : index
    %get3A_7 = vector.load %arg3[%get3A_6] : memref<1536xf32, #tpu.memory_space<vmem>>, vector<1536xf32>
    %broadcast_in_dim3A = vector.shape_cast %get3A_7 : vector<1536xf32> to vector<1x1536xf32>
    %add3A = vector.broadcast %broadcast_in_dim3A : vector<1x1536xf32> to vector<1024x1536xf32>
    %add3A_8 = arith.addf %dot_general3A_5, %add3A : vector<1024x1536xf32>
    %max3A = arith.constant 0.000000e+00 : f32
    %max3A_9 = vector.broadcast %max3A : f32 to vector<1024x1536xf32>
    %max3A_10 = arith.maximumf %add3A_8, %max3A_9 : vector<1024x1536xf32>
    %get3A_11 = arith.constant 0 : index
    %get3A_12 = arith.constant 0 : index
    %get3A_13 = vector.load %arg4[%get3A_11, %get3A_12] : memref<1536x768xbf16, #tpu.memory_space<vmem>>, vector<1536x768xbf16>
    %convert_element_type3A_14 = arith.truncf %max3A_10 : vector<1024x1536xf32> to vector<1024x1536xbf16>
    %dot_general3A_15 = arith.constant dense<0.000000e+00> : vector<1024x768xf32>
    %dot_general3A_16 = tpu.matmul %convert_element_type3A_14, %get3A_13, %dot_general3A_15 {dimension_numbers = #tpu.dot_dimension_numbers<[1], [0], [0], [1], [0, 0, 1, 1], [], []>, transpose_lhs_hint = false} : vector<1024x1536xbf16>, vector<1536x768xbf16>, vector<1024x768xf32> -> vector<1024x768xf32>
    %get3A_17 = arith.constant 0 : index
    %get3A_18 = vector.load %arg5[%get3A_17] : memref<768xf32, #tpu.memory_space<vmem>>, vector<768xf32>
    %broadcast_in_dim3A_19 = vector.shape_cast %get3A_18 : vector<768xf32> to vector<1x768xf32>
    %add3A_20 = vector.broadcast %broadcast_in_dim3A_19 : vector<1x768xf32> to vector<1024x768xf32>
    %add3A_21 = arith.addf %dot_general3A_16, %add3A_20 : vector<1024x768xf32>
    %add3A_22 = arith.addf %get3A_1, %add3A_21 : vector<1024x768xf32>
    %reduce_sum3A = arith.constant dense<0.000000e+00> : vector<1024xf32>
    %reduce_sum3A_23 = vector.multi_reduction <add>, %add3A_22, %reduce_sum3A [1] : vector<1024x768xf32> to vector<1024xf32>
    %broadcast_in_dim3A_24 = vector.shape_cast %reduce_sum3A_23 : vector<1024xf32> to vector<1024x1xf32>
    %div3A = arith.constant 7.680000e+02 : f32
    %div3A_25 = vector.broadcast %div3A : f32 to vector<1024x1xf32>
    %div3A_26 = arith.divf %broadcast_in_dim3A_24, %div3A_25 : vector<1024x1xf32>
    %sub3A = vector.broadcast %div3A_26 : vector<1024x1xf32> to vector<1024x768xf32>
    %sub3A_27 = arith.subf %add3A_22, %sub3A : vector<1024x768xf32>
    %integer_pow3A = arith.mulf %sub3A_27, %sub3A_27 : vector<1024x768xf32>
    %reduce_sum3A_28 = arith.constant dense<0.000000e+00> : vector<1024xf32>
    %reduce_sum3A_29 = vector.multi_reduction <add>, %integer_pow3A, %reduce_sum3A_28 [1] : vector<1024x768xf32> to vector<1024xf32>
    %broadcast_in_dim3A_30 = vector.shape_cast %reduce_sum3A_29 : vector<1024xf32> to vector<1024x1xf32>
    %div3A_31 = arith.constant 7.680000e+02 : f32
    %div3A_32 = vector.broadcast %div3A_31 : f32 to vector<1024x1xf32>
    %div3A_33 = arith.divf %broadcast_in_dim3A_30, %div3A_32 : vector<1024x1xf32>
    %sub3A_34 = vector.broadcast %div3A_26 : vector<1024x1xf32> to vector<1024x768xf32>
    %sub3A_35 = arith.subf %add3A_22, %sub3A_34 : vector<1024x768xf32>
    %add3A_36 = arith.constant 9.99999974E-6 : f32
    %add3A_37 = vector.broadcast %add3A_36 : f32 to vector<1024x1xf32>
    %add3A_38 = arith.addf %div3A_33, %add3A_37 : vector<1024x1xf32>
    %sqrt3A = math.sqrt %add3A_38 : vector<1024x1xf32>
    %div3A_39 = vector.broadcast %sqrt3A : vector<1024x1xf32> to vector<1024x768xf32>
    %div3A_40 = arith.divf %sub3A_35, %div3A_39 : vector<1024x768xf32>
    %get3A_41 = arith.constant 0 : index
    %get3A_42 = vector.load %arg6[%get3A_41] : memref<768xf32, #tpu.memory_space<vmem>>, vector<768xf32>
    %broadcast_in_dim3A_43 = vector.shape_cast %get3A_42 : vector<768xf32> to vector<1x768xf32>
    %mul3A = vector.broadcast %broadcast_in_dim3A_43 : vector<1x768xf32> to vector<1024x768xf32>
    %mul3A_44 = arith.mulf %div3A_40, %mul3A : vector<1024x768xf32>
    %get3A_45 = arith.constant 0 : index
    %get3A_46 = vector.load %arg7[%get3A_45] : memref<768xf32, #tpu.memory_space<vmem>>, vector<768xf32>
    %broadcast_in_dim3A_47 = vector.shape_cast %get3A_46 : vector<768xf32> to vector<1x768xf32>
    %add3A_48 = vector.broadcast %broadcast_in_dim3A_47 : vector<1x768xf32> to vector<1024x768xf32>
    %add3A_49 = arith.addf %mul3A_44, %add3A_48 : vector<1024x768xf32>
    %convert_element_type3A_50 = arith.truncf %add3A_49 : vector<1024x768xf32> to vector<1024x768xbf16>
    %swap3A = arith.constant 0 : index
    %swap3A_51 = arith.constant 0 : index
    %swap3A_52 = vector.load %arg10[%swap3A, %swap3A_51] : memref<1024x768xbf16, #tpu.memory_space<vmem>>, vector<1024x768xbf16>
    tpu.vector_store %arg10[%swap3A, %swap3A_51], %convert_element_type3A_50 {strides = array<i32>} : memref<1024x768xbf16, #tpu.memory_space<vmem>>, vector<1024x768xbf16>,
    %get3A_53 = arith.constant 0 : index
    %get3A_54 = arith.constant 0 : index
    %get3A_55 = vector.load %arg8[%get3A_53, %get3A_54] : memref<1x768xbf16, #tpu.memory_space<vmem>>, vector<1x768xbf16>
    %convert_element_type3A_56 = arith.truncf %add3A_49 : vector<1024x768xf32> to vector<1024x768xbf16>
    %dot_general3A_57 = arith.constant dense<0.000000e+00> : vector<1x1024xf32>
    %dot_general3A_58 = tpu.matmul %get3A_55, %convert_element_type3A_56, %dot_general3A_57 {dimension_numbers = #tpu.dot_dimension_numbers<[1], [1], [0], [0], [0, 0, 1, 0], [], []>, transpose_lhs_hint = false} : vector<1x768xbf16>, vector<1024x768xbf16>, vector<1x1024xf32> -> vector<1x1024xf32>
    %get3A_59 = arith.constant 0 : index
    %get3A_60 = vector.load %arg9[%get3A_59] : memref<1xf32, #tpu.memory_space<vmem>>, vector<1xf32>
    %broadcast_in_dim3A_61 = vector.shape_cast %get3A_60 : vector<1xf32> to vector<1x1xf32>
    %add3A_62 = vector.broadcast %broadcast_in_dim3A_61 : vector<1x1xf32> to vector<1x1024xf32>
    %add3A_63 = arith.addf %dot_general3A_58, %add3A_62 : vector<1x1024xf32>
    %swap3A_64 = arith.constant 0 : index
    %swap3A_65 = arith.constant 0 : index
    %swap3A_66 = arith.constant 0 : index
    %swap3A_67 = vector.load %arg11[%swap3A_64, %swap3A_65, %swap3A_66] : memref<1x1x1024xf32, #tpu.memory_space<vmem>>, vector<1x1x1024xf32>
    %swap3A_68 = vector.shape_cast %swap3A_67 : vector<1x1x1024xf32> to vector<1x1024xf32>
    %swap3A_69 = vector.shape_cast %add3A_63 : vector<1x1024xf32> to vector<1x1x1024xf32>
    tpu.vector_store %arg11[%swap3A_64, %swap3A_65, %swap3A_66], %swap3A_69 {strides = array<i32>} : memref<1x1x1024xf32, #tpu.memory_space<vmem>>, vector<1x1x1024xf32>,
    return
  }
  func.func @transform_0(%arg0: i32) -> (i32, i32) {
    %c0_i32 = arith.constant 0 : i32
    %c0_i32_0 = arith.constant 0 : i32
    return %arg0, %c0_i32 : i32, i32
  }
  func.func @transform_1(%arg0: i32) -> (i32, i32) {
    %c0_i32 = arith.constant 0 : i32
    %c0_i32_0 = arith.constant 0 : i32
    %c0_i32_1 = arith.constant 0 : i32
    return %c0_i32, %c0_i32_0 : i32, i32
  }
  func.func @transform_2(%arg0: i32) -> i32 {
    %c0_i32 = arith.constant 0 : i32
    %c0_i32_0 = arith.constant 0 : i32
    return %c0_i32 : i32
  }
  func.func @transform_3(%arg0: i32) -> (i32, i32) {
    %c0_i32 = arith.constant 0 : i32
    %c0_i32_0 = arith.constant 0 : i32
    %c0_i32_1 = arith.constant 0 : i32
    return %c0_i32, %c0_i32_0 : i32, i32
  }
  func.func @transform_4(%arg0: i32) -> i32 {
    %c0_i32 = arith.constant 0 : i32
    %c0_i32_0 = arith.constant 0 : i32
    return %c0_i32 : i32
  }
  func.func @transform_5(%arg0: i32) -> i32 {
    %c0_i32 = arith.constant 0 : i32
    %c0_i32_0 = arith.constant 0 : i32
    return %c0_i32 : i32
  }
  func.func @transform_6(%arg0: i32) -> i32 {
    %c0_i32 = arith.constant 0 : i32
    %c0_i32_0 = arith.constant 0 : i32
    return %c0_i32 : i32
  }
  func.func @transform_7(%arg0: i32) -> (i32, i32) {
    %c0_i32 = arith.constant 0 : i32
    %c0_i32_0 = arith.constant 0 : i32
    %c0_i32_1 = arith.constant 0 : i32
    return %c0_i32, %c0_i32_0 : i32, i32
  }
  func.func @transform_8(%arg0: i32) -> i32 {
    %c0_i32 = arith.constant 0 : i32
    %c0_i32_0 = arith.constant 0 : i32
    return %c0_i32 : i32
  }
  func.func @transform_9(%arg0: i32) -> (i32, i32) {
    %add3A = arith.constant 0 : i32
    %add3A_0 = arith.addi %add3A, %arg0 : i32
    %c0_i32 = arith.constant 0 : i32
    %c0_i32_1 = arith.constant 0 : i32
    return %add3A_0, %c0_i32 : i32, i32
  }
  func.func @transform_10(%arg0: i32) -> (i32, i32, i32) {
    %add3A = arith.constant 0 : i32
    %add3A_0 = arith.addi %add3A, %arg0 : i32
    %c0_i32 = arith.constant 0 : i32
    %c0_i32_1 = arith.constant 0 : i32
    %c0_i32_2 = arith.constant 0 : i32
    return %add3A_0, %c0_i32, %c0_i32_1 : i32, i32, i32
  }
}

module attributes {stable_mosaic.version = 14 : i64} {
  func.func @_lambda_(%arg0: i32, %arg1: memref<32768x768xbf16, #tpu.memory_space<any>>, %arg2: memref<32x1x1024xf32, #tpu.memory_space<any>>, %arg3: memref<1024x768xf32, #tpu.memory_space<vmem>>, %arg4: memref<768x1536xbf16, #tpu.memory_space<vmem>>, %arg5: memref<1536xf32, #tpu.memory_space<vmem>>, %arg6: memref<1536x768xbf16, #tpu.memory_space<vmem>>, %arg7: memref<768xf32, #tpu.memory_space<vmem>>, %arg8: memref<768xf32, #tpu.memory_space<vmem>>, %arg9: memref<768xf32, #tpu.memory_space<vmem>>, %arg10: memref<1x768xbf16, #tpu.memory_space<vmem>>, %arg11: memref<1xf32, #tpu.memory_space<vmem>>, %arg12: memref<1024x768xbf16, #tpu.memory_space<vmem>>, %arg13: memref<1x1x1024xf32, #tpu.memory_space<vmem>>) attributes {dimension_semantics = [#tpu.dimension_semantics<arbitrary>], iteration_bounds = array<i64: 8>, scalar_prefetch = 0 : i64, scratch_operands = 0 : i64, tpu.core_type = #tpu.core_type<tc>, window_params = [{}, {}, {transform_indices = @transform_2, window_bounds = array<i64: 1024, 768>}, {pipeline_mode = #tpu.pipeline_mode<synchronous>, transform_indices = @transform_3, window_bounds = array<i64: 768, 1536>}, {pipeline_mode = #tpu.pipeline_mode<synchronous>, transform_indices = @transform_4, window_bounds = array<i64: 1536>}, {pipeline_mode = #tpu.pipeline_mode<synchronous>, transform_indices = @transform_5, window_bounds = array<i64: 1536, 768>}, {pipeline_mode = #tpu.pipeline_mode<synchronous>, transform_indices = @transform_6, window_bounds = array<i64: 768>}, {pipeline_mode = #tpu.pipeline_mode<synchronous>, transform_indices = @transform_7, window_bounds = array<i64: 768>}, {pipeline_mode = #tpu.pipeline_mode<synchronous>, transform_indices = @transform_8, window_bounds = array<i64: 768>}, {pipeline_mode = #tpu.pipeline_mode<synchronous>, transform_indices = @transform_9, window_bounds = array<i64: 1, 768>}, {pipeline_mode = #tpu.pipeline_mode<synchronous>, transform_indices = @transform_10, window_bounds = array<i64: 1>}, {transform_indices = @transform_11, window_bounds = array<i64: 1024, 768>}, {transform_indices = @transform_12, window_bounds = array<i64: 1, 1, 1024>}]} {
    %get3A = arith.constant 0 : index
    %get3A_0 = arith.constant 0 : index
    %get3A_1 = vector.load %arg3[%get3A, %get3A_0] : memref<1024x768xf32, #tpu.memory_space<vmem>>, vector<1024x768xf32>
    %get3A_2 = arith.constant 0 : index
    %get3A_3 = arith.constant 0 : index
    %get3A_4 = vector.load %arg4[%get3A_2, %get3A_3] : memref<768x1536xbf16, #tpu.memory_space<vmem>>, vector<768x1536xbf16>
    %convert_element_type3A = arith.truncf %get3A_1 : vector<1024x768xf32> to vector<1024x768xbf16>
    %dot_general3A = arith.constant dense<0.000000e+00> : vector<1024x1536xf32>
    %dot_general3A_5 = tpu.matmul %convert_element_type3A, %get3A_4, %dot_general3A {dimension_numbers = #tpu.dot_dimension_numbers<[1], [0], [0], [1], [0, 0, 1, 1], [], []>, transpose_lhs_hint = false} : vector<1024x768xbf16>, vector<768x1536xbf16>, vector<1024x1536xf32> -> vector<1024x1536xf32>
    %get3A_6 = arith.constant 0 : index
    %get3A_7 = vector.load %arg5[%get3A_6] : memref<1536xf32, #tpu.memory_space<vmem>>, vector<1536xf32>
    %broadcast_in_dim3A = vector.shape_cast %get3A_7 : vector<1536xf32> to vector<1x1536xf32>
    %add3A = vector.broadcast %broadcast_in_dim3A : vector<1x1536xf32> to vector<1024x1536xf32>
    %add3A_8 = arith.addf %dot_general3A_5, %add3A : vector<1024x1536xf32>
    %max3A = arith.constant 0.000000e+00 : f32
    %max3A_9 = vector.broadcast %max3A : f32 to vector<1024x1536xf32>
    %max3A_10 = arith.maximumf %add3A_8, %max3A_9 : vector<1024x1536xf32>
    %get3A_11 = arith.constant 0 : index
    %get3A_12 = arith.constant 0 : index
    %get3A_13 = vector.load %arg6[%get3A_11, %get3A_12] : memref<1536x768xbf16, #tpu.memory_space<vmem>>, vector<1536x768xbf16>
    %convert_element_type3A_14 = arith.truncf %max3A_10 : vector<1024x1536xf32> to vector<1024x1536xbf16>
    %dot_general3A_15 = arith.constant dense<0.000000e+00> : vector<1024x768xf32>
    %dot_general3A_16 = tpu.matmul %convert_element_type3A_14, %get3A_13, %dot_general3A_15 {dimension_numbers = #tpu.dot_dimension_numbers<[1], [0], [0], [1], [0, 0, 1, 1], [], []>, transpose_lhs_hint = false} : vector<1024x1536xbf16>, vector<1536x768xbf16>, vector<1024x768xf32> -> vector<1024x768xf32>
    %get3A_17 = arith.constant 0 : index
    %get3A_18 = vector.load %arg7[%get3A_17] : memref<768xf32, #tpu.memory_space<vmem>>, vector<768xf32>
    %broadcast_in_dim3A_19 = vector.shape_cast %get3A_18 : vector<768xf32> to vector<1x768xf32>
    %add3A_20 = vector.broadcast %broadcast_in_dim3A_19 : vector<1x768xf32> to vector<1024x768xf32>
    %add3A_21 = arith.addf %dot_general3A_16, %add3A_20 : vector<1024x768xf32>
    %add3A_22 = arith.addf %get3A_1, %add3A_21 : vector<1024x768xf32>
    %reduce_sum3A = arith.constant dense<0.000000e+00> : vector<1024xf32>
    %reduce_sum3A_23 = vector.multi_reduction <add>, %add3A_22, %reduce_sum3A [1] : vector<1024x768xf32> to vector<1024xf32>
    %broadcast_in_dim3A_24 = vector.shape_cast %reduce_sum3A_23 : vector<1024xf32> to vector<1024x1xf32>
    %div3A = arith.constant 7.680000e+02 : f32
    %div3A_25 = vector.broadcast %div3A : f32 to vector<1024x1xf32>
    %div3A_26 = arith.divf %broadcast_in_dim3A_24, %div3A_25 : vector<1024x1xf32>
    %sub3A = vector.broadcast %div3A_26 : vector<1024x1xf32> to vector<1024x768xf32>
    %sub3A_27 = arith.subf %add3A_22, %sub3A : vector<1024x768xf32>
    %integer_pow3A = arith.mulf %sub3A_27, %sub3A_27 : vector<1024x768xf32>
    %reduce_sum3A_28 = arith.constant dense<0.000000e+00> : vector<1024xf32>
    %reduce_sum3A_29 = vector.multi_reduction <add>, %integer_pow3A, %reduce_sum3A_28 [1] : vector<1024x768xf32> to vector<1024xf32>
    %broadcast_in_dim3A_30 = vector.shape_cast %reduce_sum3A_29 : vector<1024xf32> to vector<1024x1xf32>
    %div3A_31 = arith.constant 7.680000e+02 : f32
    %div3A_32 = vector.broadcast %div3A_31 : f32 to vector<1024x1xf32>
    %div3A_33 = arith.divf %broadcast_in_dim3A_30, %div3A_32 : vector<1024x1xf32>
    %sub3A_34 = vector.broadcast %div3A_26 : vector<1024x1xf32> to vector<1024x768xf32>
    %sub3A_35 = arith.subf %add3A_22, %sub3A_34 : vector<1024x768xf32>
    %add3A_36 = arith.constant 9.99999974E-6 : f32
    %add3A_37 = vector.broadcast %add3A_36 : f32 to vector<1024x1xf32>
    %add3A_38 = arith.addf %div3A_33, %add3A_37 : vector<1024x1xf32>
    %sqrt3A = math.sqrt %add3A_38 : vector<1024x1xf32>
    %div3A_39 = vector.broadcast %sqrt3A : vector<1024x1xf32> to vector<1024x768xf32>
    %div3A_40 = arith.divf %sub3A_35, %div3A_39 : vector<1024x768xf32>
    %get3A_41 = arith.constant 0 : index
    %get3A_42 = vector.load %arg8[%get3A_41] : memref<768xf32, #tpu.memory_space<vmem>>, vector<768xf32>
    %broadcast_in_dim3A_43 = vector.shape_cast %get3A_42 : vector<768xf32> to vector<1x768xf32>
    %mul3A = vector.broadcast %broadcast_in_dim3A_43 : vector<1x768xf32> to vector<1024x768xf32>
    %mul3A_44 = arith.mulf %div3A_40, %mul3A : vector<1024x768xf32>
    %get3A_45 = arith.constant 0 : index
    %get3A_46 = vector.load %arg9[%get3A_45] : memref<768xf32, #tpu.memory_space<vmem>>, vector<768xf32>
    %broadcast_in_dim3A_47 = vector.shape_cast %get3A_46 : vector<768xf32> to vector<1x768xf32>
    %add3A_48 = vector.broadcast %broadcast_in_dim3A_47 : vector<1x768xf32> to vector<1024x768xf32>
    %add3A_49 = arith.addf %mul3A_44, %add3A_48 : vector<1024x768xf32>
    %convert_element_type3A_50 = arith.truncf %add3A_49 : vector<1024x768xf32> to vector<1024x768xbf16>
    %swap3A = arith.constant 0 : index
    %swap3A_51 = arith.constant 0 : index
    %swap3A_52 = vector.load %arg12[%swap3A, %swap3A_51] : memref<1024x768xbf16, #tpu.memory_space<vmem>>, vector<1024x768xbf16>
    tpu.vector_store %arg12[%swap3A, %swap3A_51], %convert_element_type3A_50 {strides = array<i32>} : memref<1024x768xbf16, #tpu.memory_space<vmem>>, vector<1024x768xbf16>,
    %get3A_53 = arith.constant 0 : index
    %get3A_54 = arith.constant 0 : index
    %get3A_55 = vector.load %arg10[%get3A_53, %get3A_54] : memref<1x768xbf16, #tpu.memory_space<vmem>>, vector<1x768xbf16>
    %convert_element_type3A_56 = arith.truncf %add3A_49 : vector<1024x768xf32> to vector<1024x768xbf16>
    %dot_general3A_57 = arith.constant dense<0.000000e+00> : vector<1x1024xf32>
    %dot_general3A_58 = tpu.matmul %get3A_55, %convert_element_type3A_56, %dot_general3A_57 {dimension_numbers = #tpu.dot_dimension_numbers<[1], [1], [0], [0], [0, 0, 1, 0], [], []>, transpose_lhs_hint = false} : vector<1x768xbf16>, vector<1024x768xbf16>, vector<1x1024xf32> -> vector<1x1024xf32>
    %get3A_59 = arith.constant 0 : index
    %get3A_60 = vector.load %arg11[%get3A_59] : memref<1xf32, #tpu.memory_space<vmem>>, vector<1xf32>
    %broadcast_in_dim3A_61 = vector.shape_cast %get3A_60 : vector<1xf32> to vector<1x1xf32>
    %add3A_62 = vector.broadcast %broadcast_in_dim3A_61 : vector<1x1xf32> to vector<1x1024xf32>
    %add3A_63 = arith.addf %dot_general3A_58, %add3A_62 : vector<1x1024xf32>
    %swap3A_64 = arith.constant 0 : index
    %swap3A_65 = arith.constant 0 : index
    %swap3A_66 = arith.constant 0 : index
    %swap3A_67 = vector.load %arg13[%swap3A_64, %swap3A_65, %swap3A_66] : memref<1x1x1024xf32, #tpu.memory_space<vmem>>, vector<1x1x1024xf32>
    %swap3A_68 = vector.shape_cast %swap3A_67 : vector<1x1x1024xf32> to vector<1x1024xf32>
    %swap3A_69 = vector.shape_cast %add3A_63 : vector<1x1024xf32> to vector<1x1x1024xf32>
    tpu.vector_store %arg13[%swap3A_64, %swap3A_65, %swap3A_66], %swap3A_69 {strides = array<i32>} : memref<1x1x1024xf32, #tpu.memory_space<vmem>>, vector<1x1x1024xf32>,
    return
  }
  func.func @transform_2(%arg0: i32) -> (i32, i32) {
    %c0_i32 = arith.constant 0 : i32
    %c0_i32_0 = arith.constant 0 : i32
    return %arg0, %c0_i32 : i32, i32
  }
  func.func @transform_3(%arg0: i32) -> (i32, i32) {
    %c0_i32 = arith.constant 0 : i32
    %c0_i32_0 = arith.constant 0 : i32
    %c0_i32_1 = arith.constant 0 : i32
    return %c0_i32, %c0_i32_0 : i32, i32
  }
  func.func @transform_4(%arg0: i32) -> i32 {
    %c0_i32 = arith.constant 0 : i32
    %c0_i32_0 = arith.constant 0 : i32
    return %c0_i32 : i32
  }
  func.func @transform_5(%arg0: i32) -> (i32, i32) {
    %c0_i32 = arith.constant 0 : i32
    %c0_i32_0 = arith.constant 0 : i32
    %c0_i32_1 = arith.constant 0 : i32
    return %c0_i32, %c0_i32_0 : i32, i32
  }
  func.func @transform_6(%arg0: i32) -> i32 {
    %c0_i32 = arith.constant 0 : i32
    %c0_i32_0 = arith.constant 0 : i32
    return %c0_i32 : i32
  }
  func.func @transform_7(%arg0: i32) -> i32 {
    %c0_i32 = arith.constant 0 : i32
    %c0_i32_0 = arith.constant 0 : i32
    return %c0_i32 : i32
  }
  func.func @transform_8(%arg0: i32) -> i32 {
    %c0_i32 = arith.constant 0 : i32
    %c0_i32_0 = arith.constant 0 : i32
    return %c0_i32 : i32
  }
  func.func @transform_9(%arg0: i32) -> (i32, i32) {
    %c0_i32 = arith.constant 0 : i32
    %c0_i32_0 = arith.constant 0 : i32
    %c0_i32_1 = arith.constant 0 : i32
    return %c0_i32, %c0_i32_0 : i32, i32
  }
  func.func @transform_10(%arg0: i32) -> i32 {
    %c0_i32 = arith.constant 0 : i32
    %c0_i32_0 = arith.constant 0 : i32
    return %c0_i32 : i32
  }
  func.func @transform_11(%arg0: i32) -> (i32, i32) {
    %add3A = arith.constant 8 : i32
    %add3A_0 = arith.addi %add3A, %arg0 : i32
    %c0_i32 = arith.constant 0 : i32
    %c0_i32_1 = arith.constant 0 : i32
    return %add3A_0, %c0_i32 : i32, i32
  }
  func.func @transform_12(%arg0: i32) -> (i32, i32, i32) {
    %add3A = arith.constant 8 : i32
    %add3A_0 = arith.addi %add3A, %arg0 : i32
    %c0_i32 = arith.constant 0 : i32
    %c0_i32_1 = arith.constant 0 : i32
    %c0_i32_2 = arith.constant 0 : i32
    return %add3A_0, %c0_i32, %c0_i32_1 : i32, i32, i32
  }
}

module attributes {stable_mosaic.version = 14 : i64} {
  func.func @_lambda_(%arg0: i32, %arg1: memref<32768x768xbf16, #tpu.memory_space<any>>, %arg2: memref<32x1x1024xf32, #tpu.memory_space<any>>, %arg3: memref<1024x768xf32, #tpu.memory_space<vmem>>, %arg4: memref<768x1536xbf16, #tpu.memory_space<vmem>>, %arg5: memref<1536xf32, #tpu.memory_space<vmem>>, %arg6: memref<1536x768xbf16, #tpu.memory_space<vmem>>, %arg7: memref<768xf32, #tpu.memory_space<vmem>>, %arg8: memref<768xf32, #tpu.memory_space<vmem>>, %arg9: memref<768xf32, #tpu.memory_space<vmem>>, %arg10: memref<1x768xbf16, #tpu.memory_space<vmem>>, %arg11: memref<1xf32, #tpu.memory_space<vmem>>, %arg12: memref<1024x768xbf16, #tpu.memory_space<vmem>>, %arg13: memref<1x1x1024xf32, #tpu.memory_space<vmem>>) attributes {dimension_semantics = [#tpu.dimension_semantics<arbitrary>], iteration_bounds = array<i64: 8>, scalar_prefetch = 0 : i64, scratch_operands = 0 : i64, tpu.core_type = #tpu.core_type<tc>, window_params = [{}, {}, {transform_indices = @transform_2, window_bounds = array<i64: 1024, 768>}, {pipeline_mode = #tpu.pipeline_mode<synchronous>, transform_indices = @transform_3, window_bounds = array<i64: 768, 1536>}, {pipeline_mode = #tpu.pipeline_mode<synchronous>, transform_indices = @transform_4, window_bounds = array<i64: 1536>}, {pipeline_mode = #tpu.pipeline_mode<synchronous>, transform_indices = @transform_5, window_bounds = array<i64: 1536, 768>}, {pipeline_mode = #tpu.pipeline_mode<synchronous>, transform_indices = @transform_6, window_bounds = array<i64: 768>}, {pipeline_mode = #tpu.pipeline_mode<synchronous>, transform_indices = @transform_7, window_bounds = array<i64: 768>}, {pipeline_mode = #tpu.pipeline_mode<synchronous>, transform_indices = @transform_8, window_bounds = array<i64: 768>}, {pipeline_mode = #tpu.pipeline_mode<synchronous>, transform_indices = @transform_9, window_bounds = array<i64: 1, 768>}, {pipeline_mode = #tpu.pipeline_mode<synchronous>, transform_indices = @transform_10, window_bounds = array<i64: 1>}, {transform_indices = @transform_11, window_bounds = array<i64: 1024, 768>}, {transform_indices = @transform_12, window_bounds = array<i64: 1, 1, 1024>}]} {
    %get3A = arith.constant 0 : index
    %get3A_0 = arith.constant 0 : index
    %get3A_1 = vector.load %arg3[%get3A, %get3A_0] : memref<1024x768xf32, #tpu.memory_space<vmem>>, vector<1024x768xf32>
    %get3A_2 = arith.constant 0 : index
    %get3A_3 = arith.constant 0 : index
    %get3A_4 = vector.load %arg4[%get3A_2, %get3A_3] : memref<768x1536xbf16, #tpu.memory_space<vmem>>, vector<768x1536xbf16>
    %convert_element_type3A = arith.truncf %get3A_1 : vector<1024x768xf32> to vector<1024x768xbf16>
    %dot_general3A = arith.constant dense<0.000000e+00> : vector<1024x1536xf32>
    %dot_general3A_5 = tpu.matmul %convert_element_type3A, %get3A_4, %dot_general3A {dimension_numbers = #tpu.dot_dimension_numbers<[1], [0], [0], [1], [0, 0, 1, 1], [], []>, transpose_lhs_hint = false} : vector<1024x768xbf16>, vector<768x1536xbf16>, vector<1024x1536xf32> -> vector<1024x1536xf32>
    %get3A_6 = arith.constant 0 : index
    %get3A_7 = vector.load %arg5[%get3A_6] : memref<1536xf32, #tpu.memory_space<vmem>>, vector<1536xf32>
    %broadcast_in_dim3A = vector.shape_cast %get3A_7 : vector<1536xf32> to vector<1x1536xf32>
    %add3A = vector.broadcast %broadcast_in_dim3A : vector<1x1536xf32> to vector<1024x1536xf32>
    %add3A_8 = arith.addf %dot_general3A_5, %add3A : vector<1024x1536xf32>
    %max3A = arith.constant 0.000000e+00 : f32
    %max3A_9 = vector.broadcast %max3A : f32 to vector<1024x1536xf32>
    %max3A_10 = arith.maximumf %add3A_8, %max3A_9 : vector<1024x1536xf32>
    %get3A_11 = arith.constant 0 : index
    %get3A_12 = arith.constant 0 : index
    %get3A_13 = vector.load %arg6[%get3A_11, %get3A_12] : memref<1536x768xbf16, #tpu.memory_space<vmem>>, vector<1536x768xbf16>
    %convert_element_type3A_14 = arith.truncf %max3A_10 : vector<1024x1536xf32> to vector<1024x1536xbf16>
    %dot_general3A_15 = arith.constant dense<0.000000e+00> : vector<1024x768xf32>
    %dot_general3A_16 = tpu.matmul %convert_element_type3A_14, %get3A_13, %dot_general3A_15 {dimension_numbers = #tpu.dot_dimension_numbers<[1], [0], [0], [1], [0, 0, 1, 1], [], []>, transpose_lhs_hint = false} : vector<1024x1536xbf16>, vector<1536x768xbf16>, vector<1024x768xf32> -> vector<1024x768xf32>
    %get3A_17 = arith.constant 0 : index
    %get3A_18 = vector.load %arg7[%get3A_17] : memref<768xf32, #tpu.memory_space<vmem>>, vector<768xf32>
    %broadcast_in_dim3A_19 = vector.shape_cast %get3A_18 : vector<768xf32> to vector<1x768xf32>
    %add3A_20 = vector.broadcast %broadcast_in_dim3A_19 : vector<1x768xf32> to vector<1024x768xf32>
    %add3A_21 = arith.addf %dot_general3A_16, %add3A_20 : vector<1024x768xf32>
    %add3A_22 = arith.addf %get3A_1, %add3A_21 : vector<1024x768xf32>
    %reduce_sum3A = arith.constant dense<0.000000e+00> : vector<1024xf32>
    %reduce_sum3A_23 = vector.multi_reduction <add>, %add3A_22, %reduce_sum3A [1] : vector<1024x768xf32> to vector<1024xf32>
    %broadcast_in_dim3A_24 = vector.shape_cast %reduce_sum3A_23 : vector<1024xf32> to vector<1024x1xf32>
    %div3A = arith.constant 7.680000e+02 : f32
    %div3A_25 = vector.broadcast %div3A : f32 to vector<1024x1xf32>
    %div3A_26 = arith.divf %broadcast_in_dim3A_24, %div3A_25 : vector<1024x1xf32>
    %sub3A = vector.broadcast %div3A_26 : vector<1024x1xf32> to vector<1024x768xf32>
    %sub3A_27 = arith.subf %add3A_22, %sub3A : vector<1024x768xf32>
    %integer_pow3A = arith.mulf %sub3A_27, %sub3A_27 : vector<1024x768xf32>
    %reduce_sum3A_28 = arith.constant dense<0.000000e+00> : vector<1024xf32>
    %reduce_sum3A_29 = vector.multi_reduction <add>, %integer_pow3A, %reduce_sum3A_28 [1] : vector<1024x768xf32> to vector<1024xf32>
    %broadcast_in_dim3A_30 = vector.shape_cast %reduce_sum3A_29 : vector<1024xf32> to vector<1024x1xf32>
    %div3A_31 = arith.constant 7.680000e+02 : f32
    %div3A_32 = vector.broadcast %div3A_31 : f32 to vector<1024x1xf32>
    %div3A_33 = arith.divf %broadcast_in_dim3A_30, %div3A_32 : vector<1024x1xf32>
    %sub3A_34 = vector.broadcast %div3A_26 : vector<1024x1xf32> to vector<1024x768xf32>
    %sub3A_35 = arith.subf %add3A_22, %sub3A_34 : vector<1024x768xf32>
    %add3A_36 = arith.constant 9.99999974E-6 : f32
    %add3A_37 = vector.broadcast %add3A_36 : f32 to vector<1024x1xf32>
    %add3A_38 = arith.addf %div3A_33, %add3A_37 : vector<1024x1xf32>
    %sqrt3A = math.sqrt %add3A_38 : vector<1024x1xf32>
    %div3A_39 = vector.broadcast %sqrt3A : vector<1024x1xf32> to vector<1024x768xf32>
    %div3A_40 = arith.divf %sub3A_35, %div3A_39 : vector<1024x768xf32>
    %get3A_41 = arith.constant 0 : index
    %get3A_42 = vector.load %arg8[%get3A_41] : memref<768xf32, #tpu.memory_space<vmem>>, vector<768xf32>
    %broadcast_in_dim3A_43 = vector.shape_cast %get3A_42 : vector<768xf32> to vector<1x768xf32>
    %mul3A = vector.broadcast %broadcast_in_dim3A_43 : vector<1x768xf32> to vector<1024x768xf32>
    %mul3A_44 = arith.mulf %div3A_40, %mul3A : vector<1024x768xf32>
    %get3A_45 = arith.constant 0 : index
    %get3A_46 = vector.load %arg9[%get3A_45] : memref<768xf32, #tpu.memory_space<vmem>>, vector<768xf32>
    %broadcast_in_dim3A_47 = vector.shape_cast %get3A_46 : vector<768xf32> to vector<1x768xf32>
    %add3A_48 = vector.broadcast %broadcast_in_dim3A_47 : vector<1x768xf32> to vector<1024x768xf32>
    %add3A_49 = arith.addf %mul3A_44, %add3A_48 : vector<1024x768xf32>
    %convert_element_type3A_50 = arith.truncf %add3A_49 : vector<1024x768xf32> to vector<1024x768xbf16>
    %swap3A = arith.constant 0 : index
    %swap3A_51 = arith.constant 0 : index
    %swap3A_52 = vector.load %arg12[%swap3A, %swap3A_51] : memref<1024x768xbf16, #tpu.memory_space<vmem>>, vector<1024x768xbf16>
    tpu.vector_store %arg12[%swap3A, %swap3A_51], %convert_element_type3A_50 {strides = array<i32>} : memref<1024x768xbf16, #tpu.memory_space<vmem>>, vector<1024x768xbf16>,
    %get3A_53 = arith.constant 0 : index
    %get3A_54 = arith.constant 0 : index
    %get3A_55 = vector.load %arg10[%get3A_53, %get3A_54] : memref<1x768xbf16, #tpu.memory_space<vmem>>, vector<1x768xbf16>
    %convert_element_type3A_56 = arith.truncf %add3A_49 : vector<1024x768xf32> to vector<1024x768xbf16>
    %dot_general3A_57 = arith.constant dense<0.000000e+00> : vector<1x1024xf32>
    %dot_general3A_58 = tpu.matmul %get3A_55, %convert_element_type3A_56, %dot_general3A_57 {dimension_numbers = #tpu.dot_dimension_numbers<[1], [1], [0], [0], [0, 0, 1, 0], [], []>, transpose_lhs_hint = false} : vector<1x768xbf16>, vector<1024x768xbf16>, vector<1x1024xf32> -> vector<1x1024xf32>
    %get3A_59 = arith.constant 0 : index
    %get3A_60 = vector.load %arg11[%get3A_59] : memref<1xf32, #tpu.memory_space<vmem>>, vector<1xf32>
    %broadcast_in_dim3A_61 = vector.shape_cast %get3A_60 : vector<1xf32> to vector<1x1xf32>
    %add3A_62 = vector.broadcast %broadcast_in_dim3A_61 : vector<1x1xf32> to vector<1x1024xf32>
    %add3A_63 = arith.addf %dot_general3A_58, %add3A_62 : vector<1x1024xf32>
    %swap3A_64 = arith.constant 0 : index
    %swap3A_65 = arith.constant 0 : index
    %swap3A_66 = arith.constant 0 : index
    %swap3A_67 = vector.load %arg13[%swap3A_64, %swap3A_65, %swap3A_66] : memref<1x1x1024xf32, #tpu.memory_space<vmem>>, vector<1x1x1024xf32>
    %swap3A_68 = vector.shape_cast %swap3A_67 : vector<1x1x1024xf32> to vector<1x1024xf32>
    %swap3A_69 = vector.shape_cast %add3A_63 : vector<1x1024xf32> to vector<1x1x1024xf32>
    tpu.vector_store %arg13[%swap3A_64, %swap3A_65, %swap3A_66], %swap3A_69 {strides = array<i32>} : memref<1x1x1024xf32, #tpu.memory_space<vmem>>, vector<1x1x1024xf32>,
    return
  }
  func.func @transform_2(%arg0: i32) -> (i32, i32) {
    %c0_i32 = arith.constant 0 : i32
    %c0_i32_0 = arith.constant 0 : i32
    return %arg0, %c0_i32 : i32, i32
  }
  func.func @transform_3(%arg0: i32) -> (i32, i32) {
    %c0_i32 = arith.constant 0 : i32
    %c0_i32_0 = arith.constant 0 : i32
    %c0_i32_1 = arith.constant 0 : i32
    return %c0_i32, %c0_i32_0 : i32, i32
  }
  func.func @transform_4(%arg0: i32) -> i32 {
    %c0_i32 = arith.constant 0 : i32
    %c0_i32_0 = arith.constant 0 : i32
    return %c0_i32 : i32
  }
  func.func @transform_5(%arg0: i32) -> (i32, i32) {
    %c0_i32 = arith.constant 0 : i32
    %c0_i32_0 = arith.constant 0 : i32
    %c0_i32_1 = arith.constant 0 : i32
    return %c0_i32, %c0_i32_0 : i32, i32
  }
  func.func @transform_6(%arg0: i32) -> i32 {
    %c0_i32 = arith.constant 0 : i32
    %c0_i32_0 = arith.constant 0 : i32
    return %c0_i32 : i32
  }
  func.func @transform_7(%arg0: i32) -> i32 {
    %c0_i32 = arith.constant 0 : i32
    %c0_i32_0 = arith.constant 0 : i32
    return %c0_i32 : i32
  }
  func.func @transform_8(%arg0: i32) -> i32 {
    %c0_i32 = arith.constant 0 : i32
    %c0_i32_0 = arith.constant 0 : i32
    return %c0_i32 : i32
  }
  func.func @transform_9(%arg0: i32) -> (i32, i32) {
    %c0_i32 = arith.constant 0 : i32
    %c0_i32_0 = arith.constant 0 : i32
    %c0_i32_1 = arith.constant 0 : i32
    return %c0_i32, %c0_i32_0 : i32, i32
  }
  func.func @transform_10(%arg0: i32) -> i32 {
    %c0_i32 = arith.constant 0 : i32
    %c0_i32_0 = arith.constant 0 : i32
    return %c0_i32 : i32
  }
  func.func @transform_11(%arg0: i32) -> (i32, i32) {
    %add3A = arith.constant 16 : i32
    %add3A_0 = arith.addi %add3A, %arg0 : i32
    %c0_i32 = arith.constant 0 : i32
    %c0_i32_1 = arith.constant 0 : i32
    return %add3A_0, %c0_i32 : i32, i32
  }
  func.func @transform_12(%arg0: i32) -> (i32, i32, i32) {
    %add3A = arith.constant 16 : i32
    %add3A_0 = arith.addi %add3A, %arg0 : i32
    %c0_i32 = arith.constant 0 : i32
    %c0_i32_1 = arith.constant 0 : i32
    %c0_i32_2 = arith.constant 0 : i32
    return %add3A_0, %c0_i32, %c0_i32_1 : i32, i32, i32
  }
}

module attributes {stable_mosaic.version = 14 : i64} {
  func.func @_lambda_(%arg0: i32, %arg1: memref<32768x768xbf16, #tpu.memory_space<any>>, %arg2: memref<32x1x1024xf32, #tpu.memory_space<any>>, %arg3: memref<1024x768xf32, #tpu.memory_space<vmem>>, %arg4: memref<768x1536xbf16, #tpu.memory_space<vmem>>, %arg5: memref<1536xf32, #tpu.memory_space<vmem>>, %arg6: memref<1536x768xbf16, #tpu.memory_space<vmem>>, %arg7: memref<768xf32, #tpu.memory_space<vmem>>, %arg8: memref<768xf32, #tpu.memory_space<vmem>>, %arg9: memref<768xf32, #tpu.memory_space<vmem>>, %arg10: memref<1x768xbf16, #tpu.memory_space<vmem>>, %arg11: memref<1xf32, #tpu.memory_space<vmem>>, %arg12: memref<1024x768xbf16, #tpu.memory_space<vmem>>, %arg13: memref<1x1x1024xf32, #tpu.memory_space<vmem>>) attributes {dimension_semantics = [#tpu.dimension_semantics<arbitrary>], iteration_bounds = array<i64: 8>, scalar_prefetch = 0 : i64, scratch_operands = 0 : i64, tpu.core_type = #tpu.core_type<tc>, window_params = [{}, {}, {transform_indices = @transform_2, window_bounds = array<i64: 1024, 768>}, {pipeline_mode = #tpu.pipeline_mode<synchronous>, transform_indices = @transform_3, window_bounds = array<i64: 768, 1536>}, {pipeline_mode = #tpu.pipeline_mode<synchronous>, transform_indices = @transform_4, window_bounds = array<i64: 1536>}, {pipeline_mode = #tpu.pipeline_mode<synchronous>, transform_indices = @transform_5, window_bounds = array<i64: 1536, 768>}, {pipeline_mode = #tpu.pipeline_mode<synchronous>, transform_indices = @transform_6, window_bounds = array<i64: 768>}, {pipeline_mode = #tpu.pipeline_mode<synchronous>, transform_indices = @transform_7, window_bounds = array<i64: 768>}, {pipeline_mode = #tpu.pipeline_mode<synchronous>, transform_indices = @transform_8, window_bounds = array<i64: 768>}, {pipeline_mode = #tpu.pipeline_mode<synchronous>, transform_indices = @transform_9, window_bounds = array<i64: 1, 768>}, {pipeline_mode = #tpu.pipeline_mode<synchronous>, transform_indices = @transform_10, window_bounds = array<i64: 1>}, {transform_indices = @transform_11, window_bounds = array<i64: 1024, 768>}, {transform_indices = @transform_12, window_bounds = array<i64: 1, 1, 1024>}]} {
    %get3A = arith.constant 0 : index
    %get3A_0 = arith.constant 0 : index
    %get3A_1 = vector.load %arg3[%get3A, %get3A_0] : memref<1024x768xf32, #tpu.memory_space<vmem>>, vector<1024x768xf32>
    %get3A_2 = arith.constant 0 : index
    %get3A_3 = arith.constant 0 : index
    %get3A_4 = vector.load %arg4[%get3A_2, %get3A_3] : memref<768x1536xbf16, #tpu.memory_space<vmem>>, vector<768x1536xbf16>
    %convert_element_type3A = arith.truncf %get3A_1 : vector<1024x768xf32> to vector<1024x768xbf16>
    %dot_general3A = arith.constant dense<0.000000e+00> : vector<1024x1536xf32>
    %dot_general3A_5 = tpu.matmul %convert_element_type3A, %get3A_4, %dot_general3A {dimension_numbers = #tpu.dot_dimension_numbers<[1], [0], [0], [1], [0, 0, 1, 1], [], []>, transpose_lhs_hint = false} : vector<1024x768xbf16>, vector<768x1536xbf16>, vector<1024x1536xf32> -> vector<1024x1536xf32>
    %get3A_6 = arith.constant 0 : index
    %get3A_7 = vector.load %arg5[%get3A_6] : memref<1536xf32, #tpu.memory_space<vmem>>, vector<1536xf32>
    %broadcast_in_dim3A = vector.shape_cast %get3A_7 : vector<1536xf32> to vector<1x1536xf32>
    %add3A = vector.broadcast %broadcast_in_dim3A : vector<1x1536xf32> to vector<1024x1536xf32>
    %add3A_8 = arith.addf %dot_general3A_5, %add3A : vector<1024x1536xf32>
    %max3A = arith.constant 0.000000e+00 : f32
    %max3A_9 = vector.broadcast %max3A : f32 to vector<1024x1536xf32>
    %max3A_10 = arith.maximumf %add3A_8, %max3A_9 : vector<1024x1536xf32>
    %get3A_11 = arith.constant 0 : index
    %get3A_12 = arith.constant 0 : index
    %get3A_13 = vector.load %arg6[%get3A_11, %get3A_12] : memref<1536x768xbf16, #tpu.memory_space<vmem>>, vector<1536x768xbf16>
    %convert_element_type3A_14 = arith.truncf %max3A_10 : vector<1024x1536xf32> to vector<1024x1536xbf16>
    %dot_general3A_15 = arith.constant dense<0.000000e+00> : vector<1024x768xf32>
    %dot_general3A_16 = tpu.matmul %convert_element_type3A_14, %get3A_13, %dot_general3A_15 {dimension_numbers = #tpu.dot_dimension_numbers<[1], [0], [0], [1], [0, 0, 1, 1], [], []>, transpose_lhs_hint = false} : vector<1024x1536xbf16>, vector<1536x768xbf16>, vector<1024x768xf32> -> vector<1024x768xf32>
    %get3A_17 = arith.constant 0 : index
    %get3A_18 = vector.load %arg7[%get3A_17] : memref<768xf32, #tpu.memory_space<vmem>>, vector<768xf32>
    %broadcast_in_dim3A_19 = vector.shape_cast %get3A_18 : vector<768xf32> to vector<1x768xf32>
    %add3A_20 = vector.broadcast %broadcast_in_dim3A_19 : vector<1x768xf32> to vector<1024x768xf32>
    %add3A_21 = arith.addf %dot_general3A_16, %add3A_20 : vector<1024x768xf32>
    %add3A_22 = arith.addf %get3A_1, %add3A_21 : vector<1024x768xf32>
    %reduce_sum3A = arith.constant dense<0.000000e+00> : vector<1024xf32>
    %reduce_sum3A_23 = vector.multi_reduction <add>, %add3A_22, %reduce_sum3A [1] : vector<1024x768xf32> to vector<1024xf32>
    %broadcast_in_dim3A_24 = vector.shape_cast %reduce_sum3A_23 : vector<1024xf32> to vector<1024x1xf32>
    %div3A = arith.constant 7.680000e+02 : f32
    %div3A_25 = vector.broadcast %div3A : f32 to vector<1024x1xf32>
    %div3A_26 = arith.divf %broadcast_in_dim3A_24, %div3A_25 : vector<1024x1xf32>
    %sub3A = vector.broadcast %div3A_26 : vector<1024x1xf32> to vector<1024x768xf32>
    %sub3A_27 = arith.subf %add3A_22, %sub3A : vector<1024x768xf32>
    %integer_pow3A = arith.mulf %sub3A_27, %sub3A_27 : vector<1024x768xf32>
    %reduce_sum3A_28 = arith.constant dense<0.000000e+00> : vector<1024xf32>
    %reduce_sum3A_29 = vector.multi_reduction <add>, %integer_pow3A, %reduce_sum3A_28 [1] : vector<1024x768xf32> to vector<1024xf32>
    %broadcast_in_dim3A_30 = vector.shape_cast %reduce_sum3A_29 : vector<1024xf32> to vector<1024x1xf32>
    %div3A_31 = arith.constant 7.680000e+02 : f32
    %div3A_32 = vector.broadcast %div3A_31 : f32 to vector<1024x1xf32>
    %div3A_33 = arith.divf %broadcast_in_dim3A_30, %div3A_32 : vector<1024x1xf32>
    %sub3A_34 = vector.broadcast %div3A_26 : vector<1024x1xf32> to vector<1024x768xf32>
    %sub3A_35 = arith.subf %add3A_22, %sub3A_34 : vector<1024x768xf32>
    %add3A_36 = arith.constant 9.99999974E-6 : f32
    %add3A_37 = vector.broadcast %add3A_36 : f32 to vector<1024x1xf32>
    %add3A_38 = arith.addf %div3A_33, %add3A_37 : vector<1024x1xf32>
    %sqrt3A = math.sqrt %add3A_38 : vector<1024x1xf32>
    %div3A_39 = vector.broadcast %sqrt3A : vector<1024x1xf32> to vector<1024x768xf32>
    %div3A_40 = arith.divf %sub3A_35, %div3A_39 : vector<1024x768xf32>
    %get3A_41 = arith.constant 0 : index
    %get3A_42 = vector.load %arg8[%get3A_41] : memref<768xf32, #tpu.memory_space<vmem>>, vector<768xf32>
    %broadcast_in_dim3A_43 = vector.shape_cast %get3A_42 : vector<768xf32> to vector<1x768xf32>
    %mul3A = vector.broadcast %broadcast_in_dim3A_43 : vector<1x768xf32> to vector<1024x768xf32>
    %mul3A_44 = arith.mulf %div3A_40, %mul3A : vector<1024x768xf32>
    %get3A_45 = arith.constant 0 : index
    %get3A_46 = vector.load %arg9[%get3A_45] : memref<768xf32, #tpu.memory_space<vmem>>, vector<768xf32>
    %broadcast_in_dim3A_47 = vector.shape_cast %get3A_46 : vector<768xf32> to vector<1x768xf32>
    %add3A_48 = vector.broadcast %broadcast_in_dim3A_47 : vector<1x768xf32> to vector<1024x768xf32>
    %add3A_49 = arith.addf %mul3A_44, %add3A_48 : vector<1024x768xf32>
    %convert_element_type3A_50 = arith.truncf %add3A_49 : vector<1024x768xf32> to vector<1024x768xbf16>
    %swap3A = arith.constant 0 : index
    %swap3A_51 = arith.constant 0 : index
    %swap3A_52 = vector.load %arg12[%swap3A, %swap3A_51] : memref<1024x768xbf16, #tpu.memory_space<vmem>>, vector<1024x768xbf16>
    tpu.vector_store %arg12[%swap3A, %swap3A_51], %convert_element_type3A_50 {strides = array<i32>} : memref<1024x768xbf16, #tpu.memory_space<vmem>>, vector<1024x768xbf16>,
    %get3A_53 = arith.constant 0 : index
    %get3A_54 = arith.constant 0 : index
    %get3A_55 = vector.load %arg10[%get3A_53, %get3A_54] : memref<1x768xbf16, #tpu.memory_space<vmem>>, vector<1x768xbf16>
    %convert_element_type3A_56 = arith.truncf %add3A_49 : vector<1024x768xf32> to vector<1024x768xbf16>
    %dot_general3A_57 = arith.constant dense<0.000000e+00> : vector<1x1024xf32>
    %dot_general3A_58 = tpu.matmul %get3A_55, %convert_element_type3A_56, %dot_general3A_57 {dimension_numbers = #tpu.dot_dimension_numbers<[1], [1], [0], [0], [0, 0, 1, 0], [], []>, transpose_lhs_hint = false} : vector<1x768xbf16>, vector<1024x768xbf16>, vector<1x1024xf32> -> vector<1x1024xf32>
    %get3A_59 = arith.constant 0 : index
    %get3A_60 = vector.load %arg11[%get3A_59] : memref<1xf32, #tpu.memory_space<vmem>>, vector<1xf32>
    %broadcast_in_dim3A_61 = vector.shape_cast %get3A_60 : vector<1xf32> to vector<1x1xf32>
    %add3A_62 = vector.broadcast %broadcast_in_dim3A_61 : vector<1x1xf32> to vector<1x1024xf32>
    %add3A_63 = arith.addf %dot_general3A_58, %add3A_62 : vector<1x1024xf32>
    %swap3A_64 = arith.constant 0 : index
    %swap3A_65 = arith.constant 0 : index
    %swap3A_66 = arith.constant 0 : index
    %swap3A_67 = vector.load %arg13[%swap3A_64, %swap3A_65, %swap3A_66] : memref<1x1x1024xf32, #tpu.memory_space<vmem>>, vector<1x1x1024xf32>
    %swap3A_68 = vector.shape_cast %swap3A_67 : vector<1x1x1024xf32> to vector<1x1024xf32>
    %swap3A_69 = vector.shape_cast %add3A_63 : vector<1x1024xf32> to vector<1x1x1024xf32>
    tpu.vector_store %arg13[%swap3A_64, %swap3A_65, %swap3A_66], %swap3A_69 {strides = array<i32>} : memref<1x1x1024xf32, #tpu.memory_space<vmem>>, vector<1x1x1024xf32>,
    return
  }
  func.func @transform_2(%arg0: i32) -> (i32, i32) {
    %c0_i32 = arith.constant 0 : i32
    %c0_i32_0 = arith.constant 0 : i32
    return %arg0, %c0_i32 : i32, i32
  }
  func.func @transform_3(%arg0: i32) -> (i32, i32) {
    %c0_i32 = arith.constant 0 : i32
    %c0_i32_0 = arith.constant 0 : i32
    %c0_i32_1 = arith.constant 0 : i32
    return %c0_i32, %c0_i32_0 : i32, i32
  }
  func.func @transform_4(%arg0: i32) -> i32 {
    %c0_i32 = arith.constant 0 : i32
    %c0_i32_0 = arith.constant 0 : i32
    return %c0_i32 : i32
  }
  func.func @transform_5(%arg0: i32) -> (i32, i32) {
    %c0_i32 = arith.constant 0 : i32
    %c0_i32_0 = arith.constant 0 : i32
    %c0_i32_1 = arith.constant 0 : i32
    return %c0_i32, %c0_i32_0 : i32, i32
  }
  func.func @transform_6(%arg0: i32) -> i32 {
    %c0_i32 = arith.constant 0 : i32
    %c0_i32_0 = arith.constant 0 : i32
    return %c0_i32 : i32
  }
  func.func @transform_7(%arg0: i32) -> i32 {
    %c0_i32 = arith.constant 0 : i32
    %c0_i32_0 = arith.constant 0 : i32
    return %c0_i32 : i32
  }
  func.func @transform_8(%arg0: i32) -> i32 {
    %c0_i32 = arith.constant 0 : i32
    %c0_i32_0 = arith.constant 0 : i32
    return %c0_i32 : i32
  }
  func.func @transform_9(%arg0: i32) -> (i32, i32) {
    %c0_i32 = arith.constant 0 : i32
    %c0_i32_0 = arith.constant 0 : i32
    %c0_i32_1 = arith.constant 0 : i32
    return %c0_i32, %c0_i32_0 : i32, i32
  }
  func.func @transform_10(%arg0: i32) -> i32 {
    %c0_i32 = arith.constant 0 : i32
    %c0_i32_0 = arith.constant 0 : i32
    return %c0_i32 : i32
  }
  func.func @transform_11(%arg0: i32) -> (i32, i32) {
    %add3A = arith.constant 24 : i32
    %add3A_0 = arith.addi %add3A, %arg0 : i32
    %c0_i32 = arith.constant 0 : i32
    %c0_i32_1 = arith.constant 0 : i32
    return %add3A_0, %c0_i32 : i32, i32
  }
  func.func @transform_12(%arg0: i32) -> (i32, i32, i32) {
    %add3A = arith.constant 24 : i32
    %add3A_0 = arith.addi %add3A, %arg0 : i32
    %c0_i32 = arith.constant 0 : i32
    %c0_i32_1 = arith.constant 0 : i32
    %c0_i32_2 = arith.constant 0 : i32
    return %add3A_0, %c0_i32, %c0_i32_1 : i32, i32, i32
  }
}

module attributes {stable_mosaic.version = 14 : i64} {
  func.func @_ctx_kernel(%arg0: i32, %arg1: memref<4x1024x768xbf16, #tpu.memory_space<vmem>>, %arg2: memref<4x1x1x1024xf32, #tpu.memory_space<vmem>>, %arg3: memref<4x1x768xf32, #tpu.memory_space<vmem>>, %arg4: memref<4x1x128xi32, #tpu.memory_space<vmem>>, %arg5: memref<4x1x128xi32, #tpu.memory_space<vmem>>, %arg6: memref<4x768xf32, #tpu.memory_space<vmem>>, %arg7: memref<4x128xf32, #tpu.memory_space<vmem>>, %arg8: memref<4x128xf32, #tpu.memory_space<vmem>>, %arg9: memref<4x768xf32, #tpu.memory_space<vmem>>) attributes {dimension_semantics = [#tpu.dimension_semantics<arbitrary>], iteration_bounds = array<i64: 8>, scalar_prefetch = 0 : i64, scratch_operands = 3 : i64, tpu.core_type = #tpu.core_type<tc>, window_params = [{transform_indices = @transform_0, window_bounds = array<i64: 4, 1024, 768>}, {transform_indices = @transform_1, window_bounds = array<i64: 4, 1, 1, 1024>}, {pipeline_mode = #tpu.pipeline_mode<synchronous>, transform_indices = @transform_2, window_bounds = array<i64: 4, 1, 768>}, {pipeline_mode = #tpu.pipeline_mode<synchronous>, transform_indices = @transform_3, window_bounds = array<i64: 4, 1, 128>}, {pipeline_mode = #tpu.pipeline_mode<synchronous>, transform_indices = @transform_4, window_bounds = array<i64: 4, 1, 128>}, {pipeline_mode = #tpu.pipeline_mode<synchronous>, transform_indices = @transform_5, window_bounds = array<i64: 4, 768>}]} {
    %eq3A = arith.constant 0 : i32
    %eq3A_0 = arith.cmpi eq, %arg0, %eq3A : i32
    %convert_element_type3A = arith.extui %eq3A_0 : i1 to i32
    %cond3A = arith.constant 0 : i32
    %cond3A_1 = arith.cmpi ne, %convert_element_type3A, %cond3A : i32
    scf.if %cond3A_1 {
      %broadcast_in_dim3A_393 = arith.constant -1.000000e+30 : f32
      %broadcast_in_dim3A_394 = vector.broadcast %broadcast_in_dim3A_393 : f32 to vector<4x128xf32>
      %swap3A_395 = arith.constant 0 : index
      %swap3A_396 = arith.constant 0 : index
      %swap3A_397 = vector.load %arg7[%swap3A_395, %swap3A_396] : memref<4x128xf32, #tpu.memory_space<vmem>>, vector<4x128xf32>
      tpu.vector_store %arg7[%swap3A_395, %swap3A_396], %broadcast_in_dim3A_394 {strides = array<i32>} : memref<4x128xf32, #tpu.memory_space<vmem>>, vector<4x128xf32>,
      %broadcast_in_dim3A_398 = arith.constant 0.000000e+00 : f32
      %broadcast_in_dim3A_399 = vector.broadcast %broadcast_in_dim3A_398 : f32 to vector<4x128xf32>
      %swap3A_400 = arith.constant 0 : index
      %swap3A_401 = arith.constant 0 : index
      %swap3A_402 = vector.load %arg8[%swap3A_400, %swap3A_401] : memref<4x128xf32, #tpu.memory_space<vmem>>, vector<4x128xf32>
      tpu.vector_store %arg8[%swap3A_400, %swap3A_401], %broadcast_in_dim3A_399 {strides = array<i32>} : memref<4x128xf32, #tpu.memory_space<vmem>>, vector<4x128xf32>,
      %broadcast_in_dim3A_403 = arith.constant 0.000000e+00 : f32
      %broadcast_in_dim3A_404 = vector.broadcast %broadcast_in_dim3A_403 : f32 to vector<4x768xf32>
      %swap3A_405 = arith.constant 0 : index
      %swap3A_406 = arith.constant 0 : index
      %swap3A_407 = vector.load %arg9[%swap3A_405, %swap3A_406] : memref<4x768xf32, #tpu.memory_space<vmem>>, vector<4x768xf32>
      tpu.vector_store %arg9[%swap3A_405, %swap3A_406], %broadcast_in_dim3A_404 {strides = array<i32>} : memref<4x768xf32, #tpu.memory_space<vmem>>, vector<4x768xf32>,
    } else {
    }
    %get3A = arith.constant 0 : index
    %get3A_2 = arith.constant 0 : index
    %get3A_3 = arith.constant 0 : index
    %get3A_4 = vector.load %arg1[%get3A, %get3A_2, %get3A_3] : memref<4x1024x768xbf16, #tpu.memory_space<vmem>>, vector<1x1024x768xbf16>
    %get3A_5 = vector.shape_cast %get3A_4 : vector<1x1024x768xbf16> to vector<1024x768xbf16>
    %get3A_6 = arith.constant 0 : index
    %get3A_7 = arith.constant 0 : index
    %get3A_8 = arith.constant 0 : index
    %get3A_9 = arith.constant 0 : index
    %get3A_10 = vector.load %arg2[%get3A_6, %get3A_7, %get3A_8, %get3A_9] : memref<4x1x1x1024xf32, #tpu.memory_space<vmem>>, vector<1x1x1x1024xf32>
    %get3A_11 = vector.shape_cast %get3A_10 : vector<1x1x1x1024xf32> to vector<1x1024xf32>
    %get3A_12 = arith.constant 0 : index
    %get3A_13 = arith.constant 0 : index
    %get3A_14 = arith.constant 0 : index
    %get3A_15 = vector.load %arg3[%get3A_12, %get3A_13, %get3A_14] : memref<4x1x768xf32, #tpu.memory_space<vmem>>, vector<1x1x768xf32>
    %get3A_16 = vector.shape_cast %get3A_15 : vector<1x1x768xf32> to vector<1x768xf32>
    %get3A_17 = arith.constant 0 : index
    %get3A_18 = arith.constant 0 : index
    %get3A_19 = arith.constant 0 : index
    %get3A_20 = vector.load %arg4[%get3A_17, %get3A_18, %get3A_19] : memref<4x1x128xi32, #tpu.memory_space<vmem>>, vector<1x1x128xi32>
    %get3A_21 = vector.shape_cast %get3A_20 : vector<1x1x128xi32> to vector<1x128xi32>
    %slice3A = vector.extract_strided_slice %get3A_21 {offsets = [0, 0], sizes = [1, 1], strides = [1, 1]} : vector<1x128xi32> to vector<1x1xi32>
    %get3A_22 = arith.constant 0 : index
    %get3A_23 = arith.constant 0 : index
    %get3A_24 = arith.constant 0 : index
    %get3A_25 = vector.load %arg5[%get3A_22, %get3A_23, %get3A_24] : memref<4x1x128xi32, #tpu.memory_space<vmem>>, vector<1x1x128xi32>
    %get3A_26 = vector.shape_cast %get3A_25 : vector<1x1x128xi32> to vector<1x128xi32>
    %slice3A_27 = vector.extract_strided_slice %get3A_26 {offsets = [0, 0], sizes = [1, 1], strides = [1, 1]} : vector<1x128xi32> to vector<1x1xi32>
    %bitcast_convert_type3A = tpu.bitcast %get3A_11 : vector<1x1024xf32> -> vector<1x1024xi32>
    %lt3A = arith.constant 0 : i32
    %lt3A_28 = vector.broadcast %lt3A : i32 to vector<1x1024xi32>
    %lt3A_29 = arith.cmpi slt, %bitcast_convert_type3A, %lt3A_28 : vector<1x1024xi32>
    %not3A = arith.constant dense<-1> : vector<1x1024xi32>
    %not3A_30 = arith.xori %bitcast_convert_type3A, %not3A : vector<1x1024xi32>
    %xor3A = arith.constant -2147483648 : i32
    %xor3A_31 = vector.broadcast %xor3A : i32 to vector<1x1024xi32>
    %xor3A_32 = arith.xori %not3A_30, %xor3A_31 : vector<1x1024xi32>
    %select_n3A = arith.select %lt3A_29, %xor3A_32, %bitcast_convert_type3A : vector<1x1024xi1>, vector<1x1024xi32>
    %mul3A = arith.constant 1024 : i32
    %mul3A_33 = arith.muli %arg0, %mul3A : i32
    %iota3A = tpu.iota {dimensions = array<i32: 1>} : vector<1x1024xi32>
    %add3A = vector.broadcast %mul3A_33 : i32 to vector<1x1024xi32>
    %add3A_34 = arith.addi %add3A, %iota3A : vector<1x1024xi32>
    %gt3A = vector.broadcast %slice3A : vector<1x1xi32> to vector<1x1024xi32>
    %gt3A_35 = arith.cmpi sgt, %select_n3A, %gt3A : vector<1x1024xi32>
    %eq3A_36 = vector.broadcast %slice3A : vector<1x1xi32> to vector<1x1024xi32>
    %eq3A_37 = arith.cmpi eq, %select_n3A, %eq3A_36 : vector<1x1024xi32>
    %lt3A_38 = vector.broadcast %slice3A_27 : vector<1x1xi32> to vector<1x1024xi32>
    %lt3A_39 = arith.cmpi slt, %add3A_34, %lt3A_38 : vector<1x1024xi32>
    %and3A = arith.andi %eq3A_37, %lt3A_39 : vector<1x1024xi1>
    %or3A = arith.ori %gt3A_35, %and3A : vector<1x1024xi1>
    %convert_element_type3A_40 = arith.truncf %get3A_16 : vector<1x768xf32> to vector<1x768xbf16>
    %dot_general3A = arith.constant dense<0.000000e+00> : vector<1x1024xf32>
    %dot_general3A_41 = tpu.matmul %convert_element_type3A_40, %get3A_5, %dot_general3A {dimension_numbers = #tpu.dot_dimension_numbers<[1], [1], [0], [0], [0, 0, 1, 0], [], []>, transpose_lhs_hint = false} : vector<1x768xbf16>, vector<1024x768xbf16>, vector<1x1024xf32> -> vector<1x1024xf32>
    %get3A_42 = arith.constant 0 : index
    %get3A_43 = arith.constant 0 : index
    %get3A_44 = vector.load %arg7[%get3A_42, %get3A_43] : memref<4x128xf32, #tpu.memory_space<vmem>>, vector<1x1xf32>
    %jit3A = arith.constant -1.000000e+30 : f32
    %broadcast_in_dim3A = vector.broadcast %jit3A : f32 to vector<1x1024xf32>
    %select_n3A_45 = arith.select %or3A, %dot_general3A_41, %broadcast_in_dim3A : vector<1x1024xi1>, vector<1x1024xf32>
    %reduce_max3A = arith.constant dense<0xFF800000> : vector<1xf32>
    %reduce_max3A_46 = vector.multi_reduction <maximumf>, %select_n3A_45, %reduce_max3A [1] : vector<1x1024xf32> to vector<1xf32>
    %broadcast_in_dim3A_47 = vector.shape_cast %reduce_max3A_46 : vector<1xf32> to vector<1x1xf32>
    %max3A = arith.maximumf %get3A_44, %broadcast_in_dim3A_47 : vector<1x1xf32>
    %sub3A = arith.subf %get3A_44, %max3A : vector<1x1xf32>
    %exp3A = math.exp %sub3A : vector<1x1xf32>
    %sub3A_48 = vector.broadcast %max3A : vector<1x1xf32> to vector<1x1024xf32>
    %sub3A_49 = arith.subf %dot_general3A_41, %sub3A_48 : vector<1x1024xf32>
    %exp3A_50 = math.exp %sub3A_49 : vector<1x1024xf32>
    %jit3A_51 = arith.constant 0.000000e+00 : f32
    %broadcast_in_dim3A_52 = vector.broadcast %jit3A_51 : f32 to vector<1x1024xf32>
    %select_n3A_53 = arith.select %or3A, %exp3A_50, %broadcast_in_dim3A_52 : vector<1x1024xi1>, vector<1x1024xf32>
    %get3A_54 = arith.constant 0 : index
    %get3A_55 = arith.constant 0 : index
    %get3A_56 = vector.load %arg8[%get3A_54, %get3A_55] : memref<4x128xf32, #tpu.memory_space<vmem>>, vector<1x1xf32>
    %mul3A_57 = arith.mulf %get3A_56, %exp3A : vector<1x1xf32>
    %reduce_sum3A = arith.constant dense<0.000000e+00> : vector<1xf32>
    %reduce_sum3A_58 = vector.multi_reduction <add>, %select_n3A_53, %reduce_sum3A [1] : vector<1x1024xf32> to vector<1xf32>
    %broadcast_in_dim3A_59 = vector.shape_cast %reduce_sum3A_58 : vector<1xf32> to vector<1x1xf32>
    %add3A_60 = arith.addf %mul3A_57, %broadcast_in_dim3A_59 : vector<1x1xf32>
    %convert_element_type3A_61 = arith.truncf %select_n3A_53 : vector<1x1024xf32> to vector<1x1024xbf16>
    %dot_general3A_62 = arith.constant dense<0.000000e+00> : vector<1x768xf32>
    %dot_general3A_63 = tpu.matmul %convert_element_type3A_61, %get3A_5, %dot_general3A_62 {dimension_numbers = #tpu.dot_dimension_numbers<[1], [0], [0], [1], [0, 0, 1, 1], [], []>, transpose_lhs_hint = false} : vector<1x1024xbf16>, vector<1024x768xbf16>, vector<1x768xf32> -> vector<1x768xf32>
    %get3A_64 = arith.constant 0 : index
    %get3A_65 = arith.constant 0 : index
    %get3A_66 = vector.load %arg9[%get3A_64, %get3A_65] : memref<4x768xf32, #tpu.memory_space<vmem>>, vector<1x768xf32>
    %mul3A_67 = vector.broadcast %exp3A : vector<1x1xf32> to vector<1x768xf32>
    %mul3A_68 = arith.mulf %get3A_66, %mul3A_67 : vector<1x768xf32>
    %add3A_69 = arith.addf %mul3A_68, %dot_general3A_63 : vector<1x768xf32>
    %swap3A = arith.constant 0 : index
    %swap3A_70 = arith.constant 0 : index
    %swap3A_71 = vector.load %arg9[%swap3A, %swap3A_70] : memref<4x768xf32, #tpu.memory_space<vmem>>, vector<1x768xf32>
    tpu.vector_store %arg9[%swap3A, %swap3A_70], %add3A_69 {strides = array<i32>} : memref<4x768xf32, #tpu.memory_space<vmem>>, vector<1x768xf32>,
    %broadcast_in_dim3A_72 = vector.shape_cast %max3A : vector<1x1xf32> to vector<1x1xf32>
    %broadcast_in_dim3A_73 = vector.broadcast %broadcast_in_dim3A_72 : vector<1x1xf32> to vector<1x128xf32>
    %swap3A_74 = arith.constant 0 : index
    %swap3A_75 = arith.constant 0 : index
    %swap3A_76 = vector.load %arg7[%swap3A_74, %swap3A_75] : memref<4x128xf32, #tpu.memory_space<vmem>>, vector<1x128xf32>
    tpu.vector_store %arg7[%swap3A_74, %swap3A_75], %broadcast_in_dim3A_73 {strides = array<i32>} : memref<4x128xf32, #tpu.memory_space<vmem>>, vector<1x128xf32>,
    %broadcast_in_dim3A_77 = vector.shape_cast %add3A_60 : vector<1x1xf32> to vector<1x1xf32>
    %broadcast_in_dim3A_78 = vector.broadcast %broadcast_in_dim3A_77 : vector<1x1xf32> to vector<1x128xf32>
    %swap3A_79 = arith.constant 0 : index
    %swap3A_80 = arith.constant 0 : index
    %swap3A_81 = vector.load %arg8[%swap3A_79, %swap3A_80] : memref<4x128xf32, #tpu.memory_space<vmem>>, vector<1x128xf32>
    tpu.vector_store %arg8[%swap3A_79, %swap3A_80], %broadcast_in_dim3A_78 {strides = array<i32>} : memref<4x128xf32, #tpu.memory_space<vmem>>, vector<1x128xf32>,
    %get3A_82 = arith.constant 1 : index
    %get3A_83 = arith.constant 0 : index
    %get3A_84 = arith.constant 0 : index
    %get3A_85 = vector.load %arg1[%get3A_82, %get3A_83, %get3A_84] : memref<4x1024x768xbf16, #tpu.memory_space<vmem>>, vector<1x1024x768xbf16>
    %get3A_86 = vector.shape_cast %get3A_85 : vector<1x1024x768xbf16> to vector<1024x768xbf16>
    %get3A_87 = arith.constant 1 : index
    %get3A_88 = arith.constant 0 : index
    %get3A_89 = arith.constant 0 : index
    %get3A_90 = arith.constant 0 : index
    %get3A_91 = vector.load %arg2[%get3A_87, %get3A_88, %get3A_89, %get3A_90] : memref<4x1x1x1024xf32, #tpu.memory_space<vmem>>, vector<1x1x1x1024xf32>
    %get3A_92 = vector.shape_cast %get3A_91 : vector<1x1x1x1024xf32> to vector<1x1024xf32>
    %get3A_93 = arith.constant 1 : index
    %get3A_94 = arith.constant 0 : index
    %get3A_95 = arith.constant 0 : index
    %get3A_96 = vector.load %arg3[%get3A_93, %get3A_94, %get3A_95] : memref<4x1x768xf32, #tpu.memory_space<vmem>>, vector<1x1x768xf32>
    %get3A_97 = vector.shape_cast %get3A_96 : vector<1x1x768xf32> to vector<1x768xf32>
    %get3A_98 = arith.constant 1 : index
    %get3A_99 = arith.constant 0 : index
    %get3A_100 = arith.constant 0 : index
    %get3A_101 = vector.load %arg4[%get3A_98, %get3A_99, %get3A_100] : memref<4x1x128xi32, #tpu.memory_space<vmem>>, vector<1x1x128xi32>
    %get3A_102 = vector.shape_cast %get3A_101 : vector<1x1x128xi32> to vector<1x128xi32>
    %slice3A_103 = vector.extract_strided_slice %get3A_102 {offsets = [0, 0], sizes = [1, 1], strides = [1, 1]} : vector<1x128xi32> to vector<1x1xi32>
    %get3A_104 = arith.constant 1 : index
    %get3A_105 = arith.constant 0 : index
    %get3A_106 = arith.constant 0 : index
    %get3A_107 = vector.load %arg5[%get3A_104, %get3A_105, %get3A_106] : memref<4x1x128xi32, #tpu.memory_space<vmem>>, vector<1x1x128xi32>
    %get3A_108 = vector.shape_cast %get3A_107 : vector<1x1x128xi32> to vector<1x128xi32>
    %slice3A_109 = vector.extract_strided_slice %get3A_108 {offsets = [0, 0], sizes = [1, 1], strides = [1, 1]} : vector<1x128xi32> to vector<1x1xi32>
    %bitcast_convert_type3A_110 = tpu.bitcast %get3A_92 : vector<1x1024xf32> -> vector<1x1024xi32>
    %lt3A_111 = arith.constant 0 : i32
    %lt3A_112 = vector.broadcast %lt3A_111 : i32 to vector<1x1024xi32>
    %lt3A_113 = arith.cmpi slt, %bitcast_convert_type3A_110, %lt3A_112 : vector<1x1024xi32>
    %not3A_114 = arith.constant dense<-1> : vector<1x1024xi32>
    %not3A_115 = arith.xori %bitcast_convert_type3A_110, %not3A_114 : vector<1x1024xi32>
    %xor3A_116 = arith.constant -2147483648 : i32
    %xor3A_117 = vector.broadcast %xor3A_116 : i32 to vector<1x1024xi32>
    %xor3A_118 = arith.xori %not3A_115, %xor3A_117 : vector<1x1024xi32>
    %select_n3A_119 = arith.select %lt3A_113, %xor3A_118, %bitcast_convert_type3A_110 : vector<1x1024xi1>, vector<1x1024xi32>
    %mul3A_120 = arith.constant 1024 : i32
    %mul3A_121 = arith.muli %arg0, %mul3A_120 : i32
    %iota3A_122 = tpu.iota {dimensions = array<i32: 1>} : vector<1x1024xi32>
    %add3A_123 = vector.broadcast %mul3A_121 : i32 to vector<1x1024xi32>
    %add3A_124 = arith.addi %add3A_123, %iota3A_122 : vector<1x1024xi32>
    %gt3A_125 = vector.broadcast %slice3A_103 : vector<1x1xi32> to vector<1x1024xi32>
    %gt3A_126 = arith.cmpi sgt, %select_n3A_119, %gt3A_125 : vector<1x1024xi32>
    %eq3A_127 = vector.broadcast %slice3A_103 : vector<1x1xi32> to vector<1x1024xi32>
    %eq3A_128 = arith.cmpi eq, %select_n3A_119, %eq3A_127 : vector<1x1024xi32>
    %lt3A_129 = vector.broadcast %slice3A_109 : vector<1x1xi32> to vector<1x1024xi32>
    %lt3A_130 = arith.cmpi slt, %add3A_124, %lt3A_129 : vector<1x1024xi32>
    %and3A_131 = arith.andi %eq3A_128, %lt3A_130 : vector<1x1024xi1>
    %or3A_132 = arith.ori %gt3A_126, %and3A_131 : vector<1x1024xi1>
    %convert_element_type3A_133 = arith.truncf %get3A_97 : vector<1x768xf32> to vector<1x768xbf16>
    %dot_general3A_134 = arith.constant dense<0.000000e+00> : vector<1x1024xf32>
    %dot_general3A_135 = tpu.matmul %convert_element_type3A_133, %get3A_86, %dot_general3A_134 {dimension_numbers = #tpu.dot_dimension_numbers<[1], [1], [0], [0], [0, 0, 1, 0], [], []>, transpose_lhs_hint = false} : vector<1x768xbf16>, vector<1024x768xbf16>, vector<1x1024xf32> -> vector<1x1024xf32>
    %get3A_136 = arith.constant 1 : index
    %get3A_137 = arith.constant 0 : index
    %get3A_138 = vector.load %arg7[%get3A_136, %get3A_137] : memref<4x128xf32, #tpu.memory_space<vmem>>, vector<1x1xf32>
    %jit3A_139 = arith.constant -1.000000e+30 : f32
    %broadcast_in_dim3A_140 = vector.broadcast %jit3A_139 : f32 to vector<1x1024xf32>
    %select_n3A_141 = arith.select %or3A_132, %dot_general3A_135, %broadcast_in_dim3A_140 : vector<1x1024xi1>, vector<1x1024xf32>
    %reduce_max3A_142 = arith.constant dense<0xFF800000> : vector<1xf32>
    %reduce_max3A_143 = vector.multi_reduction <maximumf>, %select_n3A_141, %reduce_max3A_142 [1] : vector<1x1024xf32> to vector<1xf32>
    %broadcast_in_dim3A_144 = vector.shape_cast %reduce_max3A_143 : vector<1xf32> to vector<1x1xf32>
    %max3A_145 = arith.maximumf %get3A_138, %broadcast_in_dim3A_144 : vector<1x1xf32>
    %sub3A_146 = arith.subf %get3A_138, %max3A_145 : vector<1x1xf32>
    %exp3A_147 = math.exp %sub3A_146 : vector<1x1xf32>
    %sub3A_148 = vector.broadcast %max3A_145 : vector<1x1xf32> to vector<1x1024xf32>
    %sub3A_149 = arith.subf %dot_general3A_135, %sub3A_148 : vector<1x1024xf32>
    %exp3A_150 = math.exp %sub3A_149 : vector<1x1024xf32>
    %jit3A_151 = arith.constant 0.000000e+00 : f32
    %broadcast_in_dim3A_152 = vector.broadcast %jit3A_151 : f32 to vector<1x1024xf32>
    %select_n3A_153 = arith.select %or3A_132, %exp3A_150, %broadcast_in_dim3A_152 : vector<1x1024xi1>, vector<1x1024xf32>
    %get3A_154 = arith.constant 1 : index
    %get3A_155 = arith.constant 0 : index
    %get3A_156 = vector.load %arg8[%get3A_154, %get3A_155] : memref<4x128xf32, #tpu.memory_space<vmem>>, vector<1x1xf32>
    %mul3A_157 = arith.mulf %get3A_156, %exp3A_147 : vector<1x1xf32>
    %reduce_sum3A_158 = arith.constant dense<0.000000e+00> : vector<1xf32>
    %reduce_sum3A_159 = vector.multi_reduction <add>, %select_n3A_153, %reduce_sum3A_158 [1] : vector<1x1024xf32> to vector<1xf32>
    %broadcast_in_dim3A_160 = vector.shape_cast %reduce_sum3A_159 : vector<1xf32> to vector<1x1xf32>
    %add3A_161 = arith.addf %mul3A_157, %broadcast_in_dim3A_160 : vector<1x1xf32>
    %convert_element_type3A_162 = arith.truncf %select_n3A_153 : vector<1x1024xf32> to vector<1x1024xbf16>
    %dot_general3A_163 = arith.constant dense<0.000000e+00> : vector<1x768xf32>
    %dot_general3A_164 = tpu.matmul %convert_element_type3A_162, %get3A_86, %dot_general3A_163 {dimension_numbers = #tpu.dot_dimension_numbers<[1], [0], [0], [1], [0, 0, 1, 1], [], []>, transpose_lhs_hint = false} : vector<1x1024xbf16>, vector<1024x768xbf16>, vector<1x768xf32> -> vector<1x768xf32>
    %get3A_165 = arith.constant 1 : index
    %get3A_166 = arith.constant 0 : index
    %get3A_167 = vector.load %arg9[%get3A_165, %get3A_166] : memref<4x768xf32, #tpu.memory_space<vmem>>, vector<1x768xf32>
    %mul3A_168 = vector.broadcast %exp3A_147 : vector<1x1xf32> to vector<1x768xf32>
    %mul3A_169 = arith.mulf %get3A_167, %mul3A_168 : vector<1x768xf32>
    %add3A_170 = arith.addf %mul3A_169, %dot_general3A_164 : vector<1x768xf32>
    %swap3A_171 = arith.constant 1 : index
    %swap3A_172 = arith.constant 0 : index
    %swap3A_173 = vector.load %arg9[%swap3A_171, %swap3A_172] : memref<4x768xf32, #tpu.memory_space<vmem>>, vector<1x768xf32>
    tpu.vector_store %arg9[%swap3A_171, %swap3A_172], %add3A_170 {strides = array<i32>} : memref<4x768xf32, #tpu.memory_space<vmem>>, vector<1x768xf32>,
    %broadcast_in_dim3A_174 = vector.shape_cast %max3A_145 : vector<1x1xf32> to vector<1x1xf32>
    %broadcast_in_dim3A_175 = vector.broadcast %broadcast_in_dim3A_174 : vector<1x1xf32> to vector<1x128xf32>
    %swap3A_176 = arith.constant 1 : index
    %swap3A_177 = arith.constant 0 : index
    %swap3A_178 = vector.load %arg7[%swap3A_176, %swap3A_177] : memref<4x128xf32, #tpu.memory_space<vmem>>, vector<1x128xf32>
    tpu.vector_store %arg7[%swap3A_176, %swap3A_177], %broadcast_in_dim3A_175 {strides = array<i32>} : memref<4x128xf32, #tpu.memory_space<vmem>>, vector<1x128xf32>,
    %broadcast_in_dim3A_179 = vector.shape_cast %add3A_161 : vector<1x1xf32> to vector<1x1xf32>
    %broadcast_in_dim3A_180 = vector.broadcast %broadcast_in_dim3A_179 : vector<1x1xf32> to vector<1x128xf32>
    %swap3A_181 = arith.constant 1 : index
    %swap3A_182 = arith.constant 0 : index
    %swap3A_183 = vector.load %arg8[%swap3A_181, %swap3A_182] : memref<4x128xf32, #tpu.memory_space<vmem>>, vector<1x128xf32>
    tpu.vector_store %arg8[%swap3A_181, %swap3A_182], %broadcast_in_dim3A_180 {strides = array<i32>} : memref<4x128xf32, #tpu.memory_space<vmem>>, vector<1x128xf32>,
    %get3A_184 = arith.constant 2 : index
    %get3A_185 = arith.constant 0 : index
    %get3A_186 = arith.constant 0 : index
    %get3A_187 = vector.load %arg1[%get3A_184, %get3A_185, %get3A_186] : memref<4x1024x768xbf16, #tpu.memory_space<vmem>>, vector<1x1024x768xbf16>
    %get3A_188 = vector.shape_cast %get3A_187 : vector<1x1024x768xbf16> to vector<1024x768xbf16>
    %get3A_189 = arith.constant 2 : index
    %get3A_190 = arith.constant 0 : index
    %get3A_191 = arith.constant 0 : index
    %get3A_192 = arith.constant 0 : index
    %get3A_193 = vector.load %arg2[%get3A_189, %get3A_190, %get3A_191, %get3A_192] : memref<4x1x1x1024xf32, #tpu.memory_space<vmem>>, vector<1x1x1x1024xf32>
    %get3A_194 = vector.shape_cast %get3A_193 : vector<1x1x1x1024xf32> to vector<1x1024xf32>
    %get3A_195 = arith.constant 2 : index
    %get3A_196 = arith.constant 0 : index
    %get3A_197 = arith.constant 0 : index
    %get3A_198 = vector.load %arg3[%get3A_195, %get3A_196, %get3A_197] : memref<4x1x768xf32, #tpu.memory_space<vmem>>, vector<1x1x768xf32>
    %get3A_199 = vector.shape_cast %get3A_198 : vector<1x1x768xf32> to vector<1x768xf32>
    %get3A_200 = arith.constant 2 : index
    %get3A_201 = arith.constant 0 : index
    %get3A_202 = arith.constant 0 : index
    %get3A_203 = vector.load %arg4[%get3A_200, %get3A_201, %get3A_202] : memref<4x1x128xi32, #tpu.memory_space<vmem>>, vector<1x1x128xi32>
    %get3A_204 = vector.shape_cast %get3A_203 : vector<1x1x128xi32> to vector<1x128xi32>
    %slice3A_205 = vector.extract_strided_slice %get3A_204 {offsets = [0, 0], sizes = [1, 1], strides = [1, 1]} : vector<1x128xi32> to vector<1x1xi32>
    %get3A_206 = arith.constant 2 : index
    %get3A_207 = arith.constant 0 : index
    %get3A_208 = arith.constant 0 : index
    %get3A_209 = vector.load %arg5[%get3A_206, %get3A_207, %get3A_208] : memref<4x1x128xi32, #tpu.memory_space<vmem>>, vector<1x1x128xi32>
    %get3A_210 = vector.shape_cast %get3A_209 : vector<1x1x128xi32> to vector<1x128xi32>
    %slice3A_211 = vector.extract_strided_slice %get3A_210 {offsets = [0, 0], sizes = [1, 1], strides = [1, 1]} : vector<1x128xi32> to vector<1x1xi32>
    %bitcast_convert_type3A_212 = tpu.bitcast %get3A_194 : vector<1x1024xf32> -> vector<1x1024xi32>
    %lt3A_213 = arith.constant 0 : i32
    %lt3A_214 = vector.broadcast %lt3A_213 : i32 to vector<1x1024xi32>
    %lt3A_215 = arith.cmpi slt, %bitcast_convert_type3A_212, %lt3A_214 : vector<1x1024xi32>
    %not3A_216 = arith.constant dense<-1> : vector<1x1024xi32>
    %not3A_217 = arith.xori %bitcast_convert_type3A_212, %not3A_216 : vector<1x1024xi32>
    %xor3A_218 = arith.constant -2147483648 : i32
    %xor3A_219 = vector.broadcast %xor3A_218 : i32 to vector<1x1024xi32>
    %xor3A_220 = arith.xori %not3A_217, %xor3A_219 : vector<1x1024xi32>
    %select_n3A_221 = arith.select %lt3A_215, %xor3A_220, %bitcast_convert_type3A_212 : vector<1x1024xi1>, vector<1x1024xi32>
    %mul3A_222 = arith.constant 1024 : i32
    %mul3A_223 = arith.muli %arg0, %mul3A_222 : i32
    %iota3A_224 = tpu.iota {dimensions = array<i32: 1>} : vector<1x1024xi32>
    %add3A_225 = vector.broadcast %mul3A_223 : i32 to vector<1x1024xi32>
    %add3A_226 = arith.addi %add3A_225, %iota3A_224 : vector<1x1024xi32>
    %gt3A_227 = vector.broadcast %slice3A_205 : vector<1x1xi32> to vector<1x1024xi32>
    %gt3A_228 = arith.cmpi sgt, %select_n3A_221, %gt3A_227 : vector<1x1024xi32>
    %eq3A_229 = vector.broadcast %slice3A_205 : vector<1x1xi32> to vector<1x1024xi32>
    %eq3A_230 = arith.cmpi eq, %select_n3A_221, %eq3A_229 : vector<1x1024xi32>
    %lt3A_231 = vector.broadcast %slice3A_211 : vector<1x1xi32> to vector<1x1024xi32>
    %lt3A_232 = arith.cmpi slt, %add3A_226, %lt3A_231 : vector<1x1024xi32>
    %and3A_233 = arith.andi %eq3A_230, %lt3A_232 : vector<1x1024xi1>
    %or3A_234 = arith.ori %gt3A_228, %and3A_233 : vector<1x1024xi1>
    %convert_element_type3A_235 = arith.truncf %get3A_199 : vector<1x768xf32> to vector<1x768xbf16>
    %dot_general3A_236 = arith.constant dense<0.000000e+00> : vector<1x1024xf32>
    %dot_general3A_237 = tpu.matmul %convert_element_type3A_235, %get3A_188, %dot_general3A_236 {dimension_numbers = #tpu.dot_dimension_numbers<[1], [1], [0], [0], [0, 0, 1, 0], [], []>, transpose_lhs_hint = false} : vector<1x768xbf16>, vector<1024x768xbf16>, vector<1x1024xf32> -> vector<1x1024xf32>
    %get3A_238 = arith.constant 2 : index
    %get3A_239 = arith.constant 0 : index
    %get3A_240 = vector.load %arg7[%get3A_238, %get3A_239] : memref<4x128xf32, #tpu.memory_space<vmem>>, vector<1x1xf32>
    %jit3A_241 = arith.constant -1.000000e+30 : f32
    %broadcast_in_dim3A_242 = vector.broadcast %jit3A_241 : f32 to vector<1x1024xf32>
    %select_n3A_243 = arith.select %or3A_234, %dot_general3A_237, %broadcast_in_dim3A_242 : vector<1x1024xi1>, vector<1x1024xf32>
    %reduce_max3A_244 = arith.constant dense<0xFF800000> : vector<1xf32>
    %reduce_max3A_245 = vector.multi_reduction <maximumf>, %select_n3A_243, %reduce_max3A_244 [1] : vector<1x1024xf32> to vector<1xf32>
    %broadcast_in_dim3A_246 = vector.shape_cast %reduce_max3A_245 : vector<1xf32> to vector<1x1xf32>
    %max3A_247 = arith.maximumf %get3A_240, %broadcast_in_dim3A_246 : vector<1x1xf32>
    %sub3A_248 = arith.subf %get3A_240, %max3A_247 : vector<1x1xf32>
    %exp3A_249 = math.exp %sub3A_248 : vector<1x1xf32>
    %sub3A_250 = vector.broadcast %max3A_247 : vector<1x1xf32> to vector<1x1024xf32>
    %sub3A_251 = arith.subf %dot_general3A_237, %sub3A_250 : vector<1x1024xf32>
    %exp3A_252 = math.exp %sub3A_251 : vector<1x1024xf32>
    %jit3A_253 = arith.constant 0.000000e+00 : f32
    %broadcast_in_dim3A_254 = vector.broadcast %jit3A_253 : f32 to vector<1x1024xf32>
    %select_n3A_255 = arith.select %or3A_234, %exp3A_252, %broadcast_in_dim3A_254 : vector<1x1024xi1>, vector<1x1024xf32>
    %get3A_256 = arith.constant 2 : index
    %get3A_257 = arith.constant 0 : index
    %get3A_258 = vector.load %arg8[%get3A_256, %get3A_257] : memref<4x128xf32, #tpu.memory_space<vmem>>, vector<1x1xf32>
    %mul3A_259 = arith.mulf %get3A_258, %exp3A_249 : vector<1x1xf32>
    %reduce_sum3A_260 = arith.constant dense<0.000000e+00> : vector<1xf32>
    %reduce_sum3A_261 = vector.multi_reduction <add>, %select_n3A_255, %reduce_sum3A_260 [1] : vector<1x1024xf32> to vector<1xf32>
    %broadcast_in_dim3A_262 = vector.shape_cast %reduce_sum3A_261 : vector<1xf32> to vector<1x1xf32>
    %add3A_263 = arith.addf %mul3A_259, %broadcast_in_dim3A_262 : vector<1x1xf32>
    %convert_element_type3A_264 = arith.truncf %select_n3A_255 : vector<1x1024xf32> to vector<1x1024xbf16>
    %dot_general3A_265 = arith.constant dense<0.000000e+00> : vector<1x768xf32>
    %dot_general3A_266 = tpu.matmul %convert_element_type3A_264, %get3A_188, %dot_general3A_265 {dimension_numbers = #tpu.dot_dimension_numbers<[1], [0], [0], [1], [0, 0, 1, 1], [], []>, transpose_lhs_hint = false} : vector<1x1024xbf16>, vector<1024x768xbf16>, vector<1x768xf32> -> vector<1x768xf32>
    %get3A_267 = arith.constant 2 : index
    %get3A_268 = arith.constant 0 : index
    %get3A_269 = vector.load %arg9[%get3A_267, %get3A_268] : memref<4x768xf32, #tpu.memory_space<vmem>>, vector<1x768xf32>
    %mul3A_270 = vector.broadcast %exp3A_249 : vector<1x1xf32> to vector<1x768xf32>
    %mul3A_271 = arith.mulf %get3A_269, %mul3A_270 : vector<1x768xf32>
    %add3A_272 = arith.addf %mul3A_271, %dot_general3A_266 : vector<1x768xf32>
    %swap3A_273 = arith.constant 2 : index
    %swap3A_274 = arith.constant 0 : index
    %swap3A_275 = vector.load %arg9[%swap3A_273, %swap3A_274] : memref<4x768xf32, #tpu.memory_space<vmem>>, vector<1x768xf32>
    tpu.vector_store %arg9[%swap3A_273, %swap3A_274], %add3A_272 {strides = array<i32>} : memref<4x768xf32, #tpu.memory_space<vmem>>, vector<1x768xf32>,
    %broadcast_in_dim3A_276 = vector.shape_cast %max3A_247 : vector<1x1xf32> to vector<1x1xf32>
    %broadcast_in_dim3A_277 = vector.broadcast %broadcast_in_dim3A_276 : vector<1x1xf32> to vector<1x128xf32>
    %swap3A_278 = arith.constant 2 : index
    %swap3A_279 = arith.constant 0 : index
    %swap3A_280 = vector.load %arg7[%swap3A_278, %swap3A_279] : memref<4x128xf32, #tpu.memory_space<vmem>>, vector<1x128xf32>
    tpu.vector_store %arg7[%swap3A_278, %swap3A_279], %broadcast_in_dim3A_277 {strides = array<i32>} : memref<4x128xf32, #tpu.memory_space<vmem>>, vector<1x128xf32>,
    %broadcast_in_dim3A_281 = vector.shape_cast %add3A_263 : vector<1x1xf32> to vector<1x1xf32>
    %broadcast_in_dim3A_282 = vector.broadcast %broadcast_in_dim3A_281 : vector<1x1xf32> to vector<1x128xf32>
    %swap3A_283 = arith.constant 2 : index
    %swap3A_284 = arith.constant 0 : index
    %swap3A_285 = vector.load %arg8[%swap3A_283, %swap3A_284] : memref<4x128xf32, #tpu.memory_space<vmem>>, vector<1x128xf32>
    tpu.vector_store %arg8[%swap3A_283, %swap3A_284], %broadcast_in_dim3A_282 {strides = array<i32>} : memref<4x128xf32, #tpu.memory_space<vmem>>, vector<1x128xf32>,
    %get3A_286 = arith.constant 3 : index
    %get3A_287 = arith.constant 0 : index
    %get3A_288 = arith.constant 0 : index
    %get3A_289 = vector.load %arg1[%get3A_286, %get3A_287, %get3A_288] : memref<4x1024x768xbf16, #tpu.memory_space<vmem>>, vector<1x1024x768xbf16>
    %get3A_290 = vector.shape_cast %get3A_289 : vector<1x1024x768xbf16> to vector<1024x768xbf16>
    %get3A_291 = arith.constant 3 : index
    %get3A_292 = arith.constant 0 : index
    %get3A_293 = arith.constant 0 : index
    %get3A_294 = arith.constant 0 : index
    %get3A_295 = vector.load %arg2[%get3A_291, %get3A_292, %get3A_293, %get3A_294] : memref<4x1x1x1024xf32, #tpu.memory_space<vmem>>, vector<1x1x1x1024xf32>
    %get3A_296 = vector.shape_cast %get3A_295 : vector<1x1x1x1024xf32> to vector<1x1024xf32>
    %get3A_297 = arith.constant 3 : index
    %get3A_298 = arith.constant 0 : index
    %get3A_299 = arith.constant 0 : index
    %get3A_300 = vector.load %arg3[%get3A_297, %get3A_298, %get3A_299] : memref<4x1x768xf32, #tpu.memory_space<vmem>>, vector<1x1x768xf32>
    %get3A_301 = vector.shape_cast %get3A_300 : vector<1x1x768xf32> to vector<1x768xf32>
    %get3A_302 = arith.constant 3 : index
    %get3A_303 = arith.constant 0 : index
    %get3A_304 = arith.constant 0 : index
    %get3A_305 = vector.load %arg4[%get3A_302, %get3A_303, %get3A_304] : memref<4x1x128xi32, #tpu.memory_space<vmem>>, vector<1x1x128xi32>
    %get3A_306 = vector.shape_cast %get3A_305 : vector<1x1x128xi32> to vector<1x128xi32>
    %slice3A_307 = vector.extract_strided_slice %get3A_306 {offsets = [0, 0], sizes = [1, 1], strides = [1, 1]} : vector<1x128xi32> to vector<1x1xi32>
    %get3A_308 = arith.constant 3 : index
    %get3A_309 = arith.constant 0 : index
    %get3A_310 = arith.constant 0 : index
    %get3A_311 = vector.load %arg5[%get3A_308, %get3A_309, %get3A_310] : memref<4x1x128xi32, #tpu.memory_space<vmem>>, vector<1x1x128xi32>
    %get3A_312 = vector.shape_cast %get3A_311 : vector<1x1x128xi32> to vector<1x128xi32>
    %slice3A_313 = vector.extract_strided_slice %get3A_312 {offsets = [0, 0], sizes = [1, 1], strides = [1, 1]} : vector<1x128xi32> to vector<1x1xi32>
    %bitcast_convert_type3A_314 = tpu.bitcast %get3A_296 : vector<1x1024xf32> -> vector<1x1024xi32>
    %lt3A_315 = arith.constant 0 : i32
    %lt3A_316 = vector.broadcast %lt3A_315 : i32 to vector<1x1024xi32>
    %lt3A_317 = arith.cmpi slt, %bitcast_convert_type3A_314, %lt3A_316 : vector<1x1024xi32>
    %not3A_318 = arith.constant dense<-1> : vector<1x1024xi32>
    %not3A_319 = arith.xori %bitcast_convert_type3A_314, %not3A_318 : vector<1x1024xi32>
    %xor3A_320 = arith.constant -2147483648 : i32
    %xor3A_321 = vector.broadcast %xor3A_320 : i32 to vector<1x1024xi32>
    %xor3A_322 = arith.xori %not3A_319, %xor3A_321 : vector<1x1024xi32>
    %select_n3A_323 = arith.select %lt3A_317, %xor3A_322, %bitcast_convert_type3A_314 : vector<1x1024xi1>, vector<1x1024xi32>
    %mul3A_324 = arith.constant 1024 : i32
    %mul3A_325 = arith.muli %arg0, %mul3A_324 : i32
    %iota3A_326 = tpu.iota {dimensions = array<i32: 1>} : vector<1x1024xi32>
    %add3A_327 = vector.broadcast %mul3A_325 : i32 to vector<1x1024xi32>
    %add3A_328 = arith.addi %add3A_327, %iota3A_326 : vector<1x1024xi32>
    %gt3A_329 = vector.broadcast %slice3A_307 : vector<1x1xi32> to vector<1x1024xi32>
    %gt3A_330 = arith.cmpi sgt, %select_n3A_323, %gt3A_329 : vector<1x1024xi32>
    %eq3A_331 = vector.broadcast %slice3A_307 : vector<1x1xi32> to vector<1x1024xi32>
    %eq3A_332 = arith.cmpi eq, %select_n3A_323, %eq3A_331 : vector<1x1024xi32>
    %lt3A_333 = vector.broadcast %slice3A_313 : vector<1x1xi32> to vector<1x1024xi32>
    %lt3A_334 = arith.cmpi slt, %add3A_328, %lt3A_333 : vector<1x1024xi32>
    %and3A_335 = arith.andi %eq3A_332, %lt3A_334 : vector<1x1024xi1>
    %or3A_336 = arith.ori %gt3A_330, %and3A_335 : vector<1x1024xi1>
    %convert_element_type3A_337 = arith.truncf %get3A_301 : vector<1x768xf32> to vector<1x768xbf16>
    %dot_general3A_338 = arith.constant dense<0.000000e+00> : vector<1x1024xf32>
    %dot_general3A_339 = tpu.matmul %convert_element_type3A_337, %get3A_290, %dot_general3A_338 {dimension_numbers = #tpu.dot_dimension_numbers<[1], [1], [0], [0], [0, 0, 1, 0], [], []>, transpose_lhs_hint = false} : vector<1x768xbf16>, vector<1024x768xbf16>, vector<1x1024xf32> -> vector<1x1024xf32>
    %get3A_340 = arith.constant 3 : index
    %get3A_341 = arith.constant 0 : index
    %get3A_342 = vector.load %arg7[%get3A_340, %get3A_341] : memref<4x128xf32, #tpu.memory_space<vmem>>, vector<1x1xf32>
    %jit3A_343 = arith.constant -1.000000e+30 : f32
    %broadcast_in_dim3A_344 = vector.broadcast %jit3A_343 : f32 to vector<1x1024xf32>
    %select_n3A_345 = arith.select %or3A_336, %dot_general3A_339, %broadcast_in_dim3A_344 : vector<1x1024xi1>, vector<1x1024xf32>
    %reduce_max3A_346 = arith.constant dense<0xFF800000> : vector<1xf32>
    %reduce_max3A_347 = vector.multi_reduction <maximumf>, %select_n3A_345, %reduce_max3A_346 [1] : vector<1x1024xf32> to vector<1xf32>
    %broadcast_in_dim3A_348 = vector.shape_cast %reduce_max3A_347 : vector<1xf32> to vector<1x1xf32>
    %max3A_349 = arith.maximumf %get3A_342, %broadcast_in_dim3A_348 : vector<1x1xf32>
    %sub3A_350 = arith.subf %get3A_342, %max3A_349 : vector<1x1xf32>
    %exp3A_351 = math.exp %sub3A_350 : vector<1x1xf32>
    %sub3A_352 = vector.broadcast %max3A_349 : vector<1x1xf32> to vector<1x1024xf32>
    %sub3A_353 = arith.subf %dot_general3A_339, %sub3A_352 : vector<1x1024xf32>
    %exp3A_354 = math.exp %sub3A_353 : vector<1x1024xf32>
    %jit3A_355 = arith.constant 0.000000e+00 : f32
    %broadcast_in_dim3A_356 = vector.broadcast %jit3A_355 : f32 to vector<1x1024xf32>
    %select_n3A_357 = arith.select %or3A_336, %exp3A_354, %broadcast_in_dim3A_356 : vector<1x1024xi1>, vector<1x1024xf32>
    %get3A_358 = arith.constant 3 : index
    %get3A_359 = arith.constant 0 : index
    %get3A_360 = vector.load %arg8[%get3A_358, %get3A_359] : memref<4x128xf32, #tpu.memory_space<vmem>>, vector<1x1xf32>
    %mul3A_361 = arith.mulf %get3A_360, %exp3A_351 : vector<1x1xf32>
    %reduce_sum3A_362 = arith.constant dense<0.000000e+00> : vector<1xf32>
    %reduce_sum3A_363 = vector.multi_reduction <add>, %select_n3A_357, %reduce_sum3A_362 [1] : vector<1x1024xf32> to vector<1xf32>
    %broadcast_in_dim3A_364 = vector.shape_cast %reduce_sum3A_363 : vector<1xf32> to vector<1x1xf32>
    %add3A_365 = arith.addf %mul3A_361, %broadcast_in_dim3A_364 : vector<1x1xf32>
    %convert_element_type3A_366 = arith.truncf %select_n3A_357 : vector<1x1024xf32> to vector<1x1024xbf16>
    %dot_general3A_367 = arith.constant dense<0.000000e+00> : vector<1x768xf32>
    %dot_general3A_368 = tpu.matmul %convert_element_type3A_366, %get3A_290, %dot_general3A_367 {dimension_numbers = #tpu.dot_dimension_numbers<[1], [0], [0], [1], [0, 0, 1, 1], [], []>, transpose_lhs_hint = false} : vector<1x1024xbf16>, vector<1024x768xbf16>, vector<1x768xf32> -> vector<1x768xf32>
    %get3A_369 = arith.constant 3 : index
    %get3A_370 = arith.constant 0 : index
    %get3A_371 = vector.load %arg9[%get3A_369, %get3A_370] : memref<4x768xf32, #tpu.memory_space<vmem>>, vector<1x768xf32>
    %mul3A_372 = vector.broadcast %exp3A_351 : vector<1x1xf32> to vector<1x768xf32>
    %mul3A_373 = arith.mulf %get3A_371, %mul3A_372 : vector<1x768xf32>
    %add3A_374 = arith.addf %mul3A_373, %dot_general3A_368 : vector<1x768xf32>
    %swap3A_375 = arith.constant 3 : index
    %swap3A_376 = arith.constant 0 : index
    %swap3A_377 = vector.load %arg9[%swap3A_375, %swap3A_376] : memref<4x768xf32, #tpu.memory_space<vmem>>, vector<1x768xf32>
    tpu.vector_store %arg9[%swap3A_375, %swap3A_376], %add3A_374 {strides = array<i32>} : memref<4x768xf32, #tpu.memory_space<vmem>>, vector<1x768xf32>,
    %broadcast_in_dim3A_378 = vector.shape_cast %max3A_349 : vector<1x1xf32> to vector<1x1xf32>
    %broadcast_in_dim3A_379 = vector.broadcast %broadcast_in_dim3A_378 : vector<1x1xf32> to vector<1x128xf32>
    %swap3A_380 = arith.constant 3 : index
    %swap3A_381 = arith.constant 0 : index
    %swap3A_382 = vector.load %arg7[%swap3A_380, %swap3A_381] : memref<4x128xf32, #tpu.memory_space<vmem>>, vector<1x128xf32>
    tpu.vector_store %arg7[%swap3A_380, %swap3A_381], %broadcast_in_dim3A_379 {strides = array<i32>} : memref<4x128xf32, #tpu.memory_space<vmem>>, vector<1x128xf32>,
    %broadcast_in_dim3A_383 = vector.shape_cast %add3A_365 : vector<1x1xf32> to vector<1x1xf32>
    %broadcast_in_dim3A_384 = vector.broadcast %broadcast_in_dim3A_383 : vector<1x1xf32> to vector<1x128xf32>
    %swap3A_385 = arith.constant 3 : index
    %swap3A_386 = arith.constant 0 : index
    %swap3A_387 = vector.load %arg8[%swap3A_385, %swap3A_386] : memref<4x128xf32, #tpu.memory_space<vmem>>, vector<1x128xf32>
    tpu.vector_store %arg8[%swap3A_385, %swap3A_386], %broadcast_in_dim3A_384 {strides = array<i32>} : memref<4x128xf32, #tpu.memory_space<vmem>>, vector<1x128xf32>,
    %eq3A_388 = arith.constant 7 : i32
    %eq3A_389 = arith.cmpi eq, %arg0, %eq3A_388 : i32
    %convert_element_type3A_390 = arith.extui %eq3A_389 : i1 to i32
    %cond3A_391 = arith.constant 0 : i32
    %cond3A_392 = arith.cmpi ne, %convert_element_type3A_390, %cond3A_391 : i32
    scf.if %cond3A_392 {
      %get3A_393 = arith.constant 0 : index
      %get3A_394 = arith.constant 0 : index
      %get3A_395 = vector.load %arg9[%get3A_393, %get3A_394] : memref<4x768xf32, #tpu.memory_space<vmem>>, vector<4x768xf32>
      %get3A_396 = arith.constant 0 : index
      %get3A_397 = arith.constant 0 : index
      %get3A_398 = vector.load %arg8[%get3A_396, %get3A_397] : memref<4x128xf32, #tpu.memory_space<vmem>>, vector<4x128xf32>
      %slice3A_399 = vector.extract_strided_slice %get3A_398 {offsets = [0, 0], sizes = [4, 1], strides = [1, 1]} : vector<4x128xf32> to vector<4x1xf32>
      %div3A = vector.broadcast %slice3A_399 : vector<4x1xf32> to vector<4x768xf32>
      %div3A_400 = arith.divf %get3A_395, %div3A : vector<4x768xf32>
      %swap3A_401 = arith.constant 0 : index
      %swap3A_402 = arith.constant 0 : index
      %swap3A_403 = vector.load %arg6[%swap3A_401, %swap3A_402] : memref<4x768xf32, #tpu.memory_space<vmem>>, vector<4x768xf32>
      tpu.vector_store %arg6[%swap3A_401, %swap3A_402], %div3A_400 {strides = array<i32>} : memref<4x768xf32, #tpu.memory_space<vmem>>, vector<4x768xf32>,
    } else {
    }
    return
  }
  func.func @transform_0(%arg0: i32) -> (i32, i32, i32) {
    %c0_i32 = arith.constant 0 : i32
    %c0_i32_0 = arith.constant 0 : i32
    %c0_i32_1 = arith.constant 0 : i32
    return %c0_i32, %arg0, %c0_i32_0 : i32, i32, i32
  }
  func.func @transform_1(%arg0: i32) -> (i32, i32, i32, i32) {
    %c0_i32 = arith.constant 0 : i32
    %c0_i32_0 = arith.constant 0 : i32
    %c0_i32_1 = arith.constant 0 : i32
    %c0_i32_2 = arith.constant 0 : i32
    return %c0_i32, %arg0, %c0_i32_0, %c0_i32_1 : i32, i32, i32, i32
  }
  func.func @transform_2(%arg0: i32) -> (i32, i32, i32) {
    %c0_i32 = arith.constant 0 : i32
    %c0_i32_0 = arith.constant 0 : i32
    %c0_i32_1 = arith.constant 0 : i32
    %c0_i32_2 = arith.constant 0 : i32
    return %c0_i32, %c0_i32_0, %c0_i32_1 : i32, i32, i32
  }
  func.func @transform_3(%arg0: i32) -> (i32, i32, i32) {
    %c0_i32 = arith.constant 0 : i32
    %c0_i32_0 = arith.constant 0 : i32
    %c0_i32_1 = arith.constant 0 : i32
    %c0_i32_2 = arith.constant 0 : i32
    return %c0_i32, %c0_i32_0, %c0_i32_1 : i32, i32, i32
  }
  func.func @transform_4(%arg0: i32) -> (i32, i32, i32) {
    %c0_i32 = arith.constant 0 : i32
    %c0_i32_0 = arith.constant 0 : i32
    %c0_i32_1 = arith.constant 0 : i32
    %c0_i32_2 = arith.constant 0 : i32
    return %c0_i32, %c0_i32_0, %c0_i32_1 : i32, i32, i32
  }
  func.func @transform_5(%arg0: i32) -> (i32, i32) {
    %c0_i32 = arith.constant 0 : i32
    %c0_i32_0 = arith.constant 0 : i32
    %c0_i32_1 = arith.constant 0 : i32
    return %c0_i32, %c0_i32_0 : i32, i32
  }
}

module attributes {stable_mosaic.version = 14 : i64} {
  func.func @_proj_kernel(%arg0: i32, %arg1: memref<4x768xf32, #tpu.memory_space<vmem>>, %arg2: memref<4096x768xf32, #tpu.memory_space<vmem>>, %arg3: memref<1x4096xf32, #tpu.memory_space<vmem>>, %arg4: memref<4x4096xf32, #tpu.memory_space<vmem>>) attributes {dimension_semantics = [#tpu.dimension_semantics<arbitrary>], iteration_bounds = array<i64: 25>, scalar_prefetch = 0 : i64, scratch_operands = 0 : i64, tpu.core_type = #tpu.core_type<tc>, window_params = [{pipeline_mode = #tpu.pipeline_mode<synchronous>, transform_indices = @transform_0, window_bounds = array<i64: 4, 768>}, {transform_indices = @transform_1, window_bounds = array<i64: 4096, 768>}, {transform_indices = @transform_2, window_bounds = array<i64: 1, 4096>}, {transform_indices = @transform_3, window_bounds = array<i64: 4, 4096>}]} {
    %get3A = arith.constant 0 : index
    %get3A_0 = arith.constant 0 : index
    %get3A_1 = vector.load %arg1[%get3A, %get3A_0] : memref<4x768xf32, #tpu.memory_space<vmem>>, vector<4x768xf32>
    %convert_element_type3A = arith.truncf %get3A_1 : vector<4x768xf32> to vector<4x768xbf16>
    %get3A_2 = arith.constant 0 : index
    %get3A_3 = arith.constant 0 : index
    %get3A_4 = vector.load %arg2[%get3A_2, %get3A_3] : memref<4096x768xf32, #tpu.memory_space<vmem>>, vector<4096x768xf32>
    %convert_element_type3A_5 = arith.truncf %get3A_4 : vector<4096x768xf32> to vector<4096x768xbf16>
    %dot_general3A = arith.constant dense<0.000000e+00> : vector<4x4096xf32>
    %dot_general3A_6 = tpu.matmul %convert_element_type3A, %convert_element_type3A_5, %dot_general3A {dimension_numbers = #tpu.dot_dimension_numbers<[1], [1], [0], [0], [0, 0, 1, 0], [], []>, transpose_lhs_hint = false} : vector<4x768xbf16>, vector<4096x768xbf16>, vector<4x4096xf32> -> vector<4x4096xf32>
    %get3A_7 = arith.constant 0 : index
    %get3A_8 = arith.constant 0 : index
    %get3A_9 = vector.load %arg3[%get3A_7, %get3A_8] : memref<1x4096xf32, #tpu.memory_space<vmem>>, vector<1x4096xf32>
    %add3A = vector.broadcast %get3A_9 : vector<1x4096xf32> to vector<4x4096xf32>
    %add3A_10 = arith.addf %dot_general3A_6, %add3A : vector<4x4096xf32>
    %swap3A = arith.constant 0 : index
    %swap3A_11 = arith.constant 0 : index
    %swap3A_12 = vector.load %arg4[%swap3A, %swap3A_11] : memref<4x4096xf32, #tpu.memory_space<vmem>>, vector<4x4096xf32>
    tpu.vector_store %arg4[%swap3A, %swap3A_11], %add3A_10 {strides = array<i32>} : memref<4x4096xf32, #tpu.memory_space<vmem>>, vector<4x4096xf32>,
    return
  }
  func.func @transform_0(%arg0: i32) -> (i32, i32) {
    %c0_i32 = arith.constant 0 : i32
    %c0_i32_0 = arith.constant 0 : i32
    %c0_i32_1 = arith.constant 0 : i32
    return %c0_i32, %c0_i32_0 : i32, i32
  }
  func.func @transform_1(%arg0: i32) -> (i32, i32) {
    %c0_i32 = arith.constant 0 : i32
    %c0_i32_0 = arith.constant 0 : i32
    return %arg0, %c0_i32 : i32, i32
  }
  func.func @transform_2(%arg0: i32) -> (i32, i32) {
    %c0_i32 = arith.constant 0 : i32
    %c0_i32_0 = arith.constant 0 : i32
    return %c0_i32, %arg0 : i32, i32
  }
  func.func @transform_3(%arg0: i32) -> (i32, i32) {
    %c0_i32 = arith.constant 0 : i32
    %c0_i32_0 = arith.constant 0 : i32
    return %c0_i32, %arg0 : i32, i32
  }
}

module attributes {stable_mosaic.version = 14 : i64} {
  func.func @_select_kernel(%arg0: memref<4x8192xf32, #tpu.memory_space<vmem>>, %arg1: memref<4x768xbf16, #tpu.memory_space<vmem>>, %arg2: memref<768x768xf32, #tpu.memory_space<vmem>>, %arg3: memref<768xf32, #tpu.memory_space<vmem>>, %arg4: memref<4x768xf32, #tpu.memory_space<vmem>>, %arg5: memref<4x128xi32, #tpu.memory_space<vmem>>, %arg6: memref<4x128xi32, #tpu.memory_space<vmem>>) attributes {dimension_semantics = [], scalar_prefetch = 0 : i64, scratch_operands = 0 : i64, tpu.core_type = #tpu.core_type<tc>} {
    %get3A = arith.constant 0 : index
    %get3A_0 = arith.constant 0 : index
    %get3A_1 = vector.load %arg0[%get3A, %get3A_0] : memref<4x8192xf32, #tpu.memory_space<vmem>>, vector<4x8192xf32>
    %bitcast_convert_type3A = tpu.bitcast %get3A_1 : vector<4x8192xf32> -> vector<4x8192xi32>
    %lt3A = arith.constant 0 : i32
    %lt3A_2 = vector.broadcast %lt3A : i32 to vector<4x8192xi32>
    %lt3A_3 = arith.cmpi slt, %bitcast_convert_type3A, %lt3A_2 : vector<4x8192xi32>
    %not3A = arith.constant dense<-1> : vector<4x8192xi32>
    %not3A_4 = arith.xori %bitcast_convert_type3A, %not3A : vector<4x8192xi32>
    %xor3A = arith.constant -2147483648 : i32
    %xor3A_5 = vector.broadcast %xor3A : i32 to vector<4x8192xi32>
    %xor3A_6 = arith.xori %not3A_4, %xor3A_5 : vector<4x8192xi32>
    %select_n3A = arith.select %lt3A_3, %xor3A_6, %bitcast_convert_type3A : vector<4x8192xi1>, vector<4x8192xi32>
    %broadcast_in_dim3A = arith.constant -2147483648 : i32
    %broadcast_in_dim3A_7 = vector.broadcast %broadcast_in_dim3A : i32 to vector<4x1xi32>
    %scan3A = arith.constant 0 : i32
    %sub3A = arith.constant 31 : i32
    %sub3A_8 = arith.subi %sub3A, %scan3A : i32
    %shift_left3A = arith.constant 1 : i32
    %shift_left3A_9 = arith.shli %shift_left3A, %sub3A_8 : i32
    %add3A = vector.broadcast %shift_left3A_9 : i32 to vector<4x1xi32>
    %add3A_10 = arith.addi %broadcast_in_dim3A_7, %add3A : vector<4x1xi32>
    %ge3A = vector.broadcast %add3A_10 : vector<4x1xi32> to vector<4x8192xi32>
    %ge3A_11 = arith.cmpi sge, %select_n3A, %ge3A : vector<4x8192xi32>
    %convert_element_type3A = arith.extui %ge3A_11 : vector<4x8192xi1> to vector<4x8192xi32>
    %reduce_sum3A = arith.constant dense<0> : vector<4xi32>
    %reduce_sum3A_12 = vector.multi_reduction <add>, %convert_element_type3A, %reduce_sum3A [1] : vector<4x8192xi32> to vector<4xi32>
    %broadcast_in_dim3A_13 = vector.shape_cast %reduce_sum3A_12 : vector<4xi32> to vector<4x1xi32>
    %ge3A_14 = arith.constant 512 : i32
    %ge3A_15 = vector.broadcast %ge3A_14 : i32 to vector<4x1xi32>
    %ge3A_16 = arith.cmpi sge, %broadcast_in_dim3A_13, %ge3A_15 : vector<4x1xi32>
    %select_n3A_17 = arith.select %ge3A_16, %add3A_10, %broadcast_in_dim3A_7 : vector<4x1xi1>, vector<4x1xi32>
    %scan3A_18 = arith.constant 1 : i32
    %sub3A_19 = arith.constant 31 : i32
    %sub3A_20 = arith.subi %sub3A_19, %scan3A_18 : i32
    %shift_left3A_21 = arith.constant 1 : i32
    %shift_left3A_22 = arith.shli %shift_left3A_21, %sub3A_20 : i32
    %add3A_23 = vector.broadcast %shift_left3A_22 : i32 to vector<4x1xi32>
    %add3A_24 = arith.addi %select_n3A_17, %add3A_23 : vector<4x1xi32>
    %ge3A_25 = vector.broadcast %add3A_24 : vector<4x1xi32> to vector<4x8192xi32>
    %ge3A_26 = arith.cmpi sge, %select_n3A, %ge3A_25 : vector<4x8192xi32>
    %convert_element_type3A_27 = arith.extui %ge3A_26 : vector<4x8192xi1> to vector<4x8192xi32>
    %reduce_sum3A_28 = arith.constant dense<0> : vector<4xi32>
    %reduce_sum3A_29 = vector.multi_reduction <add>, %convert_element_type3A_27, %reduce_sum3A_28 [1] : vector<4x8192xi32> to vector<4xi32>
    %broadcast_in_dim3A_30 = vector.shape_cast %reduce_sum3A_29 : vector<4xi32> to vector<4x1xi32>
    %ge3A_31 = arith.constant 512 : i32
    %ge3A_32 = vector.broadcast %ge3A_31 : i32 to vector<4x1xi32>
    %ge3A_33 = arith.cmpi sge, %broadcast_in_dim3A_30, %ge3A_32 : vector<4x1xi32>
    %select_n3A_34 = arith.select %ge3A_33, %add3A_24, %select_n3A_17 : vector<4x1xi1>, vector<4x1xi32>
    %scan3A_35 = arith.constant 2 : i32
    %sub3A_36 = arith.constant 31 : i32
    %sub3A_37 = arith.subi %sub3A_36, %scan3A_35 : i32
    %shift_left3A_38 = arith.constant 1 : i32
    %shift_left3A_39 = arith.shli %shift_left3A_38, %sub3A_37 : i32
    %add3A_40 = vector.broadcast %shift_left3A_39 : i32 to vector<4x1xi32>
    %add3A_41 = arith.addi %select_n3A_34, %add3A_40 : vector<4x1xi32>
    %ge3A_42 = vector.broadcast %add3A_41 : vector<4x1xi32> to vector<4x8192xi32>
    %ge3A_43 = arith.cmpi sge, %select_n3A, %ge3A_42 : vector<4x8192xi32>
    %convert_element_type3A_44 = arith.extui %ge3A_43 : vector<4x8192xi1> to vector<4x8192xi32>
    %reduce_sum3A_45 = arith.constant dense<0> : vector<4xi32>
    %reduce_sum3A_46 = vector.multi_reduction <add>, %convert_element_type3A_44, %reduce_sum3A_45 [1] : vector<4x8192xi32> to vector<4xi32>
    %broadcast_in_dim3A_47 = vector.shape_cast %reduce_sum3A_46 : vector<4xi32> to vector<4x1xi32>
    %ge3A_48 = arith.constant 512 : i32
    %ge3A_49 = vector.broadcast %ge3A_48 : i32 to vector<4x1xi32>
    %ge3A_50 = arith.cmpi sge, %broadcast_in_dim3A_47, %ge3A_49 : vector<4x1xi32>
    %select_n3A_51 = arith.select %ge3A_50, %add3A_41, %select_n3A_34 : vector<4x1xi1>, vector<4x1xi32>
    %scan3A_52 = arith.constant 3 : i32
    %sub3A_53 = arith.constant 31 : i32
    %sub3A_54 = arith.subi %sub3A_53, %scan3A_52 : i32
    %shift_left3A_55 = arith.constant 1 : i32
    %shift_left3A_56 = arith.shli %shift_left3A_55, %sub3A_54 : i32
    %add3A_57 = vector.broadcast %shift_left3A_56 : i32 to vector<4x1xi32>
    %add3A_58 = arith.addi %select_n3A_51, %add3A_57 : vector<4x1xi32>
    %ge3A_59 = vector.broadcast %add3A_58 : vector<4x1xi32> to vector<4x8192xi32>
    %ge3A_60 = arith.cmpi sge, %select_n3A, %ge3A_59 : vector<4x8192xi32>
    %convert_element_type3A_61 = arith.extui %ge3A_60 : vector<4x8192xi1> to vector<4x8192xi32>
    %reduce_sum3A_62 = arith.constant dense<0> : vector<4xi32>
    %reduce_sum3A_63 = vector.multi_reduction <add>, %convert_element_type3A_61, %reduce_sum3A_62 [1] : vector<4x8192xi32> to vector<4xi32>
    %broadcast_in_dim3A_64 = vector.shape_cast %reduce_sum3A_63 : vector<4xi32> to vector<4x1xi32>
    %ge3A_65 = arith.constant 512 : i32
    %ge3A_66 = vector.broadcast %ge3A_65 : i32 to vector<4x1xi32>
    %ge3A_67 = arith.cmpi sge, %broadcast_in_dim3A_64, %ge3A_66 : vector<4x1xi32>
    %select_n3A_68 = arith.select %ge3A_67, %add3A_58, %select_n3A_51 : vector<4x1xi1>, vector<4x1xi32>
    %scan3A_69 = arith.constant 4 : i32
    %sub3A_70 = arith.constant 31 : i32
    %sub3A_71 = arith.subi %sub3A_70, %scan3A_69 : i32
    %shift_left3A_72 = arith.constant 1 : i32
    %shift_left3A_73 = arith.shli %shift_left3A_72, %sub3A_71 : i32
    %add3A_74 = vector.broadcast %shift_left3A_73 : i32 to vector<4x1xi32>
    %add3A_75 = arith.addi %select_n3A_68, %add3A_74 : vector<4x1xi32>
    %ge3A_76 = vector.broadcast %add3A_75 : vector<4x1xi32> to vector<4x8192xi32>
    %ge3A_77 = arith.cmpi sge, %select_n3A, %ge3A_76 : vector<4x8192xi32>
    %convert_element_type3A_78 = arith.extui %ge3A_77 : vector<4x8192xi1> to vector<4x8192xi32>
    %reduce_sum3A_79 = arith.constant dense<0> : vector<4xi32>
    %reduce_sum3A_80 = vector.multi_reduction <add>, %convert_element_type3A_78, %reduce_sum3A_79 [1] : vector<4x8192xi32> to vector<4xi32>
    %broadcast_in_dim3A_81 = vector.shape_cast %reduce_sum3A_80 : vector<4xi32> to vector<4x1xi32>
    %ge3A_82 = arith.constant 512 : i32
    %ge3A_83 = vector.broadcast %ge3A_82 : i32 to vector<4x1xi32>
    %ge3A_84 = arith.cmpi sge, %broadcast_in_dim3A_81, %ge3A_83 : vector<4x1xi32>
    %select_n3A_85 = arith.select %ge3A_84, %add3A_75, %select_n3A_68 : vector<4x1xi1>, vector<4x1xi32>
    %scan3A_86 = arith.constant 5 : i32
    %sub3A_87 = arith.constant 31 : i32
    %sub3A_88 = arith.subi %sub3A_87, %scan3A_86 : i32
    %shift_left3A_89 = arith.constant 1 : i32
    %shift_left3A_90 = arith.shli %shift_left3A_89, %sub3A_88 : i32
    %add3A_91 = vector.broadcast %shift_left3A_90 : i32 to vector<4x1xi32>
    %add3A_92 = arith.addi %select_n3A_85, %add3A_91 : vector<4x1xi32>
    %ge3A_93 = vector.broadcast %add3A_92 : vector<4x1xi32> to vector<4x8192xi32>
    %ge3A_94 = arith.cmpi sge, %select_n3A, %ge3A_93 : vector<4x8192xi32>
    %convert_element_type3A_95 = arith.extui %ge3A_94 : vector<4x8192xi1> to vector<4x8192xi32>
    %reduce_sum3A_96 = arith.constant dense<0> : vector<4xi32>
    %reduce_sum3A_97 = vector.multi_reduction <add>, %convert_element_type3A_95, %reduce_sum3A_96 [1] : vector<4x8192xi32> to vector<4xi32>
    %broadcast_in_dim3A_98 = vector.shape_cast %reduce_sum3A_97 : vector<4xi32> to vector<4x1xi32>
    %ge3A_99 = arith.constant 512 : i32
    %ge3A_100 = vector.broadcast %ge3A_99 : i32 to vector<4x1xi32>
    %ge3A_101 = arith.cmpi sge, %broadcast_in_dim3A_98, %ge3A_100 : vector<4x1xi32>
    %select_n3A_102 = arith.select %ge3A_101, %add3A_92, %select_n3A_85 : vector<4x1xi1>, vector<4x1xi32>
    %scan3A_103 = arith.constant 6 : i32
    %sub3A_104 = arith.constant 31 : i32
    %sub3A_105 = arith.subi %sub3A_104, %scan3A_103 : i32
    %shift_left3A_106 = arith.constant 1 : i32
    %shift_left3A_107 = arith.shli %shift_left3A_106, %sub3A_105 : i32
    %add3A_108 = vector.broadcast %shift_left3A_107 : i32 to vector<4x1xi32>
    %add3A_109 = arith.addi %select_n3A_102, %add3A_108 : vector<4x1xi32>
    %ge3A_110 = vector.broadcast %add3A_109 : vector<4x1xi32> to vector<4x8192xi32>
    %ge3A_111 = arith.cmpi sge, %select_n3A, %ge3A_110 : vector<4x8192xi32>
    %convert_element_type3A_112 = arith.extui %ge3A_111 : vector<4x8192xi1> to vector<4x8192xi32>
    %reduce_sum3A_113 = arith.constant dense<0> : vector<4xi32>
    %reduce_sum3A_114 = vector.multi_reduction <add>, %convert_element_type3A_112, %reduce_sum3A_113 [1] : vector<4x8192xi32> to vector<4xi32>
    %broadcast_in_dim3A_115 = vector.shape_cast %reduce_sum3A_114 : vector<4xi32> to vector<4x1xi32>
    %ge3A_116 = arith.constant 512 : i32
    %ge3A_117 = vector.broadcast %ge3A_116 : i32 to vector<4x1xi32>
    %ge3A_118 = arith.cmpi sge, %broadcast_in_dim3A_115, %ge3A_117 : vector<4x1xi32>
    %select_n3A_119 = arith.select %ge3A_118, %add3A_109, %select_n3A_102 : vector<4x1xi1>, vector<4x1xi32>
    %scan3A_120 = arith.constant 7 : i32
    %sub3A_121 = arith.constant 31 : i32
    %sub3A_122 = arith.subi %sub3A_121, %scan3A_120 : i32
    %shift_left3A_123 = arith.constant 1 : i32
    %shift_left3A_124 = arith.shli %shift_left3A_123, %sub3A_122 : i32
    %add3A_125 = vector.broadcast %shift_left3A_124 : i32 to vector<4x1xi32>
    %add3A_126 = arith.addi %select_n3A_119, %add3A_125 : vector<4x1xi32>
    %ge3A_127 = vector.broadcast %add3A_126 : vector<4x1xi32> to vector<4x8192xi32>
    %ge3A_128 = arith.cmpi sge, %select_n3A, %ge3A_127 : vector<4x8192xi32>
    %convert_element_type3A_129 = arith.extui %ge3A_128 : vector<4x8192xi1> to vector<4x8192xi32>
    %reduce_sum3A_130 = arith.constant dense<0> : vector<4xi32>
    %reduce_sum3A_131 = vector.multi_reduction <add>, %convert_element_type3A_129, %reduce_sum3A_130 [1] : vector<4x8192xi32> to vector<4xi32>
    %broadcast_in_dim3A_132 = vector.shape_cast %reduce_sum3A_131 : vector<4xi32> to vector<4x1xi32>
    %ge3A_133 = arith.constant 512 : i32
    %ge3A_134 = vector.broadcast %ge3A_133 : i32 to vector<4x1xi32>
    %ge3A_135 = arith.cmpi sge, %broadcast_in_dim3A_132, %ge3A_134 : vector<4x1xi32>
    %select_n3A_136 = arith.select %ge3A_135, %add3A_126, %select_n3A_119 : vector<4x1xi1>, vector<4x1xi32>
    %scan3A_137 = arith.constant 8 : i32
    %sub3A_138 = arith.constant 31 : i32
    %sub3A_139 = arith.subi %sub3A_138, %scan3A_137 : i32
    %shift_left3A_140 = arith.constant 1 : i32
    %shift_left3A_141 = arith.shli %shift_left3A_140, %sub3A_139 : i32
    %add3A_142 = vector.broadcast %shift_left3A_141 : i32 to vector<4x1xi32>
    %add3A_143 = arith.addi %select_n3A_136, %add3A_142 : vector<4x1xi32>
    %ge3A_144 = vector.broadcast %add3A_143 : vector<4x1xi32> to vector<4x8192xi32>
    %ge3A_145 = arith.cmpi sge, %select_n3A, %ge3A_144 : vector<4x8192xi32>
    %convert_element_type3A_146 = arith.extui %ge3A_145 : vector<4x8192xi1> to vector<4x8192xi32>
    %reduce_sum3A_147 = arith.constant dense<0> : vector<4xi32>
    %reduce_sum3A_148 = vector.multi_reduction <add>, %convert_element_type3A_146, %reduce_sum3A_147 [1] : vector<4x8192xi32> to vector<4xi32>
    %broadcast_in_dim3A_149 = vector.shape_cast %reduce_sum3A_148 : vector<4xi32> to vector<4x1xi32>
    %ge3A_150 = arith.constant 512 : i32
    %ge3A_151 = vector.broadcast %ge3A_150 : i32 to vector<4x1xi32>
    %ge3A_152 = arith.cmpi sge, %broadcast_in_dim3A_149, %ge3A_151 : vector<4x1xi32>
    %select_n3A_153 = arith.select %ge3A_152, %add3A_143, %select_n3A_136 : vector<4x1xi1>, vector<4x1xi32>
    %scan3A_154 = arith.constant 9 : i32
    %sub3A_155 = arith.constant 31 : i32
    %sub3A_156 = arith.subi %sub3A_155, %scan3A_154 : i32
    %shift_left3A_157 = arith.constant 1 : i32
    %shift_left3A_158 = arith.shli %shift_left3A_157, %sub3A_156 : i32
    %add3A_159 = vector.broadcast %shift_left3A_158 : i32 to vector<4x1xi32>
    %add3A_160 = arith.addi %select_n3A_153, %add3A_159 : vector<4x1xi32>
    %ge3A_161 = vector.broadcast %add3A_160 : vector<4x1xi32> to vector<4x8192xi32>
    %ge3A_162 = arith.cmpi sge, %select_n3A, %ge3A_161 : vector<4x8192xi32>
    %convert_element_type3A_163 = arith.extui %ge3A_162 : vector<4x8192xi1> to vector<4x8192xi32>
    %reduce_sum3A_164 = arith.constant dense<0> : vector<4xi32>
    %reduce_sum3A_165 = vector.multi_reduction <add>, %convert_element_type3A_163, %reduce_sum3A_164 [1] : vector<4x8192xi32> to vector<4xi32>
    %broadcast_in_dim3A_166 = vector.shape_cast %reduce_sum3A_165 : vector<4xi32> to vector<4x1xi32>
    %ge3A_167 = arith.constant 512 : i32
    %ge3A_168 = vector.broadcast %ge3A_167 : i32 to vector<4x1xi32>
    %ge3A_169 = arith.cmpi sge, %broadcast_in_dim3A_166, %ge3A_168 : vector<4x1xi32>
    %select_n3A_170 = arith.select %ge3A_169, %add3A_160, %select_n3A_153 : vector<4x1xi1>, vector<4x1xi32>
    %scan3A_171 = arith.constant 10 : i32
    %sub3A_172 = arith.constant 31 : i32
    %sub3A_173 = arith.subi %sub3A_172, %scan3A_171 : i32
    %shift_left3A_174 = arith.constant 1 : i32
    %shift_left3A_175 = arith.shli %shift_left3A_174, %sub3A_173 : i32
    %add3A_176 = vector.broadcast %shift_left3A_175 : i32 to vector<4x1xi32>
    %add3A_177 = arith.addi %select_n3A_170, %add3A_176 : vector<4x1xi32>
    %ge3A_178 = vector.broadcast %add3A_177 : vector<4x1xi32> to vector<4x8192xi32>
    %ge3A_179 = arith.cmpi sge, %select_n3A, %ge3A_178 : vector<4x8192xi32>
    %convert_element_type3A_180 = arith.extui %ge3A_179 : vector<4x8192xi1> to vector<4x8192xi32>
    %reduce_sum3A_181 = arith.constant dense<0> : vector<4xi32>
    %reduce_sum3A_182 = vector.multi_reduction <add>, %convert_element_type3A_180, %reduce_sum3A_181 [1] : vector<4x8192xi32> to vector<4xi32>
    %broadcast_in_dim3A_183 = vector.shape_cast %reduce_sum3A_182 : vector<4xi32> to vector<4x1xi32>
    %ge3A_184 = arith.constant 512 : i32
    %ge3A_185 = vector.broadcast %ge3A_184 : i32 to vector<4x1xi32>
    %ge3A_186 = arith.cmpi sge, %broadcast_in_dim3A_183, %ge3A_185 : vector<4x1xi32>
    %select_n3A_187 = arith.select %ge3A_186, %add3A_177, %select_n3A_170 : vector<4x1xi1>, vector<4x1xi32>
    %scan3A_188 = arith.constant 11 : i32
    %sub3A_189 = arith.constant 31 : i32
    %sub3A_190 = arith.subi %sub3A_189, %scan3A_188 : i32
    %shift_left3A_191 = arith.constant 1 : i32
    %shift_left3A_192 = arith.shli %shift_left3A_191, %sub3A_190 : i32
    %add3A_193 = vector.broadcast %shift_left3A_192 : i32 to vector<4x1xi32>
    %add3A_194 = arith.addi %select_n3A_187, %add3A_193 : vector<4x1xi32>
    %ge3A_195 = vector.broadcast %add3A_194 : vector<4x1xi32> to vector<4x8192xi32>
    %ge3A_196 = arith.cmpi sge, %select_n3A, %ge3A_195 : vector<4x8192xi32>
    %convert_element_type3A_197 = arith.extui %ge3A_196 : vector<4x8192xi1> to vector<4x8192xi32>
    %reduce_sum3A_198 = arith.constant dense<0> : vector<4xi32>
    %reduce_sum3A_199 = vector.multi_reduction <add>, %convert_element_type3A_197, %reduce_sum3A_198 [1] : vector<4x8192xi32> to vector<4xi32>
    %broadcast_in_dim3A_200 = vector.shape_cast %reduce_sum3A_199 : vector<4xi32> to vector<4x1xi32>
    %ge3A_201 = arith.constant 512 : i32
    %ge3A_202 = vector.broadcast %ge3A_201 : i32 to vector<4x1xi32>
    %ge3A_203 = arith.cmpi sge, %broadcast_in_dim3A_200, %ge3A_202 : vector<4x1xi32>
    %select_n3A_204 = arith.select %ge3A_203, %add3A_194, %select_n3A_187 : vector<4x1xi1>, vector<4x1xi32>
    %scan3A_205 = arith.constant 12 : i32
    %sub3A_206 = arith.constant 31 : i32
    %sub3A_207 = arith.subi %sub3A_206, %scan3A_205 : i32
    %shift_left3A_208 = arith.constant 1 : i32
    %shift_left3A_209 = arith.shli %shift_left3A_208, %sub3A_207 : i32
    %add3A_210 = vector.broadcast %shift_left3A_209 : i32 to vector<4x1xi32>
    %add3A_211 = arith.addi %select_n3A_204, %add3A_210 : vector<4x1xi32>
    %ge3A_212 = vector.broadcast %add3A_211 : vector<4x1xi32> to vector<4x8192xi32>
    %ge3A_213 = arith.cmpi sge, %select_n3A, %ge3A_212 : vector<4x8192xi32>
    %convert_element_type3A_214 = arith.extui %ge3A_213 : vector<4x8192xi1> to vector<4x8192xi32>
    %reduce_sum3A_215 = arith.constant dense<0> : vector<4xi32>
    %reduce_sum3A_216 = vector.multi_reduction <add>, %convert_element_type3A_214, %reduce_sum3A_215 [1] : vector<4x8192xi32> to vector<4xi32>
    %broadcast_in_dim3A_217 = vector.shape_cast %reduce_sum3A_216 : vector<4xi32> to vector<4x1xi32>
    %ge3A_218 = arith.constant 512 : i32
    %ge3A_219 = vector.broadcast %ge3A_218 : i32 to vector<4x1xi32>
    %ge3A_220 = arith.cmpi sge, %broadcast_in_dim3A_217, %ge3A_219 : vector<4x1xi32>
    %select_n3A_221 = arith.select %ge3A_220, %add3A_211, %select_n3A_204 : vector<4x1xi1>, vector<4x1xi32>
    %scan3A_222 = arith.constant 13 : i32
    %sub3A_223 = arith.constant 31 : i32
    %sub3A_224 = arith.subi %sub3A_223, %scan3A_222 : i32
    %shift_left3A_225 = arith.constant 1 : i32
    %shift_left3A_226 = arith.shli %shift_left3A_225, %sub3A_224 : i32
    %add3A_227 = vector.broadcast %shift_left3A_226 : i32 to vector<4x1xi32>
    %add3A_228 = arith.addi %select_n3A_221, %add3A_227 : vector<4x1xi32>
    %ge3A_229 = vector.broadcast %add3A_228 : vector<4x1xi32> to vector<4x8192xi32>
    %ge3A_230 = arith.cmpi sge, %select_n3A, %ge3A_229 : vector<4x8192xi32>
    %convert_element_type3A_231 = arith.extui %ge3A_230 : vector<4x8192xi1> to vector<4x8192xi32>
    %reduce_sum3A_232 = arith.constant dense<0> : vector<4xi32>
    %reduce_sum3A_233 = vector.multi_reduction <add>, %convert_element_type3A_231, %reduce_sum3A_232 [1] : vector<4x8192xi32> to vector<4xi32>
    %broadcast_in_dim3A_234 = vector.shape_cast %reduce_sum3A_233 : vector<4xi32> to vector<4x1xi32>
    %ge3A_235 = arith.constant 512 : i32
    %ge3A_236 = vector.broadcast %ge3A_235 : i32 to vector<4x1xi32>
    %ge3A_237 = arith.cmpi sge, %broadcast_in_dim3A_234, %ge3A_236 : vector<4x1xi32>
    %select_n3A_238 = arith.select %ge3A_237, %add3A_228, %select_n3A_221 : vector<4x1xi1>, vector<4x1xi32>
    %scan3A_239 = arith.constant 14 : i32
    %sub3A_240 = arith.constant 31 : i32
    %sub3A_241 = arith.subi %sub3A_240, %scan3A_239 : i32
    %shift_left3A_242 = arith.constant 1 : i32
    %shift_left3A_243 = arith.shli %shift_left3A_242, %sub3A_241 : i32
    %add3A_244 = vector.broadcast %shift_left3A_243 : i32 to vector<4x1xi32>
    %add3A_245 = arith.addi %select_n3A_238, %add3A_244 : vector<4x1xi32>
    %ge3A_246 = vector.broadcast %add3A_245 : vector<4x1xi32> to vector<4x8192xi32>
    %ge3A_247 = arith.cmpi sge, %select_n3A, %ge3A_246 : vector<4x8192xi32>
    %convert_element_type3A_248 = arith.extui %ge3A_247 : vector<4x8192xi1> to vector<4x8192xi32>
    %reduce_sum3A_249 = arith.constant dense<0> : vector<4xi32>
    %reduce_sum3A_250 = vector.multi_reduction <add>, %convert_element_type3A_248, %reduce_sum3A_249 [1] : vector<4x8192xi32> to vector<4xi32>
    %broadcast_in_dim3A_251 = vector.shape_cast %reduce_sum3A_250 : vector<4xi32> to vector<4x1xi32>
    %ge3A_252 = arith.constant 512 : i32
    %ge3A_253 = vector.broadcast %ge3A_252 : i32 to vector<4x1xi32>
    %ge3A_254 = arith.cmpi sge, %broadcast_in_dim3A_251, %ge3A_253 : vector<4x1xi32>
    %select_n3A_255 = arith.select %ge3A_254, %add3A_245, %select_n3A_238 : vector<4x1xi1>, vector<4x1xi32>
    %scan3A_256 = arith.constant 15 : i32
    %sub3A_257 = arith.constant 31 : i32
    %sub3A_258 = arith.subi %sub3A_257, %scan3A_256 : i32
    %shift_left3A_259 = arith.constant 1 : i32
    %shift_left3A_260 = arith.shli %shift_left3A_259, %sub3A_258 : i32
    %add3A_261 = vector.broadcast %shift_left3A_260 : i32 to vector<4x1xi32>
    %add3A_262 = arith.addi %select_n3A_255, %add3A_261 : vector<4x1xi32>
    %ge3A_263 = vector.broadcast %add3A_262 : vector<4x1xi32> to vector<4x8192xi32>
    %ge3A_264 = arith.cmpi sge, %select_n3A, %ge3A_263 : vector<4x8192xi32>
    %convert_element_type3A_265 = arith.extui %ge3A_264 : vector<4x8192xi1> to vector<4x8192xi32>
    %reduce_sum3A_266 = arith.constant dense<0> : vector<4xi32>
    %reduce_sum3A_267 = vector.multi_reduction <add>, %convert_element_type3A_265, %reduce_sum3A_266 [1] : vector<4x8192xi32> to vector<4xi32>
    %broadcast_in_dim3A_268 = vector.shape_cast %reduce_sum3A_267 : vector<4xi32> to vector<4x1xi32>
    %ge3A_269 = arith.constant 512 : i32
    %ge3A_270 = vector.broadcast %ge3A_269 : i32 to vector<4x1xi32>
    %ge3A_271 = arith.cmpi sge, %broadcast_in_dim3A_268, %ge3A_270 : vector<4x1xi32>
    %select_n3A_272 = arith.select %ge3A_271, %add3A_262, %select_n3A_255 : vector<4x1xi1>, vector<4x1xi32>
    %scan3A_273 = arith.constant 16 : i32
    %sub3A_274 = arith.constant 31 : i32
    %sub3A_275 = arith.subi %sub3A_274, %scan3A_273 : i32
    %shift_left3A_276 = arith.constant 1 : i32
    %shift_left3A_277 = arith.shli %shift_left3A_276, %sub3A_275 : i32
    %add3A_278 = vector.broadcast %shift_left3A_277 : i32 to vector<4x1xi32>
    %add3A_279 = arith.addi %select_n3A_272, %add3A_278 : vector<4x1xi32>
    %ge3A_280 = vector.broadcast %add3A_279 : vector<4x1xi32> to vector<4x8192xi32>
    %ge3A_281 = arith.cmpi sge, %select_n3A, %ge3A_280 : vector<4x8192xi32>
    %convert_element_type3A_282 = arith.extui %ge3A_281 : vector<4x8192xi1> to vector<4x8192xi32>
    %reduce_sum3A_283 = arith.constant dense<0> : vector<4xi32>
    %reduce_sum3A_284 = vector.multi_reduction <add>, %convert_element_type3A_282, %reduce_sum3A_283 [1] : vector<4x8192xi32> to vector<4xi32>
    %broadcast_in_dim3A_285 = vector.shape_cast %reduce_sum3A_284 : vector<4xi32> to vector<4x1xi32>
    %ge3A_286 = arith.constant 512 : i32
    %ge3A_287 = vector.broadcast %ge3A_286 : i32 to vector<4x1xi32>
    %ge3A_288 = arith.cmpi sge, %broadcast_in_dim3A_285, %ge3A_287 : vector<4x1xi32>
    %select_n3A_289 = arith.select %ge3A_288, %add3A_279, %select_n3A_272 : vector<4x1xi1>, vector<4x1xi32>
    %scan3A_290 = arith.constant 17 : i32
    %sub3A_291 = arith.constant 31 : i32
    %sub3A_292 = arith.subi %sub3A_291, %scan3A_290 : i32
    %shift_left3A_293 = arith.constant 1 : i32
    %shift_left3A_294 = arith.shli %shift_left3A_293, %sub3A_292 : i32
    %add3A_295 = vector.broadcast %shift_left3A_294 : i32 to vector<4x1xi32>
    %add3A_296 = arith.addi %select_n3A_289, %add3A_295 : vector<4x1xi32>
    %ge3A_297 = vector.broadcast %add3A_296 : vector<4x1xi32> to vector<4x8192xi32>
    %ge3A_298 = arith.cmpi sge, %select_n3A, %ge3A_297 : vector<4x8192xi32>
    %convert_element_type3A_299 = arith.extui %ge3A_298 : vector<4x8192xi1> to vector<4x8192xi32>
    %reduce_sum3A_300 = arith.constant dense<0> : vector<4xi32>
    %reduce_sum3A_301 = vector.multi_reduction <add>, %convert_element_type3A_299, %reduce_sum3A_300 [1] : vector<4x8192xi32> to vector<4xi32>
    %broadcast_in_dim3A_302 = vector.shape_cast %reduce_sum3A_301 : vector<4xi32> to vector<4x1xi32>
    %ge3A_303 = arith.constant 512 : i32
    %ge3A_304 = vector.broadcast %ge3A_303 : i32 to vector<4x1xi32>
    %ge3A_305 = arith.cmpi sge, %broadcast_in_dim3A_302, %ge3A_304 : vector<4x1xi32>
    %select_n3A_306 = arith.select %ge3A_305, %add3A_296, %select_n3A_289 : vector<4x1xi1>, vector<4x1xi32>
    %scan3A_307 = arith.constant 18 : i32
    %sub3A_308 = arith.constant 31 : i32
    %sub3A_309 = arith.subi %sub3A_308, %scan3A_307 : i32
    %shift_left3A_310 = arith.constant 1 : i32
    %shift_left3A_311 = arith.shli %shift_left3A_310, %sub3A_309 : i32
    %add3A_312 = vector.broadcast %shift_left3A_311 : i32 to vector<4x1xi32>
    %add3A_313 = arith.addi %select_n3A_306, %add3A_312 : vector<4x1xi32>
    %ge3A_314 = vector.broadcast %add3A_313 : vector<4x1xi32> to vector<4x8192xi32>
    %ge3A_315 = arith.cmpi sge, %select_n3A, %ge3A_314 : vector<4x8192xi32>
    %convert_element_type3A_316 = arith.extui %ge3A_315 : vector<4x8192xi1> to vector<4x8192xi32>
    %reduce_sum3A_317 = arith.constant dense<0> : vector<4xi32>
    %reduce_sum3A_318 = vector.multi_reduction <add>, %convert_element_type3A_316, %reduce_sum3A_317 [1] : vector<4x8192xi32> to vector<4xi32>
    %broadcast_in_dim3A_319 = vector.shape_cast %reduce_sum3A_318 : vector<4xi32> to vector<4x1xi32>
    %ge3A_320 = arith.constant 512 : i32
    %ge3A_321 = vector.broadcast %ge3A_320 : i32 to vector<4x1xi32>
    %ge3A_322 = arith.cmpi sge, %broadcast_in_dim3A_319, %ge3A_321 : vector<4x1xi32>
    %select_n3A_323 = arith.select %ge3A_322, %add3A_313, %select_n3A_306 : vector<4x1xi1>, vector<4x1xi32>
    %scan3A_324 = arith.constant 19 : i32
    %sub3A_325 = arith.constant 31 : i32
    %sub3A_326 = arith.subi %sub3A_325, %scan3A_324 : i32
    %shift_left3A_327 = arith.constant 1 : i32
    %shift_left3A_328 = arith.shli %shift_left3A_327, %sub3A_326 : i32
    %add3A_329 = vector.broadcast %shift_left3A_328 : i32 to vector<4x1xi32>
    %add3A_330 = arith.addi %select_n3A_323, %add3A_329 : vector<4x1xi32>
    %ge3A_331 = vector.broadcast %add3A_330 : vector<4x1xi32> to vector<4x8192xi32>
    %ge3A_332 = arith.cmpi sge, %select_n3A, %ge3A_331 : vector<4x8192xi32>
    %convert_element_type3A_333 = arith.extui %ge3A_332 : vector<4x8192xi1> to vector<4x8192xi32>
    %reduce_sum3A_334 = arith.constant dense<0> : vector<4xi32>
    %reduce_sum3A_335 = vector.multi_reduction <add>, %convert_element_type3A_333, %reduce_sum3A_334 [1] : vector<4x8192xi32> to vector<4xi32>
    %broadcast_in_dim3A_336 = vector.shape_cast %reduce_sum3A_335 : vector<4xi32> to vector<4x1xi32>
    %ge3A_337 = arith.constant 512 : i32
    %ge3A_338 = vector.broadcast %ge3A_337 : i32 to vector<4x1xi32>
    %ge3A_339 = arith.cmpi sge, %broadcast_in_dim3A_336, %ge3A_338 : vector<4x1xi32>
    %select_n3A_340 = arith.select %ge3A_339, %add3A_330, %select_n3A_323 : vector<4x1xi1>, vector<4x1xi32>
    %scan3A_341 = arith.constant 20 : i32
    %sub3A_342 = arith.constant 31 : i32
    %sub3A_343 = arith.subi %sub3A_342, %scan3A_341 : i32
    %shift_left3A_344 = arith.constant 1 : i32
    %shift_left3A_345 = arith.shli %shift_left3A_344, %sub3A_343 : i32
    %add3A_346 = vector.broadcast %shift_left3A_345 : i32 to vector<4x1xi32>
    %add3A_347 = arith.addi %select_n3A_340, %add3A_346 : vector<4x1xi32>
    %ge3A_348 = vector.broadcast %add3A_347 : vector<4x1xi32> to vector<4x8192xi32>
    %ge3A_349 = arith.cmpi sge, %select_n3A, %ge3A_348 : vector<4x8192xi32>
    %convert_element_type3A_350 = arith.extui %ge3A_349 : vector<4x8192xi1> to vector<4x8192xi32>
    %reduce_sum3A_351 = arith.constant dense<0> : vector<4xi32>
    %reduce_sum3A_352 = vector.multi_reduction <add>, %convert_element_type3A_350, %reduce_sum3A_351 [1] : vector<4x8192xi32> to vector<4xi32>
    %broadcast_in_dim3A_353 = vector.shape_cast %reduce_sum3A_352 : vector<4xi32> to vector<4x1xi32>
    %ge3A_354 = arith.constant 512 : i32
    %ge3A_355 = vector.broadcast %ge3A_354 : i32 to vector<4x1xi32>
    %ge3A_356 = arith.cmpi sge, %broadcast_in_dim3A_353, %ge3A_355 : vector<4x1xi32>
    %select_n3A_357 = arith.select %ge3A_356, %add3A_347, %select_n3A_340 : vector<4x1xi1>, vector<4x1xi32>
    %scan3A_358 = arith.constant 21 : i32
    %sub3A_359 = arith.constant 31 : i32
    %sub3A_360 = arith.subi %sub3A_359, %scan3A_358 : i32
    %shift_left3A_361 = arith.constant 1 : i32
    %shift_left3A_362 = arith.shli %shift_left3A_361, %sub3A_360 : i32
    %add3A_363 = vector.broadcast %shift_left3A_362 : i32 to vector<4x1xi32>
    %add3A_364 = arith.addi %select_n3A_357, %add3A_363 : vector<4x1xi32>
    %ge3A_365 = vector.broadcast %add3A_364 : vector<4x1xi32> to vector<4x8192xi32>
    %ge3A_366 = arith.cmpi sge, %select_n3A, %ge3A_365 : vector<4x8192xi32>
    %convert_element_type3A_367 = arith.extui %ge3A_366 : vector<4x8192xi1> to vector<4x8192xi32>
    %reduce_sum3A_368 = arith.constant dense<0> : vector<4xi32>
    %reduce_sum3A_369 = vector.multi_reduction <add>, %convert_element_type3A_367, %reduce_sum3A_368 [1] : vector<4x8192xi32> to vector<4xi32>
    %broadcast_in_dim3A_370 = vector.shape_cast %reduce_sum3A_369 : vector<4xi32> to vector<4x1xi32>
    %ge3A_371 = arith.constant 512 : i32
    %ge3A_372 = vector.broadcast %ge3A_371 : i32 to vector<4x1xi32>
    %ge3A_373 = arith.cmpi sge, %broadcast_in_dim3A_370, %ge3A_372 : vector<4x1xi32>
    %select_n3A_374 = arith.select %ge3A_373, %add3A_364, %select_n3A_357 : vector<4x1xi1>, vector<4x1xi32>
    %scan3A_375 = arith.constant 22 : i32
    %sub3A_376 = arith.constant 31 : i32
    %sub3A_377 = arith.subi %sub3A_376, %scan3A_375 : i32
    %shift_left3A_378 = arith.constant 1 : i32
    %shift_left3A_379 = arith.shli %shift_left3A_378, %sub3A_377 : i32
    %add3A_380 = vector.broadcast %shift_left3A_379 : i32 to vector<4x1xi32>
    %add3A_381 = arith.addi %select_n3A_374, %add3A_380 : vector<4x1xi32>
    %ge3A_382 = vector.broadcast %add3A_381 : vector<4x1xi32> to vector<4x8192xi32>
    %ge3A_383 = arith.cmpi sge, %select_n3A, %ge3A_382 : vector<4x8192xi32>
    %convert_element_type3A_384 = arith.extui %ge3A_383 : vector<4x8192xi1> to vector<4x8192xi32>
    %reduce_sum3A_385 = arith.constant dense<0> : vector<4xi32>
    %reduce_sum3A_386 = vector.multi_reduction <add>, %convert_element_type3A_384, %reduce_sum3A_385 [1] : vector<4x8192xi32> to vector<4xi32>
    %broadcast_in_dim3A_387 = vector.shape_cast %reduce_sum3A_386 : vector<4xi32> to vector<4x1xi32>
    %ge3A_388 = arith.constant 512 : i32
    %ge3A_389 = vector.broadcast %ge3A_388 : i32 to vector<4x1xi32>
    %ge3A_390 = arith.cmpi sge, %broadcast_in_dim3A_387, %ge3A_389 : vector<4x1xi32>
    %select_n3A_391 = arith.select %ge3A_390, %add3A_381, %select_n3A_374 : vector<4x1xi1>, vector<4x1xi32>
    %scan3A_392 = arith.constant 23 : i32
    %sub3A_393 = arith.constant 31 : i32
    %sub3A_394 = arith.subi %sub3A_393, %scan3A_392 : i32
    %shift_left3A_395 = arith.constant 1 : i32
    %shift_left3A_396 = arith.shli %shift_left3A_395, %sub3A_394 : i32
    %add3A_397 = vector.broadcast %shift_left3A_396 : i32 to vector<4x1xi32>
    %add3A_398 = arith.addi %select_n3A_391, %add3A_397 : vector<4x1xi32>
    %ge3A_399 = vector.broadcast %add3A_398 : vector<4x1xi32> to vector<4x8192xi32>
    %ge3A_400 = arith.cmpi sge, %select_n3A, %ge3A_399 : vector<4x8192xi32>
    %convert_element_type3A_401 = arith.extui %ge3A_400 : vector<4x8192xi1> to vector<4x8192xi32>
    %reduce_sum3A_402 = arith.constant dense<0> : vector<4xi32>
    %reduce_sum3A_403 = vector.multi_reduction <add>, %convert_element_type3A_401, %reduce_sum3A_402 [1] : vector<4x8192xi32> to vector<4xi32>
    %broadcast_in_dim3A_404 = vector.shape_cast %reduce_sum3A_403 : vector<4xi32> to vector<4x1xi32>
    %ge3A_405 = arith.constant 512 : i32
    %ge3A_406 = vector.broadcast %ge3A_405 : i32 to vector<4x1xi32>
    %ge3A_407 = arith.cmpi sge, %broadcast_in_dim3A_404, %ge3A_406 : vector<4x1xi32>
    %select_n3A_408 = arith.select %ge3A_407, %add3A_398, %select_n3A_391 : vector<4x1xi1>, vector<4x1xi32>
    %scan3A_409 = arith.constant 24 : i32
    %sub3A_410 = arith.constant 31 : i32
    %sub3A_411 = arith.subi %sub3A_410, %scan3A_409 : i32
    %shift_left3A_412 = arith.constant 1 : i32
    %shift_left3A_413 = arith.shli %shift_left3A_412, %sub3A_411 : i32
    %add3A_414 = vector.broadcast %shift_left3A_413 : i32 to vector<4x1xi32>
    %add3A_415 = arith.addi %select_n3A_408, %add3A_414 : vector<4x1xi32>
    %ge3A_416 = vector.broadcast %add3A_415 : vector<4x1xi32> to vector<4x8192xi32>
    %ge3A_417 = arith.cmpi sge, %select_n3A, %ge3A_416 : vector<4x8192xi32>
    %convert_element_type3A_418 = arith.extui %ge3A_417 : vector<4x8192xi1> to vector<4x8192xi32>
    %reduce_sum3A_419 = arith.constant dense<0> : vector<4xi32>
    %reduce_sum3A_420 = vector.multi_reduction <add>, %convert_element_type3A_418, %reduce_sum3A_419 [1] : vector<4x8192xi32> to vector<4xi32>
    %broadcast_in_dim3A_421 = vector.shape_cast %reduce_sum3A_420 : vector<4xi32> to vector<4x1xi32>
    %ge3A_422 = arith.constant 512 : i32
    %ge3A_423 = vector.broadcast %ge3A_422 : i32 to vector<4x1xi32>
    %ge3A_424 = arith.cmpi sge, %broadcast_in_dim3A_421, %ge3A_423 : vector<4x1xi32>
    %select_n3A_425 = arith.select %ge3A_424, %add3A_415, %select_n3A_408 : vector<4x1xi1>, vector<4x1xi32>
    %scan3A_426 = arith.constant 25 : i32
    %sub3A_427 = arith.constant 31 : i32
    %sub3A_428 = arith.subi %sub3A_427, %scan3A_426 : i32
    %shift_left3A_429 = arith.constant 1 : i32
    %shift_left3A_430 = arith.shli %shift_left3A_429, %sub3A_428 : i32
    %add3A_431 = vector.broadcast %shift_left3A_430 : i32 to vector<4x1xi32>
    %add3A_432 = arith.addi %select_n3A_425, %add3A_431 : vector<4x1xi32>
    %ge3A_433 = vector.broadcast %add3A_432 : vector<4x1xi32> to vector<4x8192xi32>
    %ge3A_434 = arith.cmpi sge, %select_n3A, %ge3A_433 : vector<4x8192xi32>
    %convert_element_type3A_435 = arith.extui %ge3A_434 : vector<4x8192xi1> to vector<4x8192xi32>
    %reduce_sum3A_436 = arith.constant dense<0> : vector<4xi32>
    %reduce_sum3A_437 = vector.multi_reduction <add>, %convert_element_type3A_435, %reduce_sum3A_436 [1] : vector<4x8192xi32> to vector<4xi32>
    %broadcast_in_dim3A_438 = vector.shape_cast %reduce_sum3A_437 : vector<4xi32> to vector<4x1xi32>
    %ge3A_439 = arith.constant 512 : i32
    %ge3A_440 = vector.broadcast %ge3A_439 : i32 to vector<4x1xi32>
    %ge3A_441 = arith.cmpi sge, %broadcast_in_dim3A_438, %ge3A_440 : vector<4x1xi32>
    %select_n3A_442 = arith.select %ge3A_441, %add3A_432, %select_n3A_425 : vector<4x1xi1>, vector<4x1xi32>
    %scan3A_443 = arith.constant 26 : i32
    %sub3A_444 = arith.constant 31 : i32
    %sub3A_445 = arith.subi %sub3A_444, %scan3A_443 : i32
    %shift_left3A_446 = arith.constant 1 : i32
    %shift_left3A_447 = arith.shli %shift_left3A_446, %sub3A_445 : i32
    %add3A_448 = vector.broadcast %shift_left3A_447 : i32 to vector<4x1xi32>
    %add3A_449 = arith.addi %select_n3A_442, %add3A_448 : vector<4x1xi32>
    %ge3A_450 = vector.broadcast %add3A_449 : vector<4x1xi32> to vector<4x8192xi32>
    %ge3A_451 = arith.cmpi sge, %select_n3A, %ge3A_450 : vector<4x8192xi32>
    %convert_element_type3A_452 = arith.extui %ge3A_451 : vector<4x8192xi1> to vector<4x8192xi32>
    %reduce_sum3A_453 = arith.constant dense<0> : vector<4xi32>
    %reduce_sum3A_454 = vector.multi_reduction <add>, %convert_element_type3A_452, %reduce_sum3A_453 [1] : vector<4x8192xi32> to vector<4xi32>
    %broadcast_in_dim3A_455 = vector.shape_cast %reduce_sum3A_454 : vector<4xi32> to vector<4x1xi32>
    %ge3A_456 = arith.constant 512 : i32
    %ge3A_457 = vector.broadcast %ge3A_456 : i32 to vector<4x1xi32>
    %ge3A_458 = arith.cmpi sge, %broadcast_in_dim3A_455, %ge3A_457 : vector<4x1xi32>
    %select_n3A_459 = arith.select %ge3A_458, %add3A_449, %select_n3A_442 : vector<4x1xi1>, vector<4x1xi32>
    %scan3A_460 = arith.constant 27 : i32
    %sub3A_461 = arith.constant 31 : i32
    %sub3A_462 = arith.subi %sub3A_461, %scan3A_460 : i32
    %shift_left3A_463 = arith.constant 1 : i32
    %shift_left3A_464 = arith.shli %shift_left3A_463, %sub3A_462 : i32
    %add3A_465 = vector.broadcast %shift_left3A_464 : i32 to vector<4x1xi32>
    %add3A_466 = arith.addi %select_n3A_459, %add3A_465 : vector<4x1xi32>
    %ge3A_467 = vector.broadcast %add3A_466 : vector<4x1xi32> to vector<4x8192xi32>
    %ge3A_468 = arith.cmpi sge, %select_n3A, %ge3A_467 : vector<4x8192xi32>
    %convert_element_type3A_469 = arith.extui %ge3A_468 : vector<4x8192xi1> to vector<4x8192xi32>
    %reduce_sum3A_470 = arith.constant dense<0> : vector<4xi32>
    %reduce_sum3A_471 = vector.multi_reduction <add>, %convert_element_type3A_469, %reduce_sum3A_470 [1] : vector<4x8192xi32> to vector<4xi32>
    %broadcast_in_dim3A_472 = vector.shape_cast %reduce_sum3A_471 : vector<4xi32> to vector<4x1xi32>
    %ge3A_473 = arith.constant 512 : i32
    %ge3A_474 = vector.broadcast %ge3A_473 : i32 to vector<4x1xi32>
    %ge3A_475 = arith.cmpi sge, %broadcast_in_dim3A_472, %ge3A_474 : vector<4x1xi32>
    %select_n3A_476 = arith.select %ge3A_475, %add3A_466, %select_n3A_459 : vector<4x1xi1>, vector<4x1xi32>
    %scan3A_477 = arith.constant 28 : i32
    %sub3A_478 = arith.constant 31 : i32
    %sub3A_479 = arith.subi %sub3A_478, %scan3A_477 : i32
    %shift_left3A_480 = arith.constant 1 : i32
    %shift_left3A_481 = arith.shli %shift_left3A_480, %sub3A_479 : i32
    %add3A_482 = vector.broadcast %shift_left3A_481 : i32 to vector<4x1xi32>
    %add3A_483 = arith.addi %select_n3A_476, %add3A_482 : vector<4x1xi32>
    %ge3A_484 = vector.broadcast %add3A_483 : vector<4x1xi32> to vector<4x8192xi32>
    %ge3A_485 = arith.cmpi sge, %select_n3A, %ge3A_484 : vector<4x8192xi32>
    %convert_element_type3A_486 = arith.extui %ge3A_485 : vector<4x8192xi1> to vector<4x8192xi32>
    %reduce_sum3A_487 = arith.constant dense<0> : vector<4xi32>
    %reduce_sum3A_488 = vector.multi_reduction <add>, %convert_element_type3A_486, %reduce_sum3A_487 [1] : vector<4x8192xi32> to vector<4xi32>
    %broadcast_in_dim3A_489 = vector.shape_cast %reduce_sum3A_488 : vector<4xi32> to vector<4x1xi32>
    %ge3A_490 = arith.constant 512 : i32
    %ge3A_491 = vector.broadcast %ge3A_490 : i32 to vector<4x1xi32>
    %ge3A_492 = arith.cmpi sge, %broadcast_in_dim3A_489, %ge3A_491 : vector<4x1xi32>
    %select_n3A_493 = arith.select %ge3A_492, %add3A_483, %select_n3A_476 : vector<4x1xi1>, vector<4x1xi32>
    %scan3A_494 = arith.constant 29 : i32
    %sub3A_495 = arith.constant 31 : i32
    %sub3A_496 = arith.subi %sub3A_495, %scan3A_494 : i32
    %shift_left3A_497 = arith.constant 1 : i32
    %shift_left3A_498 = arith.shli %shift_left3A_497, %sub3A_496 : i32
    %add3A_499 = vector.broadcast %shift_left3A_498 : i32 to vector<4x1xi32>
    %add3A_500 = arith.addi %select_n3A_493, %add3A_499 : vector<4x1xi32>
    %ge3A_501 = vector.broadcast %add3A_500 : vector<4x1xi32> to vector<4x8192xi32>
    %ge3A_502 = arith.cmpi sge, %select_n3A, %ge3A_501 : vector<4x8192xi32>
    %convert_element_type3A_503 = arith.extui %ge3A_502 : vector<4x8192xi1> to vector<4x8192xi32>
    %reduce_sum3A_504 = arith.constant dense<0> : vector<4xi32>
    %reduce_sum3A_505 = vector.multi_reduction <add>, %convert_element_type3A_503, %reduce_sum3A_504 [1] : vector<4x8192xi32> to vector<4xi32>
    %broadcast_in_dim3A_506 = vector.shape_cast %reduce_sum3A_505 : vector<4xi32> to vector<4x1xi32>
    %ge3A_507 = arith.constant 512 : i32
    %ge3A_508 = vector.broadcast %ge3A_507 : i32 to vector<4x1xi32>
    %ge3A_509 = arith.cmpi sge, %broadcast_in_dim3A_506, %ge3A_508 : vector<4x1xi32>
    %select_n3A_510 = arith.select %ge3A_509, %add3A_500, %select_n3A_493 : vector<4x1xi1>, vector<4x1xi32>
    %scan3A_511 = arith.constant 30 : i32
    %sub3A_512 = arith.constant 31 : i32
    %sub3A_513 = arith.subi %sub3A_512, %scan3A_511 : i32
    %shift_left3A_514 = arith.constant 1 : i32
    %shift_left3A_515 = arith.shli %shift_left3A_514, %sub3A_513 : i32
    %add3A_516 = vector.broadcast %shift_left3A_515 : i32 to vector<4x1xi32>
    %add3A_517 = arith.addi %select_n3A_510, %add3A_516 : vector<4x1xi32>
    %ge3A_518 = vector.broadcast %add3A_517 : vector<4x1xi32> to vector<4x8192xi32>
    %ge3A_519 = arith.cmpi sge, %select_n3A, %ge3A_518 : vector<4x8192xi32>
    %convert_element_type3A_520 = arith.extui %ge3A_519 : vector<4x8192xi1> to vector<4x8192xi32>
    %reduce_sum3A_521 = arith.constant dense<0> : vector<4xi32>
    %reduce_sum3A_522 = vector.multi_reduction <add>, %convert_element_type3A_520, %reduce_sum3A_521 [1] : vector<4x8192xi32> to vector<4xi32>
    %broadcast_in_dim3A_523 = vector.shape_cast %reduce_sum3A_522 : vector<4xi32> to vector<4x1xi32>
    %ge3A_524 = arith.constant 512 : i32
    %ge3A_525 = vector.broadcast %ge3A_524 : i32 to vector<4x1xi32>
    %ge3A_526 = arith.cmpi sge, %broadcast_in_dim3A_523, %ge3A_525 : vector<4x1xi32>
    %select_n3A_527 = arith.select %ge3A_526, %add3A_517, %select_n3A_510 : vector<4x1xi1>, vector<4x1xi32>
    %scan3A_528 = arith.constant 31 : i32
    %sub3A_529 = arith.constant 31 : i32
    %sub3A_530 = arith.subi %sub3A_529, %scan3A_528 : i32
    %shift_left3A_531 = arith.constant 1 : i32
    %shift_left3A_532 = arith.shli %shift_left3A_531, %sub3A_530 : i32
    %add3A_533 = vector.broadcast %shift_left3A_532 : i32 to vector<4x1xi32>
    %add3A_534 = arith.addi %select_n3A_527, %add3A_533 : vector<4x1xi32>
    %ge3A_535 = vector.broadcast %add3A_534 : vector<4x1xi32> to vector<4x8192xi32>
    %ge3A_536 = arith.cmpi sge, %select_n3A, %ge3A_535 : vector<4x8192xi32>
    %convert_element_type3A_537 = arith.extui %ge3A_536 : vector<4x8192xi1> to vector<4x8192xi32>
    %reduce_sum3A_538 = arith.constant dense<0> : vector<4xi32>
    %reduce_sum3A_539 = vector.multi_reduction <add>, %convert_element_type3A_537, %reduce_sum3A_538 [1] : vector<4x8192xi32> to vector<4xi32>
    %broadcast_in_dim3A_540 = vector.shape_cast %reduce_sum3A_539 : vector<4xi32> to vector<4x1xi32>
    %ge3A_541 = arith.constant 512 : i32
    %ge3A_542 = vector.broadcast %ge3A_541 : i32 to vector<4x1xi32>
    %ge3A_543 = arith.cmpi sge, %broadcast_in_dim3A_540, %ge3A_542 : vector<4x1xi32>
    %select_n3A_544 = arith.select %ge3A_543, %add3A_534, %select_n3A_527 : vector<4x1xi1>, vector<4x1xi32>
    %scan3A_545 = arith.constant 32 : i32
    %gt3A = vector.broadcast %select_n3A_544 : vector<4x1xi32> to vector<4x8192xi32>
    %gt3A_546 = arith.cmpi sgt, %select_n3A, %gt3A : vector<4x8192xi32>
    %convert_element_type3A_547 = arith.extui %gt3A_546 : vector<4x8192xi1> to vector<4x8192xi32>
    %reduce_sum3A_548 = arith.constant dense<0> : vector<4xi32>
    %reduce_sum3A_549 = vector.multi_reduction <add>, %convert_element_type3A_547, %reduce_sum3A_548 [1] : vector<4x8192xi32> to vector<4xi32>
    %broadcast_in_dim3A_550 = vector.shape_cast %reduce_sum3A_549 : vector<4xi32> to vector<4x1xi32>
    %sub3A_551 = arith.constant 512 : i32
    %sub3A_552 = vector.broadcast %sub3A_551 : i32 to vector<4x1xi32>
    %sub3A_553 = arith.subi %sub3A_552, %broadcast_in_dim3A_550 : vector<4x1xi32>
    %iota3A = tpu.iota {dimensions = array<i32: 1>} : vector<4x8192xi32>
    %eq3A = vector.broadcast %select_n3A_544 : vector<4x1xi32> to vector<4x8192xi32>
    %eq3A_554 = arith.cmpi eq, %select_n3A, %eq3A : vector<4x8192xi32>
    %broadcast_in_dim3A_555 = arith.constant 0 : i32
    %broadcast_in_dim3A_556 = vector.broadcast %broadcast_in_dim3A_555 : i32 to vector<4x1xi32>
    %scan3A_557 = arith.constant 0 : i32
    %sub3A_558 = arith.constant 13 : i32
    %sub3A_559 = arith.subi %sub3A_558, %scan3A_557 : i32
    %shift_left3A_560 = arith.constant 1 : i32
    %shift_left3A_561 = arith.shli %shift_left3A_560, %sub3A_559 : i32
    %add3A_562 = vector.broadcast %shift_left3A_561 : i32 to vector<4x1xi32>
    %add3A_563 = arith.addi %broadcast_in_dim3A_556, %add3A_562 : vector<4x1xi32>
    %lt3A_564 = vector.broadcast %add3A_563 : vector<4x1xi32> to vector<4x8192xi32>
    %lt3A_565 = arith.cmpi slt, %iota3A, %lt3A_564 : vector<4x8192xi32>
    %and3A = arith.andi %eq3A_554, %lt3A_565 : vector<4x8192xi1>
    %convert_element_type3A_566 = arith.extui %and3A : vector<4x8192xi1> to vector<4x8192xi32>
    %reduce_sum3A_567 = arith.constant dense<0> : vector<4xi32>
    %reduce_sum3A_568 = vector.multi_reduction <add>, %convert_element_type3A_566, %reduce_sum3A_567 [1] : vector<4x8192xi32> to vector<4xi32>
    %broadcast_in_dim3A_569 = vector.shape_cast %reduce_sum3A_568 : vector<4xi32> to vector<4x1xi32>
    %le3A = arith.cmpi sle, %broadcast_in_dim3A_569, %sub3A_553 : vector<4x1xi32>
    %select_n3A_570 = arith.select %le3A, %add3A_563, %broadcast_in_dim3A_556 : vector<4x1xi1>, vector<4x1xi32>
    %scan3A_571 = arith.constant 1 : i32
    %sub3A_572 = arith.constant 13 : i32
    %sub3A_573 = arith.subi %sub3A_572, %scan3A_571 : i32
    %shift_left3A_574 = arith.constant 1 : i32
    %shift_left3A_575 = arith.shli %shift_left3A_574, %sub3A_573 : i32
    %add3A_576 = vector.broadcast %shift_left3A_575 : i32 to vector<4x1xi32>
    %add3A_577 = arith.addi %select_n3A_570, %add3A_576 : vector<4x1xi32>
    %lt3A_578 = vector.broadcast %add3A_577 : vector<4x1xi32> to vector<4x8192xi32>
    %lt3A_579 = arith.cmpi slt, %iota3A, %lt3A_578 : vector<4x8192xi32>
    %and3A_580 = arith.andi %eq3A_554, %lt3A_579 : vector<4x8192xi1>
    %convert_element_type3A_581 = arith.extui %and3A_580 : vector<4x8192xi1> to vector<4x8192xi32>
    %reduce_sum3A_582 = arith.constant dense<0> : vector<4xi32>
    %reduce_sum3A_583 = vector.multi_reduction <add>, %convert_element_type3A_581, %reduce_sum3A_582 [1] : vector<4x8192xi32> to vector<4xi32>
    %broadcast_in_dim3A_584 = vector.shape_cast %reduce_sum3A_583 : vector<4xi32> to vector<4x1xi32>
    %le3A_585 = arith.cmpi sle, %broadcast_in_dim3A_584, %sub3A_553 : vector<4x1xi32>
    %select_n3A_586 = arith.select %le3A_585, %add3A_577, %select_n3A_570 : vector<4x1xi1>, vector<4x1xi32>
    %scan3A_587 = arith.constant 2 : i32
    %sub3A_588 = arith.constant 13 : i32
    %sub3A_589 = arith.subi %sub3A_588, %scan3A_587 : i32
    %shift_left3A_590 = arith.constant 1 : i32
    %shift_left3A_591 = arith.shli %shift_left3A_590, %sub3A_589 : i32
    %add3A_592 = vector.broadcast %shift_left3A_591 : i32 to vector<4x1xi32>
    %add3A_593 = arith.addi %select_n3A_586, %add3A_592 : vector<4x1xi32>
    %lt3A_594 = vector.broadcast %add3A_593 : vector<4x1xi32> to vector<4x8192xi32>
    %lt3A_595 = arith.cmpi slt, %iota3A, %lt3A_594 : vector<4x8192xi32>
    %and3A_596 = arith.andi %eq3A_554, %lt3A_595 : vector<4x8192xi1>
    %convert_element_type3A_597 = arith.extui %and3A_596 : vector<4x8192xi1> to vector<4x8192xi32>
    %reduce_sum3A_598 = arith.constant dense<0> : vector<4xi32>
    %reduce_sum3A_599 = vector.multi_reduction <add>, %convert_element_type3A_597, %reduce_sum3A_598 [1] : vector<4x8192xi32> to vector<4xi32>
    %broadcast_in_dim3A_600 = vector.shape_cast %reduce_sum3A_599 : vector<4xi32> to vector<4x1xi32>
    %le3A_601 = arith.cmpi sle, %broadcast_in_dim3A_600, %sub3A_553 : vector<4x1xi32>
    %select_n3A_602 = arith.select %le3A_601, %add3A_593, %select_n3A_586 : vector<4x1xi1>, vector<4x1xi32>
    %scan3A_603 = arith.constant 3 : i32
    %sub3A_604 = arith.constant 13 : i32
    %sub3A_605 = arith.subi %sub3A_604, %scan3A_603 : i32
    %shift_left3A_606 = arith.constant 1 : i32
    %shift_left3A_607 = arith.shli %shift_left3A_606, %sub3A_605 : i32
    %add3A_608 = vector.broadcast %shift_left3A_607 : i32 to vector<4x1xi32>
    %add3A_609 = arith.addi %select_n3A_602, %add3A_608 : vector<4x1xi32>
    %lt3A_610 = vector.broadcast %add3A_609 : vector<4x1xi32> to vector<4x8192xi32>
    %lt3A_611 = arith.cmpi slt, %iota3A, %lt3A_610 : vector<4x8192xi32>
    %and3A_612 = arith.andi %eq3A_554, %lt3A_611 : vector<4x8192xi1>
    %convert_element_type3A_613 = arith.extui %and3A_612 : vector<4x8192xi1> to vector<4x8192xi32>
    %reduce_sum3A_614 = arith.constant dense<0> : vector<4xi32>
    %reduce_sum3A_615 = vector.multi_reduction <add>, %convert_element_type3A_613, %reduce_sum3A_614 [1] : vector<4x8192xi32> to vector<4xi32>
    %broadcast_in_dim3A_616 = vector.shape_cast %reduce_sum3A_615 : vector<4xi32> to vector<4x1xi32>
    %le3A_617 = arith.cmpi sle, %broadcast_in_dim3A_616, %sub3A_553 : vector<4x1xi32>
    %select_n3A_618 = arith.select %le3A_617, %add3A_609, %select_n3A_602 : vector<4x1xi1>, vector<4x1xi32>
    %scan3A_619 = arith.constant 4 : i32
    %sub3A_620 = arith.constant 13 : i32
    %sub3A_621 = arith.subi %sub3A_620, %scan3A_619 : i32
    %shift_left3A_622 = arith.constant 1 : i32
    %shift_left3A_623 = arith.shli %shift_left3A_622, %sub3A_621 : i32
    %add3A_624 = vector.broadcast %shift_left3A_623 : i32 to vector<4x1xi32>
    %add3A_625 = arith.addi %select_n3A_618, %add3A_624 : vector<4x1xi32>
    %lt3A_626 = vector.broadcast %add3A_625 : vector<4x1xi32> to vector<4x8192xi32>
    %lt3A_627 = arith.cmpi slt, %iota3A, %lt3A_626 : vector<4x8192xi32>
    %and3A_628 = arith.andi %eq3A_554, %lt3A_627 : vector<4x8192xi1>
    %convert_element_type3A_629 = arith.extui %and3A_628 : vector<4x8192xi1> to vector<4x8192xi32>
    %reduce_sum3A_630 = arith.constant dense<0> : vector<4xi32>
    %reduce_sum3A_631 = vector.multi_reduction <add>, %convert_element_type3A_629, %reduce_sum3A_630 [1] : vector<4x8192xi32> to vector<4xi32>
    %broadcast_in_dim3A_632 = vector.shape_cast %reduce_sum3A_631 : vector<4xi32> to vector<4x1xi32>
    %le3A_633 = arith.cmpi sle, %broadcast_in_dim3A_632, %sub3A_553 : vector<4x1xi32>
    %select_n3A_634 = arith.select %le3A_633, %add3A_625, %select_n3A_618 : vector<4x1xi1>, vector<4x1xi32>
    %scan3A_635 = arith.constant 5 : i32
    %sub3A_636 = arith.constant 13 : i32
    %sub3A_637 = arith.subi %sub3A_636, %scan3A_635 : i32
    %shift_left3A_638 = arith.constant 1 : i32
    %shift_left3A_639 = arith.shli %shift_left3A_638, %sub3A_637 : i32
    %add3A_640 = vector.broadcast %shift_left3A_639 : i32 to vector<4x1xi32>
    %add3A_641 = arith.addi %select_n3A_634, %add3A_640 : vector<4x1xi32>
    %lt3A_642 = vector.broadcast %add3A_641 : vector<4x1xi32> to vector<4x8192xi32>
    %lt3A_643 = arith.cmpi slt, %iota3A, %lt3A_642 : vector<4x8192xi32>
    %and3A_644 = arith.andi %eq3A_554, %lt3A_643 : vector<4x8192xi1>
    %convert_element_type3A_645 = arith.extui %and3A_644 : vector<4x8192xi1> to vector<4x8192xi32>
    %reduce_sum3A_646 = arith.constant dense<0> : vector<4xi32>
    %reduce_sum3A_647 = vector.multi_reduction <add>, %convert_element_type3A_645, %reduce_sum3A_646 [1] : vector<4x8192xi32> to vector<4xi32>
    %broadcast_in_dim3A_648 = vector.shape_cast %reduce_sum3A_647 : vector<4xi32> to vector<4x1xi32>
    %le3A_649 = arith.cmpi sle, %broadcast_in_dim3A_648, %sub3A_553 : vector<4x1xi32>
    %select_n3A_650 = arith.select %le3A_649, %add3A_641, %select_n3A_634 : vector<4x1xi1>, vector<4x1xi32>
    %scan3A_651 = arith.constant 6 : i32
    %sub3A_652 = arith.constant 13 : i32
    %sub3A_653 = arith.subi %sub3A_652, %scan3A_651 : i32
    %shift_left3A_654 = arith.constant 1 : i32
    %shift_left3A_655 = arith.shli %shift_left3A_654, %sub3A_653 : i32
    %add3A_656 = vector.broadcast %shift_left3A_655 : i32 to vector<4x1xi32>
    %add3A_657 = arith.addi %select_n3A_650, %add3A_656 : vector<4x1xi32>
    %lt3A_658 = vector.broadcast %add3A_657 : vector<4x1xi32> to vector<4x8192xi32>
    %lt3A_659 = arith.cmpi slt, %iota3A, %lt3A_658 : vector<4x8192xi32>
    %and3A_660 = arith.andi %eq3A_554, %lt3A_659 : vector<4x8192xi1>
    %convert_element_type3A_661 = arith.extui %and3A_660 : vector<4x8192xi1> to vector<4x8192xi32>
    %reduce_sum3A_662 = arith.constant dense<0> : vector<4xi32>
    %reduce_sum3A_663 = vector.multi_reduction <add>, %convert_element_type3A_661, %reduce_sum3A_662 [1] : vector<4x8192xi32> to vector<4xi32>
    %broadcast_in_dim3A_664 = vector.shape_cast %reduce_sum3A_663 : vector<4xi32> to vector<4x1xi32>
    %le3A_665 = arith.cmpi sle, %broadcast_in_dim3A_664, %sub3A_553 : vector<4x1xi32>
    %select_n3A_666 = arith.select %le3A_665, %add3A_657, %select_n3A_650 : vector<4x1xi1>, vector<4x1xi32>
    %scan3A_667 = arith.constant 7 : i32
    %sub3A_668 = arith.constant 13 : i32
    %sub3A_669 = arith.subi %sub3A_668, %scan3A_667 : i32
    %shift_left3A_670 = arith.constant 1 : i32
    %shift_left3A_671 = arith.shli %shift_left3A_670, %sub3A_669 : i32
    %add3A_672 = vector.broadcast %shift_left3A_671 : i32 to vector<4x1xi32>
    %add3A_673 = arith.addi %select_n3A_666, %add3A_672 : vector<4x1xi32>
    %lt3A_674 = vector.broadcast %add3A_673 : vector<4x1xi32> to vector<4x8192xi32>
    %lt3A_675 = arith.cmpi slt, %iota3A, %lt3A_674 : vector<4x8192xi32>
    %and3A_676 = arith.andi %eq3A_554, %lt3A_675 : vector<4x8192xi1>
    %convert_element_type3A_677 = arith.extui %and3A_676 : vector<4x8192xi1> to vector<4x8192xi32>
    %reduce_sum3A_678 = arith.constant dense<0> : vector<4xi32>
    %reduce_sum3A_679 = vector.multi_reduction <add>, %convert_element_type3A_677, %reduce_sum3A_678 [1] : vector<4x8192xi32> to vector<4xi32>
    %broadcast_in_dim3A_680 = vector.shape_cast %reduce_sum3A_679 : vector<4xi32> to vector<4x1xi32>
    %le3A_681 = arith.cmpi sle, %broadcast_in_dim3A_680, %sub3A_553 : vector<4x1xi32>
    %select_n3A_682 = arith.select %le3A_681, %add3A_673, %select_n3A_666 : vector<4x1xi1>, vector<4x1xi32>
    %scan3A_683 = arith.constant 8 : i32
    %sub3A_684 = arith.constant 13 : i32
    %sub3A_685 = arith.subi %sub3A_684, %scan3A_683 : i32
    %shift_left3A_686 = arith.constant 1 : i32
    %shift_left3A_687 = arith.shli %shift_left3A_686, %sub3A_685 : i32
    %add3A_688 = vector.broadcast %shift_left3A_687 : i32 to vector<4x1xi32>
    %add3A_689 = arith.addi %select_n3A_682, %add3A_688 : vector<4x1xi32>
    %lt3A_690 = vector.broadcast %add3A_689 : vector<4x1xi32> to vector<4x8192xi32>
    %lt3A_691 = arith.cmpi slt, %iota3A, %lt3A_690 : vector<4x8192xi32>
    %and3A_692 = arith.andi %eq3A_554, %lt3A_691 : vector<4x8192xi1>
    %convert_element_type3A_693 = arith.extui %and3A_692 : vector<4x8192xi1> to vector<4x8192xi32>
    %reduce_sum3A_694 = arith.constant dense<0> : vector<4xi32>
    %reduce_sum3A_695 = vector.multi_reduction <add>, %convert_element_type3A_693, %reduce_sum3A_694 [1] : vector<4x8192xi32> to vector<4xi32>
    %broadcast_in_dim3A_696 = vector.shape_cast %reduce_sum3A_695 : vector<4xi32> to vector<4x1xi32>
    %le3A_697 = arith.cmpi sle, %broadcast_in_dim3A_696, %sub3A_553 : vector<4x1xi32>
    %select_n3A_698 = arith.select %le3A_697, %add3A_689, %select_n3A_682 : vector<4x1xi1>, vector<4x1xi32>
    %scan3A_699 = arith.constant 9 : i32
    %sub3A_700 = arith.constant 13 : i32
    %sub3A_701 = arith.subi %sub3A_700, %scan3A_699 : i32
    %shift_left3A_702 = arith.constant 1 : i32
    %shift_left3A_703 = arith.shli %shift_left3A_702, %sub3A_701 : i32
    %add3A_704 = vector.broadcast %shift_left3A_703 : i32 to vector<4x1xi32>
    %add3A_705 = arith.addi %select_n3A_698, %add3A_704 : vector<4x1xi32>
    %lt3A_706 = vector.broadcast %add3A_705 : vector<4x1xi32> to vector<4x8192xi32>
    %lt3A_707 = arith.cmpi slt, %iota3A, %lt3A_706 : vector<4x8192xi32>
    %and3A_708 = arith.andi %eq3A_554, %lt3A_707 : vector<4x8192xi1>
    %convert_element_type3A_709 = arith.extui %and3A_708 : vector<4x8192xi1> to vector<4x8192xi32>
    %reduce_sum3A_710 = arith.constant dense<0> : vector<4xi32>
    %reduce_sum3A_711 = vector.multi_reduction <add>, %convert_element_type3A_709, %reduce_sum3A_710 [1] : vector<4x8192xi32> to vector<4xi32>
    %broadcast_in_dim3A_712 = vector.shape_cast %reduce_sum3A_711 : vector<4xi32> to vector<4x1xi32>
    %le3A_713 = arith.cmpi sle, %broadcast_in_dim3A_712, %sub3A_553 : vector<4x1xi32>
    %select_n3A_714 = arith.select %le3A_713, %add3A_705, %select_n3A_698 : vector<4x1xi1>, vector<4x1xi32>
    %scan3A_715 = arith.constant 10 : i32
    %sub3A_716 = arith.constant 13 : i32
    %sub3A_717 = arith.subi %sub3A_716, %scan3A_715 : i32
    %shift_left3A_718 = arith.constant 1 : i32
    %shift_left3A_719 = arith.shli %shift_left3A_718, %sub3A_717 : i32
    %add3A_720 = vector.broadcast %shift_left3A_719 : i32 to vector<4x1xi32>
    %add3A_721 = arith.addi %select_n3A_714, %add3A_720 : vector<4x1xi32>
    %lt3A_722 = vector.broadcast %add3A_721 : vector<4x1xi32> to vector<4x8192xi32>
    %lt3A_723 = arith.cmpi slt, %iota3A, %lt3A_722 : vector<4x8192xi32>
    %and3A_724 = arith.andi %eq3A_554, %lt3A_723 : vector<4x8192xi1>
    %convert_element_type3A_725 = arith.extui %and3A_724 : vector<4x8192xi1> to vector<4x8192xi32>
    %reduce_sum3A_726 = arith.constant dense<0> : vector<4xi32>
    %reduce_sum3A_727 = vector.multi_reduction <add>, %convert_element_type3A_725, %reduce_sum3A_726 [1] : vector<4x8192xi32> to vector<4xi32>
    %broadcast_in_dim3A_728 = vector.shape_cast %reduce_sum3A_727 : vector<4xi32> to vector<4x1xi32>
    %le3A_729 = arith.cmpi sle, %broadcast_in_dim3A_728, %sub3A_553 : vector<4x1xi32>
    %select_n3A_730 = arith.select %le3A_729, %add3A_721, %select_n3A_714 : vector<4x1xi1>, vector<4x1xi32>
    %scan3A_731 = arith.constant 11 : i32
    %sub3A_732 = arith.constant 13 : i32
    %sub3A_733 = arith.subi %sub3A_732, %scan3A_731 : i32
    %shift_left3A_734 = arith.constant 1 : i32
    %shift_left3A_735 = arith.shli %shift_left3A_734, %sub3A_733 : i32
    %add3A_736 = vector.broadcast %shift_left3A_735 : i32 to vector<4x1xi32>
    %add3A_737 = arith.addi %select_n3A_730, %add3A_736 : vector<4x1xi32>
    %lt3A_738 = vector.broadcast %add3A_737 : vector<4x1xi32> to vector<4x8192xi32>
    %lt3A_739 = arith.cmpi slt, %iota3A, %lt3A_738 : vector<4x8192xi32>
    %and3A_740 = arith.andi %eq3A_554, %lt3A_739 : vector<4x8192xi1>
    %convert_element_type3A_741 = arith.extui %and3A_740 : vector<4x8192xi1> to vector<4x8192xi32>
    %reduce_sum3A_742 = arith.constant dense<0> : vector<4xi32>
    %reduce_sum3A_743 = vector.multi_reduction <add>, %convert_element_type3A_741, %reduce_sum3A_742 [1] : vector<4x8192xi32> to vector<4xi32>
    %broadcast_in_dim3A_744 = vector.shape_cast %reduce_sum3A_743 : vector<4xi32> to vector<4x1xi32>
    %le3A_745 = arith.cmpi sle, %broadcast_in_dim3A_744, %sub3A_553 : vector<4x1xi32>
    %select_n3A_746 = arith.select %le3A_745, %add3A_737, %select_n3A_730 : vector<4x1xi1>, vector<4x1xi32>
    %scan3A_747 = arith.constant 12 : i32
    %sub3A_748 = arith.constant 13 : i32
    %sub3A_749 = arith.subi %sub3A_748, %scan3A_747 : i32
    %shift_left3A_750 = arith.constant 1 : i32
    %shift_left3A_751 = arith.shli %shift_left3A_750, %sub3A_749 : i32
    %add3A_752 = vector.broadcast %shift_left3A_751 : i32 to vector<4x1xi32>
    %add3A_753 = arith.addi %select_n3A_746, %add3A_752 : vector<4x1xi32>
    %lt3A_754 = vector.broadcast %add3A_753 : vector<4x1xi32> to vector<4x8192xi32>
    %lt3A_755 = arith.cmpi slt, %iota3A, %lt3A_754 : vector<4x8192xi32>
    %and3A_756 = arith.andi %eq3A_554, %lt3A_755 : vector<4x8192xi1>
    %convert_element_type3A_757 = arith.extui %and3A_756 : vector<4x8192xi1> to vector<4x8192xi32>
    %reduce_sum3A_758 = arith.constant dense<0> : vector<4xi32>
    %reduce_sum3A_759 = vector.multi_reduction <add>, %convert_element_type3A_757, %reduce_sum3A_758 [1] : vector<4x8192xi32> to vector<4xi32>
    %broadcast_in_dim3A_760 = vector.shape_cast %reduce_sum3A_759 : vector<4xi32> to vector<4x1xi32>
    %le3A_761 = arith.cmpi sle, %broadcast_in_dim3A_760, %sub3A_553 : vector<4x1xi32>
    %select_n3A_762 = arith.select %le3A_761, %add3A_753, %select_n3A_746 : vector<4x1xi1>, vector<4x1xi32>
    %scan3A_763 = arith.constant 13 : i32
    %sub3A_764 = arith.constant 13 : i32
    %sub3A_765 = arith.subi %sub3A_764, %scan3A_763 : i32
    %shift_left3A_766 = arith.constant 1 : i32
    %shift_left3A_767 = arith.shli %shift_left3A_766, %sub3A_765 : i32
    %add3A_768 = vector.broadcast %shift_left3A_767 : i32 to vector<4x1xi32>
    %add3A_769 = arith.addi %select_n3A_762, %add3A_768 : vector<4x1xi32>
    %lt3A_770 = vector.broadcast %add3A_769 : vector<4x1xi32> to vector<4x8192xi32>
    %lt3A_771 = arith.cmpi slt, %iota3A, %lt3A_770 : vector<4x8192xi32>
    %and3A_772 = arith.andi %eq3A_554, %lt3A_771 : vector<4x8192xi1>
    %convert_element_type3A_773 = arith.extui %and3A_772 : vector<4x8192xi1> to vector<4x8192xi32>
    %reduce_sum3A_774 = arith.constant dense<0> : vector<4xi32>
    %reduce_sum3A_775 = vector.multi_reduction <add>, %convert_element_type3A_773, %reduce_sum3A_774 [1] : vector<4x8192xi32> to vector<4xi32>
    %broadcast_in_dim3A_776 = vector.shape_cast %reduce_sum3A_775 : vector<4xi32> to vector<4x1xi32>
    %le3A_777 = arith.cmpi sle, %broadcast_in_dim3A_776, %sub3A_553 : vector<4x1xi32>
    %select_n3A_778 = arith.select %le3A_777, %add3A_769, %select_n3A_762 : vector<4x1xi1>, vector<4x1xi32>
    %scan3A_779 = arith.constant 14 : i32
    %get3A_780 = arith.constant 0 : index
    %get3A_781 = arith.constant 0 : index
    %get3A_782 = vector.load %arg1[%get3A_780, %get3A_781] : memref<4x768xbf16, #tpu.memory_space<vmem>>, vector<4x768xbf16>
    %get3A_783 = arith.constant 0 : index
    %get3A_784 = arith.constant 0 : index
    %get3A_785 = vector.load %arg2[%get3A_783, %get3A_784] : memref<768x768xf32, #tpu.memory_space<vmem>>, vector<768x768xf32>
    %convert_element_type3A_786 = arith.truncf %get3A_785 : vector<768x768xf32> to vector<768x768xbf16>
    %dot_general3A = arith.constant dense<0.000000e+00> : vector<4x768xf32>
    %dot_general3A_787 = tpu.matmul %get3A_782, %convert_element_type3A_786, %dot_general3A {dimension_numbers = #tpu.dot_dimension_numbers<[1], [0], [0], [1], [0, 0, 1, 1], [], []>, transpose_lhs_hint = false} : vector<4x768xbf16>, vector<768x768xbf16>, vector<4x768xf32> -> vector<4x768xf32>
    %get3A_788 = arith.constant 0 : index
    %get3A_789 = vector.load %arg3[%get3A_788] : memref<768xf32, #tpu.memory_space<vmem>>, vector<768xf32>
    %broadcast_in_dim3A_790 = vector.shape_cast %get3A_789 : vector<768xf32> to vector<1x768xf32>
    %add3A_791 = vector.broadcast %broadcast_in_dim3A_790 : vector<1x768xf32> to vector<4x768xf32>
    %add3A_792 = arith.addf %dot_general3A_787, %add3A_791 : vector<4x768xf32>
    %swap3A = arith.constant 0 : index
    %swap3A_793 = arith.constant 0 : index
    %swap3A_794 = vector.load %arg4[%swap3A, %swap3A_793] : memref<4x768xf32, #tpu.memory_space<vmem>>, vector<4x768xf32>
    tpu.vector_store %arg4[%swap3A, %swap3A_793], %add3A_792 {strides = array<i32>} : memref<4x768xf32, #tpu.memory_space<vmem>>, vector<4x768xf32>,
    %broadcast_in_dim3A_795 = vector.shape_cast %select_n3A_544 : vector<4x1xi32> to vector<4x1xi32>
    %broadcast_in_dim3A_796 = vector.broadcast %broadcast_in_dim3A_795 : vector<4x1xi32> to vector<4x128xi32>
    %swap3A_797 = arith.constant 0 : index
    %swap3A_798 = arith.constant 0 : index
    %swap3A_799 = vector.load %arg5[%swap3A_797, %swap3A_798] : memref<4x128xi32, #tpu.memory_space<vmem>>, vector<4x128xi32>
    tpu.vector_store %arg5[%swap3A_797, %swap3A_798], %broadcast_in_dim3A_796 {strides = array<i32>} : memref<4x128xi32, #tpu.memory_space<vmem>>, vector<4x128xi32>,
    %broadcast_in_dim3A_800 = vector.shape_cast %select_n3A_778 : vector<4x1xi32> to vector<4x1xi32>
    %broadcast_in_dim3A_801 = vector.broadcast %broadcast_in_dim3A_800 : vector<4x1xi32> to vector<4x128xi32>
    %swap3A_802 = arith.constant 0 : index
    %swap3A_803 = arith.constant 0 : index
    %swap3A_804 = vector.load %arg6[%swap3A_802, %swap3A_803] : memref<4x128xi32, #tpu.memory_space<vmem>>, vector<4x128xi32>
    tpu.vector_store %arg6[%swap3A_802, %swap3A_803], %broadcast_in_dim3A_801 {strides = array<i32>} : memref<4x128xi32, #tpu.memory_space<vmem>>, vector<4x128xi32>,
    return
  }
}

</mosaic_0001>

<sc_bundles>
// kernel: kernel.13.cloned.1.call-start
scs
__scs_entry_jumppad:
0x0: {  	(pc) =	sbr.rel $0x88, $3  }
0x1: {  	(tag) =	ssettag $0x0;
	lr =	simm.s32 $0x1  }
0x2: {  	[smem:$0x3F93] =	sst lr;
	_ =	strace $0xD0000000  }
0x3: {  	_ = 	snop  }
0x4: {  	_ = 	snop  }
0x5: {  	_ = 	snop  }
0x6: {  	_ = 	snop  }
0x7: {  	_ = 	snop  }
__scs_overlays_trampoline_lowered:
0x8: {  	[smem:$0x3FA2] =	sst s0  }
0x9: {  	[smem:$0x3FA3] =	sst s1  }
0xa: {  	[smem:$0x3FA4] =	sst s2  }
0xb: {  	[smem:$0x3FA5] =	sst s3  }
0xc: {  	[smem:$0x3FA6] =	sst s4  }
0xd: {  	[smem:$0x3FA7] =	sst s5  }
0xe: {  	[smem:$0x3FA8] =	sst s6  }
0xf: {  	[smem:$0x3FA9] =	sst s7  }
0x10: {  	[smem:$0x3FAA] =	sst s8  }
0x11: {  	[smem:$0x3FAB] =	sst s9;
	s0 =	simm.s32 @!p0 $0x0  }
0x12: {  	s1 =	sld [smem:$0x3F91];
	s0 =	simm.s32 @p0 $0x1  }
0x13: {  	[smem:$0x3FAC] =	sst s0;
	s0 =	simm.s32 @!p1 $0x0  }
0x14: {  	s2 =	sld [smem:$0x3F90];
	s0 =	simm.s32 @p1 $0x1  }
0x15: {  	[smem:$0x3FAD] =	sst s0;
	s0 =	simm.s32 @!p2 $0x0  }
0x16: {  	s3 =	sld [smem:$0x3FDB];
	s0 =	simm.s32 @p2 $0x1  }
0x17: {  	s4 =	simm.s32 $0x1BF5;
	[smem:$0x3FAF] =	sst s0  }
0x18: {  	s0 =	sld [smem:$0x3F92];
	_ =	swait.ge [sflag:s4], $0x0  }
0x19: {  	s7 =	sld [smem:$0x3F93]  }
0x1a: {  	s8 =	sadd.s32 $0xFFFFE003, lr  }
0x1b: {  	s9 =	sadd.s32 $0xFFFFFEF7, lr;
	s5 =	simm.s32 $0xFFFFFFFF;
	p2 =	slt.u32 s8, $0xFFFFF086  }
0x1c: {  	p1 =	slt.u32 s9, $0xF7A;
	s5 =	simm.s32 @!p2 $0x0  }
0x1d: {  	s5 =	simm.s32 @p1 $0x1;
	p0 =	seq.s32 s7, s2  }
0x1e: {  	s7 =	smul.u32 @!p0 $0xF7A, s2;
	p2 =	seq.s32 @!p0 s5, $0x0  }
0x1f: {  	s9 =	smul.u32 $0xF7A, s1;
	s8 =	simm.s32 @!p0 $0x1BF5;
	p2 =	por !p2, p0  }
0x20: {  	[sflag:s8] =	ssyncset.s32 @!p0 $0xFFFFF086;
	s6 =	sadd.s32 @!p0 s3, s7;
	s7 =	simm.s32 @!p0 $0x108  }
0x21: {  	s3 =	sadd.s32 s3, s9;
	s6 =	sadd.s32 @!p0 $0x88, s6;
	s7 =	simm.s32 @p2 $0x1082  }
0x22: {  	[simem:s7], [sflag:s8] =	dma.local @!p0 [hbm:s6], $0xF7A  }
0x23: {  	s9 =	sor.u32 $0xD0000000, s2;
	s6 =	simm.s32 $0x108;
	_ =	swait.ge @!p0 [sflag:s8], $0x0  }
0x24: {  	s3 =	sadd.s32 $0x88, s3;
	s6 =	simm.s32 @!p1 $0x1082;
	[sflag:s4] =	ssyncset.s32 $0xFFFFF086  }
0x25: {  	[simem:s6], [sflag:s4] =	dma.local [hbm:s3], $0xF7A  }
0x26: {  	[smem:$0x3F93] =	sst s1;
	(tag) =	ssettag s2;
	_ =	strace s9  }
0x27: {  	s1 =	sld [smem:$0x3FA3]  }
0x28: {  	s2 =	sld [smem:$0x3FA4]  }
0x29: {  	s4 =	sld [smem:$0x3FA6]  }
0x2a: {  	p0 =	seq.s32 s5, $0x0;
	s5 =	sld [smem:$0x3FA7]  }
0x2b: {  	s6 =	sld [smem:$0x3FA8]  }
0x2c: {  	s7 =	sld [smem:$0x3FA9]  }
0x2d: {  	s3 =	simm.s32 $0x108;
	s8 =	sld [smem:$0x3FAA]  }
0x2e: {  	s3 =	simm.s32 @!p0 $0x1082;
	s9 =	sld [smem:$0x3FAB]  }
0x2f: {  	lr =	sadd.s32 s0, s3;
	s0 =	sld [smem:$0x3FA2]  }
0x30: {  	s3 =	sld [smem:$0x3FA5]  }
0x31: {  	[smem:$0x3FAE] =	sst s10  }
0x32: {  	s10 =	sld [smem:$0x3FAC];
	_ =	sdelay $0x3  }
0x33: {  	p0 =	seq.s32 s10, $0x1;
	s10 =	sld [smem:$0x3FAE];
	_ =	sdelay $0x3  }
0x34: {  	[smem:$0x3FAE] =	sst s10  }
0x35: {  	s10 =	sld [smem:$0x3FAD];
	_ =	sdelay $0x3  }
0x36: {  	p1 =	seq.s32 s10, $0x1;
	s10 =	sld [smem:$0x3FAE];
	_ =	sdelay $0x3  }
0x37: {  	[smem:$0x3FAE] =	sst s10  }
0x38: {  	s10 =	sld [smem:$0x3FAF]  }
0x39: {  	_ = 	snop;
	(pc) =	sbr.ind lr, $3  }
0x3a: {  	_ = 	snop  }
0x3b: {  	_ = 	snop  }
0x3c: {  	p2 =	seq.s32 s10, $0x1;
	s10 =	sld [smem:$0x3FAE]  }
0x3d: {  	_ =	shalt  }
0x3e: {  	_ =	shalt  }
0x3f: {  	_ =	shalt  }
0x40: {  	_ =	shalt  }
0x41: {  	_ =	shalt  }
0x42: {  	_ =	shalt  }
0x43: {  	_ =	shalt  }
0x44: {  	_ =	shalt  }
0x45: {  	_ =	shalt  }
0x46: {  	_ =	shalt  }
0x47: {  	_ =	shalt  }
0x48: {  	_ =	shalt  }
0x49: {  	_ =	shalt  }
0x4a: {  	_ =	shalt  }
0x4b: {  	_ =	shalt  }
0x4c: {  	_ =	shalt  }
0x4d: {  	_ =	shalt  }
0x4e: {  	_ =	shalt  }
0x4f: {  	_ =	shalt  }
0x50: {  	_ =	shalt  }
0x51: {  	_ =	shalt  }
0x52: {  	_ =	shalt  }
0x53: {  	_ =	shalt  }
0x54: {  	_ =	shalt  }
0x55: {  	_ =	shalt  }
0x56: {  	_ =	shalt  }
0x57: {  	_ =	shalt  }
0x58: {  	_ =	shalt  }
0x59: {  	_ =	shalt  }
0x5a: {  	_ =	shalt  }
0x5b: {  	_ =	shalt  }
0x5c: {  	_ =	shalt  }
0x5d: {  	_ =	shalt  }
0x5e: {  	_ =	shalt  }
0x5f: {  	_ =	shalt  }
0x60: {  	_ =	shalt  }
0x61: {  	_ =	shalt  }
0x62: {  	_ =	shalt  }
0x63: {  	_ =	shalt  }
0x64: {  	_ =	shalt  }
0x65: {  	_ =	shalt  }
0x66: {  	_ =	shalt  }
0x67: {  	_ =	shalt  }
0x68: {  	_ =	shalt  }
0x69: {  	_ =	shalt  }
0x6a: {  	_ =	shalt  }
0x6b: {  	_ =	shalt  }
0x6c: {  	_ =	shalt  }
0x6d: {  	_ =	shalt  }
0x6e: {  	_ =	shalt  }
0x6f: {  	_ =	shalt  }
0x70: {  	_ =	shalt  }
0x71: {  	_ =	shalt  }
0x72: {  	_ =	shalt  }
0x73: {  	_ =	shalt  }
0x74: {  	_ =	shalt  }
0x75: {  	_ =	shalt  }
0x76: {  	_ =	shalt  }
0x77: {  	_ =	shalt  }
0x78: {  	_ =	shalt  }
0x79: {  	_ =	shalt  }
0x7a: {  	_ =	shalt  }
0x7b: {  	_ =	shalt  }
0x7c: {  	_ =	shalt  }
0x7d: {  	_ =	shalt  }
0x7e: {  	_ =	shalt  }
0x7f: {  	_ =	shalt  }
0x80: {  	_ =	shalt  }
0x81: {  	_ =	shalt  }
0x82: {  	_ =	shalt  }
0x83: {  	_ =	shalt  }
0x84: {  	_ =	shalt  }
0x85: {  	_ =	shalt  }
0x86: {  	_ =	shalt  }
0x87: {  	_ =	shalt  }
.Lfunc_end0:
.L_simem_size_0:
called_computation_lowered:
.L_overlay_start_0:
0x88: {  	s2 =	sld [smem:$0x3FD9]  }
0x89: {  	s3 =	sld [smem:$0x3FFE];
	_ =	sdelay $0x1  }
0x8a: {  	s1 =	srdreg.scid  }
0x8b: {  	s0 =	sand.u32 $0x1, s1  }
0x8c: {  	s17 =	sshll.u32 s0, $0xA;
	s2 =	sadd.s32 s3, s2  }
0x8d: {  	s2 =	sadd.s32 s2, s17  }
0x8e: {  	[smem:$0x3FBA] =	sst s2  }
0x8f: {  	_ = 	snop  }
0x90: {  	s2 =	sld [smem:$0x3FC8]  }
0x91: {  	s18 =	sld [smem:$0x3FD0];
	(tm) =	ssettm $0x1  }
0x92: {  	s4 =	sld [smem:$0x3FFB];
	_ =	sdelay $0x3  }
0x93: {  	_ =	strace s4  }
0x94: {  	s4 =	sld [smem:$0x3FFC];
	_ =	sdelay $0x3  }
0x95: {  	_ =	strace s4  }
0x96: {  	s4 =	sld [smem:$0x3FFD];
	_ =	sdelay $0x3  }
0x97: {  	_ =	strace s4  }
0x98: {  	_ =	strace $0x8FFFFFFF  }
0x99: {  	s19 =	sld [smem:$0x3FDB];
	_ =	sdelay $0x1  }
0x9a: {  	s5 =	simm.s32 $_scs_section_size  }
0x9b: {  	s6 =	simm.s32 $_size__tile_overlayer_lowered;
	s7 =	simm.s32 $_tile_overlayer_lowered  }
0x9c: {  	s22 =	simm.s32 $0x1BFF;
	s21 =	sshll.u32 s7, $0x1;
	s4 =	sadd.s32 s5, s19  }
0x9d: {  	s8 =	simm.s32 $0x0;
	s20 =	sshll.u32 s6, $0x1;
	s6 =	sadd.s32 s21, s4  }
0x9e: {  	[timem:s8], [sflag:s22] =	dma.local [hbm:s6], s20  }
0x9f: {  	_ =	swait.ge [sflag:s22], s20  }
0xa0: {  	s5 =	ssub.s32 $0x0, s20;
	[sflag:s22] =	ssyncset.done $0x0  }
0xa1: {  	[sflag:s22] =	ssyncadd.s32 s5;
	_ =	sdelay $0x1  }
0xa2: {  	s23 =	simm.s32 $0x1B8B  }
0xa3: {  	_ =	swait.ge [sflag:s23], $0x1  }
0xa4: {  	[sflag:s23] =	ssyncset.done $0x0  }
0xa5: {  	s25 =	simm.s32 $0x1B8E;
	s24 =	sld [smem:$0x3FFE];
	[sflag:s23] =	ssyncadd.s32 $0xFFFFFFFF  }
0xa6: {  	s26 =	simm.s32 $execute0_lowered;
	[smem:$0x3FD2] =	sst s25  }
0xa7: {  	s6 =	sshll.u32 s26, $0x1;
	_ =	strace $0x80000046;
	[dreg:$0x1] =	wrdreg $0xFFFFFFFF  }
0xa8: {  	s28 =	simm.s32 $_size_execute0_lowered;
	s4 =	sadd.s32 s4, s6;
	[dreg:$0x0] =	wrdreg $0x0  }
0xa9: {  	s6 =	sshll.u32 s28, $0x1;
	[dreg:$0x2] =	wrdreg s4  }
0xaa: {  	[dreg:$0x3] =	wrdreg s6  }
0xab: {  	[dreg:$0x4] =	wrdreg $0xC0  }
0xac: {  	_ =	task [dreg:s8], $0x5FFFF  }
0xad: {  	[dreg:$0x1] =	wrdreg $0xFFFFFFFF  }
0xae: {  	[dreg:$0x0] =	wrdreg $0x60  }
0xaf: {  	[dreg:$0x2] =	wrdreg s18  }
0xb0: {  	[dreg:$0x3] =	wrdreg s2  }
0xb1: {  	[dreg:$0x4] =	wrdreg s24  }
0xb2: {  	[dreg:$0x5] =	wrdreg $0x9  }
0xb3: {  	_ =	task.clear_ibuf [dreg:s8], $0x6FFFF;
	_ =	strace $0x90000046  }
0xb4: {  	s29 =	simm.s32 $0x9;
	_ =	strace $0x80000048  }
0xb5: {  	_ =	swait.ge [sflag:s29], $0x1  }
0xb6: {  	[sflag:s29] =	ssyncadd.s32 $0xFFFFFFFF  }
0xb7: {  	_ =	strace $0x90000048  }
0xb8: {  	_ =	sfence  }
0xb9: {  	s30 =	sld [smem:$0x0];
	_ =	sdelay $0x2  }
0xba: {  	s31 =	sshll.u32 s1, $0xD;
	s1 =	sshrl.u32 s1, $0x2  }
0xbb: {  	s3 =	sand.u32 $0x4000, s31;
	s1 =	sadd.s32 s1, s30  }
0xbc: {  	s0 =	sor.u32 s3, s0;
	s1 =	sshll.u32 s1, $0x11  }
0xbd: {  	s0 =	sor.u32 s1, s0  }
0xbe: {  	s0 =	sadd.s32 $0x8F2B, s0  }
0xbf: {  	[sflag:s0] =	ssyncadd.remote.s32 $0x1  }
0xc0: {  	_ =	sfence.sel $0xFFFF  }
0xc1: {  	[dreg:$0x0] =	wrdreg $0xFFFFFFFF;
	(pc) =	sbr.abs _section_cstart, $3  }
0xc2: {  	[dreg:$0x1] =	wrdreg $0xFFFFFFFF  }
0xc3: {  	_ =	task.clear_ibuf [dreg:s8], $0x2FFFF;
	_ =	strace $0x9FFFFFFF  }
0xc4: {  	(tm) =	ssettm $0x7FFFFFFF  }
0xc5: {  	_ =	shalt  }
tec
execute0_lowered:
.L_overlay_start_1:
0x0: {  	(tag) =	ssettag $0x1  }
0x1: {  	s8 =	rddreg [dreg:$0x0]  }
0x2: {  	s2 =	rddreg [dreg:$0x1]  }
0x3: {  	s0 =	rddreg [dreg:$0x2];
	s4 =	simm.s32 $0x0;
	s1 =	srdreg.scid  }
0x4: {  	s5 =	stileid.u32;
	s12 =	simm.s32 $0x5;
	s13 =	simm.s32 $0x100  }
0x5: {  	s16 =	simm.s32 $0x1;
	s17 =	simm.s32 $0xC100;
	s28 =	simm.s32 $0x11100  }
0x6: {  	s29 =	simm.s32 $0x11900;
	s30 =	simm.s32 $0x12100;
	s31 =	simm.s32 $0x12900  }
0x7: {  	s11 =	simm.s32 $0x14100;
	s14 =	simm.s32 $0x15900;
	s15 =	simm.s32 $0x16100  }
0x8: {  	s18 =	simm.s32 $0x16900;
	s19 =	simm.s32 $0x17100;
	s20 =	simm.s32 $0x17900  }
0x9: {  	s21 =	simm.s32 $0x3;
	s22 =	simm.s32 $0x2;
	s25 =	simm.s32 $0x0  }
0xa: {  	[smem:$0x7FF] =	sst s4;
	s1 =	sand.u32 $0x1, s1;
	s5 =	sshll.u32 s5, $0x9  }
0xb: {  	s6 =	sadd.s32 $0x2E00, s0;
	s9 =	sadd.s32 $0x200, s2;
	s3 =	ssub.s32 $0x2, s1  }
0xc: {  	s1 =	sshll.u32 s1, $0x8;
	_ =	strace $0x80000047;
	s7 =	sshrl.u32 s3, $0x1  }
.Ltmp0:
0xd: {  	s5 =	sor.u32 s1, s5;
	s26 =	ssub.s32 s3, s7;
	(pc) =	sbr.rel .LBB2_1-.Ltmp0, $4  }
0xe: {  	s1 =	sshrl.u32 s5, $0x3;
	s3 =	simm.s32 $0x13900;
	s7 =	simm.s32 $0x14900  }
0xf: {  	v3 =	vlaneseq.u32;
	s1 =	sadd.s32 s8, s1;
	s8 =	sadd.s32 $0x100, s2;
	s0 =	smax.u32 s26, $0x1  }
0x10: {  	vm0 =	vmmov $0xffff;
	v1 =	vshrl.u32 v3, $0x3;
	v0 =	vand.u32 $0x7, v3;
	s26 =	simm.s32 $0x80;
	[dreg:$0x4] =	wrdreg s1;
	s10 =	sadd.s32 $0x10, s1  }
0x11: {  	v3 =	vor.u32 $0x8, v3;
	v1 =	vmul.u32 $0x8, v1;
	v2 =	vor.u32 $0x8, v0;
	[dreg:$0x5] =	wrdreg s0;
	s0 =	simm.s32 $0x13100;
	s1 =	simm.s32 $0x15100  }
.LBB2_4:
0x12: {  	s24 =	simm.s32 $0x4  }
0x13: {  	_ =	swait.ge [sflag:s24], $0xC000  }
0x14: {  	s25 =	rddreg [dreg:$0x6]  }
0x15: {  	s23 =	rddreg [dreg:$0x5];
	s25 =	sadd.s32 $0x1, s25  }
0x16: {  	p0 =	sne.s32 s25, s23  }
.Ltmp1:
0x17: {  	_ = 	snop;
	(pc) =	sbr.rel @!p0 .LBB2_5-.Ltmp1, $3  }
0x18: {  	_ =	sdelay $0x1  }
0x19: {  	[sflag:s24] =	ssyncset.done $0x0  }
0x1a: {  	[sflag:s24] =	ssyncadd.s32 $0xFFFF4000  }
.LBB2_1:
0x1b: {  	[dreg:$0x6] =	wrdreg s25  }
0x1c: {  	s23 =	rddreg [dreg:$0x4]  }
0x1d: {  	[tilespmem:s4], [sflag:$0x5] =	stream.linear.gather [hbm4b:s23+s4], $0x40, $0x38;
	[tilespmem:$0x18100] =	vst v63  }
0x1e: {  	_ =	swait.ge [sflag:s12], $0x40  }
0x1f: {  	[sflag:s12] =	ssyncset.done $0x0  }
0x20: {  	[sflag:s12] =	ssyncadd.s32 $0xFFFFFFC0  }
0x21: {  	v4 =	vld [tilespmem:$0x0];
	_ =	sdelay $0x4  }
0x22: {  	v5 =	vshrl.u32 v4, $0x3  }
0x23: {  	v5 =	vmul.u32 $0x30, v5  }
0x24: {  	v4 =	vand.u32 $0x7, v4  }
0x25: {  	v4 =	vor.u32 v4, v5  }
0x26: {  	v5 =	vperm.xlane v4, v0;
	_ =	sdelay $0x1  }
0x27: {  	v5 =	vadd.s32 v1, v5;
	_ =	sdelay $0x3  }
0x28: {  	s25 =	simm.s32 $0x900  }
0x29: {  	[tilespmem:s13], [sflag:$0x1] =	stream.indirect_vreg.gather [hbm4b:s2+s4], $0x80, v5, vm0, $0xb8;
	[tilespmem:$0x18100] =	vst v63  }
0x2a: {  	p0 =	por $0x1, $0x1;
	p1 =	por $0x0, $0x0;
	s23 =	simm.s32 $0x0  }
0x2b: {  	[tilespmem:s25], [sflag:$0x1] =	stream.indirect_vreg.gather [hbm4b:s8+s4], $0x80, v5, vm0, $0xb8;
	[tilespmem:$0x18100] =	vst v63  }
.LBB2_2:
0x2c: {  	v4 =	vperm.xlane v4, v2;
	_ =	sdelay $0x1  }
0x2d: {  	v4 =	vadd.s32 v1, v4;
	_ =	sdelay $0x1  }
0x2e: {  	s24 =	simm.s32 $0x1100  }
0x2f: {  	[tilespmem:s24], [sflag:$0x1] =	stream.indirect_vreg.gather [hbm4b:s9+s4], $0x80, v5, vm0, $0xb8;
	[tilespmem:$0x18100] =	vst v63  }
0x30: {  	s25 =	simm.s32 $0x1900  }
0x31: {  	[tilespmem:s25], [sflag:$0x1] =	stream.indirect_vreg.gather [hbm4b:s2+s4], $0x80, v4, vm0, $0xb8;
	[tilespmem:$0x18100] =	vst v63  }
0x32: {  	s25 =	simm.s32 $0x2100  }
0x33: {  	[tilespmem:s25], [sflag:$0x1] =	stream.indirect_vreg.gather [hbm4b:s8+s4], $0x80, v4, vm0, $0xb8;
	[tilespmem:$0x18100] =	vst v63  }
0x34: {  	s25 =	simm.s32 $0x2900  }
0x35: {  	[tilespmem:s25], [sflag:$0x1] =	stream.indirect_vreg.gather [hbm4b:s9+s4], $0x80, v4, vm0, $0xb8;
	[tilespmem:$0x18100] =	vst v63  }
0x36: {  	v4 =	vld [tilespmem:$0x10];
	_ =	sdelay $0x4  }
0x37: {  	v5 =	vshrl.u32 v4, $0x3  }
0x38: {  	v5 =	vmul.u32 $0x30, v5  }
0x39: {  	v4 =	vand.u32 $0x7, v4  }
0x3a: {  	v4 =	vor.u32 v4, v5  }
0x3b: {  	v5 =	vperm.xlane v4, v0;
	_ =	sdelay $0x1  }
0x3c: {  	v5 =	vadd.s32 v1, v5;
	_ =	sdelay $0x3  }
0x3d: {  	s25 =	simm.s32 $0x3100;
	v4 =	vperm.xlane v4, v2  }
0x3e: {  	[tilespmem:s25], [sflag:$0x1] =	stream.indirect_vreg.gather [hbm4b:s2+s4], $0x80, v5, vm0, $0xb8;
	[tilespmem:$0x18100] =	vst v63  }
0x3f: {  	v4 =	vadd.s32 v1, v4;
	s25 =	simm.s32 $0x3900  }
0x40: {  	[tilespmem:s25], [sflag:$0x1] =	stream.indirect_vreg.gather [hbm4b:s8+s4], $0x80, v5, vm0, $0xb8;
	[tilespmem:$0x18100] =	vst v63  }
0x41: {  	s25 =	simm.s32 $0x4100  }
0x42: {  	[tilespmem:s25], [sflag:$0x1] =	stream.indirect_vreg.gather [hbm4b:s9+s4], $0x80, v5, vm0, $0xb8;
	[tilespmem:$0x18100] =	vst v63  }
0x43: {  	s25 =	simm.s32 $0x4900  }
0x44: {  	[tilespmem:s25], [sflag:$0x1] =	stream.indirect_vreg.gather [hbm4b:s2+s4], $0x80, v4, vm0, $0xb8;
	[tilespmem:$0x18100] =	vst v63  }
0x45: {  	s25 =	simm.s32 $0x5100  }
0x46: {  	[tilespmem:s25], [sflag:$0x1] =	stream.indirect_vreg.gather [hbm4b:s8+s4], $0x80, v4, vm0, $0xb8;
	[tilespmem:$0x18100] =	vst v63  }
0x47: {  	s25 =	simm.s32 $0x5900  }
0x48: {  	[tilespmem:s25], [sflag:$0x1] =	stream.indirect_vreg.gather [hbm4b:s9+s4], $0x80, v4, vm0, $0xb8;
	[tilespmem:$0x18100] =	vst v63  }
0x49: {  	v4 =	vld [tilespmem:$0x20];
	_ =	sdelay $0x4  }
0x4a: {  	v5 =	vshrl.u32 v4, $0x3  }
0x4b: {  	v5 =	vmul.u32 $0x30, v5  }
0x4c: {  	v4 =	vand.u32 $0x7, v4  }
0x4d: {  	v4 =	vor.u32 v4, v5  }
0x4e: {  	v5 =	vperm.xlane v4, v0;
	_ =	sdelay $0x1  }
0x4f: {  	v5 =	vadd.s32 v1, v5;
	_ =	sdelay $0x3  }
0x50: {  	s25 =	simm.s32 $0x6100;
	v4 =	vperm.xlane v4, v2  }
0x51: {  	[tilespmem:s25], [sflag:$0x1] =	stream.indirect_vreg.gather [hbm4b:s2+s4], $0x80, v5, vm0, $0xb8;
	[tilespmem:$0x18100] =	vst v63  }
0x52: {  	v4 =	vadd.s32 v1, v4;
	s25 =	simm.s32 $0x6900  }
0x53: {  	[tilespmem:s25], [sflag:$0x1] =	stream.indirect_vreg.gather [hbm4b:s8+s4], $0x80, v5, vm0, $0xb8;
	[tilespmem:$0x18100] =	vst v63  }
0x54: {  	s25 =	simm.s32 $0x7100  }
0x55: {  	[tilespmem:s25], [sflag:$0x1] =	stream.indirect_vreg.gather [hbm4b:s9+s4], $0x80, v5, vm0, $0xb8;
	[tilespmem:$0x18100] =	vst v63  }
0x56: {  	s25 =	simm.s32 $0x7900  }
0x57: {  	[tilespmem:s25], [sflag:$0x1] =	stream.indirect_vreg.gather [hbm4b:s2+s4], $0x80, v4, vm0, $0xb8;
	[tilespmem:$0x18100] =	vst v63  }
0x58: {  	s25 =	simm.s32 $0x8100  }
0x59: {  	[tilespmem:s25], [sflag:$0x1] =	stream.indirect_vreg.gather [hbm4b:s8+s4], $0x80, v4, vm0, $0xb8;
	[tilespmem:$0x18100] =	vst v63  }
0x5a: {  	s25 =	simm.s32 $0x8900  }
0x5b: {  	[tilespmem:s25], [sflag:$0x1] =	stream.indirect_vreg.gather [hbm4b:s9+s4], $0x80, v4, vm0, $0xb8;
	[tilespmem:$0x18100] =	vst v63  }
0x5c: {  	v4 =	vld [tilespmem:$0x30];
	_ =	sdelay $0x4  }
0x5d: {  	v5 =	vshrl.u32 v4, $0x3  }
0x5e: {  	v5 =	vmul.u32 $0x30, v5  }
0x5f: {  	v4 =	vand.u32 $0x7, v4  }
0x60: {  	v4 =	vor.u32 v4, v5  }
0x61: {  	v5 =	vperm.xlane v4, v0;
	_ =	sdelay $0x1  }
0x62: {  	v5 =	vadd.s32 v1, v5;
	_ =	sdelay $0x3  }
0x63: {  	s25 =	simm.s32 $0x9100;
	v4 =	vperm.xlane v4, v2  }
0x64: {  	[tilespmem:s25], [sflag:$0x1] =	stream.indirect_vreg.gather [hbm4b:s2+s4], $0x80, v5, vm0, $0xb8;
	[tilespmem:$0x18100] =	vst v63  }
0x65: {  	v4 =	vadd.s32 v1, v4;
	s25 =	simm.s32 $0x9900  }
0x66: {  	[tilespmem:s25], [sflag:$0x1] =	stream.indirect_vreg.gather [hbm4b:s8+s4], $0x80, v5, vm0, $0xb8;
	[tilespmem:$0x18100] =	vst v63  }
0x67: {  	s25 =	simm.s32 $0xA100  }
0x68: {  	[tilespmem:s25], [sflag:$0x1] =	stream.indirect_vreg.gather [hbm4b:s9+s4], $0x80, v5, vm0, $0xb8;
	[tilespmem:$0x18100] =	vst v63  }
0x69: {  	s25 =	simm.s32 $0xA900  }
0x6a: {  	[tilespmem:s25], [sflag:$0x1] =	stream.indirect_vreg.gather [hbm4b:s2+s4], $0x80, v4, vm0, $0xb8;
	[tilespmem:$0x18100] =	vst v63  }
0x6b: {  	s23 =	sor.u32 s23, s5;
	s25 =	simm.s32 $0xB100  }
0x6c: {  	[tilespmem:s25], [sflag:$0x1] =	stream.indirect_vreg.gather [hbm4b:s8+s4], $0x80, v4, vm0, $0xb8;
	[tilespmem:$0x18100] =	vst v63  }
0x6d: {  	s24 =	sshrl.u32 s23, $0x3;
	s25 =	simm.s32 $0xB900  }
0x6e: {  	[tilespmem:s25], [sflag:$0x1] =	stream.indirect_vreg.gather [hbm4b:s9+s4], $0x80, v4, vm0, $0xb8;
	[tilespmem:$0x18100] =	vst v63  }
0x6f: {  	s23 =	sor.u32 $0x8, s24;
	s25 =	rddreg [dreg:$0x0]  }
0x70: {  	s25 =	sadd.s32 s25, s23  }
0x71: {  	[tilespmem:s26], [sflag:$0x5] =	stream.linear.gather [hbm4b:s25+s4], $0x40, $0x38;
	[tilespmem:$0x18100] =	vst v63  }
0x72: {  	_ =	swait.ge [sflag:s12], $0x40  }
0x73: {  	[sflag:s12] =	ssyncset.done $0x0  }
0x74: {  	s25 =	simm.s32 @p1 $0x4;
	[sflag:s12] =	ssyncadd.s32 $0xFFFFFFC0  }
0x75: {  	_ =	swait.ge @p1 [sflag:s25], $0xC000  }
0x76: {  	[sflag:s25] =	ssyncset.done @p1 $0x0  }
0x77: {  	[sflag:s25] =	ssyncadd.s32 @p1 $0xFFFF4000  }
0x78: {  	_ =	swait.ge [sflag:s16], $0xC000  }
0x79: {  	[sflag:s16] =	ssyncset.done $0x0  }
0x7a: {  	[sflag:s16] =	ssyncadd.s32 $0xFFFF4000  }
0x7b: {  	v4 =	vld [tilespmem:$0x80];
	_ =	sdelay $0x4  }
0x7c: {  	v5 =	vshrl.u32 v4, $0x3  }
0x7d: {  	v5 =	vmul.u32 $0x30, v5  }
0x7e: {  	v4 =	vand.u32 $0x7, v4  }
0x7f: {  	v4 =	vor.u32 v4, v5  }
0x80: {  	v5 =	vperm.xlane v4, v0;
	_ =	sdelay $0x1  }
0x81: {  	v5 =	vadd.s32 v1, v5;
	_ =	sdelay $0x3  }
0x82: {  	v4 =	vperm.xlane v4, v3  }
0x83: {  	[tilespmem:s17], [sflag:$0x2] =	stream.indirect_vreg.gather [hbm4b:s2+s4], $0x80, v5, vm0, $0xb8;
	[tilespmem:$0x18100] =	vst v63  }
0x84: {  	s25 =	simm.s32 $0xC900;
	v4 =	vadd.s32 v1, v4  }
0x85: {  	[tilespmem:s25], [sflag:$0x2] =	stream.indirect_vreg.gather [hbm4b:s8+s4], $0x80, v5, vm0, $0xb8;
	[tilespmem:$0x18100] =	vst v63  }
0x86: {  	s25 =	simm.s32 $0xD100  }
0x87: {  	[tilespmem:s25], [sflag:$0x2] =	stream.indirect_vreg.gather [hbm4b:s9+s4], $0x80, v5, vm0, $0xb8;
	[tilespmem:$0x18100] =	vst v63  }
0x88: {  	s25 =	simm.s32 $0xD900  }
0x89: {  	[tilespmem:s25], [sflag:$0x2] =	stream.indirect_vreg.gather [hbm4b:s2+s4], $0x80, v4, vm0, $0xb8;
	[tilespmem:$0x18100] =	vst v63  }
0x8a: {  	s25 =	simm.s32 $0xE100  }
0x8b: {  	[tilespmem:s25], [sflag:$0x2] =	stream.indirect_vreg.gather [hbm4b:s8+s4], $0x80, v4, vm0, $0xb8;
	[tilespmem:$0x18100] =	vst v63  }
0x8c: {  	s25 =	simm.s32 $0xE900  }
0x8d: {  	[tilespmem:s25], [sflag:$0x2] =	stream.indirect_vreg.gather [hbm4b:s9+s4], $0x80, v4, vm0, $0xb8;
	[tilespmem:$0x18100] =	vst v63  }
0x8e: {  	v4 =	vld [tilespmem:$0x90];
	_ =	sdelay $0x4  }
0x8f: {  	v5 =	vshrl.u32 v4, $0x3  }
0x90: {  	v5 =	vmul.u32 $0x30, v5  }
0x91: {  	v4 =	vand.u32 $0x7, v4  }
0x92: {  	v4 =	vor.u32 v4, v5  }
0x93: {  	v5 =	vperm.xlane v4, v0;
	_ =	sdelay $0x1  }
0x94: {  	v5 =	vadd.s32 v1, v5;
	_ =	sdelay $0x3  }
0x95: {  	s25 =	simm.s32 $0xF100;
	v4 =	vperm.xlane v4, v3  }
0x96: {  	[tilespmem:s25], [sflag:$0x2] =	stream.indirect_vreg.gather [hbm4b:s2+s4], $0x80, v5, vm0, $0xb8;
	[tilespmem:$0x18100] =	vst v63  }
0x97: {  	v4 =	vadd.s32 v1, v4;
	s25 =	simm.s32 $0xF900  }
0x98: {  	[tilespmem:s25], [sflag:$0x2] =	stream.indirect_vreg.gather [hbm4b:s8+s4], $0x80, v5, vm0, $0xb8;
	[tilespmem:$0x18100] =	vst v63  }
0x99: {  	s25 =	simm.s32 $0x10100  }
0x9a: {  	[tilespmem:s25], [sflag:$0x2] =	stream.indirect_vreg.gather [hbm4b:s9+s4], $0x80, v5, vm0, $0xb8;
	[tilespmem:$0x18100] =	vst v63  }
0x9b: {  	s25 =	simm.s32 $0x10900  }
0x9c: {  	[tilespmem:s25], [sflag:$0x2] =	stream.indirect_vreg.gather [hbm4b:s2+s4], $0x80, v4, vm0, $0xb8;
	[tilespmem:$0x18100] =	vst v63  }
0x9d: {  	_ = 	snop  }
0x9e: {  	[tilespmem:s28], [sflag:$0x2] =	stream.indirect_vreg.gather [hbm4b:s8+s4], $0x80, v4, vm0, $0xb8;
	[tilespmem:$0x18100] =	vst v63  }
0x9f: {  	_ = 	snop  }
0xa0: {  	[tilespmem:s29], [sflag:$0x2] =	stream.indirect_vreg.gather [hbm4b:s9+s4], $0x80, v4, vm0, $0xb8;
	[tilespmem:$0x18100] =	vst v63  }
0xa1: {  	v4 =	vld [tilespmem:$0xA0];
	_ =	sdelay $0x4  }
0xa2: {  	v5 =	vshrl.u32 v4, $0x3  }
0xa3: {  	v5 =	vmul.u32 $0x30, v5  }
0xa4: {  	v4 =	vand.u32 $0x7, v4  }
0xa5: {  	v4 =	vor.u32 v4, v5  }
0xa6: {  	v5 =	vperm.xlane v4, v0;
	_ =	sdelay $0x1  }
0xa7: {  	v5 =	vadd.s32 v1, v5;
	_ =	sdelay $0x3  }
0xa8: {  	v4 =	vperm.xlane v4, v3  }
0xa9: {  	[tilespmem:s30], [sflag:$0x2] =	stream.indirect_vreg.gather [hbm4b:s2+s4], $0x80, v5, vm0, $0xb8;
	[tilespmem:$0x18100] =	vst v63  }
0xaa: {  	v4 =	vadd.s32 v1, v4  }
0xab: {  	[tilespmem:s31], [sflag:$0x2] =	stream.indirect_vreg.gather [hbm4b:s8+s4], $0x80, v5, vm0, $0xb8;
	[tilespmem:$0x18100] =	vst v63  }
0xac: {  	_ = 	snop  }
0xad: {  	[tilespmem:s0], [sflag:$0x2] =	stream.indirect_vreg.gather [hbm4b:s9+s4], $0x80, v5, vm0, $0xb8;
	[tilespmem:$0x18100] =	vst v63  }
0xae: {  	_ = 	snop  }
0xaf: {  	[tilespmem:s3], [sflag:$0x2] =	stream.indirect_vreg.gather [hbm4b:s2+s4], $0x80, v4, vm0, $0xb8;
	[tilespmem:$0x18100] =	vst v63  }
0xb0: {  	_ = 	snop  }
0xb1: {  	[tilespmem:s11], [sflag:$0x2] =	stream.indirect_vreg.gather [hbm4b:s8+s4], $0x80, v4, vm0, $0xb8;
	[tilespmem:$0x18100] =	vst v63  }
0xb2: {  	_ = 	snop  }
0xb3: {  	[tilespmem:s7], [sflag:$0x2] =	stream.indirect_vreg.gather [hbm4b:s9+s4], $0x80, v4, vm0, $0xb8;
	[tilespmem:$0x18100] =	vst v63  }
0xb4: {  	v4 =	vld [tilespmem:$0xB0];
	_ =	sdelay $0x4  }
0xb5: {  	v5 =	vshrl.u32 v4, $0x3  }
0xb6: {  	v5 =	vmul.u32 $0x30, v5  }
0xb7: {  	v4 =	vand.u32 $0x7, v4  }
0xb8: {  	v4 =	vor.u32 v4, v5  }
0xb9: {  	v5 =	vperm.xlane v4, v0;
	_ =	sdelay $0x1  }
0xba: {  	v5 =	vadd.s32 v1, v5;
	_ =	sdelay $0x3  }
0xbb: {  	v4 =	vperm.xlane v4, v3  }
0xbc: {  	[tilespmem:s1], [sflag:$0x2] =	stream.indirect_vreg.gather [hbm4b:s2+s4], $0x80, v5, vm0, $0xb8;
	[tilespmem:$0x18100] =	vst v63  }
0xbd: {  	v4 =	vadd.s32 v1, v4  }
0xbe: {  	[tilespmem:s14], [sflag:$0x2] =	stream.indirect_vreg.gather [hbm4b:s8+s4], $0x80, v5, vm0, $0xb8;
	[tilespmem:$0x18100] =	vst v63  }
0xbf: {  	_ = 	snop  }
0xc0: {  	[tilespmem:s15], [sflag:$0x2] =	stream.indirect_vreg.gather [hbm4b:s9+s4], $0x80, v5, vm0, $0xb8;
	[tilespmem:$0x18100] =	vst v63  }
0xc1: {  	_ = 	snop  }
0xc2: {  	[tilespmem:s18], [sflag:$0x2] =	stream.indirect_vreg.gather [hbm4b:s2+s4], $0x80, v4, vm0, $0xb8;
	[tilespmem:$0x18100] =	vst v63  }
0xc3: {  	_ = 	snop  }
0xc4: {  	[tilespmem:s19], [sflag:$0x2] =	stream.indirect_vreg.gather [hbm4b:s8+s4], $0x80, v4, vm0, $0xb8;
	[tilespmem:$0x18100] =	vst v63  }
0xc5: {  	s24 =	smul.u32 $0x300, s24  }
0xc6: {  	[tilespmem:s20], [sflag:$0x2] =	stream.indirect_vreg.gather [hbm4b:s9+s4], $0x80, v4, vm0, $0xb8;
	[tilespmem:$0x18100] =	vst v63  }
0xc7: {  	s24 =	sadd.s32 s6, s24  }
0xc8: {  	[hbm4b:s24+s4] =	stream.linear.scatter [tilespmem:s13], [sflag:$0x3], $0xC000, $0x38;
	[tilespmem:$0x18100] =	vst v63  }
0xc9: {  	s24 =	simm.s32 @p0 $0x0  }
0xca: {  	[tilespmem:s24], [sflag:$0x5] =	stream.linear.gather @p0 [hbm4b:s10+s24], $0x40, $0x38;
	[tilespmem:$0x18100] =	vst v63  }
0xcb: {  	s24 =	simm.s32 @p0 $0x5  }
0xcc: {  	_ =	swait.ge @p0 [sflag:s24], $0x40  }
0xcd: {  	[sflag:s24] =	ssyncset.done @p0 $0x0  }
0xce: {  	[sflag:s24] =	ssyncadd.s32 @p0 $0xFFFFFFC0  }
0xcf: {  	_ =	swait.ge [sflag:s21], $0xC000  }
0xd0: {  	[sflag:s21] =	ssyncset.done $0x0  }
.Ltmp2:
0xd1: {  	[sflag:s21] =	ssyncadd.s32 $0xFFFF4000;
	(pc) =	sbr.rel @!p0 .LBB2_4-.Ltmp2, $4  }
0xd2: {  	s23 =	smul.u32 $0x300, s23;
	_ =	swait.ge [sflag:s22], $0xC000  }
0xd3: {  	[sflag:s22] =	ssyncset.done $0x0  }
0xd4: {  	s23 =	sadd.s32 s6, s23;
	[sflag:s22] =	ssyncadd.s32 $0xFFFF4000  }
0xd5: {  	[hbm4b:s23+s4] =	stream.linear.scatter [tilespmem:s17], [sflag:$0x4], $0xC000, $0x38;
	[tilespmem:$0x18100] =	vst v63  }
0xd6: {  	v4 =	vld [tilespmem:$0x0];
	_ =	sdelay $0x4  }
0xd7: {  	v5 =	vshrl.u32 v4, $0x3  }
0xd8: {  	v5 =	vmul.u32 $0x30, v5  }
0xd9: {  	v4 =	vand.u32 $0x7, v4  }
0xda: {  	v4 =	vor.u32 v4, v5  }
0xdb: {  	v5 =	vperm.xlane v4, v0;
	_ =	sdelay $0x1  }
0xdc: {  	v5 =	vadd.s32 v1, v5;
	_ =	sdelay $0x3  }
.Ltmp3:
0xdd: {  	_ = 	snop;
	(pc) =	sbr.rel .LBB2_2-.Ltmp3, $4  }
0xde: {  	[tilespmem:s13], [sflag:$0x1] =	stream.indirect_vreg.gather [hbm4b:s2+s4], $0x80, v5, vm0, $0xb8;
	[tilespmem:$0x18100] =	vst v63  }
0xdf: {  	s23 =	simm.s32 $0x900  }
0xe0: {  	[tilespmem:s23], [sflag:$0x1] =	stream.indirect_vreg.gather [hbm4b:s8+s4], $0x80, v5, vm0, $0xb8;
	[tilespmem:$0x18100] =	vst v63  }
0xe1: {  	p0 =	por $0x0, $0x0;
	p1 =	por $0x1, $0x1;
	s23 =	simm.s32 $0x80  }
.LBB2_5:
0xe2: {  	_ =	sfence.sel $0x180000  }
0xe3: {  	[bflag:$0x0] =	sbarrier.arrive $0xFFFF  }
0xe4: {  	_ =	strace $0x90000047  }
0xe5: {  	s0 =	stileid.u32;
	[bflag:$0x2] =	sbarrier.arrive $0xFFFF  }
0xe6: {  	p0 =	sne.s32 s0, $0x0;
	s0 =	rddreg [dreg:$0x3]  }
0xe7: {  	s0 =	sadd.s32 @!p0 $0x100000, s0  }
0xe8: {  	[sflag:s0] =	ssyncadd.tile.s32 @!p0 $0x1;
	_ =	shalt  }
.Lfunc_end2:
_tile_overlayer_lowered:
.L_overlay_start_2:
0xe9: {  	(tag) =	ssettag $0x2  }
0xea: {  	s0 =	rddreg [dreg:$0x0];
	s2 =	stileid.u32  }
0xeb: {  	s1 =	rddreg [dreg:$0x1];
	p0 =	sne.s32 s2, $0x0  }
0xec: {  	s3 =	rddreg [dreg:$0x2];
	[bflag:$0x3] =	sbarrier.arrive $0xFFFF;
	s2 =	simm.s32 @!p0 $0x1C05  }
0xed: {  	[timem:s3], [sflag:s2] =	dma.local @!p0 [hbm:s0], s1  }
0xee: {  	s0 =	simm.s32 @!p0 $0x5  }
0xef: {  	_ =	swait.ge @!p0 [sflag:s0], s1  }
0xf0: {  	s1 =	ssub.s32 @!p0 $0x0, s1;
	[sflag:s0] =	ssyncset.done @!p0 $0x0  }
0xf1: {  	[sflag:s0] =	ssyncadd.s32 @!p0 s1  }
0xf2: {  	[bflag:$0x3] =	sbarrier.arrive $0xFFFF  }
0xf3: {  	_ =	shalt  }

// kernel: kernel.16.cloned.1.call-start
scs
__scs_entry_jumppad:
0x0: {  	(pc) =	sbr.rel $0x88, $3  }
0x1: {  	(tag) =	ssettag $0x0;
	lr =	simm.s32 $0x1  }
0x2: {  	[smem:$0x3F93] =	sst lr;
	_ =	strace $0xD0000000  }
0x3: {  	_ = 	snop  }
0x4: {  	_ = 	snop  }
0x5: {  	_ = 	snop  }
0x6: {  	_ = 	snop  }
0x7: {  	_ = 	snop  }
__scs_overlays_trampoline_lowered:
0x8: {  	[smem:$0x3FA2] =	sst s0  }
0x9: {  	[smem:$0x3FA3] =	sst s1  }
0xa: {  	[smem:$0x3FA4] =	sst s2  }
0xb: {  	[smem:$0x3FA5] =	sst s3  }
0xc: {  	[smem:$0x3FA6] =	sst s4  }
0xd: {  	[smem:$0x3FA7] =	sst s5  }
0xe: {  	[smem:$0x3FA8] =	sst s6  }
0xf: {  	[smem:$0x3FA9] =	sst s7  }
0x10: {  	[smem:$0x3FAA] =	sst s8  }
0x11: {  	[smem:$0x3FAB] =	sst s9;
	s0 =	simm.s32 @!p0 $0x0  }
0x12: {  	s1 =	sld [smem:$0x3F91];
	s0 =	simm.s32 @p0 $0x1  }
0x13: {  	[smem:$0x3FAC] =	sst s0;
	s0 =	simm.s32 @!p1 $0x0  }
0x14: {  	s2 =	sld [smem:$0x3F90];
	s0 =	simm.s32 @p1 $0x1  }
0x15: {  	[smem:$0x3FAD] =	sst s0;
	s0 =	simm.s32 @!p2 $0x0  }
0x16: {  	s3 =	sld [smem:$0x3FDB];
	s0 =	simm.s32 @p2 $0x1  }
0x17: {  	s4 =	simm.s32 $0x1BF5;
	[smem:$0x3FAF] =	sst s0  }
0x18: {  	s0 =	sld [smem:$0x3F92];
	_ =	swait.ge [sflag:s4], $0x0  }
0x19: {  	s7 =	sld [smem:$0x3F93]  }
0x1a: {  	s8 =	sadd.s32 $0xFFFFE003, lr  }
0x1b: {  	s9 =	sadd.s32 $0xFFFFFEF7, lr;
	s5 =	simm.s32 $0xFFFFFFFF;
	p2 =	slt.u32 s8, $0xFFFFF086  }
0x1c: {  	p1 =	slt.u32 s9, $0xF7A;
	s5 =	simm.s32 @!p2 $0x0  }
0x1d: {  	s5 =	simm.s32 @p1 $0x1;
	p0 =	seq.s32 s7, s2  }
0x1e: {  	s7 =	smul.u32 @!p0 $0xF7A, s2;
	p2 =	seq.s32 @!p0 s5, $0x0  }
0x1f: {  	s9 =	smul.u32 $0xF7A, s1;
	s8 =	simm.s32 @!p0 $0x1BF5;
	p2 =	por !p2, p0  }
0x20: {  	[sflag:s8] =	ssyncset.s32 @!p0 $0xFFFFF086;
	s6 =	sadd.s32 @!p0 s3, s7;
	s7 =	simm.s32 @!p0 $0x108  }
0x21: {  	s3 =	sadd.s32 s3, s9;
	s6 =	sadd.s32 @!p0 $0x88, s6;
	s7 =	simm.s32 @p2 $0x1082  }
0x22: {  	[simem:s7], [sflag:s8] =	dma.local @!p0 [hbm:s6], $0xF7A  }
0x23: {  	s9 =	sor.u32 $0xD0000000, s2;
	s6 =	simm.s32 $0x108;
	_ =	swait.ge @!p0 [sflag:s8], $0x0  }
0x24: {  	s3 =	sadd.s32 $0x88, s3;
	s6 =	simm.s32 @!p1 $0x1082;
	[sflag:s4] =	ssyncset.s32 $0xFFFFF086  }
0x25: {  	[simem:s6], [sflag:s4] =	dma.local [hbm:s3], $0xF7A  }
0x26: {  	[smem:$0x3F93] =	sst s1;
	(tag) =	ssettag s2;
	_ =	strace s9  }
0x27: {  	s1 =	sld [smem:$0x3FA3]  }
0x28: {  	s2 =	sld [smem:$0x3FA4]  }
0x29: {  	s4 =	sld [smem:$0x3FA6]  }
0x2a: {  	p0 =	seq.s32 s5, $0x0;
	s5 =	sld [smem:$0x3FA7]  }
0x2b: {  	s6 =	sld [smem:$0x3FA8]  }
0x2c: {  	s7 =	sld [smem:$0x3FA9]  }
0x2d: {  	s3 =	simm.s32 $0x108;
	s8 =	sld [smem:$0x3FAA]  }
0x2e: {  	s3 =	simm.s32 @!p0 $0x1082;
	s9 =	sld [smem:$0x3FAB]  }
0x2f: {  	lr =	sadd.s32 s0, s3;
	s0 =	sld [smem:$0x3FA2]  }
0x30: {  	s3 =	sld [smem:$0x3FA5]  }
0x31: {  	[smem:$0x3FAE] =	sst s10  }
0x32: {  	s10 =	sld [smem:$0x3FAC];
	_ =	sdelay $0x3  }
0x33: {  	p0 =	seq.s32 s10, $0x1;
	s10 =	sld [smem:$0x3FAE];
	_ =	sdelay $0x3  }
0x34: {  	[smem:$0x3FAE] =	sst s10  }
0x35: {  	s10 =	sld [smem:$0x3FAD];
	_ =	sdelay $0x3  }
0x36: {  	p1 =	seq.s32 s10, $0x1;
	s10 =	sld [smem:$0x3FAE];
	_ =	sdelay $0x3  }
0x37: {  	[smem:$0x3FAE] =	sst s10  }
0x38: {  	s10 =	sld [smem:$0x3FAF]  }
0x39: {  	_ = 	snop;
	(pc) =	sbr.ind lr, $3  }
0x3a: {  	_ = 	snop  }
0x3b: {  	_ = 	snop  }
0x3c: {  	p2 =	seq.s32 s10, $0x1;
	s10 =	sld [smem:$0x3FAE]  }
0x3d: {  	_ =	shalt  }
0x3e: {  	_ =	shalt  }
0x3f: {  	_ =	shalt  }
0x40: {  	_ =	shalt  }
0x41: {  	_ =	shalt  }
0x42: {  	_ =	shalt  }
0x43: {  	_ =	shalt  }
0x44: {  	_ =	shalt  }
0x45: {  	_ =	shalt  }
0x46: {  	_ =	shalt  }
0x47: {  	_ =	shalt  }
0x48: {  	_ =	shalt  }
0x49: {  	_ =	shalt  }
0x4a: {  	_ =	shalt  }
0x4b: {  	_ =	shalt  }
0x4c: {  	_ =	shalt  }
0x4d: {  	_ =	shalt  }
0x4e: {  	_ =	shalt  }
0x4f: {  	_ =	shalt  }
0x50: {  	_ =	shalt  }
0x51: {  	_ =	shalt  }
0x52: {  	_ =	shalt  }
0x53: {  	_ =	shalt  }
0x54: {  	_ =	shalt  }
0x55: {  	_ =	shalt  }
0x56: {  	_ =	shalt  }
0x57: {  	_ =	shalt  }
0x58: {  	_ =	shalt  }
0x59: {  	_ =	shalt  }
0x5a: {  	_ =	shalt  }
0x5b: {  	_ =	shalt  }
0x5c: {  	_ =	shalt  }
0x5d: {  	_ =	shalt  }
0x5e: {  	_ =	shalt  }
0x5f: {  	_ =	shalt  }
0x60: {  	_ =	shalt  }
0x61: {  	_ =	shalt  }
0x62: {  	_ =	shalt  }
0x63: {  	_ =	shalt  }
0x64: {  	_ =	shalt  }
0x65: {  	_ =	shalt  }
0x66: {  	_ =	shalt  }
0x67: {  	_ =	shalt  }
0x68: {  	_ =	shalt  }
0x69: {  	_ =	shalt  }
0x6a: {  	_ =	shalt  }
0x6b: {  	_ =	shalt  }
0x6c: {  	_ =	shalt  }
0x6d: {  	_ =	shalt  }
0x6e: {  	_ =	shalt  }
0x6f: {  	_ =	shalt  }
0x70: {  	_ =	shalt  }
0x71: {  	_ =	shalt  }
0x72: {  	_ =	shalt  }
0x73: {  	_ =	shalt  }
0x74: {  	_ =	shalt  }
0x75: {  	_ =	shalt  }
0x76: {  	_ =	shalt  }
0x77: {  	_ =	shalt  }
0x78: {  	_ =	shalt  }
0x79: {  	_ =	shalt  }
0x7a: {  	_ =	shalt  }
0x7b: {  	_ =	shalt  }
0x7c: {  	_ =	shalt  }
0x7d: {  	_ =	shalt  }
0x7e: {  	_ =	shalt  }
0x7f: {  	_ =	shalt  }
0x80: {  	_ =	shalt  }
0x81: {  	_ =	shalt  }
0x82: {  	_ =	shalt  }
0x83: {  	_ =	shalt  }
0x84: {  	_ =	shalt  }
0x85: {  	_ =	shalt  }
0x86: {  	_ =	shalt  }
0x87: {  	_ =	shalt  }
.Lfunc_end0:
.L_simem_size_0:
called_computation.1_lowered:
.L_overlay_start_0:
0x88: {  	s2 =	sld [smem:$0x3FD9]  }
0x89: {  	s3 =	sld [smem:$0x3FFE];
	_ =	sdelay $0x1  }
0x8a: {  	s1 =	srdreg.scid  }
0x8b: {  	s0 =	sand.u32 $0x1, s1  }
0x8c: {  	s17 =	sshll.u32 s0, $0xA;
	s2 =	sadd.s32 s3, s2  }
0x8d: {  	s2 =	sadd.s32 s2, s17  }
0x8e: {  	[smem:$0x3FBA] =	sst s2  }
0x8f: {  	_ = 	snop  }
0x90: {  	s18 =	sld [smem:$0x3FC8];
	(tm) =	ssettm $0x1  }
0x91: {  	s19 =	sld [smem:$0x3FFB];
	_ =	sdelay $0x3  }
0x92: {  	_ =	strace s19  }
0x93: {  	s2 =	sld [smem:$0x3FFC];
	_ =	sdelay $0x3  }
0x94: {  	_ =	strace s2  }
0x95: {  	s2 =	sld [smem:$0x3FFD];
	_ =	sdelay $0x3  }
0x96: {  	_ =	strace s2  }
0x97: {  	_ =	strace $0x8FFFFFFF  }
0x98: {  	s20 =	sld [smem:$0x3FDB];
	_ =	sdelay $0x1  }
0x99: {  	s4 =	simm.s32 $_scs_section_size  }
0x9a: {  	s5 =	simm.s32 $_size__tile_overlayer_lowered;
	s6 =	simm.s32 $_tile_overlayer_lowered  }
0x9b: {  	s7 =	simm.s32 $0x1BFF;
	s21 =	sshll.u32 s6, $0x1;
	s4 =	sadd.s32 s4, s20  }
0x9c: {  	s22 =	simm.s32 $0x0;
	s5 =	sshll.u32 s5, $0x1;
	s6 =	sadd.s32 s21, s4  }
0x9d: {  	[timem:s22], [sflag:s7] =	dma.local [hbm:s6], s5  }
0x9e: {  	_ =	swait.ge [sflag:s7], s5  }
0x9f: {  	s5 =	ssub.s32 $0x0, s5;
	[sflag:s7] =	ssyncset.done $0x0  }
0xa0: {  	[sflag:s7] =	ssyncadd.s32 s5;
	_ =	sdelay $0x1  }
0xa1: {  	s23 =	simm.s32 $0x1B8B  }
0xa2: {  	_ =	swait.ge [sflag:s23], $0x1  }
0xa3: {  	[sflag:s23] =	ssyncset.done $0x0  }
0xa4: {  	[sflag:s23] =	ssyncadd.s32 $0xFFFFFFFF  }
0xa5: {  	s5 =	sld [smem:$0x0]  }
0xa6: {  	s6 =	sand.u32 $0xFFFFFFFE, s1  }
0xa7: {  	p0 =	sne.s32 s1, s6  }
0xa8: {  	s6 =	sshll.u32 @p0 s6, $0xE  }
0xa9: {  	s6 =	sadd.s32 @p0 $0x11B8D, s6;
	s7 =	sshll.u32 @p0 s5, $0x11  }
0xaa: {  	s6 =	sor.u32 @p0 s7, s6  }
0xab: {  	[sflag:s6] =	ssyncadd.remote.s32 @p0 $0x1;
	_ =	sdelay $0x1  }
0xac: {  	s6 =	simm.s32 @p0 $0x1B8D  }
0xad: {  	_ =	swait.eq @p0 [sflag:s6], $0x1  }
0xae: {  	[sflag:s6] =	ssyncadd.s32 @p0 $0xFFFFFFFF  }
0xaf: {  	s7 =	sshll.u32 @!p0 s1, $0xE  }
0xb0: {  	s7 =	sor.u32 @!p0 $0x4000, s7;
	s6 =	simm.s32 @!p0 $0x1B8D  }
0xb1: {  	s5 =	sshll.u32 @!p0 s5, $0x11;
	s7 =	sadd.s32 @!p0 $0x11B8D, s7;
	_ =	swait.eq @!p0 [sflag:s6], $0x1  }
0xb2: {  	s5 =	sor.u32 @!p0 s5, s7;
	[sflag:s6] =	ssyncadd.s32 @!p0 $0xFFFFFFFF  }
0xb3: {  	s25 =	simm.s32 $0x1B8E;
	s24 =	sld [smem:$0x3FFE];
	[sflag:s5] =	ssyncadd.remote.s32 @!p0 $0x1  }
0xb4: {  	s26 =	simm.s32 $execute0_lowered;
	[smem:$0x3FD2] =	sst s25  }
0xb5: {  	s6 =	sshll.u32 s26, $0x1;
	_ =	strace $0x80000049;
	[dreg:$0x1] =	wrdreg $0xFFFFFFFF  }
0xb6: {  	s28 =	simm.s32 $_size_execute0_lowered;
	s4 =	sadd.s32 s4, s6;
	[dreg:$0x0] =	wrdreg $0x0  }
0xb7: {  	s6 =	sshll.u32 s28, $0x1;
	[dreg:$0x2] =	wrdreg s4  }
0xb8: {  	[dreg:$0x3] =	wrdreg s6  }
0xb9: {  	[dreg:$0x4] =	wrdreg $0xC0  }
0xba: {  	_ =	task [dreg:s22], $0x5FFFF  }
0xbb: {  	[dreg:$0x1] =	wrdreg $0xFFFFFFFF  }
0xbc: {  	[dreg:$0x0] =	wrdreg $0x60  }
0xbd: {  	[dreg:$0x2] =	wrdreg s24  }
0xbe: {  	[dreg:$0x3] =	wrdreg s18  }
0xbf: {  	[dreg:$0x4] =	wrdreg $0xA  }
0xc0: {  	_ =	task.clear_ibuf [dreg:s22], $0x5FFFF;
	_ =	strace $0x90000049  }
0xc1: {  	s29 =	simm.s32 $0xA;
	_ =	strace $0x8000004B  }
0xc2: {  	_ =	swait.ge [sflag:s29], $0x1  }
0xc3: {  	[sflag:s29] =	ssyncadd.s32 $0xFFFFFFFF  }
0xc4: {  	_ =	strace $0x9000004B  }
0xc5: {  	_ =	sfence  }
0xc6: {  	s30 =	sld [smem:$0x0];
	_ =	sdelay $0x2  }
0xc7: {  	s31 =	sshll.u32 s1, $0xD;
	s1 =	sshrl.u32 s1, $0x2  }
0xc8: {  	s4 =	sand.u32 $0x4000, s31;
	s1 =	sadd.s32 s1, s30  }
0xc9: {  	s0 =	sor.u32 s4, s0;
	s1 =	sshll.u32 s1, $0x11  }
0xca: {  	s0 =	sor.u32 s1, s0  }
0xcb: {  	s0 =	sadd.s32 $0x8F2B, s0  }
0xcc: {  	[sflag:s0] =	ssyncadd.remote.s32 $0x1  }
0xcd: {  	_ =	sfence.sel $0xFFFF  }
0xce: {  	[dreg:$0x0] =	wrdreg $0xFFFFFFFF;
	(pc) =	sbr.abs _section_cstart, $3  }
0xcf: {  	[dreg:$0x1] =	wrdreg $0xFFFFFFFF  }
0xd0: {  	_ =	task.clear_ibuf [dreg:s22], $0x2FFFF;
	_ =	strace $0x9FFFFFFF  }
0xd1: {  	(tm) =	ssettm $0x7FFFFFFF  }
tec
execute0_lowered:
.L_overlay_start_1:
0x0: {  	(tag) =	ssettag $0x1  }
0x1: {  	s0 =	rddreg [dreg:$0x0]  }
0x2: {  	s1 =	rddreg [dreg:$0x1];
	s3 =	simm.s32 $0x0;
	s2 =	srdreg.scid  }
0x3: {  	s4 =	stileid.u32;
	s12 =	simm.s32 $0x5;
	s13 =	simm.s32 $0x100  }
0x4: {  	s17 =	simm.s32 $0x1;
	s18 =	simm.s32 $0xC100;
	s30 =	simm.s32 $0x11900  }
0x5: {  	s31 =	simm.s32 $0x12100;
	s11 =	simm.s32 $0x13900;
	s14 =	simm.s32 $0x14900  }
0x6: {  	s15 =	simm.s32 $0x15100;
	s16 =	simm.s32 $0x15900;
	s19 =	simm.s32 $0x16100  }
0x7: {  	s20 =	simm.s32 $0x16900;
	s21 =	simm.s32 $0x17100;
	s22 =	simm.s32 $0x17900  }
0x8: {  	s23 =	simm.s32 $0x3;
	s24 =	simm.s32 $0x2;
	s28 =	simm.s32 $0x0  }
0x9: {  	s29 =	simm.s32 $0x80;
	[smem:$0x7FF] =	sst s3;
	s2 =	sand.u32 $0x1, s2  }
0xa: {  	s5 =	sshll.u32 s4, $0x9;
	s4 =	sadd.s32 $0xC2E00, s0;
	s6 =	sadd.s32 $0xC3A00, s0  }
0xb: {  	s9 =	sadd.s32 $0x200, s1;
	s7 =	ssub.s32 $0x2, s2;
	s2 =	sshll.u32 s2, $0x8  }
.Ltmp0:
0xc: {  	s8 =	sshrl.u32 s7, $0x1;
	s5 =	sor.u32 s2, s5;
	(pc) =	sbr.rel .LBB2_1-.Ltmp0, $4  }
0xd: {  	_ =	strace $0x8000004A;
	s26 =	ssub.s32 s7, s8;
	s2 =	sshrl.u32 s5, $0x3  }
0xe: {  	v3 =	vlaneseq.u32;
	s8 =	sadd.s32 $0x100, s1;
	s7 =	simm.s32 $0x14100;
	s2 =	sadd.s32 s4, s2  }
0xf: {  	vm0 =	vmmov $0xffff;
	v1 =	vshrl.u32 v3, $0x3;
	v0 =	vand.u32 $0x7, v3;
	s0 =	smax.u32 s26, $0x1;
	[dreg:$0x3] =	wrdreg s2;
	s10 =	sadd.s32 $0x10, s2  }
0x10: {  	v3 =	vor.u32 $0x8, v3;
	v1 =	vmul.u32 $0x8, v1;
	v2 =	vor.u32 $0x8, v0;
	[dreg:$0x4] =	wrdreg s0;
	s0 =	simm.s32 $0x12900;
	s2 =	simm.s32 $0x13100  }
.LBB2_4:
0x11: {  	s26 =	simm.s32 $0x4  }
0x12: {  	_ =	swait.ge [sflag:s26], $0xC000  }
0x13: {  	s28 =	rddreg [dreg:$0x5]  }
0x14: {  	s25 =	rddreg [dreg:$0x4];
	s28 =	sadd.s32 $0x1, s28  }
0x15: {  	p0 =	sne.s32 s28, s25  }
.Ltmp1:
0x16: {  	_ = 	snop;
	(pc) =	sbr.rel @!p0 .LBB2_5-.Ltmp1, $3  }
0x17: {  	_ =	sdelay $0x1  }
0x18: {  	[sflag:s26] =	ssyncset.done $0x0  }
0x19: {  	[sflag:s26] =	ssyncadd.s32 $0xFFFF4000  }
.LBB2_1:
0x1a: {  	[dreg:$0x5] =	wrdreg s28  }
0x1b: {  	s25 =	rddreg [dreg:$0x3]  }
0x1c: {  	[tilespmem:s3], [sflag:$0x5] =	stream.linear.gather [hbm4b:s25+s3], $0x40, $0x38;
	[tilespmem:$0x18100] =	vst v63  }
0x1d: {  	_ =	swait.ge [sflag:s12], $0x40  }
0x1e: {  	[sflag:s12] =	ssyncset.done $0x0  }
0x1f: {  	[sflag:s12] =	ssyncadd.s32 $0xFFFFFFC0  }
0x20: {  	v4 =	vld [tilespmem:$0x0];
	_ =	sdelay $0x4  }
0x21: {  	v5 =	vshrl.u32 v4, $0x3  }
0x22: {  	v5 =	vmul.u32 $0x30, v5  }
0x23: {  	v4 =	vand.u32 $0x7, v4  }
0x24: {  	v4 =	vor.u32 v4, v5  }
0x25: {  	v5 =	vperm.xlane v4, v0;
	_ =	sdelay $0x1  }
0x26: {  	v5 =	vadd.s32 v1, v5;
	_ =	sdelay $0x3  }
0x27: {  	s28 =	simm.s32 $0x900  }
0x28: {  	[tilespmem:s13], [sflag:$0x1] =	stream.indirect_vreg.gather [hbm4b:s1+s3], $0x80, v5, vm0, $0xb8;
	[tilespmem:$0x18100] =	vst v63  }
0x29: {  	p0 =	por $0x1, $0x1;
	p1 =	por $0x0, $0x0;
	s25 =	simm.s32 $0x0  }
0x2a: {  	[tilespmem:s28], [sflag:$0x1] =	stream.indirect_vreg.gather [hbm4b:s8+s3], $0x80, v5, vm0, $0xb8;
	[tilespmem:$0x18100] =	vst v63  }
.LBB2_2:
0x2b: {  	v4 =	vperm.xlane v4, v2;
	_ =	sdelay $0x1  }
0x2c: {  	v4 =	vadd.s32 v1, v4;
	_ =	sdelay $0x1  }
0x2d: {  	s26 =	simm.s32 $0x1100  }
0x2e: {  	[tilespmem:s26], [sflag:$0x1] =	stream.indirect_vreg.gather [hbm4b:s9+s3], $0x80, v5, vm0, $0xb8;
	[tilespmem:$0x18100] =	vst v63  }
0x2f: {  	s28 =	simm.s32 $0x1900  }
0x30: {  	[tilespmem:s28], [sflag:$0x1] =	stream.indirect_vreg.gather [hbm4b:s1+s3], $0x80, v4, vm0, $0xb8;
	[tilespmem:$0x18100] =	vst v63  }
0x31: {  	s28 =	simm.s32 $0x2100  }
0x32: {  	[tilespmem:s28], [sflag:$0x1] =	stream.indirect_vreg.gather [hbm4b:s8+s3], $0x80, v4, vm0, $0xb8;
	[tilespmem:$0x18100] =	vst v63  }
0x33: {  	s28 =	simm.s32 $0x2900  }
0x34: {  	[tilespmem:s28], [sflag:$0x1] =	stream.indirect_vreg.gather [hbm4b:s9+s3], $0x80, v4, vm0, $0xb8;
	[tilespmem:$0x18100] =	vst v63  }
0x35: {  	v4 =	vld [tilespmem:$0x10];
	_ =	sdelay $0x4  }
0x36: {  	v5 =	vshrl.u32 v4, $0x3  }
0x37: {  	v5 =	vmul.u32 $0x30, v5  }
0x38: {  	v4 =	vand.u32 $0x7, v4  }
0x39: {  	v4 =	vor.u32 v4, v5  }
0x3a: {  	v5 =	vperm.xlane v4, v0;
	_ =	sdelay $0x1  }
0x3b: {  	v5 =	vadd.s32 v1, v5;
	_ =	sdelay $0x3  }
0x3c: {  	s28 =	simm.s32 $0x3100;
	v4 =	vperm.xlane v4, v2  }
0x3d: {  	[tilespmem:s28], [sflag:$0x1] =	stream.indirect_vreg.gather [hbm4b:s1+s3], $0x80, v5, vm0, $0xb8;
	[tilespmem:$0x18100] =	vst v63  }
0x3e: {  	v4 =	vadd.s32 v1, v4;
	s28 =	simm.s32 $0x3900  }
0x3f: {  	[tilespmem:s28], [sflag:$0x1] =	stream.indirect_vreg.gather [hbm4b:s8+s3], $0x80, v5, vm0, $0xb8;
	[tilespmem:$0x18100] =	vst v63  }
0x40: {  	s28 =	simm.s32 $0x4100  }
0x41: {  	[tilespmem:s28], [sflag:$0x1] =	stream.indirect_vreg.gather [hbm4b:s9+s3], $0x80, v5, vm0, $0xb8;
	[tilespmem:$0x18100] =	vst v63  }
0x42: {  	s28 =	simm.s32 $0x4900  }
0x43: {  	[tilespmem:s28], [sflag:$0x1] =	stream.indirect_vreg.gather [hbm4b:s1+s3], $0x80, v4, vm0, $0xb8;
	[tilespmem:$0x18100] =	vst v63  }
0x44: {  	s28 =	simm.s32 $0x5100  }
0x45: {  	[tilespmem:s28], [sflag:$0x1] =	stream.indirect_vreg.gather [hbm4b:s8+s3], $0x80, v4, vm0, $0xb8;
	[tilespmem:$0x18100] =	vst v63  }
0x46: {  	s28 =	simm.s32 $0x5900  }
0x47: {  	[tilespmem:s28], [sflag:$0x1] =	stream.indirect_vreg.gather [hbm4b:s9+s3], $0x80, v4, vm0, $0xb8;
	[tilespmem:$0x18100] =	vst v63  }
0x48: {  	v4 =	vld [tilespmem:$0x20];
	_ =	sdelay $0x4  }
0x49: {  	v5 =	vshrl.u32 v4, $0x3  }
0x4a: {  	v5 =	vmul.u32 $0x30, v5  }
0x4b: {  	v4 =	vand.u32 $0x7, v4  }
0x4c: {  	v4 =	vor.u32 v4, v5  }
0x4d: {  	v5 =	vperm.xlane v4, v0;
	_ =	sdelay $0x1  }
0x4e: {  	v5 =	vadd.s32 v1, v5;
	_ =	sdelay $0x3  }
0x4f: {  	s28 =	simm.s32 $0x6100;
	v4 =	vperm.xlane v4, v2  }
0x50: {  	[tilespmem:s28], [sflag:$0x1] =	stream.indirect_vreg.gather [hbm4b:s1+s3], $0x80, v5, vm0, $0xb8;
	[tilespmem:$0x18100] =	vst v63  }
0x51: {  	v4 =	vadd.s32 v1, v4;
	s28 =	simm.s32 $0x6900  }
0x52: {  	[tilespmem:s28], [sflag:$0x1] =	stream.indirect_vreg.gather [hbm4b:s8+s3], $0x80, v5, vm0, $0xb8;
	[tilespmem:$0x18100] =	vst v63  }
0x53: {  	s28 =	simm.s32 $0x7100  }
0x54: {  	[tilespmem:s28], [sflag:$0x1] =	stream.indirect_vreg.gather [hbm4b:s9+s3], $0x80, v5, vm0, $0xb8;
	[tilespmem:$0x18100] =	vst v63  }
0x55: {  	s28 =	simm.s32 $0x7900  }
0x56: {  	[tilespmem:s28], [sflag:$0x1] =	stream.indirect_vreg.gather [hbm4b:s1+s3], $0x80, v4, vm0, $0xb8;
	[tilespmem:$0x18100] =	vst v63  }
0x57: {  	s28 =	simm.s32 $0x8100  }
0x58: {  	[tilespmem:s28], [sflag:$0x1] =	stream.indirect_vreg.gather [hbm4b:s8+s3], $0x80, v4, vm0, $0xb8;
	[tilespmem:$0x18100] =	vst v63  }
0x59: {  	s28 =	simm.s32 $0x8900  }
0x5a: {  	[tilespmem:s28], [sflag:$0x1] =	stream.indirect_vreg.gather [hbm4b:s9+s3], $0x80, v4, vm0, $0xb8;
	[tilespmem:$0x18100] =	vst v63  }
0x5b: {  	v4 =	vld [tilespmem:$0x30];
	_ =	sdelay $0x4  }
0x5c: {  	v5 =	vshrl.u32 v4, $0x3  }
0x5d: {  	v5 =	vmul.u32 $0x30, v5  }
0x5e: {  	v4 =	vand.u32 $0x7, v4  }
0x5f: {  	v4 =	vor.u32 v4, v5  }
0x60: {  	v5 =	vperm.xlane v4, v0;
	_ =	sdelay $0x1  }
0x61: {  	v5 =	vadd.s32 v1, v5;
	_ =	sdelay $0x3  }
0x62: {  	s28 =	simm.s32 $0x9100;
	v4 =	vperm.xlane v4, v2  }
0x63: {  	[tilespmem:s28], [sflag:$0x1] =	stream.indirect_vreg.gather [hbm4b:s1+s3], $0x80, v5, vm0, $0xb8;
	[tilespmem:$0x18100] =	vst v63  }
0x64: {  	v4 =	vadd.s32 v1, v4;
	s28 =	simm.s32 $0x9900  }
0x65: {  	[tilespmem:s28], [sflag:$0x1] =	stream.indirect_vreg.gather [hbm4b:s8+s3], $0x80, v5, vm0, $0xb8;
	[tilespmem:$0x18100] =	vst v63  }
0x66: {  	s28 =	simm.s32 $0xA100  }
0x67: {  	[tilespmem:s28], [sflag:$0x1] =	stream.indirect_vreg.gather [hbm4b:s9+s3], $0x80, v5, vm0, $0xb8;
	[tilespmem:$0x18100] =	vst v63  }
0x68: {  	s25 =	sor.u32 s25, s5;
	s28 =	simm.s32 $0xA900  }
0x69: {  	[tilespmem:s28], [sflag:$0x1] =	stream.indirect_vreg.gather [hbm4b:s1+s3], $0x80, v4, vm0, $0xb8;
	[tilespmem:$0x18100] =	vst v63  }
0x6a: {  	s26 =	sshrl.u32 s25, $0x3;
	s28 =	simm.s32 $0xB100  }
0x6b: {  	[tilespmem:s28], [sflag:$0x1] =	stream.indirect_vreg.gather [hbm4b:s8+s3], $0x80, v4, vm0, $0xb8;
	[tilespmem:$0x18100] =	vst v63  }
0x6c: {  	s25 =	sor.u32 $0x8, s26;
	s28 =	simm.s32 $0xB900  }
0x6d: {  	[tilespmem:s28], [sflag:$0x1] =	stream.indirect_vreg.gather [hbm4b:s9+s3], $0x80, v4, vm0, $0xb8;
	[tilespmem:$0x18100] =	vst v63  }
0x6e: {  	s28 =	sadd.s32 s4, s25  }
0x6f: {  	[tilespmem:s29], [sflag:$0x5] =	stream.linear.gather [hbm4b:s28+s3], $0x40, $0x38;
	[tilespmem:$0x18100] =	vst v63  }
0x70: {  	_ =	swait.ge [sflag:s12], $0x40  }
0x71: {  	[sflag:s12] =	ssyncset.done $0x0  }
0x72: {  	s28 =	simm.s32 @p1 $0x4;
	[sflag:s12] =	ssyncadd.s32 $0xFFFFFFC0  }
0x73: {  	_ =	swait.ge @p1 [sflag:s28], $0xC000  }
0x74: {  	[sflag:s28] =	ssyncset.done @p1 $0x0  }
0x75: {  	[sflag:s28] =	ssyncadd.s32 @p1 $0xFFFF4000  }
0x76: {  	_ =	swait.ge [sflag:s17], $0xC000  }
0x77: {  	[sflag:s17] =	ssyncset.done $0x0  }
0x78: {  	[sflag:s17] =	ssyncadd.s32 $0xFFFF4000  }
0x79: {  	v4 =	vld [tilespmem:$0x80];
	_ =	sdelay $0x4  }
0x7a: {  	v5 =	vshrl.u32 v4, $0x3  }
0x7b: {  	v5 =	vmul.u32 $0x30, v5  }
0x7c: {  	v4 =	vand.u32 $0x7, v4  }
0x7d: {  	v4 =	vor.u32 v4, v5  }
0x7e: {  	v5 =	vperm.xlane v4, v0;
	_ =	sdelay $0x1  }
0x7f: {  	v5 =	vadd.s32 v1, v5;
	_ =	sdelay $0x3  }
0x80: {  	v4 =	vperm.xlane v4, v3  }
0x81: {  	[tilespmem:s18], [sflag:$0x2] =	stream.indirect_vreg.gather [hbm4b:s1+s3], $0x80, v5, vm0, $0xb8;
	[tilespmem:$0x18100] =	vst v63  }
0x82: {  	s28 =	simm.s32 $0xC900;
	v4 =	vadd.s32 v1, v4  }
0x83: {  	[tilespmem:s28], [sflag:$0x2] =	stream.indirect_vreg.gather [hbm4b:s8+s3], $0x80, v5, vm0, $0xb8;
	[tilespmem:$0x18100] =	vst v63  }
0x84: {  	s28 =	simm.s32 $0xD100  }
0x85: {  	[tilespmem:s28], [sflag:$0x2] =	stream.indirect_vreg.gather [hbm4b:s9+s3], $0x80, v5, vm0, $0xb8;
	[tilespmem:$0x18100] =	vst v63  }
0x86: {  	s28 =	simm.s32 $0xD900  }
0x87: {  	[tilespmem:s28], [sflag:$0x2] =	stream.indirect_vreg.gather [hbm4b:s1+s3], $0x80, v4, vm0, $0xb8;
	[tilespmem:$0x18100] =	vst v63  }
0x88: {  	s28 =	simm.s32 $0xE100  }
0x89: {  	[tilespmem:s28], [sflag:$0x2] =	stream.indirect_vreg.gather [hbm4b:s8+s3], $0x80, v4, vm0, $0xb8;
	[tilespmem:$0x18100] =	vst v63  }
0x8a: {  	s28 =	simm.s32 $0xE900  }
0x8b: {  	[tilespmem:s28], [sflag:$0x2] =	stream.indirect_vreg.gather [hbm4b:s9+s3], $0x80, v4, vm0, $0xb8;
	[tilespmem:$0x18100] =	vst v63  }
0x8c: {  	v4 =	vld [tilespmem:$0x90];
	_ =	sdelay $0x4  }
0x8d: {  	v5 =	vshrl.u32 v4, $0x3  }
0x8e: {  	v5 =	vmul.u32 $0x30, v5  }
0x8f: {  	v4 =	vand.u32 $0x7, v4  }
0x90: {  	v4 =	vor.u32 v4, v5  }
0x91: {  	v5 =	vperm.xlane v4, v0;
	_ =	sdelay $0x1  }
0x92: {  	v5 =	vadd.s32 v1, v5;
	_ =	sdelay $0x3  }
0x93: {  	s28 =	simm.s32 $0xF100;
	v4 =	vperm.xlane v4, v3  }
0x94: {  	[tilespmem:s28], [sflag:$0x2] =	stream.indirect_vreg.gather [hbm4b:s1+s3], $0x80, v5, vm0, $0xb8;
	[tilespmem:$0x18100] =	vst v63  }
0x95: {  	v4 =	vadd.s32 v1, v4;
	s28 =	simm.s32 $0xF900  }
0x96: {  	[tilespmem:s28], [sflag:$0x2] =	stream.indirect_vreg.gather [hbm4b:s8+s3], $0x80, v5, vm0, $0xb8;
	[tilespmem:$0x18100] =	vst v63  }
0x97: {  	s28 =	simm.s32 $0x10100  }
0x98: {  	[tilespmem:s28], [sflag:$0x2] =	stream.indirect_vreg.gather [hbm4b:s9+s3], $0x80, v5, vm0, $0xb8;
	[tilespmem:$0x18100] =	vst v63  }
0x99: {  	s28 =	simm.s32 $0x10900  }
0x9a: {  	[tilespmem:s28], [sflag:$0x2] =	stream.indirect_vreg.gather [hbm4b:s1+s3], $0x80, v4, vm0, $0xb8;
	[tilespmem:$0x18100] =	vst v63  }
0x9b: {  	s28 =	simm.s32 $0x11100  }
0x9c: {  	[tilespmem:s28], [sflag:$0x2] =	stream.indirect_vreg.gather [hbm4b:s8+s3], $0x80, v4, vm0, $0xb8;
	[tilespmem:$0x18100] =	vst v63  }
0x9d: {  	_ = 	snop  }
0x9e: {  	[tilespmem:s30], [sflag:$0x2] =	stream.indirect_vreg.gather [hbm4b:s9+s3], $0x80, v4, vm0, $0xb8;
	[tilespmem:$0x18100] =	vst v63  }
0x9f: {  	v4 =	vld [tilespmem:$0xA0];
	_ =	sdelay $0x4  }
0xa0: {  	v5 =	vshrl.u32 v4, $0x3  }
0xa1: {  	v5 =	vmul.u32 $0x30, v5  }
0xa2: {  	v4 =	vand.u32 $0x7, v4  }
0xa3: {  	v4 =	vor.u32 v4, v5  }
0xa4: {  	v5 =	vperm.xlane v4, v0;
	_ =	sdelay $0x1  }
0xa5: {  	v5 =	vadd.s32 v1, v5;
	_ =	sdelay $0x3  }
0xa6: {  	v4 =	vperm.xlane v4, v3  }
0xa7: {  	[tilespmem:s31], [sflag:$0x2] =	stream.indirect_vreg.gather [hbm4b:s1+s3], $0x80, v5, vm0, $0xb8;
	[tilespmem:$0x18100] =	vst v63  }
0xa8: {  	v4 =	vadd.s32 v1, v4  }
0xa9: {  	[tilespmem:s0], [sflag:$0x2] =	stream.indirect_vreg.gather [hbm4b:s8+s3], $0x80, v5, vm0, $0xb8;
	[tilespmem:$0x18100] =	vst v63  }
0xaa: {  	_ = 	snop  }
0xab: {  	[tilespmem:s2], [sflag:$0x2] =	stream.indirect_vreg.gather [hbm4b:s9+s3], $0x80, v5, vm0, $0xb8;
	[tilespmem:$0x18100] =	vst v63  }
0xac: {  	_ = 	snop  }
0xad: {  	[tilespmem:s11], [sflag:$0x2] =	stream.indirect_vreg.gather [hbm4b:s1+s3], $0x80, v4, vm0, $0xb8;
	[tilespmem:$0x18100] =	vst v63  }
0xae: {  	_ = 	snop  }
0xaf: {  	[tilespmem:s7], [sflag:$0x2] =	stream.indirect_vreg.gather [hbm4b:s8+s3], $0x80, v4, vm0, $0xb8;
	[tilespmem:$0x18100] =	vst v63  }
0xb0: {  	_ = 	snop  }
0xb1: {  	[tilespmem:s14], [sflag:$0x2] =	stream.indirect_vreg.gather [hbm4b:s9+s3], $0x80, v4, vm0, $0xb8;
	[tilespmem:$0x18100] =	vst v63  }
0xb2: {  	v4 =	vld [tilespmem:$0xB0];
	_ =	sdelay $0x4  }
0xb3: {  	v5 =	vshrl.u32 v4, $0x3  }
0xb4: {  	v5 =	vmul.u32 $0x30, v5  }
0xb5: {  	v4 =	vand.u32 $0x7, v4  }
0xb6: {  	v4 =	vor.u32 v4, v5  }
0xb7: {  	v5 =	vperm.xlane v4, v0;
	_ =	sdelay $0x1  }
0xb8: {  	v5 =	vadd.s32 v1, v5;
	_ =	sdelay $0x3  }
0xb9: {  	v4 =	vperm.xlane v4, v3  }
0xba: {  	[tilespmem:s15], [sflag:$0x2] =	stream.indirect_vreg.gather [hbm4b:s1+s3], $0x80, v5, vm0, $0xb8;
	[tilespmem:$0x18100] =	vst v63  }
0xbb: {  	v4 =	vadd.s32 v1, v4  }
0xbc: {  	[tilespmem:s16], [sflag:$0x2] =	stream.indirect_vreg.gather [hbm4b:s8+s3], $0x80, v5, vm0, $0xb8;
	[tilespmem:$0x18100] =	vst v63  }
0xbd: {  	_ = 	snop  }
0xbe: {  	[tilespmem:s19], [sflag:$0x2] =	stream.indirect_vreg.gather [hbm4b:s9+s3], $0x80, v5, vm0, $0xb8;
	[tilespmem:$0x18100] =	vst v63  }
0xbf: {  	_ = 	snop  }
0xc0: {  	[tilespmem:s20], [sflag:$0x2] =	stream.indirect_vreg.gather [hbm4b:s1+s3], $0x80, v4, vm0, $0xb8;
	[tilespmem:$0x18100] =	vst v63  }
0xc1: {  	_ = 	snop  }
0xc2: {  	[tilespmem:s21], [sflag:$0x2] =	stream.indirect_vreg.gather [hbm4b:s8+s3], $0x80, v4, vm0, $0xb8;
	[tilespmem:$0x18100] =	vst v63  }
0xc3: {  	s26 =	smul.u32 $0x300, s26  }
0xc4: {  	[tilespmem:s22], [sflag:$0x2] =	stream.indirect_vreg.gather [hbm4b:s9+s3], $0x80, v4, vm0, $0xb8;
	[tilespmem:$0x18100] =	vst v63  }
0xc5: {  	s26 =	sadd.s32 s6, s26  }
0xc6: {  	[hbm4b:s26+s3] =	stream.linear.scatter [tilespmem:s13], [sflag:$0x3], $0xC000, $0x38;
	[tilespmem:$0x18100] =	vst v63  }
0xc7: {  	s26 =	simm.s32 @p0 $0x0  }
0xc8: {  	[tilespmem:s26], [sflag:$0x5] =	stream.linear.gather @p0 [hbm4b:s10+s26], $0x40, $0x38;
	[tilespmem:$0x18100] =	vst v63  }
0xc9: {  	s26 =	simm.s32 @p0 $0x5  }
0xca: {  	_ =	swait.ge @p0 [sflag:s26], $0x40  }
0xcb: {  	[sflag:s26] =	ssyncset.done @p0 $0x0  }
0xcc: {  	[sflag:s26] =	ssyncadd.s32 @p0 $0xFFFFFFC0  }
0xcd: {  	_ =	swait.ge [sflag:s23], $0xC000  }
0xce: {  	[sflag:s23] =	ssyncset.done $0x0  }
.Ltmp2:
0xcf: {  	[sflag:s23] =	ssyncadd.s32 $0xFFFF4000;
	(pc) =	sbr.rel @!p0 .LBB2_4-.Ltmp2, $4  }
0xd0: {  	s25 =	smul.u32 $0x300, s25;
	_ =	swait.ge [sflag:s24], $0xC000  }
0xd1: {  	[sflag:s24] =	ssyncset.done $0x0  }
0xd2: {  	s25 =	sadd.s32 s6, s25;
	[sflag:s24] =	ssyncadd.s32 $0xFFFF4000  }
0xd3: {  	[hbm4b:s25+s3] =	stream.linear.scatter [tilespmem:s18], [sflag:$0x4], $0xC000, $0x38;
	[tilespmem:$0x18100] =	vst v63  }
0xd4: {  	v4 =	vld [tilespmem:$0x0];
	_ =	sdelay $0x4  }
0xd5: {  	v5 =	vshrl.u32 v4, $0x3  }
0xd6: {  	v5 =	vmul.u32 $0x30, v5  }
0xd7: {  	v4 =	vand.u32 $0x7, v4  }
0xd8: {  	v4 =	vor.u32 v4, v5  }
0xd9: {  	v5 =	vperm.xlane v4, v0;
	_ =	sdelay $0x1  }
0xda: {  	v5 =	vadd.s32 v1, v5;
	_ =	sdelay $0x3  }
.Ltmp3:
0xdb: {  	_ = 	snop;
	(pc) =	sbr.rel .LBB2_2-.Ltmp3, $4  }
0xdc: {  	[tilespmem:s13], [sflag:$0x1] =	stream.indirect_vreg.gather [hbm4b:s1+s3], $0x80, v5, vm0, $0xb8;
	[tilespmem:$0x18100] =	vst v63  }
0xdd: {  	s25 =	simm.s32 $0x900  }
0xde: {  	[tilespmem:s25], [sflag:$0x1] =	stream.indirect_vreg.gather [hbm4b:s8+s3], $0x80, v5, vm0, $0xb8;
	[tilespmem:$0x18100] =	vst v63  }
0xdf: {  	p0 =	por $0x0, $0x0;
	p1 =	por $0x1, $0x1;
	s25 =	simm.s32 $0x80  }
.LBB2_5:
0xe0: {  	_ =	sfence.sel $0x180000  }
0xe1: {  	[bflag:$0x0] =	sbarrier.arrive $0xFFFF  }
0xe2: {  	_ =	strace $0x9000004A  }
0xe3: {  	s0 =	stileid.u32;
	[bflag:$0x2] =	sbarrier.arrive $0xFFFF  }
0xe4: {  	p0 =	sne.s32 s0, $0x0;
	s0 =	rddreg [dreg:$0x2]  }
0xe5: {  	s0 =	sadd.s32 @!p0 $0x100000, s0  }
0xe6: {  	[sflag:s0] =	ssyncadd.tile.s32 @!p0 $0x1;
	_ =	shalt  }
.Lfunc_end2:
_tile_overlayer_lowered:
.L_overlay_start_2:
0xe7: {  	(tag) =	ssettag $0x2  }
0xe8: {  	s0 =	rddreg [dreg:$0x0];
	s2 =	stileid.u32  }
0xe9: {  	s1 =	rddreg [dreg:$0x1];
	p0 =	sne.s32 s2, $0x0  }
0xea: {  	s3 =	rddreg [dreg:$0x2];
	[bflag:$0x3] =	sbarrier.arrive $0xFFFF;
	s2 =	simm.s32 @!p0 $0x1C05  }
0xeb: {  	[timem:s3], [sflag:s2] =	dma.local @!p0 [hbm:s0], s1  }
0xec: {  	s0 =	simm.s32 @!p0 $0x5  }
0xed: {  	_ =	swait.ge @!p0 [sflag:s0], s1  }
0xee: {  	s1 =	ssub.s32 @!p0 $0x0, s1;
	[sflag:s0] =	ssyncset.done @!p0 $0x0  }
0xef: {  	[sflag:s0] =	ssyncadd.s32 @!p0 s1  }
0xf0: {  	[bflag:$0x3] =	sbarrier.arrive $0xFFFF  }
0xf1: {  	_ =	shalt  }

// kernel: kernel.19.cloned.1.call-start
scs
__scs_entry_jumppad:
0x0: {  	(pc) =	sbr.rel $0x88, $3  }
0x1: {  	(tag) =	ssettag $0x0;
	lr =	simm.s32 $0x1  }
0x2: {  	[smem:$0x3F93] =	sst lr;
	_ =	strace $0xD0000000  }
0x3: {  	_ = 	snop  }
0x4: {  	_ = 	snop  }
0x5: {  	_ = 	snop  }
0x6: {  	_ = 	snop  }
0x7: {  	_ = 	snop  }
__scs_overlays_trampoline_lowered:
0x8: {  	[smem:$0x3FA2] =	sst s0  }
0x9: {  	[smem:$0x3FA3] =	sst s1  }
0xa: {  	[smem:$0x3FA4] =	sst s2  }
0xb: {  	[smem:$0x3FA5] =	sst s3  }
0xc: {  	[smem:$0x3FA6] =	sst s4  }
0xd: {  	[smem:$0x3FA7] =	sst s5  }
0xe: {  	[smem:$0x3FA8] =	sst s6  }
0xf: {  	[smem:$0x3FA9] =	sst s7  }
0x10: {  	[smem:$0x3FAA] =	sst s8  }
0x11: {  	[smem:$0x3FAB] =	sst s9;
	s0 =	simm.s32 @!p0 $0x0  }
0x12: {  	s1 =	sld [smem:$0x3F91];
	s0 =	simm.s32 @p0 $0x1  }
0x13: {  	[smem:$0x3FAC] =	sst s0;
	s0 =	simm.s32 @!p1 $0x0  }
0x14: {  	s2 =	sld [smem:$0x3F90];
	s0 =	simm.s32 @p1 $0x1  }
0x15: {  	[smem:$0x3FAD] =	sst s0;
	s0 =	simm.s32 @!p2 $0x0  }
0x16: {  	s3 =	sld [smem:$0x3FDB];
	s0 =	simm.s32 @p2 $0x1  }
0x17: {  	s4 =	simm.s32 $0x1BF5;
	[smem:$0x3FAF] =	sst s0  }
0x18: {  	s0 =	sld [smem:$0x3F92];
	_ =	swait.ge [sflag:s4], $0x0  }
0x19: {  	s7 =	sld [smem:$0x3F93]  }
0x1a: {  	s8 =	sadd.s32 $0xFFFFE003, lr  }
0x1b: {  	s9 =	sadd.s32 $0xFFFFFEF7, lr;
	s5 =	simm.s32 $0xFFFFFFFF;
	p2 =	slt.u32 s8, $0xFFFFF086  }
0x1c: {  	p1 =	slt.u32 s9, $0xF7A;
	s5 =	simm.s32 @!p2 $0x0  }
0x1d: {  	s5 =	simm.s32 @p1 $0x1;
	p0 =	seq.s32 s7, s2  }
0x1e: {  	s7 =	smul.u32 @!p0 $0xF7A, s2;
	p2 =	seq.s32 @!p0 s5, $0x0  }
0x1f: {  	s9 =	smul.u32 $0xF7A, s1;
	s8 =	simm.s32 @!p0 $0x1BF5;
	p2 =	por !p2, p0  }
0x20: {  	[sflag:s8] =	ssyncset.s32 @!p0 $0xFFFFF086;
	s6 =	sadd.s32 @!p0 s3, s7;
	s7 =	simm.s32 @!p0 $0x108  }
0x21: {  	s3 =	sadd.s32 s3, s9;
	s6 =	sadd.s32 @!p0 $0x88, s6;
	s7 =	simm.s32 @p2 $0x1082  }
0x22: {  	[simem:s7], [sflag:s8] =	dma.local @!p0 [hbm:s6], $0xF7A  }
0x23: {  	s9 =	sor.u32 $0xD0000000, s2;
	s6 =	simm.s32 $0x108;
	_ =	swait.ge @!p0 [sflag:s8], $0x0  }
0x24: {  	s3 =	sadd.s32 $0x88, s3;
	s6 =	simm.s32 @!p1 $0x1082;
	[sflag:s4] =	ssyncset.s32 $0xFFFFF086  }
0x25: {  	[simem:s6], [sflag:s4] =	dma.local [hbm:s3], $0xF7A  }
0x26: {  	[smem:$0x3F93] =	sst s1;
	(tag) =	ssettag s2;
	_ =	strace s9  }
0x27: {  	s1 =	sld [smem:$0x3FA3]  }
0x28: {  	s2 =	sld [smem:$0x3FA4]  }
0x29: {  	s4 =	sld [smem:$0x3FA6]  }
0x2a: {  	p0 =	seq.s32 s5, $0x0;
	s5 =	sld [smem:$0x3FA7]  }
0x2b: {  	s6 =	sld [smem:$0x3FA8]  }
0x2c: {  	s7 =	sld [smem:$0x3FA9]  }
0x2d: {  	s3 =	simm.s32 $0x108;
	s8 =	sld [smem:$0x3FAA]  }
0x2e: {  	s3 =	simm.s32 @!p0 $0x1082;
	s9 =	sld [smem:$0x3FAB]  }
0x2f: {  	lr =	sadd.s32 s0, s3;
	s0 =	sld [smem:$0x3FA2]  }
0x30: {  	s3 =	sld [smem:$0x3FA5]  }
0x31: {  	[smem:$0x3FAE] =	sst s10  }
0x32: {  	s10 =	sld [smem:$0x3FAC];
	_ =	sdelay $0x3  }
0x33: {  	p0 =	seq.s32 s10, $0x1;
	s10 =	sld [smem:$0x3FAE];
	_ =	sdelay $0x3  }
0x34: {  	[smem:$0x3FAE] =	sst s10  }
0x35: {  	s10 =	sld [smem:$0x3FAD];
	_ =	sdelay $0x3  }
0x36: {  	p1 =	seq.s32 s10, $0x1;
	s10 =	sld [smem:$0x3FAE];
	_ =	sdelay $0x3  }
0x37: {  	[smem:$0x3FAE] =	sst s10  }
0x38: {  	s10 =	sld [smem:$0x3FAF]  }
0x39: {  	_ = 	snop;
	(pc) =	sbr.ind lr, $3  }
0x3a: {  	_ = 	snop  }
0x3b: {  	_ = 	snop  }
0x3c: {  	p2 =	seq.s32 s10, $0x1;
	s10 =	sld [smem:$0x3FAE]  }
0x3d: {  	_ =	shalt  }
0x3e: {  	_ =	shalt  }
0x3f: {  	_ =	shalt  }
0x40: {  	_ =	shalt  }
0x41: {  	_ =	shalt  }
0x42: {  	_ =	shalt  }
0x43: {  	_ =	shalt  }
0x44: {  	_ =	shalt  }
0x45: {  	_ =	shalt  }
0x46: {  	_ =	shalt  }
0x47: {  	_ =	shalt  }
0x48: {  	_ =	shalt  }
0x49: {  	_ =	shalt  }
0x4a: {  	_ =	shalt  }
0x4b: {  	_ =	shalt  }
0x4c: {  	_ =	shalt  }
0x4d: {  	_ =	shalt  }
0x4e: {  	_ =	shalt  }
0x4f: {  	_ =	shalt  }
0x50: {  	_ =	shalt  }
0x51: {  	_ =	shalt  }
0x52: {  	_ =	shalt  }
0x53: {  	_ =	shalt  }
0x54: {  	_ =	shalt  }
0x55: {  	_ =	shalt  }
0x56: {  	_ =	shalt  }
0x57: {  	_ =	shalt  }
0x58: {  	_ =	shalt  }
0x59: {  	_ =	shalt  }
0x5a: {  	_ =	shalt  }
0x5b: {  	_ =	shalt  }
0x5c: {  	_ =	shalt  }
0x5d: {  	_ =	shalt  }
0x5e: {  	_ =	shalt  }
0x5f: {  	_ =	shalt  }
0x60: {  	_ =	shalt  }
0x61: {  	_ =	shalt  }
0x62: {  	_ =	shalt  }
0x63: {  	_ =	shalt  }
0x64: {  	_ =	shalt  }
0x65: {  	_ =	shalt  }
0x66: {  	_ =	shalt  }
0x67: {  	_ =	shalt  }
0x68: {  	_ =	shalt  }
0x69: {  	_ =	shalt  }
0x6a: {  	_ =	shalt  }
0x6b: {  	_ =	shalt  }
0x6c: {  	_ =	shalt  }
0x6d: {  	_ =	shalt  }
0x6e: {  	_ =	shalt  }
0x6f: {  	_ =	shalt  }
0x70: {  	_ =	shalt  }
0x71: {  	_ =	shalt  }
0x72: {  	_ =	shalt  }
0x73: {  	_ =	shalt  }
0x74: {  	_ =	shalt  }
0x75: {  	_ =	shalt  }
0x76: {  	_ =	shalt  }
0x77: {  	_ =	shalt  }
0x78: {  	_ =	shalt  }
0x79: {  	_ =	shalt  }
0x7a: {  	_ =	shalt  }
0x7b: {  	_ =	shalt  }
0x7c: {  	_ =	shalt  }
0x7d: {  	_ =	shalt  }
0x7e: {  	_ =	shalt  }
0x7f: {  	_ =	shalt  }
0x80: {  	_ =	shalt  }
0x81: {  	_ =	shalt  }
0x82: {  	_ =	shalt  }
0x83: {  	_ =	shalt  }
0x84: {  	_ =	shalt  }
0x85: {  	_ =	shalt  }
0x86: {  	_ =	shalt  }
0x87: {  	_ =	shalt  }
.Lfunc_end0:
.L_simem_size_0:
called_computation.2_lowered:
.L_overlay_start_0:
0x88: {  	s2 =	sld [smem:$0x3FD9]  }
0x89: {  	s3 =	sld [smem:$0x3FFE];
	_ =	sdelay $0x1  }
0x8a: {  	s1 =	srdreg.scid  }
0x8b: {  	s0 =	sand.u32 $0x1, s1  }
0x8c: {  	s17 =	sshll.u32 s0, $0xA;
	s2 =	sadd.s32 s3, s2  }
0x8d: {  	s2 =	sadd.s32 s2, s17  }
0x8e: {  	[smem:$0x3FBA] =	sst s2  }
0x8f: {  	_ = 	snop  }
0x90: {  	s18 =	sld [smem:$0x3FC8];
	(tm) =	ssettm $0x1  }
0x91: {  	s19 =	sld [smem:$0x3FFB];
	_ =	sdelay $0x3  }
0x92: {  	_ =	strace s19  }
0x93: {  	s2 =	sld [smem:$0x3FFC];
	_ =	sdelay $0x3  }
0x94: {  	_ =	strace s2  }
0x95: {  	s2 =	sld [smem:$0x3FFD];
	_ =	sdelay $0x3  }
0x96: {  	_ =	strace s2  }
0x97: {  	_ =	strace $0x8FFFFFFF  }
0x98: {  	s20 =	sld [smem:$0x3FDB];
	_ =	sdelay $0x1  }
0x99: {  	s4 =	simm.s32 $_scs_section_size  }
0x9a: {  	s5 =	simm.s32 $_size__tile_overlayer_lowered;
	s6 =	simm.s32 $_tile_overlayer_lowered  }
0x9b: {  	s7 =	simm.s32 $0x1BFF;
	s21 =	sshll.u32 s6, $0x1;
	s4 =	sadd.s32 s4, s20  }
0x9c: {  	s22 =	simm.s32 $0x0;
	s5 =	sshll.u32 s5, $0x1;
	s6 =	sadd.s32 s21, s4  }
0x9d: {  	[timem:s22], [sflag:s7] =	dma.local [hbm:s6], s5  }
0x9e: {  	_ =	swait.ge [sflag:s7], s5  }
0x9f: {  	s5 =	ssub.s32 $0x0, s5;
	[sflag:s7] =	ssyncset.done $0x0  }
0xa0: {  	[sflag:s7] =	ssyncadd.s32 s5;
	_ =	sdelay $0x1  }
0xa1: {  	s23 =	simm.s32 $0x1B8B  }
0xa2: {  	_ =	swait.ge [sflag:s23], $0x1  }
0xa3: {  	[sflag:s23] =	ssyncset.done $0x0  }
0xa4: {  	[sflag:s23] =	ssyncadd.s32 $0xFFFFFFFF  }
0xa5: {  	s5 =	sld [smem:$0x0]  }
0xa6: {  	s6 =	sand.u32 $0xFFFFFFFE, s1  }
0xa7: {  	p0 =	sne.s32 s1, s6  }
0xa8: {  	s6 =	sshll.u32 @p0 s6, $0xE  }
0xa9: {  	s6 =	sadd.s32 @p0 $0x11B8D, s6;
	s7 =	sshll.u32 @p0 s5, $0x11  }
0xaa: {  	s6 =	sor.u32 @p0 s7, s6  }
0xab: {  	[sflag:s6] =	ssyncadd.remote.s32 @p0 $0x1;
	_ =	sdelay $0x1  }
0xac: {  	s6 =	simm.s32 @p0 $0x1B8D  }
0xad: {  	_ =	swait.eq @p0 [sflag:s6], $0x1  }
0xae: {  	[sflag:s6] =	ssyncadd.s32 @p0 $0xFFFFFFFF  }
0xaf: {  	s7 =	sshll.u32 @!p0 s1, $0xE  }
0xb0: {  	s7 =	sor.u32 @!p0 $0x4000, s7;
	s6 =	simm.s32 @!p0 $0x1B8D  }
0xb1: {  	s5 =	sshll.u32 @!p0 s5, $0x11;
	s7 =	sadd.s32 @!p0 $0x11B8D, s7;
	_ =	swait.eq @!p0 [sflag:s6], $0x1  }
0xb2: {  	s5 =	sor.u32 @!p0 s5, s7;
	[sflag:s6] =	ssyncadd.s32 @!p0 $0xFFFFFFFF  }
0xb3: {  	s25 =	simm.s32 $0x1B8E;
	s24 =	sld [smem:$0x3FFE];
	[sflag:s5] =	ssyncadd.remote.s32 @!p0 $0x1  }
0xb4: {  	s26 =	simm.s32 $execute0_lowered;
	[smem:$0x3FD2] =	sst s25  }
0xb5: {  	s6 =	sshll.u32 s26, $0x1;
	_ =	strace $0x8000004C;
	[dreg:$0x1] =	wrdreg $0xFFFFFFFF  }
0xb6: {  	s28 =	simm.s32 $_size_execute0_lowered;
	s4 =	sadd.s32 s4, s6;
	[dreg:$0x0] =	wrdreg $0x0  }
0xb7: {  	s6 =	sshll.u32 s28, $0x1;
	[dreg:$0x2] =	wrdreg s4  }
0xb8: {  	[dreg:$0x3] =	wrdreg s6  }
0xb9: {  	[dreg:$0x4] =	wrdreg $0xC0  }
0xba: {  	_ =	task [dreg:s22], $0x5FFFF  }
0xbb: {  	[dreg:$0x1] =	wrdreg $0xFFFFFFFF  }
0xbc: {  	[dreg:$0x0] =	wrdreg $0x60  }
0xbd: {  	[dreg:$0x2] =	wrdreg s24  }
0xbe: {  	[dreg:$0x3] =	wrdreg s18  }
0xbf: {  	[dreg:$0x4] =	wrdreg $0xB  }
0xc0: {  	_ =	task.clear_ibuf [dreg:s22], $0x5FFFF;
	_ =	strace $0x9000004C  }
0xc1: {  	s29 =	simm.s32 $0xB;
	_ =	strace $0x8000004E  }
0xc2: {  	_ =	swait.ge [sflag:s29], $0x1  }
0xc3: {  	[sflag:s29] =	ssyncadd.s32 $0xFFFFFFFF  }
0xc4: {  	_ =	strace $0x9000004E  }
0xc5: {  	_ =	sfence  }
0xc6: {  	s30 =	sld [smem:$0x0];
	_ =	sdelay $0x2  }
0xc7: {  	s31 =	sshll.u32 s1, $0xD;
	s1 =	sshrl.u32 s1, $0x2  }
0xc8: {  	s4 =	sand.u32 $0x4000, s31;
	s1 =	sadd.s32 s1, s30  }
0xc9: {  	s0 =	sor.u32 s4, s0;
	s1 =	sshll.u32 s1, $0x11  }
0xca: {  	s0 =	sor.u32 s1, s0  }
0xcb: {  	s0 =	sadd.s32 $0x8F2B, s0  }
0xcc: {  	[sflag:s0] =	ssyncadd.remote.s32 $0x1  }
0xcd: {  	_ =	sfence.sel $0xFFFF  }
0xce: {  	[dreg:$0x0] =	wrdreg $0xFFFFFFFF;
	(pc) =	sbr.abs _section_cstart, $3  }
0xcf: {  	[dreg:$0x1] =	wrdreg $0xFFFFFFFF  }
0xd0: {  	_ =	task.clear_ibuf [dreg:s22], $0x2FFFF;
	_ =	strace $0x9FFFFFFF  }
0xd1: {  	(tm) =	ssettm $0x7FFFFFFF  }
tec
execute0_lowered:
.L_overlay_start_1:
0x0: {  	(tag) =	ssettag $0x1  }
0x1: {  	s0 =	rddreg [dreg:$0x0]  }
0x2: {  	s1 =	rddreg [dreg:$0x1];
	s3 =	simm.s32 $0x0;
	s2 =	srdreg.scid  }
0x3: {  	s4 =	stileid.u32;
	s12 =	simm.s32 $0x5;
	s13 =	simm.s32 $0x100  }
0x4: {  	s17 =	simm.s32 $0x1;
	s18 =	simm.s32 $0xC100;
	s30 =	simm.s32 $0x11900  }
0x5: {  	s31 =	simm.s32 $0x12100;
	s11 =	simm.s32 $0x13900;
	s14 =	simm.s32 $0x14900  }
0x6: {  	s15 =	simm.s32 $0x15100;
	s16 =	simm.s32 $0x15900;
	s19 =	simm.s32 $0x16100  }
0x7: {  	s20 =	simm.s32 $0x16900;
	s21 =	simm.s32 $0x17100;
	s22 =	simm.s32 $0x17900  }
0x8: {  	s23 =	simm.s32 $0x3;
	s24 =	simm.s32 $0x2;
	s28 =	simm.s32 $0x0  }
0x9: {  	s29 =	simm.s32 $0x80;
	[smem:$0x7FF] =	sst s3;
	s2 =	sand.u32 $0x1, s2  }
0xa: {  	s5 =	sshll.u32 s4, $0x9;
	s4 =	sadd.s32 $0xC3200, s0;
	s6 =	sadd.s32 $0x183A00, s0  }
0xb: {  	s9 =	sadd.s32 $0x200, s1;
	s7 =	ssub.s32 $0x2, s2;
	s2 =	sshll.u32 s2, $0x8  }
.Ltmp0:
0xc: {  	s8 =	sshrl.u32 s7, $0x1;
	s5 =	sor.u32 s2, s5;
	(pc) =	sbr.rel .LBB2_1-.Ltmp0, $4  }
0xd: {  	_ =	strace $0x8000004D;
	s26 =	ssub.s32 s7, s8;
	s2 =	sshrl.u32 s5, $0x3  }
0xe: {  	v3 =	vlaneseq.u32;
	s8 =	sadd.s32 $0x100, s1;
	s7 =	simm.s32 $0x14100;
	s2 =	sadd.s32 s4, s2  }
0xf: {  	vm0 =	vmmov $0xffff;
	v1 =	vshrl.u32 v3, $0x3;
	v0 =	vand.u32 $0x7, v3;
	s0 =	smax.u32 s26, $0x1;
	[dreg:$0x3] =	wrdreg s2;
	s10 =	sadd.s32 $0x10, s2  }
0x10: {  	v3 =	vor.u32 $0x8, v3;
	v1 =	vmul.u32 $0x8, v1;
	v2 =	vor.u32 $0x8, v0;
	[dreg:$0x4] =	wrdreg s0;
	s0 =	simm.s32 $0x12900;
	s2 =	simm.s32 $0x13100  }
.LBB2_4:
0x11: {  	s26 =	simm.s32 $0x4  }
0x12: {  	_ =	swait.ge [sflag:s26], $0xC000  }
0x13: {  	s28 =	rddreg [dreg:$0x5]  }
0x14: {  	s25 =	rddreg [dreg:$0x4];
	s28 =	sadd.s32 $0x1, s28  }
0x15: {  	p0 =	sne.s32 s28, s25  }
.Ltmp1:
0x16: {  	_ = 	snop;
	(pc) =	sbr.rel @!p0 .LBB2_5-.Ltmp1, $3  }
0x17: {  	_ =	sdelay $0x1  }
0x18: {  	[sflag:s26] =	ssyncset.done $0x0  }
0x19: {  	[sflag:s26] =	ssyncadd.s32 $0xFFFF4000  }
.LBB2_1:
0x1a: {  	[dreg:$0x5] =	wrdreg s28  }
0x1b: {  	s25 =	rddreg [dreg:$0x3]  }
0x1c: {  	[tilespmem:s3], [sflag:$0x5] =	stream.linear.gather [hbm4b:s25+s3], $0x40, $0x38;
	[tilespmem:$0x18100] =	vst v63  }
0x1d: {  	_ =	swait.ge [sflag:s12], $0x40  }
0x1e: {  	[sflag:s12] =	ssyncset.done $0x0  }
0x1f: {  	[sflag:s12] =	ssyncadd.s32 $0xFFFFFFC0  }
0x20: {  	v4 =	vld [tilespmem:$0x0];
	_ =	sdelay $0x4  }
0x21: {  	v5 =	vshrl.u32 v4, $0x3  }
0x22: {  	v5 =	vmul.u32 $0x30, v5  }
0x23: {  	v4 =	vand.u32 $0x7, v4  }
0x24: {  	v4 =	vor.u32 v4, v5  }
0x25: {  	v5 =	vperm.xlane v4, v0;
	_ =	sdelay $0x1  }
0x26: {  	v5 =	vadd.s32 v1, v5;
	_ =	sdelay $0x3  }
0x27: {  	s28 =	simm.s32 $0x900  }
0x28: {  	[tilespmem:s13], [sflag:$0x1] =	stream.indirect_vreg.gather [hbm4b:s1+s3], $0x80, v5, vm0, $0xb8;
	[tilespmem:$0x18100] =	vst v63  }
0x29: {  	p0 =	por $0x1, $0x1;
	p1 =	por $0x0, $0x0;
	s25 =	simm.s32 $0x0  }
0x2a: {  	[tilespmem:s28], [sflag:$0x1] =	stream.indirect_vreg.gather [hbm4b:s8+s3], $0x80, v5, vm0, $0xb8;
	[tilespmem:$0x18100] =	vst v63  }
.LBB2_2:
0x2b: {  	v4 =	vperm.xlane v4, v2;
	_ =	sdelay $0x1  }
0x2c: {  	v4 =	vadd.s32 v1, v4;
	_ =	sdelay $0x1  }
0x2d: {  	s26 =	simm.s32 $0x1100  }
0x2e: {  	[tilespmem:s26], [sflag:$0x1] =	stream.indirect_vreg.gather [hbm4b:s9+s3], $0x80, v5, vm0, $0xb8;
	[tilespmem:$0x18100] =	vst v63  }
0x2f: {  	s28 =	simm.s32 $0x1900  }
0x30: {  	[tilespmem:s28], [sflag:$0x1] =	stream.indirect_vreg.gather [hbm4b:s1+s3], $0x80, v4, vm0, $0xb8;
	[tilespmem:$0x18100] =	vst v63  }
0x31: {  	s28 =	simm.s32 $0x2100  }
0x32: {  	[tilespmem:s28], [sflag:$0x1] =	stream.indirect_vreg.gather [hbm4b:s8+s3], $0x80, v4, vm0, $0xb8;
	[tilespmem:$0x18100] =	vst v63  }
0x33: {  	s28 =	simm.s32 $0x2900  }
0x34: {  	[tilespmem:s28], [sflag:$0x1] =	stream.indirect_vreg.gather [hbm4b:s9+s3], $0x80, v4, vm0, $0xb8;
	[tilespmem:$0x18100] =	vst v63  }
0x35: {  	v4 =	vld [tilespmem:$0x10];
	_ =	sdelay $0x4  }
0x36: {  	v5 =	vshrl.u32 v4, $0x3  }
0x37: {  	v5 =	vmul.u32 $0x30, v5  }
0x38: {  	v4 =	vand.u32 $0x7, v4  }
0x39: {  	v4 =	vor.u32 v4, v5  }
0x3a: {  	v5 =	vperm.xlane v4, v0;
	_ =	sdelay $0x1  }
0x3b: {  	v5 =	vadd.s32 v1, v5;
	_ =	sdelay $0x3  }
0x3c: {  	s28 =	simm.s32 $0x3100;
	v4 =	vperm.xlane v4, v2  }
0x3d: {  	[tilespmem:s28], [sflag:$0x1] =	stream.indirect_vreg.gather [hbm4b:s1+s3], $0x80, v5, vm0, $0xb8;
	[tilespmem:$0x18100] =	vst v63  }
0x3e: {  	v4 =	vadd.s32 v1, v4;
	s28 =	simm.s32 $0x3900  }
0x3f: {  	[tilespmem:s28], [sflag:$0x1] =	stream.indirect_vreg.gather [hbm4b:s8+s3], $0x80, v5, vm0, $0xb8;
	[tilespmem:$0x18100] =	vst v63  }
0x40: {  	s28 =	simm.s32 $0x4100  }
0x41: {  	[tilespmem:s28], [sflag:$0x1] =	stream.indirect_vreg.gather [hbm4b:s9+s3], $0x80, v5, vm0, $0xb8;
	[tilespmem:$0x18100] =	vst v63  }
0x42: {  	s28 =	simm.s32 $0x4900  }
0x43: {  	[tilespmem:s28], [sflag:$0x1] =	stream.indirect_vreg.gather [hbm4b:s1+s3], $0x80, v4, vm0, $0xb8;
	[tilespmem:$0x18100] =	vst v63  }
0x44: {  	s28 =	simm.s32 $0x5100  }
0x45: {  	[tilespmem:s28], [sflag:$0x1] =	stream.indirect_vreg.gather [hbm4b:s8+s3], $0x80, v4, vm0, $0xb8;
	[tilespmem:$0x18100] =	vst v63  }
0x46: {  	s28 =	simm.s32 $0x5900  }
0x47: {  	[tilespmem:s28], [sflag:$0x1] =	stream.indirect_vreg.gather [hbm4b:s9+s3], $0x80, v4, vm0, $0xb8;
	[tilespmem:$0x18100] =	vst v63  }
0x48: {  	v4 =	vld [tilespmem:$0x20];
	_ =	sdelay $0x4  }
0x49: {  	v5 =	vshrl.u32 v4, $0x3  }
0x4a: {  	v5 =	vmul.u32 $0x30, v5  }
0x4b: {  	v4 =	vand.u32 $0x7, v4  }
0x4c: {  	v4 =	vor.u32 v4, v5  }
0x4d: {  	v5 =	vperm.xlane v4, v0;
	_ =	sdelay $0x1  }
0x4e: {  	v5 =	vadd.s32 v1, v5;
	_ =	sdelay $0x3  }
0x4f: {  	s28 =	simm.s32 $0x6100;
	v4 =	vperm.xlane v4, v2  }
0x50: {  	[tilespmem:s28], [sflag:$0x1] =	stream.indirect_vreg.gather [hbm4b:s1+s3], $0x80, v5, vm0, $0xb8;
	[tilespmem:$0x18100] =	vst v63  }
0x51: {  	v4 =	vadd.s32 v1, v4;
	s28 =	simm.s32 $0x6900  }
0x52: {  	[tilespmem:s28], [sflag:$0x1] =	stream.indirect_vreg.gather [hbm4b:s8+s3], $0x80, v5, vm0, $0xb8;
	[tilespmem:$0x18100] =	vst v63  }
0x53: {  	s28 =	simm.s32 $0x7100  }
0x54: {  	[tilespmem:s28], [sflag:$0x1] =	stream.indirect_vreg.gather [hbm4b:s9+s3], $0x80, v5, vm0, $0xb8;
	[tilespmem:$0x18100] =	vst v63  }
0x55: {  	s28 =	simm.s32 $0x7900  }
0x56: {  	[tilespmem:s28], [sflag:$0x1] =	stream.indirect_vreg.gather [hbm4b:s1+s3], $0x80, v4, vm0, $0xb8;
	[tilespmem:$0x18100] =	vst v63  }
0x57: {  	s28 =	simm.s32 $0x8100  }
0x58: {  	[tilespmem:s28], [sflag:$0x1] =	stream.indirect_vreg.gather [hbm4b:s8+s3], $0x80, v4, vm0, $0xb8;
	[tilespmem:$0x18100] =	vst v63  }
0x59: {  	s28 =	simm.s32 $0x8900  }
0x5a: {  	[tilespmem:s28], [sflag:$0x1] =	stream.indirect_vreg.gather [hbm4b:s9+s3], $0x80, v4, vm0, $0xb8;
	[tilespmem:$0x18100] =	vst v63  }
0x5b: {  	v4 =	vld [tilespmem:$0x30];
	_ =	sdelay $0x4  }
0x5c: {  	v5 =	vshrl.u32 v4, $0x3  }
0x5d: {  	v5 =	vmul.u32 $0x30, v5  }
0x5e: {  	v4 =	vand.u32 $0x7, v4  }
0x5f: {  	v4 =	vor.u32 v4, v5  }
0x60: {  	v5 =	vperm.xlane v4, v0;
	_ =	sdelay $0x1  }
0x61: {  	v5 =	vadd.s32 v1, v5;
	_ =	sdelay $0x3  }
0x62: {  	s28 =	simm.s32 $0x9100;
	v4 =	vperm.xlane v4, v2  }
0x63: {  	[tilespmem:s28], [sflag:$0x1] =	stream.indirect_vreg.gather [hbm4b:s1+s3], $0x80, v5, vm0, $0xb8;
	[tilespmem:$0x18100] =	vst v63  }
0x64: {  	v4 =	vadd.s32 v1, v4;
	s28 =	simm.s32 $0x9900  }
0x65: {  	[tilespmem:s28], [sflag:$0x1] =	stream.indirect_vreg.gather [hbm4b:s8+s3], $0x80, v5, vm0, $0xb8;
	[tilespmem:$0x18100] =	vst v63  }
0x66: {  	s28 =	simm.s32 $0xA100  }
0x67: {  	[tilespmem:s28], [sflag:$0x1] =	stream.indirect_vreg.gather [hbm4b:s9+s3], $0x80, v5, vm0, $0xb8;
	[tilespmem:$0x18100] =	vst v63  }
0x68: {  	s25 =	sor.u32 s25, s5;
	s28 =	simm.s32 $0xA900  }
0x69: {  	[tilespmem:s28], [sflag:$0x1] =	stream.indirect_vreg.gather [hbm4b:s1+s3], $0x80, v4, vm0, $0xb8;
	[tilespmem:$0x18100] =	vst v63  }
0x6a: {  	s26 =	sshrl.u32 s25, $0x3;
	s28 =	simm.s32 $0xB100  }
0x6b: {  	[tilespmem:s28], [sflag:$0x1] =	stream.indirect_vreg.gather [hbm4b:s8+s3], $0x80, v4, vm0, $0xb8;
	[tilespmem:$0x18100] =	vst v63  }
0x6c: {  	s25 =	sor.u32 $0x8, s26;
	s28 =	simm.s32 $0xB900  }
0x6d: {  	[tilespmem:s28], [sflag:$0x1] =	stream.indirect_vreg.gather [hbm4b:s9+s3], $0x80, v4, vm0, $0xb8;
	[tilespmem:$0x18100] =	vst v63  }
0x6e: {  	s28 =	sadd.s32 s4, s25  }
0x6f: {  	[tilespmem:s29], [sflag:$0x5] =	stream.linear.gather [hbm4b:s28+s3], $0x40, $0x38;
	[tilespmem:$0x18100] =	vst v63  }
0x70: {  	_ =	swait.ge [sflag:s12], $0x40  }
0x71: {  	[sflag:s12] =	ssyncset.done $0x0  }
0x72: {  	s28 =	simm.s32 @p1 $0x4;
	[sflag:s12] =	ssyncadd.s32 $0xFFFFFFC0  }
0x73: {  	_ =	swait.ge @p1 [sflag:s28], $0xC000  }
0x74: {  	[sflag:s28] =	ssyncset.done @p1 $0x0  }
0x75: {  	[sflag:s28] =	ssyncadd.s32 @p1 $0xFFFF4000  }
0x76: {  	_ =	swait.ge [sflag:s17], $0xC000  }
0x77: {  	[sflag:s17] =	ssyncset.done $0x0  }
0x78: {  	[sflag:s17] =	ssyncadd.s32 $0xFFFF4000  }
0x79: {  	v4 =	vld [tilespmem:$0x80];
	_ =	sdelay $0x4  }
0x7a: {  	v5 =	vshrl.u32 v4, $0x3  }
0x7b: {  	v5 =	vmul.u32 $0x30, v5  }
0x7c: {  	v4 =	vand.u32 $0x7, v4  }
0x7d: {  	v4 =	vor.u32 v4, v5  }
0x7e: {  	v5 =	vperm.xlane v4, v0;
	_ =	sdelay $0x1  }
0x7f: {  	v5 =	vadd.s32 v1, v5;
	_ =	sdelay $0x3  }
0x80: {  	v4 =	vperm.xlane v4, v3  }
0x81: {  	[tilespmem:s18], [sflag:$0x2] =	stream.indirect_vreg.gather [hbm4b:s1+s3], $0x80, v5, vm0, $0xb8;
	[tilespmem:$0x18100] =	vst v63  }
0x82: {  	s28 =	simm.s32 $0xC900;
	v4 =	vadd.s32 v1, v4  }
0x83: {  	[tilespmem:s28], [sflag:$0x2] =	stream.indirect_vreg.gather [hbm4b:s8+s3], $0x80, v5, vm0, $0xb8;
	[tilespmem:$0x18100] =	vst v63  }
0x84: {  	s28 =	simm.s32 $0xD100  }
0x85: {  	[tilespmem:s28], [sflag:$0x2] =	stream.indirect_vreg.gather [hbm4b:s9+s3], $0x80, v5, vm0, $0xb8;
	[tilespmem:$0x18100] =	vst v63  }
0x86: {  	s28 =	simm.s32 $0xD900  }
0x87: {  	[tilespmem:s28], [sflag:$0x2] =	stream.indirect_vreg.gather [hbm4b:s1+s3], $0x80, v4, vm0, $0xb8;
	[tilespmem:$0x18100] =	vst v63  }
0x88: {  	s28 =	simm.s32 $0xE100  }
0x89: {  	[tilespmem:s28], [sflag:$0x2] =	stream.indirect_vreg.gather [hbm4b:s8+s3], $0x80, v4, vm0, $0xb8;
	[tilespmem:$0x18100] =	vst v63  }
0x8a: {  	s28 =	simm.s32 $0xE900  }
0x8b: {  	[tilespmem:s28], [sflag:$0x2] =	stream.indirect_vreg.gather [hbm4b:s9+s3], $0x80, v4, vm0, $0xb8;
	[tilespmem:$0x18100] =	vst v63  }
0x8c: {  	v4 =	vld [tilespmem:$0x90];
	_ =	sdelay $0x4  }
0x8d: {  	v5 =	vshrl.u32 v4, $0x3  }
0x8e: {  	v5 =	vmul.u32 $0x30, v5  }
0x8f: {  	v4 =	vand.u32 $0x7, v4  }
0x90: {  	v4 =	vor.u32 v4, v5  }
0x91: {  	v5 =	vperm.xlane v4, v0;
	_ =	sdelay $0x1  }
0x92: {  	v5 =	vadd.s32 v1, v5;
	_ =	sdelay $0x3  }
0x93: {  	s28 =	simm.s32 $0xF100;
	v4 =	vperm.xlane v4, v3  }
0x94: {  	[tilespmem:s28], [sflag:$0x2] =	stream.indirect_vreg.gather [hbm4b:s1+s3], $0x80, v5, vm0, $0xb8;
	[tilespmem:$0x18100] =	vst v63  }
0x95: {  	v4 =	vadd.s32 v1, v4;
	s28 =	simm.s32 $0xF900  }
0x96: {  	[tilespmem:s28], [sflag:$0x2] =	stream.indirect_vreg.gather [hbm4b:s8+s3], $0x80, v5, vm0, $0xb8;
	[tilespmem:$0x18100] =	vst v63  }
0x97: {  	s28 =	simm.s32 $0x10100  }
0x98: {  	[tilespmem:s28], [sflag:$0x2] =	stream.indirect_vreg.gather [hbm4b:s9+s3], $0x80, v5, vm0, $0xb8;
	[tilespmem:$0x18100] =	vst v63  }
0x99: {  	s28 =	simm.s32 $0x10900  }
0x9a: {  	[tilespmem:s28], [sflag:$0x2] =	stream.indirect_vreg.gather [hbm4b:s1+s3], $0x80, v4, vm0, $0xb8;
	[tilespmem:$0x18100] =	vst v63  }
0x9b: {  	s28 =	simm.s32 $0x11100  }
0x9c: {  	[tilespmem:s28], [sflag:$0x2] =	stream.indirect_vreg.gather [hbm4b:s8+s3], $0x80, v4, vm0, $0xb8;
	[tilespmem:$0x18100] =	vst v63  }
0x9d: {  	_ = 	snop  }
0x9e: {  	[tilespmem:s30], [sflag:$0x2] =	stream.indirect_vreg.gather [hbm4b:s9+s3], $0x80, v4, vm0, $0xb8;
	[tilespmem:$0x18100] =	vst v63  }
0x9f: {  	v4 =	vld [tilespmem:$0xA0];
	_ =	sdelay $0x4  }
0xa0: {  	v5 =	vshrl.u32 v4, $0x3  }
0xa1: {  	v5 =	vmul.u32 $0x30, v5  }
0xa2: {  	v4 =	vand.u32 $0x7, v4  }
0xa3: {  	v4 =	vor.u32 v4, v5  }
0xa4: {  	v5 =	vperm.xlane v4, v0;
	_ =	sdelay $0x1  }
0xa5: {  	v5 =	vadd.s32 v1, v5;
	_ =	sdelay $0x3  }
0xa6: {  	v4 =	vperm.xlane v4, v3  }
0xa7: {  	[tilespmem:s31], [sflag:$0x2] =	stream.indirect_vreg.gather [hbm4b:s1+s3], $0x80, v5, vm0, $0xb8;
	[tilespmem:$0x18100] =	vst v63  }
0xa8: {  	v4 =	vadd.s32 v1, v4  }
0xa9: {  	[tilespmem:s0], [sflag:$0x2] =	stream.indirect_vreg.gather [hbm4b:s8+s3], $0x80, v5, vm0, $0xb8;
	[tilespmem:$0x18100] =	vst v63  }
0xaa: {  	_ = 	snop  }
0xab: {  	[tilespmem:s2], [sflag:$0x2] =	stream.indirect_vreg.gather [hbm4b:s9+s3], $0x80, v5, vm0, $0xb8;
	[tilespmem:$0x18100] =	vst v63  }
0xac: {  	_ = 	snop  }
0xad: {  	[tilespmem:s11], [sflag:$0x2] =	stream.indirect_vreg.gather [hbm4b:s1+s3], $0x80, v4, vm0, $0xb8;
	[tilespmem:$0x18100] =	vst v63  }
0xae: {  	_ = 	snop  }
0xaf: {  	[tilespmem:s7], [sflag:$0x2] =	stream.indirect_vreg.gather [hbm4b:s8+s3], $0x80, v4, vm0, $0xb8;
	[tilespmem:$0x18100] =	vst v63  }
0xb0: {  	_ = 	snop  }
0xb1: {  	[tilespmem:s14], [sflag:$0x2] =	stream.indirect_vreg.gather [hbm4b:s9+s3], $0x80, v4, vm0, $0xb8;
	[tilespmem:$0x18100] =	vst v63  }
0xb2: {  	v4 =	vld [tilespmem:$0xB0];
	_ =	sdelay $0x4  }
0xb3: {  	v5 =	vshrl.u32 v4, $0x3  }
0xb4: {  	v5 =	vmul.u32 $0x30, v5  }
0xb5: {  	v4 =	vand.u32 $0x7, v4  }
0xb6: {  	v4 =	vor.u32 v4, v5  }
0xb7: {  	v5 =	vperm.xlane v4, v0;
	_ =	sdelay $0x1  }
0xb8: {  	v5 =	vadd.s32 v1, v5;
	_ =	sdelay $0x3  }
0xb9: {  	v4 =	vperm.xlane v4, v3  }
0xba: {  	[tilespmem:s15], [sflag:$0x2] =	stream.indirect_vreg.gather [hbm4b:s1+s3], $0x80, v5, vm0, $0xb8;
	[tilespmem:$0x18100] =	vst v63  }
0xbb: {  	v4 =	vadd.s32 v1, v4  }
0xbc: {  	[tilespmem:s16], [sflag:$0x2] =	stream.indirect_vreg.gather [hbm4b:s8+s3], $0x80, v5, vm0, $0xb8;
	[tilespmem:$0x18100] =	vst v63  }
0xbd: {  	_ = 	snop  }
0xbe: {  	[tilespmem:s19], [sflag:$0x2] =	stream.indirect_vreg.gather [hbm4b:s9+s3], $0x80, v5, vm0, $0xb8;
	[tilespmem:$0x18100] =	vst v63  }
0xbf: {  	_ = 	snop  }
0xc0: {  	[tilespmem:s20], [sflag:$0x2] =	stream.indirect_vreg.gather [hbm4b:s1+s3], $0x80, v4, vm0, $0xb8;
	[tilespmem:$0x18100] =	vst v63  }
0xc1: {  	_ = 	snop  }
0xc2: {  	[tilespmem:s21], [sflag:$0x2] =	stream.indirect_vreg.gather [hbm4b:s8+s3], $0x80, v4, vm0, $0xb8;
	[tilespmem:$0x18100] =	vst v63  }
0xc3: {  	s26 =	smul.u32 $0x300, s26  }
0xc4: {  	[tilespmem:s22], [sflag:$0x2] =	stream.indirect_vreg.gather [hbm4b:s9+s3], $0x80, v4, vm0, $0xb8;
	[tilespmem:$0x18100] =	vst v63  }
0xc5: {  	s26 =	sadd.s32 s6, s26  }
0xc6: {  	[hbm4b:s26+s3] =	stream.linear.scatter [tilespmem:s13], [sflag:$0x3], $0xC000, $0x38;
	[tilespmem:$0x18100] =	vst v63  }
0xc7: {  	s26 =	simm.s32 @p0 $0x0  }
0xc8: {  	[tilespmem:s26], [sflag:$0x5] =	stream.linear.gather @p0 [hbm4b:s10+s26], $0x40, $0x38;
	[tilespmem:$0x18100] =	vst v63  }
0xc9: {  	s26 =	simm.s32 @p0 $0x5  }
0xca: {  	_ =	swait.ge @p0 [sflag:s26], $0x40  }
0xcb: {  	[sflag:s26] =	ssyncset.done @p0 $0x0  }
0xcc: {  	[sflag:s26] =	ssyncadd.s32 @p0 $0xFFFFFFC0  }
0xcd: {  	_ =	swait.ge [sflag:s23], $0xC000  }
0xce: {  	[sflag:s23] =	ssyncset.done $0x0  }
.Ltmp2:
0xcf: {  	[sflag:s23] =	ssyncadd.s32 $0xFFFF4000;
	(pc) =	sbr.rel @!p0 .LBB2_4-.Ltmp2, $4  }
0xd0: {  	s25 =	smul.u32 $0x300, s25;
	_ =	swait.ge [sflag:s24], $0xC000  }
0xd1: {  	[sflag:s24] =	ssyncset.done $0x0  }
0xd2: {  	s25 =	sadd.s32 s6, s25;
	[sflag:s24] =	ssyncadd.s32 $0xFFFF4000  }
0xd3: {  	[hbm4b:s25+s3] =	stream.linear.scatter [tilespmem:s18], [sflag:$0x4], $0xC000, $0x38;
	[tilespmem:$0x18100] =	vst v63  }
0xd4: {  	v4 =	vld [tilespmem:$0x0];
	_ =	sdelay $0x4  }
0xd5: {  	v5 =	vshrl.u32 v4, $0x3  }
0xd6: {  	v5 =	vmul.u32 $0x30, v5  }
0xd7: {  	v4 =	vand.u32 $0x7, v4  }
0xd8: {  	v4 =	vor.u32 v4, v5  }
0xd9: {  	v5 =	vperm.xlane v4, v0;
	_ =	sdelay $0x1  }
0xda: {  	v5 =	vadd.s32 v1, v5;
	_ =	sdelay $0x3  }
.Ltmp3:
0xdb: {  	_ = 	snop;
	(pc) =	sbr.rel .LBB2_2-.Ltmp3, $4  }
0xdc: {  	[tilespmem:s13], [sflag:$0x1] =	stream.indirect_vreg.gather [hbm4b:s1+s3], $0x80, v5, vm0, $0xb8;
	[tilespmem:$0x18100] =	vst v63  }
0xdd: {  	s25 =	simm.s32 $0x900  }
0xde: {  	[tilespmem:s25], [sflag:$0x1] =	stream.indirect_vreg.gather [hbm4b:s8+s3], $0x80, v5, vm0, $0xb8;
	[tilespmem:$0x18100] =	vst v63  }
0xdf: {  	p0 =	por $0x0, $0x0;
	p1 =	por $0x1, $0x1;
	s25 =	simm.s32 $0x80  }
.LBB2_5:
0xe0: {  	_ =	sfence.sel $0x180000  }
0xe1: {  	[bflag:$0x0] =	sbarrier.arrive $0xFFFF  }
0xe2: {  	_ =	strace $0x9000004D  }
0xe3: {  	s0 =	stileid.u32;
	[bflag:$0x2] =	sbarrier.arrive $0xFFFF  }
0xe4: {  	p0 =	sne.s32 s0, $0x0;
	s0 =	rddreg [dreg:$0x2]  }
0xe5: {  	s0 =	sadd.s32 @!p0 $0x100000, s0  }
0xe6: {  	[sflag:s0] =	ssyncadd.tile.s32 @!p0 $0x1;
	_ =	shalt  }
.Lfunc_end2:
_tile_overlayer_lowered:
.L_overlay_start_2:
0xe7: {  	(tag) =	ssettag $0x2  }
0xe8: {  	s0 =	rddreg [dreg:$0x0];
	s2 =	stileid.u32  }
0xe9: {  	s1 =	rddreg [dreg:$0x1];
	p0 =	sne.s32 s2, $0x0  }
0xea: {  	s3 =	rddreg [dreg:$0x2];
	[bflag:$0x3] =	sbarrier.arrive $0xFFFF;
	s2 =	simm.s32 @!p0 $0x1C05  }
0xeb: {  	[timem:s3], [sflag:s2] =	dma.local @!p0 [hbm:s0], s1  }
0xec: {  	s0 =	simm.s32 @!p0 $0x5  }
0xed: {  	_ =	swait.ge @!p0 [sflag:s0], s1  }
0xee: {  	s1 =	ssub.s32 @!p0 $0x0, s1;
	[sflag:s0] =	ssyncset.done @!p0 $0x0  }
0xef: {  	[sflag:s0] =	ssyncadd.s32 @!p0 s1  }
0xf0: {  	[bflag:$0x3] =	sbarrier.arrive $0xFFFF  }
0xf1: {  	_ =	shalt  }

// kernel: kernel.22.cloned.1.call-start
scs
__scs_entry_jumppad:
0x0: {  	(pc) =	sbr.rel $0x88, $3  }
0x1: {  	(tag) =	ssettag $0x0;
	lr =	simm.s32 $0x1  }
0x2: {  	[smem:$0x3F93] =	sst lr;
	_ =	strace $0xD0000000  }
0x3: {  	_ = 	snop  }
0x4: {  	_ = 	snop  }
0x5: {  	_ = 	snop  }
0x6: {  	_ = 	snop  }
0x7: {  	_ = 	snop  }
__scs_overlays_trampoline_lowered:
0x8: {  	[smem:$0x3FA2] =	sst s0  }
0x9: {  	[smem:$0x3FA3] =	sst s1  }
0xa: {  	[smem:$0x3FA4] =	sst s2  }
0xb: {  	[smem:$0x3FA5] =	sst s3  }
0xc: {  	[smem:$0x3FA6] =	sst s4  }
0xd: {  	[smem:$0x3FA7] =	sst s5  }
0xe: {  	[smem:$0x3FA8] =	sst s6  }
0xf: {  	[smem:$0x3FA9] =	sst s7  }
0x10: {  	[smem:$0x3FAA] =	sst s8  }
0x11: {  	[smem:$0x3FAB] =	sst s9;
	s0 =	simm.s32 @!p0 $0x0  }
0x12: {  	s1 =	sld [smem:$0x3F91];
	s0 =	simm.s32 @p0 $0x1  }
0x13: {  	[smem:$0x3FAC] =	sst s0;
	s0 =	simm.s32 @!p1 $0x0  }
0x14: {  	s2 =	sld [smem:$0x3F90];
	s0 =	simm.s32 @p1 $0x1  }
0x15: {  	[smem:$0x3FAD] =	sst s0;
	s0 =	simm.s32 @!p2 $0x0  }
0x16: {  	s3 =	sld [smem:$0x3FDB];
	s0 =	simm.s32 @p2 $0x1  }
0x17: {  	s4 =	simm.s32 $0x1BF5;
	[smem:$0x3FAF] =	sst s0  }
0x18: {  	s0 =	sld [smem:$0x3F92];
	_ =	swait.ge [sflag:s4], $0x0  }
0x19: {  	s7 =	sld [smem:$0x3F93]  }
0x1a: {  	s8 =	sadd.s32 $0xFFFFE003, lr  }
0x1b: {  	s9 =	sadd.s32 $0xFFFFFEF7, lr;
	s5 =	simm.s32 $0xFFFFFFFF;
	p2 =	slt.u32 s8, $0xFFFFF086  }
0x1c: {  	p1 =	slt.u32 s9, $0xF7A;
	s5 =	simm.s32 @!p2 $0x0  }
0x1d: {  	s5 =	simm.s32 @p1 $0x1;
	p0 =	seq.s32 s7, s2  }
0x1e: {  	s7 =	smul.u32 @!p0 $0xF7A, s2;
	p2 =	seq.s32 @!p0 s5, $0x0  }
0x1f: {  	s9 =	smul.u32 $0xF7A, s1;
	s8 =	simm.s32 @!p0 $0x1BF5;
	p2 =	por !p2, p0  }
0x20: {  	[sflag:s8] =	ssyncset.s32 @!p0 $0xFFFFF086;
	s6 =	sadd.s32 @!p0 s3, s7;
	s7 =	simm.s32 @!p0 $0x108  }
0x21: {  	s3 =	sadd.s32 s3, s9;
	s6 =	sadd.s32 @!p0 $0x88, s6;
	s7 =	simm.s32 @p2 $0x1082  }
0x22: {  	[simem:s7], [sflag:s8] =	dma.local @!p0 [hbm:s6], $0xF7A  }
0x23: {  	s9 =	sor.u32 $0xD0000000, s2;
	s6 =	simm.s32 $0x108;
	_ =	swait.ge @!p0 [sflag:s8], $0x0  }
0x24: {  	s3 =	sadd.s32 $0x88, s3;
	s6 =	simm.s32 @!p1 $0x1082;
	[sflag:s4] =	ssyncset.s32 $0xFFFFF086  }
0x25: {  	[simem:s6], [sflag:s4] =	dma.local [hbm:s3], $0xF7A  }
0x26: {  	[smem:$0x3F93] =	sst s1;
	(tag) =	ssettag s2;
	_ =	strace s9  }
0x27: {  	s1 =	sld [smem:$0x3FA3]  }
0x28: {  	s2 =	sld [smem:$0x3FA4]  }
0x29: {  	s4 =	sld [smem:$0x3FA6]  }
0x2a: {  	p0 =	seq.s32 s5, $0x0;
	s5 =	sld [smem:$0x3FA7]  }
0x2b: {  	s6 =	sld [smem:$0x3FA8]  }
0x2c: {  	s7 =	sld [smem:$0x3FA9]  }
0x2d: {  	s3 =	simm.s32 $0x108;
	s8 =	sld [smem:$0x3FAA]  }
0x2e: {  	s3 =	simm.s32 @!p0 $0x1082;
	s9 =	sld [smem:$0x3FAB]  }
0x2f: {  	lr =	sadd.s32 s0, s3;
	s0 =	sld [smem:$0x3FA2]  }
0x30: {  	s3 =	sld [smem:$0x3FA5]  }
0x31: {  	[smem:$0x3FAE] =	sst s10  }
0x32: {  	s10 =	sld [smem:$0x3FAC];
	_ =	sdelay $0x3  }
0x33: {  	p0 =	seq.s32 s10, $0x1;
	s10 =	sld [smem:$0x3FAE];
	_ =	sdelay $0x3  }
0x34: {  	[smem:$0x3FAE] =	sst s10  }
0x35: {  	s10 =	sld [smem:$0x3FAD];
	_ =	sdelay $0x3  }
0x36: {  	p1 =	seq.s32 s10, $0x1;
	s10 =	sld [smem:$0x3FAE];
	_ =	sdelay $0x3  }
0x37: {  	[smem:$0x3FAE] =	sst s10  }
0x38: {  	s10 =	sld [smem:$0x3FAF]  }
0x39: {  	_ = 	snop;
	(pc) =	sbr.ind lr, $3  }
0x3a: {  	_ = 	snop  }
0x3b: {  	_ = 	snop  }
0x3c: {  	p2 =	seq.s32 s10, $0x1;
	s10 =	sld [smem:$0x3FAE]  }
0x3d: {  	_ =	shalt  }
0x3e: {  	_ =	shalt  }
0x3f: {  	_ =	shalt  }
0x40: {  	_ =	shalt  }
0x41: {  	_ =	shalt  }
0x42: {  	_ =	shalt  }
0x43: {  	_ =	shalt  }
0x44: {  	_ =	shalt  }
0x45: {  	_ =	shalt  }
0x46: {  	_ =	shalt  }
0x47: {  	_ =	shalt  }
0x48: {  	_ =	shalt  }
0x49: {  	_ =	shalt  }
0x4a: {  	_ =	shalt  }
0x4b: {  	_ =	shalt  }
0x4c: {  	_ =	shalt  }
0x4d: {  	_ =	shalt  }
0x4e: {  	_ =	shalt  }
0x4f: {  	_ =	shalt  }
0x50: {  	_ =	shalt  }
0x51: {  	_ =	shalt  }
0x52: {  	_ =	shalt  }
0x53: {  	_ =	shalt  }
0x54: {  	_ =	shalt  }
0x55: {  	_ =	shalt  }
0x56: {  	_ =	shalt  }
0x57: {  	_ =	shalt  }
0x58: {  	_ =	shalt  }
0x59: {  	_ =	shalt  }
0x5a: {  	_ =	shalt  }
0x5b: {  	_ =	shalt  }
0x5c: {  	_ =	shalt  }
0x5d: {  	_ =	shalt  }
0x5e: {  	_ =	shalt  }
0x5f: {  	_ =	shalt  }
0x60: {  	_ =	shalt  }
0x61: {  	_ =	shalt  }
0x62: {  	_ =	shalt  }
0x63: {  	_ =	shalt  }
0x64: {  	_ =	shalt  }
0x65: {  	_ =	shalt  }
0x66: {  	_ =	shalt  }
0x67: {  	_ =	shalt  }
0x68: {  	_ =	shalt  }
0x69: {  	_ =	shalt  }
0x6a: {  	_ =	shalt  }
0x6b: {  	_ =	shalt  }
0x6c: {  	_ =	shalt  }
0x6d: {  	_ =	shalt  }
0x6e: {  	_ =	shalt  }
0x6f: {  	_ =	shalt  }
0x70: {  	_ =	shalt  }
0x71: {  	_ =	shalt  }
0x72: {  	_ =	shalt  }
0x73: {  	_ =	shalt  }
0x74: {  	_ =	shalt  }
0x75: {  	_ =	shalt  }
0x76: {  	_ =	shalt  }
0x77: {  	_ =	shalt  }
0x78: {  	_ =	shalt  }
0x79: {  	_ =	shalt  }
0x7a: {  	_ =	shalt  }
0x7b: {  	_ =	shalt  }
0x7c: {  	_ =	shalt  }
0x7d: {  	_ =	shalt  }
0x7e: {  	_ =	shalt  }
0x7f: {  	_ =	shalt  }
0x80: {  	_ =	shalt  }
0x81: {  	_ =	shalt  }
0x82: {  	_ =	shalt  }
0x83: {  	_ =	shalt  }
0x84: {  	_ =	shalt  }
0x85: {  	_ =	shalt  }
0x86: {  	_ =	shalt  }
0x87: {  	_ =	shalt  }
.Lfunc_end0:
.L_simem_size_0:
called_computation.3_lowered:
.L_overlay_start_0:
0x88: {  	s2 =	sld [smem:$0x3FD9]  }
0x89: {  	s3 =	sld [smem:$0x3FFE];
	_ =	sdelay $0x1  }
0x8a: {  	s1 =	srdreg.scid  }
0x8b: {  	s0 =	sand.u32 $0x1, s1  }
0x8c: {  	s17 =	sshll.u32 s0, $0xA;
	s2 =	sadd.s32 s3, s2  }
0x8d: {  	s2 =	sadd.s32 s2, s17  }
0x8e: {  	[smem:$0x3FBA] =	sst s2  }
0x8f: {  	_ = 	snop  }
0x90: {  	s18 =	sld [smem:$0x3FC8];
	(tm) =	ssettm $0x1  }
0x91: {  	s19 =	sld [smem:$0x3FFB];
	_ =	sdelay $0x3  }
0x92: {  	_ =	strace s19  }
0x93: {  	s2 =	sld [smem:$0x3FFC];
	_ =	sdelay $0x3  }
0x94: {  	_ =	strace s2  }
0x95: {  	s2 =	sld [smem:$0x3FFD];
	_ =	sdelay $0x3  }
0x96: {  	_ =	strace s2  }
0x97: {  	_ =	strace $0x8FFFFFFF  }
0x98: {  	s20 =	sld [smem:$0x3FDB];
	_ =	sdelay $0x1  }
0x99: {  	s4 =	simm.s32 $_scs_section_size  }
0x9a: {  	s5 =	simm.s32 $_size__tile_overlayer_lowered;
	s6 =	simm.s32 $_tile_overlayer_lowered  }
0x9b: {  	s7 =	simm.s32 $0x1BFF;
	s21 =	sshll.u32 s6, $0x1;
	s4 =	sadd.s32 s4, s20  }
0x9c: {  	s22 =	simm.s32 $0x0;
	s5 =	sshll.u32 s5, $0x1;
	s6 =	sadd.s32 s21, s4  }
0x9d: {  	[timem:s22], [sflag:s7] =	dma.local [hbm:s6], s5  }
0x9e: {  	_ =	swait.ge [sflag:s7], s5  }
0x9f: {  	s5 =	ssub.s32 $0x0, s5;
	[sflag:s7] =	ssyncset.done $0x0  }
0xa0: {  	[sflag:s7] =	ssyncadd.s32 s5;
	_ =	sdelay $0x1  }
0xa1: {  	s23 =	simm.s32 $0x1B8B  }
0xa2: {  	_ =	swait.ge [sflag:s23], $0x1  }
0xa3: {  	[sflag:s23] =	ssyncset.done $0x0  }
0xa4: {  	[sflag:s23] =	ssyncadd.s32 $0xFFFFFFFF  }
0xa5: {  	s5 =	sld [smem:$0x0]  }
0xa6: {  	s6 =	sand.u32 $0xFFFFFFFE, s1  }
0xa7: {  	p0 =	sne.s32 s1, s6  }
0xa8: {  	s6 =	sshll.u32 @p0 s6, $0xE  }
0xa9: {  	s6 =	sadd.s32 @p0 $0x11B8D, s6;
	s7 =	sshll.u32 @p0 s5, $0x11  }
0xaa: {  	s6 =	sor.u32 @p0 s7, s6  }
0xab: {  	[sflag:s6] =	ssyncadd.remote.s32 @p0 $0x1;
	_ =	sdelay $0x1  }
0xac: {  	s6 =	simm.s32 @p0 $0x1B8D  }
0xad: {  	_ =	swait.eq @p0 [sflag:s6], $0x1  }
0xae: {  	[sflag:s6] =	ssyncadd.s32 @p0 $0xFFFFFFFF  }
0xaf: {  	s7 =	sshll.u32 @!p0 s1, $0xE  }
0xb0: {  	s7 =	sor.u32 @!p0 $0x4000, s7;
	s6 =	simm.s32 @!p0 $0x1B8D  }
0xb1: {  	s5 =	sshll.u32 @!p0 s5, $0x11;
	s7 =	sadd.s32 @!p0 $0x11B8D, s7;
	_ =	swait.eq @!p0 [sflag:s6], $0x1  }
0xb2: {  	s5 =	sor.u32 @!p0 s5, s7;
	[sflag:s6] =	ssyncadd.s32 @!p0 $0xFFFFFFFF  }
0xb3: {  	s25 =	simm.s32 $0x1B8E;
	s24 =	sld [smem:$0x3FFE];
	[sflag:s5] =	ssyncadd.remote.s32 @!p0 $0x1  }
0xb4: {  	s26 =	simm.s32 $execute0_lowered;
	[smem:$0x3FD2] =	sst s25  }
0xb5: {  	s6 =	sshll.u32 s26, $0x1;
	_ =	strace $0x8000004F;
	[dreg:$0x1] =	wrdreg $0xFFFFFFFF  }
0xb6: {  	s28 =	simm.s32 $_size_execute0_lowered;
	s4 =	sadd.s32 s4, s6;
	[dreg:$0x0] =	wrdreg $0x0  }
0xb7: {  	s6 =	sshll.u32 s28, $0x1;
	[dreg:$0x2] =	wrdreg s4  }
0xb8: {  	[dreg:$0x3] =	wrdreg s6  }
0xb9: {  	[dreg:$0x4] =	wrdreg $0xC0  }
0xba: {  	_ =	task [dreg:s22], $0x5FFFF  }
0xbb: {  	[dreg:$0x1] =	wrdreg $0xFFFFFFFF  }
0xbc: {  	[dreg:$0x0] =	wrdreg $0x60  }
0xbd: {  	[dreg:$0x2] =	wrdreg s24  }
0xbe: {  	[dreg:$0x3] =	wrdreg s18  }
0xbf: {  	[dreg:$0x4] =	wrdreg $0xC  }
0xc0: {  	_ =	task.clear_ibuf [dreg:s22], $0x5FFFF;
	_ =	strace $0x9000004F  }
0xc1: {  	s29 =	simm.s32 $0xC;
	_ =	strace $0x80000051  }
0xc2: {  	_ =	swait.ge [sflag:s29], $0x1  }
0xc3: {  	[sflag:s29] =	ssyncadd.s32 $0xFFFFFFFF  }
0xc4: {  	_ =	strace $0x90000051  }
0xc5: {  	_ =	sfence  }
0xc6: {  	s30 =	sld [smem:$0x0];
	_ =	sdelay $0x2  }
0xc7: {  	s31 =	sshll.u32 s1, $0xD;
	s1 =	sshrl.u32 s1, $0x2  }
0xc8: {  	s4 =	sand.u32 $0x4000, s31;
	s1 =	sadd.s32 s1, s30  }
0xc9: {  	s0 =	sor.u32 s4, s0;
	s1 =	sshll.u32 s1, $0x11  }
0xca: {  	s0 =	sor.u32 s1, s0  }
0xcb: {  	s0 =	sadd.s32 $0x8F2B, s0  }
0xcc: {  	[sflag:s0] =	ssyncadd.remote.s32 $0x1  }
0xcd: {  	_ =	sfence.sel $0xFFFF  }
0xce: {  	[dreg:$0x0] =	wrdreg $0xFFFFFFFF;
	(pc) =	sbr.abs _section_cstart, $3  }
0xcf: {  	[dreg:$0x1] =	wrdreg $0xFFFFFFFF  }
0xd0: {  	_ =	task.clear_ibuf [dreg:s22], $0x2FFFF;
	_ =	strace $0x9FFFFFFF  }
0xd1: {  	(tm) =	ssettm $0x7FFFFFFF  }
tec
execute0_lowered:
.L_overlay_start_1:
0x0: {  	(tag) =	ssettag $0x1  }
0x1: {  	s0 =	rddreg [dreg:$0x0]  }
0x2: {  	s1 =	rddreg [dreg:$0x1];
	s3 =	simm.s32 $0x0;
	s2 =	srdreg.scid  }
0x3: {  	s4 =	stileid.u32;
	s12 =	simm.s32 $0x5;
	s13 =	simm.s32 $0x100  }
0x4: {  	s17 =	simm.s32 $0x1;
	s18 =	simm.s32 $0xC100;
	s30 =	simm.s32 $0x11900  }
0x5: {  	s31 =	simm.s32 $0x12100;
	s11 =	simm.s32 $0x13900;
	s14 =	simm.s32 $0x14900  }
0x6: {  	s15 =	simm.s32 $0x15100;
	s16 =	simm.s32 $0x15900;
	s19 =	simm.s32 $0x16100  }
0x7: {  	s20 =	simm.s32 $0x16900;
	s21 =	simm.s32 $0x17100;
	s22 =	simm.s32 $0x17900  }
0x8: {  	s23 =	simm.s32 $0x3;
	s24 =	simm.s32 $0x2;
	s28 =	simm.s32 $0x0  }
0x9: {  	s29 =	simm.s32 $0x80;
	[smem:$0x7FF] =	sst s3;
	s2 =	sand.u32 $0x1, s2  }
0xa: {  	s5 =	sshll.u32 s4, $0x9;
	s4 =	sadd.s32 $0xC3600, s0;
	s6 =	sadd.s32 $0x243A00, s0  }
0xb: {  	s9 =	sadd.s32 $0x200, s1;
	s7 =	ssub.s32 $0x2, s2;
	s2 =	sshll.u32 s2, $0x8  }
.Ltmp0:
0xc: {  	s8 =	sshrl.u32 s7, $0x1;
	s5 =	sor.u32 s2, s5;
	(pc) =	sbr.rel .LBB2_1-.Ltmp0, $4  }
0xd: {  	_ =	strace $0x80000050;
	s26 =	ssub.s32 s7, s8;
	s2 =	sshrl.u32 s5, $0x3  }
0xe: {  	v3 =	vlaneseq.u32;
	s8 =	sadd.s32 $0x100, s1;
	s7 =	simm.s32 $0x14100;
	s2 =	sadd.s32 s4, s2  }
0xf: {  	vm0 =	vmmov $0xffff;
	v1 =	vshrl.u32 v3, $0x3;
	v0 =	vand.u32 $0x7, v3;
	s0 =	smax.u32 s26, $0x1;
	[dreg:$0x3] =	wrdreg s2;
	s10 =	sadd.s32 $0x10, s2  }
0x10: {  	v3 =	vor.u32 $0x8, v3;
	v1 =	vmul.u32 $0x8, v1;
	v2 =	vor.u32 $0x8, v0;
	[dreg:$0x4] =	wrdreg s0;
	s0 =	simm.s32 $0x12900;
	s2 =	simm.s32 $0x13100  }
.LBB2_4:
0x11: {  	s26 =	simm.s32 $0x4  }
0x12: {  	_ =	swait.ge [sflag:s26], $0xC000  }
0x13: {  	s28 =	rddreg [dreg:$0x5]  }
0x14: {  	s25 =	rddreg [dreg:$0x4];
	s28 =	sadd.s32 $0x1, s28  }
0x15: {  	p0 =	sne.s32 s28, s25  }
.Ltmp1:
0x16: {  	_ = 	snop;
	(pc) =	sbr.rel @!p0 .LBB2_5-.Ltmp1, $3  }
0x17: {  	_ =	sdelay $0x1  }
0x18: {  	[sflag:s26] =	ssyncset.done $0x0  }
0x19: {  	[sflag:s26] =	ssyncadd.s32 $0xFFFF4000  }
.LBB2_1:
0x1a: {  	[dreg:$0x5] =	wrdreg s28  }
0x1b: {  	s25 =	rddreg [dreg:$0x3]  }
0x1c: {  	[tilespmem:s3], [sflag:$0x5] =	stream.linear.gather [hbm4b:s25+s3], $0x40, $0x38;
	[tilespmem:$0x18100] =	vst v63  }
0x1d: {  	_ =	swait.ge [sflag:s12], $0x40  }
0x1e: {  	[sflag:s12] =	ssyncset.done $0x0  }
0x1f: {  	[sflag:s12] =	ssyncadd.s32 $0xFFFFFFC0  }
0x20: {  	v4 =	vld [tilespmem:$0x0];
	_ =	sdelay $0x4  }
0x21: {  	v5 =	vshrl.u32 v4, $0x3  }
0x22: {  	v5 =	vmul.u32 $0x30, v5  }
0x23: {  	v4 =	vand.u32 $0x7, v4  }
0x24: {  	v4 =	vor.u32 v4, v5  }
0x25: {  	v5 =	vperm.xlane v4, v0;
	_ =	sdelay $0x1  }
0x26: {  	v5 =	vadd.s32 v1, v5;
	_ =	sdelay $0x3  }
0x27: {  	s28 =	simm.s32 $0x900  }
0x28: {  	[tilespmem:s13], [sflag:$0x1] =	stream.indirect_vreg.gather [hbm4b:s1+s3], $0x80, v5, vm0, $0xb8;
	[tilespmem:$0x18100] =	vst v63  }
0x29: {  	p0 =	por $0x1, $0x1;
	p1 =	por $0x0, $0x0;
	s25 =	simm.s32 $0x0  }
0x2a: {  	[tilespmem:s28], [sflag:$0x1] =	stream.indirect_vreg.gather [hbm4b:s8+s3], $0x80, v5, vm0, $0xb8;
	[tilespmem:$0x18100] =	vst v63  }
.LBB2_2:
0x2b: {  	v4 =	vperm.xlane v4, v2;
	_ =	sdelay $0x1  }
0x2c: {  	v4 =	vadd.s32 v1, v4;
	_ =	sdelay $0x1  }
0x2d: {  	s26 =	simm.s32 $0x1100  }
0x2e: {  	[tilespmem:s26], [sflag:$0x1] =	stream.indirect_vreg.gather [hbm4b:s9+s3], $0x80, v5, vm0, $0xb8;
	[tilespmem:$0x18100] =	vst v63  }
0x2f: {  	s28 =	simm.s32 $0x1900  }
0x30: {  	[tilespmem:s28], [sflag:$0x1] =	stream.indirect_vreg.gather [hbm4b:s1+s3], $0x80, v4, vm0, $0xb8;
	[tilespmem:$0x18100] =	vst v63  }
0x31: {  	s28 =	simm.s32 $0x2100  }
0x32: {  	[tilespmem:s28], [sflag:$0x1] =	stream.indirect_vreg.gather [hbm4b:s8+s3], $0x80, v4, vm0, $0xb8;
	[tilespmem:$0x18100] =	vst v63  }
0x33: {  	s28 =	simm.s32 $0x2900  }
0x34: {  	[tilespmem:s28], [sflag:$0x1] =	stream.indirect_vreg.gather [hbm4b:s9+s3], $0x80, v4, vm0, $0xb8;
	[tilespmem:$0x18100] =	vst v63  }
0x35: {  	v4 =	vld [tilespmem:$0x10];
	_ =	sdelay $0x4  }
0x36: {  	v5 =	vshrl.u32 v4, $0x3  }
0x37: {  	v5 =	vmul.u32 $0x30, v5  }
0x38: {  	v4 =	vand.u32 $0x7, v4  }
0x39: {  	v4 =	vor.u32 v4, v5  }
0x3a: {  	v5 =	vperm.xlane v4, v0;
	_ =	sdelay $0x1  }
0x3b: {  	v5 =	vadd.s32 v1, v5;
	_ =	sdelay $0x3  }
0x3c: {  	s28 =	simm.s32 $0x3100;
	v4 =	vperm.xlane v4, v2  }
0x3d: {  	[tilespmem:s28], [sflag:$0x1] =	stream.indirect_vreg.gather [hbm4b:s1+s3], $0x80, v5, vm0, $0xb8;
	[tilespmem:$0x18100] =	vst v63  }
0x3e: {  	v4 =	vadd.s32 v1, v4;
	s28 =	simm.s32 $0x3900  }
0x3f: {  	[tilespmem:s28], [sflag:$0x1] =	stream.indirect_vreg.gather [hbm4b:s8+s3], $0x80, v5, vm0, $0xb8;
	[tilespmem:$0x18100] =	vst v63  }
0x40: {  	s28 =	simm.s32 $0x4100  }
0x41: {  	[tilespmem:s28], [sflag:$0x1] =	stream.indirect_vreg.gather [hbm4b:s9+s3], $0x80, v5, vm0, $0xb8;
	[tilespmem:$0x18100] =	vst v63  }
0x42: {  	s28 =	simm.s32 $0x4900  }
0x43: {  	[tilespmem:s28], [sflag:$0x1] =	stream.indirect_vreg.gather [hbm4b:s1+s3], $0x80, v4, vm0, $0xb8;
	[tilespmem:$0x18100] =	vst v63  }
0x44: {  	s28 =	simm.s32 $0x5100  }
0x45: {  	[tilespmem:s28], [sflag:$0x1] =	stream.indirect_vreg.gather [hbm4b:s8+s3], $0x80, v4, vm0, $0xb8;
	[tilespmem:$0x18100] =	vst v63  }
0x46: {  	s28 =	simm.s32 $0x5900  }
0x47: {  	[tilespmem:s28], [sflag:$0x1] =	stream.indirect_vreg.gather [hbm4b:s9+s3], $0x80, v4, vm0, $0xb8;
	[tilespmem:$0x18100] =	vst v63  }
0x48: {  	v4 =	vld [tilespmem:$0x20];
	_ =	sdelay $0x4  }
0x49: {  	v5 =	vshrl.u32 v4, $0x3  }
0x4a: {  	v5 =	vmul.u32 $0x30, v5  }
0x4b: {  	v4 =	vand.u32 $0x7, v4  }
0x4c: {  	v4 =	vor.u32 v4, v5  }
0x4d: {  	v5 =	vperm.xlane v4, v0;
	_ =	sdelay $0x1  }
0x4e: {  	v5 =	vadd.s32 v1, v5;
	_ =	sdelay $0x3  }
0x4f: {  	s28 =	simm.s32 $0x6100;
	v4 =	vperm.xlane v4, v2  }
0x50: {  	[tilespmem:s28], [sflag:$0x1] =	stream.indirect_vreg.gather [hbm4b:s1+s3], $0x80, v5, vm0, $0xb8;
	[tilespmem:$0x18100] =	vst v63  }
0x51: {  	v4 =	vadd.s32 v1, v4;
	s28 =	simm.s32 $0x6900  }
0x52: {  	[tilespmem:s28], [sflag:$0x1] =	stream.indirect_vreg.gather [hbm4b:s8+s3], $0x80, v5, vm0, $0xb8;
	[tilespmem:$0x18100] =	vst v63  }
0x53: {  	s28 =	simm.s32 $0x7100  }
0x54: {  	[tilespmem:s28], [sflag:$0x1] =	stream.indirect_vreg.gather [hbm4b:s9+s3], $0x80, v5, vm0, $0xb8;
	[tilespmem:$0x18100] =	vst v63  }
0x55: {  	s28 =	simm.s32 $0x7900  }
0x56: {  	[tilespmem:s28], [sflag:$0x1] =	stream.indirect_vreg.gather [hbm4b:s1+s3], $0x80, v4, vm0, $0xb8;
	[tilespmem:$0x18100] =	vst v63  }
0x57: {  	s28 =	simm.s32 $0x8100  }
0x58: {  	[tilespmem:s28], [sflag:$0x1] =	stream.indirect_vreg.gather [hbm4b:s8+s3], $0x80, v4, vm0, $0xb8;
	[tilespmem:$0x18100] =	vst v63  }
0x59: {  	s28 =	simm.s32 $0x8900  }
0x5a: {  	[tilespmem:s28], [sflag:$0x1] =	stream.indirect_vreg.gather [hbm4b:s9+s3], $0x80, v4, vm0, $0xb8;
	[tilespmem:$0x18100] =	vst v63  }
0x5b: {  	v4 =	vld [tilespmem:$0x30];
	_ =	sdelay $0x4  }
0x5c: {  	v5 =	vshrl.u32 v4, $0x3  }
0x5d: {  	v5 =	vmul.u32 $0x30, v5  }
0x5e: {  	v4 =	vand.u32 $0x7, v4  }
0x5f: {  	v4 =	vor.u32 v4, v5  }
0x60: {  	v5 =	vperm.xlane v4, v0;
	_ =	sdelay $0x1  }
0x61: {  	v5 =	vadd.s32 v1, v5;
	_ =	sdelay $0x3  }
0x62: {  	s28 =	simm.s32 $0x9100;
	v4 =	vperm.xlane v4, v2  }
0x63: {  	[tilespmem:s28], [sflag:$0x1] =	stream.indirect_vreg.gather [hbm4b:s1+s3], $0x80, v5, vm0, $0xb8;
	[tilespmem:$0x18100] =	vst v63  }
0x64: {  	v4 =	vadd.s32 v1, v4;
	s28 =	simm.s32 $0x9900  }
0x65: {  	[tilespmem:s28], [sflag:$0x1] =	stream.indirect_vreg.gather [hbm4b:s8+s3], $0x80, v5, vm0, $0xb8;
	[tilespmem:$0x18100] =	vst v63  }
0x66: {  	s28 =	simm.s32 $0xA100  }
0x67: {  	[tilespmem:s28], [sflag:$0x1] =	stream.indirect_vreg.gather [hbm4b:s9+s3], $0x80, v5, vm0, $0xb8;
	[tilespmem:$0x18100] =	vst v63  }
0x68: {  	s25 =	sor.u32 s25, s5;
	s28 =	simm.s32 $0xA900  }
0x69: {  	[tilespmem:s28], [sflag:$0x1] =	stream.indirect_vreg.gather [hbm4b:s1+s3], $0x80, v4, vm0, $0xb8;
	[tilespmem:$0x18100] =	vst v63  }
0x6a: {  	s26 =	sshrl.u32 s25, $0x3;
	s28 =	simm.s32 $0xB100  }
0x6b: {  	[tilespmem:s28], [sflag:$0x1] =	stream.indirect_vreg.gather [hbm4b:s8+s3], $0x80, v4, vm0, $0xb8;
	[tilespmem:$0x18100] =	vst v63  }
0x6c: {  	s25 =	sor.u32 $0x8, s26;
	s28 =	simm.s32 $0xB900  }
0x6d: {  	[tilespmem:s28], [sflag:$0x1] =	stream.indirect_vreg.gather [hbm4b:s9+s3], $0x80, v4, vm0, $0xb8;
	[tilespmem:$0x18100] =	vst v63  }
0x6e: {  	s28 =	sadd.s32 s4, s25  }
0x6f: {  	[tilespmem:s29], [sflag:$0x5] =	stream.linear.gather [hbm4b:s28+s3], $0x40, $0x38;
	[tilespmem:$0x18100] =	vst v63  }
0x70: {  	_ =	swait.ge [sflag:s12], $0x40  }
0x71: {  	[sflag:s12] =	ssyncset.done $0x0  }
0x72: {  	s28 =	simm.s32 @p1 $0x4;
	[sflag:s12] =	ssyncadd.s32 $0xFFFFFFC0  }
0x73: {  	_ =	swait.ge @p1 [sflag:s28], $0xC000  }
0x74: {  	[sflag:s28] =	ssyncset.done @p1 $0x0  }
0x75: {  	[sflag:s28] =	ssyncadd.s32 @p1 $0xFFFF4000  }
0x76: {  	_ =	swait.ge [sflag:s17], $0xC000  }
0x77: {  	[sflag:s17] =	ssyncset.done $0x0  }
0x78: {  	[sflag:s17] =	ssyncadd.s32 $0xFFFF4000  }
0x79: {  	v4 =	vld [tilespmem:$0x80];
	_ =	sdelay $0x4  }
0x7a: {  	v5 =	vshrl.u32 v4, $0x3  }
0x7b: {  	v5 =	vmul.u32 $0x30, v5  }
0x7c: {  	v4 =	vand.u32 $0x7, v4  }
0x7d: {  	v4 =	vor.u32 v4, v5  }
0x7e: {  	v5 =	vperm.xlane v4, v0;
	_ =	sdelay $0x1  }
0x7f: {  	v5 =	vadd.s32 v1, v5;
	_ =	sdelay $0x3  }
0x80: {  	v4 =	vperm.xlane v4, v3  }
0x81: {  	[tilespmem:s18], [sflag:$0x2] =	stream.indirect_vreg.gather [hbm4b:s1+s3], $0x80, v5, vm0, $0xb8;
	[tilespmem:$0x18100] =	vst v63  }
0x82: {  	s28 =	simm.s32 $0xC900;
	v4 =	vadd.s32 v1, v4  }
0x83: {  	[tilespmem:s28], [sflag:$0x2] =	stream.indirect_vreg.gather [hbm4b:s8+s3], $0x80, v5, vm0, $0xb8;
	[tilespmem:$0x18100] =	vst v63  }
0x84: {  	s28 =	simm.s32 $0xD100  }
0x85: {  	[tilespmem:s28], [sflag:$0x2] =	stream.indirect_vreg.gather [hbm4b:s9+s3], $0x80, v5, vm0, $0xb8;
	[tilespmem:$0x18100] =	vst v63  }
0x86: {  	s28 =	simm.s32 $0xD900  }
0x87: {  	[tilespmem:s28], [sflag:$0x2] =	stream.indirect_vreg.gather [hbm4b:s1+s3], $0x80, v4, vm0, $0xb8;
	[tilespmem:$0x18100] =	vst v63  }
0x88: {  	s28 =	simm.s32 $0xE100  }
0x89: {  	[tilespmem:s28], [sflag:$0x2] =	stream.indirect_vreg.gather [hbm4b:s8+s3], $0x80, v4, vm0, $0xb8;
	[tilespmem:$0x18100] =	vst v63  }
0x8a: {  	s28 =	simm.s32 $0xE900  }
0x8b: {  	[tilespmem:s28], [sflag:$0x2] =	stream.indirect_vreg.gather [hbm4b:s9+s3], $0x80, v4, vm0, $0xb8;
	[tilespmem:$0x18100] =	vst v63  }
0x8c: {  	v4 =	vld [tilespmem:$0x90];
	_ =	sdelay $0x4  }
0x8d: {  	v5 =	vshrl.u32 v4, $0x3  }
0x8e: {  	v5 =	vmul.u32 $0x30, v5  }
0x8f: {  	v4 =	vand.u32 $0x7, v4  }
0x90: {  	v4 =	vor.u32 v4, v5  }
0x91: {  	v5 =	vperm.xlane v4, v0;
	_ =	sdelay $0x1  }
0x92: {  	v5 =	vadd.s32 v1, v5;
	_ =	sdelay $0x3  }
0x93: {  	s28 =	simm.s32 $0xF100;
	v4 =	vperm.xlane v4, v3  }
0x94: {  	[tilespmem:s28], [sflag:$0x2] =	stream.indirect_vreg.gather [hbm4b:s1+s3], $0x80, v5, vm0, $0xb8;
	[tilespmem:$0x18100] =	vst v63  }
0x95: {  	v4 =	vadd.s32 v1, v4;
	s28 =	simm.s32 $0xF900  }
0x96: {  	[tilespmem:s28], [sflag:$0x2] =	stream.indirect_vreg.gather [hbm4b:s8+s3], $0x80, v5, vm0, $0xb8;
	[tilespmem:$0x18100] =	vst v63  }
0x97: {  	s28 =	simm.s32 $0x10100  }
0x98: {  	[tilespmem:s28], [sflag:$0x2] =	stream.indirect_vreg.gather [hbm4b:s9+s3], $0x80, v5, vm0, $0xb8;
	[tilespmem:$0x18100] =	vst v63  }
0x99: {  	s28 =	simm.s32 $0x10900  }
0x9a: {  	[tilespmem:s28], [sflag:$0x2] =	stream.indirect_vreg.gather [hbm4b:s1+s3], $0x80, v4, vm0, $0xb8;
	[tilespmem:$0x18100] =	vst v63  }
0x9b: {  	s28 =	simm.s32 $0x11100  }
0x9c: {  	[tilespmem:s28], [sflag:$0x2] =	stream.indirect_vreg.gather [hbm4b:s8+s3], $0x80, v4, vm0, $0xb8;
	[tilespmem:$0x18100] =	vst v63  }
0x9d: {  	_ = 	snop  }
0x9e: {  	[tilespmem:s30], [sflag:$0x2] =	stream.indirect_vreg.gather [hbm4b:s9+s3], $0x80, v4, vm0, $0xb8;
	[tilespmem:$0x18100] =	vst v63  }
0x9f: {  	v4 =	vld [tilespmem:$0xA0];
	_ =	sdelay $0x4  }
0xa0: {  	v5 =	vshrl.u32 v4, $0x3  }
0xa1: {  	v5 =	vmul.u32 $0x30, v5  }
0xa2: {  	v4 =	vand.u32 $0x7, v4  }
0xa3: {  	v4 =	vor.u32 v4, v5  }
0xa4: {  	v5 =	vperm.xlane v4, v0;
	_ =	sdelay $0x1  }
0xa5: {  	v5 =	vadd.s32 v1, v5;
	_ =	sdelay $0x3  }
0xa6: {  	v4 =	vperm.xlane v4, v3  }
0xa7: {  	[tilespmem:s31], [sflag:$0x2] =	stream.indirect_vreg.gather [hbm4b:s1+s3], $0x80, v5, vm0, $0xb8;
	[tilespmem:$0x18100] =	vst v63  }
0xa8: {  	v4 =	vadd.s32 v1, v4  }
0xa9: {  	[tilespmem:s0], [sflag:$0x2] =	stream.indirect_vreg.gather [hbm4b:s8+s3], $0x80, v5, vm0, $0xb8;
	[tilespmem:$0x18100] =	vst v63  }
0xaa: {  	_ = 	snop  }
0xab: {  	[tilespmem:s2], [sflag:$0x2] =	stream.indirect_vreg.gather [hbm4b:s9+s3], $0x80, v5, vm0, $0xb8;
	[tilespmem:$0x18100] =	vst v63  }
0xac: {  	_ = 	snop  }
0xad: {  	[tilespmem:s11], [sflag:$0x2] =	stream.indirect_vreg.gather [hbm4b:s1+s3], $0x80, v4, vm0, $0xb8;
	[tilespmem:$0x18100] =	vst v63  }
0xae: {  	_ = 	snop  }
0xaf: {  	[tilespmem:s7], [sflag:$0x2] =	stream.indirect_vreg.gather [hbm4b:s8+s3], $0x80, v4, vm0, $0xb8;
	[tilespmem:$0x18100] =	vst v63  }
0xb0: {  	_ = 	snop  }
0xb1: {  	[tilespmem:s14], [sflag:$0x2] =	stream.indirect_vreg.gather [hbm4b:s9+s3], $0x80, v4, vm0, $0xb8;
	[tilespmem:$0x18100] =	vst v63  }
0xb2: {  	v4 =	vld [tilespmem:$0xB0];
	_ =	sdelay $0x4  }
0xb3: {  	v5 =	vshrl.u32 v4, $0x3  }
0xb4: {  	v5 =	vmul.u32 $0x30, v5  }
0xb5: {  	v4 =	vand.u32 $0x7, v4  }
0xb6: {  	v4 =	vor.u32 v4, v5  }
0xb7: {  	v5 =	vperm.xlane v4, v0;
	_ =	sdelay $0x1  }
0xb8: {  	v5 =	vadd.s32 v1, v5;
	_ =	sdelay $0x3  }
0xb9: {  	v4 =	vperm.xlane v4, v3  }
0xba: {  	[tilespmem:s15], [sflag:$0x2] =	stream.indirect_vreg.gather [hbm4b:s1+s3], $0x80, v5, vm0, $0xb8;
	[tilespmem:$0x18100] =	vst v63  }
0xbb: {  	v4 =	vadd.s32 v1, v4  }
0xbc: {  	[tilespmem:s16], [sflag:$0x2] =	stream.indirect_vreg.gather [hbm4b:s8+s3], $0x80, v5, vm0, $0xb8;
	[tilespmem:$0x18100] =	vst v63  }
0xbd: {  	_ = 	snop  }
0xbe: {  	[tilespmem:s19], [sflag:$0x2] =	stream.indirect_vreg.gather [hbm4b:s9+s3], $0x80, v5, vm0, $0xb8;
	[tilespmem:$0x18100] =	vst v63  }
0xbf: {  	_ = 	snop  }
0xc0: {  	[tilespmem:s20], [sflag:$0x2] =	stream.indirect_vreg.gather [hbm4b:s1+s3], $0x80, v4, vm0, $0xb8;
	[tilespmem:$0x18100] =	vst v63  }
0xc1: {  	_ = 	snop  }
0xc2: {  	[tilespmem:s21], [sflag:$0x2] =	stream.indirect_vreg.gather [hbm4b:s8+s3], $0x80, v4, vm0, $0xb8;
	[tilespmem:$0x18100] =	vst v63  }
0xc3: {  	s26 =	smul.u32 $0x300, s26  }
0xc4: {  	[tilespmem:s22], [sflag:$0x2] =	stream.indirect_vreg.gather [hbm4b:s9+s3], $0x80, v4, vm0, $0xb8;
	[tilespmem:$0x18100] =	vst v63  }
0xc5: {  	s26 =	sadd.s32 s6, s26  }
0xc6: {  	[hbm4b:s26+s3] =	stream.linear.scatter [tilespmem:s13], [sflag:$0x3], $0xC000, $0x38;
	[tilespmem:$0x18100] =	vst v63  }
0xc7: {  	s26 =	simm.s32 @p0 $0x0  }
0xc8: {  	[tilespmem:s26], [sflag:$0x5] =	stream.linear.gather @p0 [hbm4b:s10+s26], $0x40, $0x38;
	[tilespmem:$0x18100] =	vst v63  }
0xc9: {  	s26 =	simm.s32 @p0 $0x5  }
0xca: {  	_ =	swait.ge @p0 [sflag:s26], $0x40  }
0xcb: {  	[sflag:s26] =	ssyncset.done @p0 $0x0  }
0xcc: {  	[sflag:s26] =	ssyncadd.s32 @p0 $0xFFFFFFC0  }
0xcd: {  	_ =	swait.ge [sflag:s23], $0xC000  }
0xce: {  	[sflag:s23] =	ssyncset.done $0x0  }
.Ltmp2:
0xcf: {  	[sflag:s23] =	ssyncadd.s32 $0xFFFF4000;
	(pc) =	sbr.rel @!p0 .LBB2_4-.Ltmp2, $4  }
0xd0: {  	s25 =	smul.u32 $0x300, s25;
	_ =	swait.ge [sflag:s24], $0xC000  }
0xd1: {  	[sflag:s24] =	ssyncset.done $0x0  }
0xd2: {  	s25 =	sadd.s32 s6, s25;
	[sflag:s24] =	ssyncadd.s32 $0xFFFF4000  }
0xd3: {  	[hbm4b:s25+s3] =	stream.linear.scatter [tilespmem:s18], [sflag:$0x4], $0xC000, $0x38;
	[tilespmem:$0x18100] =	vst v63  }
0xd4: {  	v4 =	vld [tilespmem:$0x0];
	_ =	sdelay $0x4  }
0xd5: {  	v5 =	vshrl.u32 v4, $0x3  }
0xd6: {  	v5 =	vmul.u32 $0x30, v5  }
0xd7: {  	v4 =	vand.u32 $0x7, v4  }
0xd8: {  	v4 =	vor.u32 v4, v5  }
0xd9: {  	v5 =	vperm.xlane v4, v0;
	_ =	sdelay $0x1  }
0xda: {  	v5 =	vadd.s32 v1, v5;
	_ =	sdelay $0x3  }
.Ltmp3:
0xdb: {  	_ = 	snop;
	(pc) =	sbr.rel .LBB2_2-.Ltmp3, $4  }
0xdc: {  	[tilespmem:s13], [sflag:$0x1] =	stream.indirect_vreg.gather [hbm4b:s1+s3], $0x80, v5, vm0, $0xb8;
	[tilespmem:$0x18100] =	vst v63  }
0xdd: {  	s25 =	simm.s32 $0x900  }
0xde: {  	[tilespmem:s25], [sflag:$0x1] =	stream.indirect_vreg.gather [hbm4b:s8+s3], $0x80, v5, vm0, $0xb8;
	[tilespmem:$0x18100] =	vst v63  }
0xdf: {  	p0 =	por $0x0, $0x0;
	p1 =	por $0x1, $0x1;
	s25 =	simm.s32 $0x80  }
.LBB2_5:
0xe0: {  	_ =	sfence.sel $0x180000  }
0xe1: {  	[bflag:$0x0] =	sbarrier.arrive $0xFFFF  }
0xe2: {  	_ =	strace $0x90000050  }
0xe3: {  	s0 =	stileid.u32;
	[bflag:$0x2] =	sbarrier.arrive $0xFFFF  }
0xe4: {  	p0 =	sne.s32 s0, $0x0;
	s0 =	rddreg [dreg:$0x2]  }
0xe5: {  	s0 =	sadd.s32 @!p0 $0x100000, s0  }
0xe6: {  	[sflag:s0] =	ssyncadd.tile.s32 @!p0 $0x1;
	_ =	shalt  }
.Lfunc_end2:
_tile_overlayer_lowered:
.L_overlay_start_2:
0xe7: {  	(tag) =	ssettag $0x2  }
0xe8: {  	s0 =	rddreg [dreg:$0x0];
	s2 =	stileid.u32  }
0xe9: {  	s1 =	rddreg [dreg:$0x1];
	p0 =	sne.s32 s2, $0x0  }
0xea: {  	s3 =	rddreg [dreg:$0x2];
	[bflag:$0x3] =	sbarrier.arrive $0xFFFF;
	s2 =	simm.s32 @!p0 $0x1C05  }
0xeb: {  	[timem:s3], [sflag:s2] =	dma.local @!p0 [hbm:s0], s1  }
0xec: {  	s0 =	simm.s32 @!p0 $0x5  }
0xed: {  	_ =	swait.ge @!p0 [sflag:s0], s1  }
0xee: {  	s1 =	ssub.s32 @!p0 $0x0, s1;
	[sflag:s0] =	ssyncset.done @!p0 $0x0  }
0xef: {  	[sflag:s0] =	ssyncadd.s32 @!p0 s1  }
0xf0: {  	[bflag:$0x3] =	sbarrier.arrive $0xFFFF  }
0xf1: {  	_ =	shalt  }

</sc_bundles>
